<compile_context>
chip_gen: v7x
topology: tpu7x:2x2x1
jax: 0.10.2.dev20260603
libtpu: 0.0.44.dev20260713+nightly
codegen_flags: <defaults>
</compile_context>

<pallas_src>
import functools

import jax
import jax.numpy as jnp
from jax import lax
from jax.experimental import pallas as pl
from jax.experimental.pallas import tpu as pltpu
from jax.experimental.pallas import tpu_sc as plsc


def _make_gather(b, s, v, d):
    info = plsc.get_sparse_core_info()
    nw = info.num_cores * info.num_subcores
    n = b * s
    b_per_w = n // nw
    w_per_row = s // b_per_w
    chunk = 32
    nbuf = 5
    depth = 5
    n_chunks = b_per_w // chunk
    mesh = plsc.VectorSubcoreMesh(core_axis_name="c", subcore_axis_name="s")

    @functools.partial(
        pl.kernel,
        mesh=mesh,
        out_type=jax.ShapeDtypeStruct((b, s, d), jnp.float32),
        scratch_types=[
            pltpu.VMEM((b_per_w,), jnp.int32),
            pltpu.VMEM((nbuf, chunk, d), jnp.float32),
            [pltpu.SemaphoreType.DMA] * nbuf,
            [pltpu.SemaphoreType.DMA] * nbuf,
        ],
    )
    def grab(ids_hbm, pe_hbm, out_hbm, idx_v, rows_v, gsems, wsems):
        wid = lax.axis_index("s") * info.num_cores + lax.axis_index("c")
        bi = wid // w_per_row
        off = (wid % w_per_row) * b_per_w
        pltpu.sync_copy(ids_hbm.at[bi, pl.ds(off, b_per_w)], idx_v)

        def start_gather(g):
            return pltpu.async_copy(
                pe_hbm.at[idx_v.at[pl.ds(g * chunk, chunk)]],
                rows_v.at[g % nbuf],
                gsems[g % nbuf],
            )

        def start_write(g):
            return pltpu.async_copy(
                rows_v.at[g % nbuf],
                out_hbm.at[bi, pl.ds(off + g * chunk, chunk)],
                wsems[g % nbuf],
            )

        gcopies = [None] * n_chunks
        wcopies = [None] * n_chunks
        for j in range(depth):
            gcopies[j] = start_gather(j)
        for g in range(n_chunks):
            gcopies[g].wait()
            wcopies[g] = start_write(g)
            nxt = g + depth
            if nxt < n_chunks:
                prev = nxt - nbuf
                if prev >= 0:
                    wcopies[prev].wait()
                gcopies[nxt] = start_gather(nxt)
        for g in range(max(0, n_chunks - nbuf), n_chunks):
            wcopies[g].wait()

    return grab


def kernel(position_ids, pe):
    b, s = position_ids.shape
    v, d = pe.shape
    return _make_gather(b, s, v, d)(position_ids, pe)

# --- scband reference (transcript-rebuilt; emitter-appended) ---
"""Pipeline reference for scband-fire-red-lidpositional-embedding-76390288326973 (READ-ONLY COPY).

The authoritative reference and input builder live on the scoring server;
editing this copy changes nothing except your own understanding.
"""

import jax, jax.numpy as jnp
import numpy as np

D_MODEL = 768
MAX_LEN = 8192
BATCH = 4
SEQ = 8192


def _make_pe(max_len, d_model):
    position = np.arange(0, max_len, dtype=np.float32)[:, None]
    div_term = np.exp(np.arange(0, d_model, 2, dtype=np.float32) * -(np.log(10000.0) / d_model))
    pe = np.zeros((max_len, d_model), dtype=np.float32)
    pe[:, 0::2] = np.sin(position * div_term)
    pe[:, 1::2] = np.cos(position * div_term)
    return jnp.asarray(pe)


def setup_inputs(seed: int = 0) -> dict:
    key = jax.random.key(seed)
    position_ids = jax.random.randint(key, (BATCH, SEQ), 0, MAX_LEN, dtype=jnp.int32)
    pe = _make_pe(MAX_LEN, D_MODEL)
    return {"position_ids": position_ids, "pe": pe}


def reference(position_ids, pe):
    # Faithful translation of FireRedLIDPositionalEmbedding.forward: pe[position_ids]
    return jnp.take(pe, position_ids, axis=0)

if __name__ == "__main__":
    import jax
    _d = setup_inputs()
    print(jax.jit(kernel)(*tuple(_d.values())))

</pallas_src>

<mosaic_0001>
#map = affine_map<(d0, d1) -> (0, 0)>
#map1 = affine_map<(d0, d1) -> (0, 0, 0)>
module attributes {stable_mosaic.version = 14 : i64} {
  func.func @grab(%arg0: i32, %arg1: i32, %arg2: memref<4x8192xi32, #tpu.memory_space<hbm>>, %arg3: memref<8192x768xf32, #tpu.memory_space<hbm>>, %arg4: memref<4x8192x768xf32, #tpu.memory_space<hbm>>, %arg5: memref<1024xi32, #tpu.memory_space<vmem>>, %arg6: memref<5x32x768xf32, #tpu.memory_space<vmem>>, %arg7: memref<!tpu.dma_semaphore, #tpu.memory_space<semaphore_mem>>, %arg8: memref<!tpu.dma_semaphore, #tpu.memory_space<semaphore_mem>>, %arg9: memref<!tpu.dma_semaphore, #tpu.memory_space<semaphore_mem>>, %arg10: memref<!tpu.dma_semaphore, #tpu.memory_space<semaphore_mem>>, %arg11: memref<!tpu.dma_semaphore, #tpu.memory_space<semaphore_mem>>, %arg12: memref<!tpu.dma_semaphore, #tpu.memory_space<semaphore_mem>>, %arg13: memref<!tpu.dma_semaphore, #tpu.memory_space<semaphore_mem>>, %arg14: memref<!tpu.dma_semaphore, #tpu.memory_space<semaphore_mem>>, %arg15: memref<!tpu.dma_semaphore, #tpu.memory_space<semaphore_mem>>, %arg16: memref<!tpu.dma_semaphore, #tpu.memory_space<semaphore_mem>>) attributes {dimension_semantics = [#tpu.dimension_semantics<core_parallel>, #tpu.dimension_semantics<subcore_parallel>], iteration_bounds = array<i64: 2, 16>, scalar_prefetch = 0 : i64, scratch_operands = 12 : i64, tpu.core_type = #tpu.core_type<sc_vector_subcore>, window_params = [{transform_indices = #map}, {transform_indices = #map}, {transform_indices = #map1}]} {
    %mul3A = arith.constant 2 : i32
    %mul3A_0 = arith.muli %arg1, %mul3A : i32
    %add3A = arith.addi %mul3A_0, %arg0 : i32
    %jit3A = arith.constant 8 : i32
    %div3A = arith.divsi %add3A, %jit3A : i32
    %sign3A = arith.constant 0 : i32
    %sign3A_1 = arith.cmpi sgt, %add3A, %sign3A : i32
    %sign3A_2 = arith.extui %sign3A_1 : i1 to i32
    %sign3A_3 = arith.constant 0 : i32
    %sign3A_4 = arith.cmpi slt, %add3A, %sign3A_3 : i32
    %sign3A_5 = arith.extui %sign3A_4 : i1 to i32
    %sign3A_6 = arith.subi %sign3A_2, %sign3A_5 : i32
    %sign3A_7 = arith.constant 0 : i32
    %sign3A_8 = arith.cmpi sgt, %jit3A, %sign3A_7 : i32
    %sign3A_9 = arith.extui %sign3A_8 : i1 to i32
    %sign3A_10 = arith.constant 0 : i32
    %sign3A_11 = arith.cmpi slt, %jit3A, %sign3A_10 : i32
    %sign3A_12 = arith.extui %sign3A_11 : i1 to i32
    %sign3A_13 = arith.subi %sign3A_9, %sign3A_12 : i32
    %ne3A = arith.cmpi ne, %sign3A_6, %sign3A_13 : i32
    %rem3A = arith.remsi %add3A, %jit3A : i32
    %ne3A_14 = arith.constant 0 : i32
    %ne3A_15 = arith.cmpi ne, %rem3A, %ne3A_14 : i32
    %and3A = arith.andi %ne3A, %ne3A_15 : i1
    %sub3A = arith.constant 1 : i32
    %sub3A_16 = arith.subi %div3A, %sub3A : i32
    %select_n3A = arith.select %and3A, %sub3A_16, %div3A : i32
    %jit3A_17 = arith.constant 8 : i32
    %eq3A = arith.constant 0 : i32
    %eq3A_18 = arith.cmpi eq, %jit3A_17, %eq3A : i32
    %jit3A_19 = arith.constant 1 : i32
    %select_n3A_20 = arith.select %eq3A_18, %jit3A_19, %jit3A_17 : i32
    %rem3A_21 = arith.remsi %add3A, %select_n3A_20 : i32
    %ne3A_22 = arith.constant 0 : i32
    %ne3A_23 = arith.cmpi ne, %rem3A_21, %ne3A_22 : i32
    %lt3A = arith.constant 0 : i32
    %lt3A_24 = arith.cmpi slt, %rem3A_21, %lt3A : i32
    %lt3A_25 = arith.constant 0 : i32
    %lt3A_26 = arith.cmpi slt, %select_n3A_20, %lt3A_25 : i32
    %ne3A_27 = arith.xori %lt3A_24, %lt3A_26 : i1
    %and3A_28 = arith.andi %ne3A_27, %ne3A_23 : i1
    %add3A_29 = arith.addi %rem3A_21, %select_n3A_20 : i32
    %select_n3A_30 = arith.select %and3A_28, %add3A_29, %rem3A_21 : i32
    %mul3A_31 = arith.constant 1024 : i32
    %mul3A_32 = arith.muli %select_n3A_30, %mul3A_31 : i32
    "tpu.region"() ({
      %run_scoped3A = tpu.sem_alloc : memref<!tpu.dma_semaphore, #tpu.memory_space<semaphore_mem>>
      %dma_start3A_1695 = tpu.memref_slice %arg2[%select_n3A, %mul3A_32] : memref<4x8192xi32, #tpu.memory_space<hbm>> -> memref<1x1024xi32, #tpu.memory_space<hbm>>
      %dma_start3A_1696 = tpu.memref_squeeze %dma_start3A_1695 : memref<1x1024xi32, #tpu.memory_space<hbm>> -> memref<1024xi32, #tpu.memory_space<hbm>>
      %dma_start3A_1697 = tpu.memref_slice %arg2[%select_n3A, %mul3A_32] : memref<4x8192xi32, #tpu.memory_space<hbm>> -> memref<1x1024xi32, #tpu.memory_space<hbm>>
      %dma_start3A_1698 = tpu.memref_squeeze %dma_start3A_1697 : memref<1x1024xi32, #tpu.memory_space<hbm>> -> memref<1024xi32, #tpu.memory_space<hbm>>
      tpu.enqueue_dma source(%dma_start3A_1698 : memref<1024xi32, #tpu.memory_space<hbm>>) target(%arg5 : memref<1024xi32, #tpu.memory_space<vmem>>) target_semaphore(%run_scoped3A : memref<!tpu.dma_semaphore, #tpu.memory_space<semaphore_mem>>)
      %dma_wait3A_1699 = tpu.memref_slice %arg2[%select_n3A, %mul3A_32] : memref<4x8192xi32, #tpu.memory_space<hbm>> -> memref<1x1024xi32, #tpu.memory_space<hbm>>
      %dma_wait3A_1700 = tpu.memref_squeeze %dma_wait3A_1699 : memref<1x1024xi32, #tpu.memory_space<hbm>> -> memref<1024xi32, #tpu.memory_space<hbm>>
      %dma_wait3A_1701 = tpu.memref_slice %arg2[%select_n3A, %mul3A_32] : memref<4x8192xi32, #tpu.memory_space<hbm>> -> memref<1x1024xi32, #tpu.memory_space<hbm>>
      %dma_wait3A_1702 = tpu.memref_squeeze %dma_wait3A_1701 : memref<1x1024xi32, #tpu.memory_space<hbm>> -> memref<1024xi32, #tpu.memory_space<hbm>>
      tpu.wait_dma2 semaphore(%run_scoped3A : memref<!tpu.dma_semaphore, #tpu.memory_space<semaphore_mem>>) src(%dma_wait3A_1702 : memref<1024xi32, #tpu.memory_space<hbm>>) dst(%arg5 : memref<1024xi32, #tpu.memory_space<vmem>>)
      tpu.yield
    }) : () -> ()
    %dma_start3A = arith.constant 0 : i32
    %dma_start3A_33 = arith.constant 0 : i32
    %dma_start3A_34 = arith.constant 0 : i32
    %dma_start3A_35 = tpu.memref_slice %arg6[%dma_start3A, %dma_start3A_33, %dma_start3A_34] : memref<5x32x768xf32, #tpu.memory_space<vmem>> -> memref<1x32x768xf32, #tpu.memory_space<vmem>>
    %dma_start3A_36 = tpu.memref_squeeze %dma_start3A_35 : memref<1x32x768xf32, #tpu.memory_space<vmem>> -> memref<32x768xf32, #tpu.memory_space<vmem>>
    %dma_start3A_37 = arith.constant 0 : i32
    %dma_start3A_38 = tpu.memref_slice %arg5[%dma_start3A_37] : memref<1024xi32, #tpu.memory_space<vmem>> -> memref<32xi32, #tpu.memory_space<vmem>>
    %dma_start3A_39 = arith.constant 0 : i32
    %dma_start3A_40 = arith.constant 0 : i32
    %dma_start3A_41 = tpu.memref_slice %arg3[%dma_start3A_39, %dma_start3A_40] : memref<8192x768xf32, #tpu.memory_space<hbm>> -> memref<8192x768xf32, #tpu.memory_space<hbm>>
    tpu.enqueue_indirect_dma source(%dma_start3A_41 : memref<8192x768xf32, #tpu.memory_space<hbm>>) target(%dma_start3A_36 : memref<32x768xf32, #tpu.memory_space<vmem>>) offsets(%dma_start3A_38 : memref<32xi32, #tpu.memory_space<vmem>>) semaphore(%arg7 : memref<!tpu.dma_semaphore, #tpu.memory_space<semaphore_mem>>)
    %dma_start3A_42 = arith.constant 1 : i32
    %dma_start3A_43 = arith.constant 0 : i32
    %dma_start3A_44 = arith.constant 0 : i32
    %dma_start3A_45 = tpu.memref_slice %arg6[%dma_start3A_42, %dma_start3A_43, %dma_start3A_44] : memref<5x32x768xf32, #tpu.memory_space<vmem>> -> memref<1x32x768xf32, #tpu.memory_space<vmem>>
    %dma_start3A_46 = tpu.memref_squeeze %dma_start3A_45 : memref<1x32x768xf32, #tpu.memory_space<vmem>> -> memref<32x768xf32, #tpu.memory_space<vmem>>
    %dma_start3A_47 = arith.constant 32 : i32
    %dma_start3A_48 = tpu.memref_slice %arg5[%dma_start3A_47] : memref<1024xi32, #tpu.memory_space<vmem>> -> memref<32xi32, #tpu.memory_space<vmem>>
    %dma_start3A_49 = arith.constant 0 : i32
    %dma_start3A_50 = arith.constant 0 : i32
    %dma_start3A_51 = tpu.memref_slice %arg3[%dma_start3A_49, %dma_start3A_50] : memref<8192x768xf32, #tpu.memory_space<hbm>> -> memref<8192x768xf32, #tpu.memory_space<hbm>>
    tpu.enqueue_indirect_dma source(%dma_start3A_51 : memref<8192x768xf32, #tpu.memory_space<hbm>>) target(%dma_start3A_46 : memref<32x768xf32, #tpu.memory_space<vmem>>) offsets(%dma_start3A_48 : memref<32xi32, #tpu.memory_space<vmem>>) semaphore(%arg8 : memref<!tpu.dma_semaphore, #tpu.memory_space<semaphore_mem>>)
    %dma_start3A_52 = arith.constant 2 : i32
    %dma_start3A_53 = arith.constant 0 : i32
    %dma_start3A_54 = arith.constant 0 : i32
    %dma_start3A_55 = tpu.memref_slice %arg6[%dma_start3A_52, %dma_start3A_53, %dma_start3A_54] : memref<5x32x768xf32, #tpu.memory_space<vmem>> -> memref<1x32x768xf32, #tpu.memory_space<vmem>>
    %dma_start3A_56 = tpu.memref_squeeze %dma_start3A_55 : memref<1x32x768xf32, #tpu.memory_space<vmem>> -> memref<32x768xf32, #tpu.memory_space<vmem>>
    %dma_start3A_57 = arith.constant 64 : i32
    %dma_start3A_58 = tpu.memref_slice %arg5[%dma_start3A_57] : memref<1024xi32, #tpu.memory_space<vmem>> -> memref<32xi32, #tpu.memory_space<vmem>>
    %dma_start3A_59 = arith.constant 0 : i32
    %dma_start3A_60 = arith.constant 0 : i32
    %dma_start3A_61 = tpu.memref_slice %arg3[%dma_start3A_59, %dma_start3A_60] : memref<8192x768xf32, #tpu.memory_space<hbm>> -> memref<8192x768xf32, #tpu.memory_space<hbm>>
    tpu.enqueue_indirect_dma source(%dma_start3A_61 : memref<8192x768xf32, #tpu.memory_space<hbm>>) target(%dma_start3A_56 : memref<32x768xf32, #tpu.memory_space<vmem>>) offsets(%dma_start3A_58 : memref<32xi32, #tpu.memory_space<vmem>>) semaphore(%arg9 : memref<!tpu.dma_semaphore, #tpu.memory_space<semaphore_mem>>)
    %dma_start3A_62 = arith.constant 3 : i32
    %dma_start3A_63 = arith.constant 0 : i32
    %dma_start3A_64 = arith.constant 0 : i32
    %dma_start3A_65 = tpu.memref_slice %arg6[%dma_start3A_62, %dma_start3A_63, %dma_start3A_64] : memref<5x32x768xf32, #tpu.memory_space<vmem>> -> memref<1x32x768xf32, #tpu.memory_space<vmem>>
    %dma_start3A_66 = tpu.memref_squeeze %dma_start3A_65 : memref<1x32x768xf32, #tpu.memory_space<vmem>> -> memref<32x768xf32, #tpu.memory_space<vmem>>
    %dma_start3A_67 = arith.constant 96 : i32
    %dma_start3A_68 = tpu.memref_slice %arg5[%dma_start3A_67] : memref<1024xi32, #tpu.memory_space<vmem>> -> memref<32xi32, #tpu.memory_space<vmem>>
    %dma_start3A_69 = arith.constant 0 : i32
    %dma_start3A_70 = arith.constant 0 : i32
    %dma_start3A_71 = tpu.memref_slice %arg3[%dma_start3A_69, %dma_start3A_70] : memref<8192x768xf32, #tpu.memory_space<hbm>> -> memref<8192x768xf32, #tpu.memory_space<hbm>>
    tpu.enqueue_indirect_dma source(%dma_start3A_71 : memref<8192x768xf32, #tpu.memory_space<hbm>>) target(%dma_start3A_66 : memref<32x768xf32, #tpu.memory_space<vmem>>) offsets(%dma_start3A_68 : memref<32xi32, #tpu.memory_space<vmem>>) semaphore(%arg10 : memref<!tpu.dma_semaphore, #tpu.memory_space<semaphore_mem>>)
    %dma_start3A_72 = arith.constant 4 : i32
    %dma_start3A_73 = arith.constant 0 : i32
    %dma_start3A_74 = arith.constant 0 : i32
    %dma_start3A_75 = tpu.memref_slice %arg6[%dma_start3A_72, %dma_start3A_73, %dma_start3A_74] : memref<5x32x768xf32, #tpu.memory_space<vmem>> -> memref<1x32x768xf32, #tpu.memory_space<vmem>>
    %dma_start3A_76 = tpu.memref_squeeze %dma_start3A_75 : memref<1x32x768xf32, #tpu.memory_space<vmem>> -> memref<32x768xf32, #tpu.memory_space<vmem>>
    %dma_start3A_77 = arith.constant 128 : i32
    %dma_start3A_78 = tpu.memref_slice %arg5[%dma_start3A_77] : memref<1024xi32, #tpu.memory_space<vmem>> -> memref<32xi32, #tpu.memory_space<vmem>>
    %dma_start3A_79 = arith.constant 0 : i32
    %dma_start3A_80 = arith.constant 0 : i32
    %dma_start3A_81 = tpu.memref_slice %arg3[%dma_start3A_79, %dma_start3A_80] : memref<8192x768xf32, #tpu.memory_space<hbm>> -> memref<8192x768xf32, #tpu.memory_space<hbm>>
    tpu.enqueue_indirect_dma source(%dma_start3A_81 : memref<8192x768xf32, #tpu.memory_space<hbm>>) target(%dma_start3A_76 : memref<32x768xf32, #tpu.memory_space<vmem>>) offsets(%dma_start3A_78 : memref<32xi32, #tpu.memory_space<vmem>>) semaphore(%arg11 : memref<!tpu.dma_semaphore, #tpu.memory_space<semaphore_mem>>)
    %dma_wait3A = arith.constant 0 : i32
    %dma_wait3A_82 = arith.constant 0 : i32
    %dma_wait3A_83 = arith.constant 0 : i32
    %dma_wait3A_84 = tpu.memref_slice %arg6[%dma_wait3A, %dma_wait3A_82, %dma_wait3A_83] : memref<5x32x768xf32, #tpu.memory_space<vmem>> -> memref<1x32x768xf32, #tpu.memory_space<vmem>>
    %dma_wait3A_85 = tpu.memref_squeeze %dma_wait3A_84 : memref<1x32x768xf32, #tpu.memory_space<vmem>> -> memref<32x768xf32, #tpu.memory_space<vmem>>
    %dma_wait3A_86 = arith.constant 0 : i32
    %dma_wait3A_87 = tpu.memref_slice %arg5[%dma_wait3A_86] : memref<1024xi32, #tpu.memory_space<vmem>> -> memref<32xi32, #tpu.memory_space<vmem>>
    %dma_wait3A_88 = arith.constant 0 : i32
    %dma_wait3A_89 = arith.constant 0 : i32
    %dma_wait3A_90 = tpu.memref_slice %arg3[%dma_wait3A_88, %dma_wait3A_89] : memref<8192x768xf32, #tpu.memory_space<hbm>> -> memref<8192x768xf32, #tpu.memory_space<hbm>>
    tpu.wait_indirect_dma semaphore(%arg7 : memref<!tpu.dma_semaphore, #tpu.memory_space<semaphore_mem>>) src(%dma_wait3A_90 : memref<8192x768xf32, #tpu.memory_space<hbm>>) dst(%dma_wait3A_85 : memref<32x768xf32, #tpu.memory_space<vmem>>)
    %add3A_91 = arith.constant 0 : i32
    %add3A_92 = arith.addi %mul3A_32, %add3A_91 : i32
    %dma_start3A_93 = arith.constant 0 : i32
    %dma_start3A_94 = arith.constant 0 : i32
    %dma_start3A_95 = arith.constant 0 : i32
    %dma_start3A_96 = tpu.memref_slice %arg6[%dma_start3A_93, %dma_start3A_94, %dma_start3A_95] : memref<5x32x768xf32, #tpu.memory_space<vmem>> -> memref<1x32x768xf32, #tpu.memory_space<vmem>>
    %dma_start3A_97 = tpu.memref_squeeze %dma_start3A_96 : memref<1x32x768xf32, #tpu.memory_space<vmem>> -> memref<32x768xf32, #tpu.memory_space<vmem>>
    %dma_start3A_98 = arith.constant 0 : i32
    %dma_start3A_99 = tpu.memref_slice %arg4[%select_n3A, %add3A_92, %dma_start3A_98] : memref<4x8192x768xf32, #tpu.memory_space<hbm>> -> memref<1x32x768xf32, #tpu.memory_space<hbm>>
    %dma_start3A_100 = tpu.memref_squeeze %dma_start3A_99 : memref<1x32x768xf32, #tpu.memory_space<hbm>> -> memref<32x768xf32, #tpu.memory_space<hbm>>
    %dma_start3A_101 = arith.constant 0 : i32
    %dma_start3A_102 = tpu.memref_slice %arg4[%select_n3A, %add3A_92, %dma_start3A_101] : memref<4x8192x768xf32, #tpu.memory_space<hbm>> -> memref<1x32x768xf32, #tpu.memory_space<hbm>>
    %dma_start3A_103 = tpu.memref_squeeze %dma_start3A_102 : memref<1x32x768xf32, #tpu.memory_space<hbm>> -> memref<32x768xf32, #tpu.memory_space<hbm>>
    %dma_start3A_104 = arith.constant 0 : i32
    %dma_start3A_105 = arith.constant 0 : i32
    %dma_start3A_106 = tpu.memref_slice %arg6[%dma_start3A_93, %dma_start3A_104, %dma_start3A_105] : memref<5x32x768xf32, #tpu.memory_space<vmem>> -> memref<1x32x768xf32, #tpu.memory_space<vmem>>
    %dma_start3A_107 = tpu.memref_squeeze %dma_start3A_106 : memref<1x32x768xf32, #tpu.memory_space<vmem>> -> memref<32x768xf32, #tpu.memory_space<vmem>>
    tpu.enqueue_dma source(%dma_start3A_107 : memref<32x768xf32, #tpu.memory_space<vmem>>) target(%dma_start3A_103 : memref<32x768xf32, #tpu.memory_space<hbm>>) target_semaphore(%arg12 : memref<!tpu.dma_semaphore, #tpu.memory_space<semaphore_mem>>)
    %dma_wait3A_108 = arith.constant 0 : i32
    %dma_wait3A_109 = arith.constant 0 : i32
    %dma_wait3A_110 = arith.constant 0 : i32
    %dma_wait3A_111 = tpu.memref_slice %arg6[%dma_wait3A_108, %dma_wait3A_109, %dma_wait3A_110] : memref<5x32x768xf32, #tpu.memory_space<vmem>> -> memref<1x32x768xf32, #tpu.memory_space<vmem>>
    %dma_wait3A_112 = tpu.memref_squeeze %dma_wait3A_111 : memref<1x32x768xf32, #tpu.memory_space<vmem>> -> memref<32x768xf32, #tpu.memory_space<vmem>>
    %dma_wait3A_113 = arith.constant 0 : i32
    %dma_wait3A_114 = tpu.memref_slice %arg4[%select_n3A, %add3A_92, %dma_wait3A_113] : memref<4x8192x768xf32, #tpu.memory_space<hbm>> -> memref<1x32x768xf32, #tpu.memory_space<hbm>>
    %dma_wait3A_115 = tpu.memref_squeeze %dma_wait3A_114 : memref<1x32x768xf32, #tpu.memory_space<hbm>> -> memref<32x768xf32, #tpu.memory_space<hbm>>
    %dma_wait3A_116 = arith.constant 0 : i32
    %dma_wait3A_117 = tpu.memref_slice %arg4[%select_n3A, %add3A_92, %dma_wait3A_116] : memref<4x8192x768xf32, #tpu.memory_space<hbm>> -> memref<1x32x768xf32, #tpu.memory_space<hbm>>
    %dma_wait3A_118 = tpu.memref_squeeze %dma_wait3A_117 : memref<1x32x768xf32, #tpu.memory_space<hbm>> -> memref<32x768xf32, #tpu.memory_space<hbm>>
    %dma_wait3A_119 = arith.constant 0 : i32
    %dma_wait3A_120 = arith.constant 0 : i32
    %dma_wait3A_121 = tpu.memref_slice %arg6[%dma_wait3A_108, %dma_wait3A_119, %dma_wait3A_120] : memref<5x32x768xf32, #tpu.memory_space<vmem>> -> memref<1x32x768xf32, #tpu.memory_space<vmem>>
    %dma_wait3A_122 = tpu.memref_squeeze %dma_wait3A_121 : memref<1x32x768xf32, #tpu.memory_space<vmem>> -> memref<32x768xf32, #tpu.memory_space<vmem>>
    tpu.wait_dma2 semaphore(%arg12 : memref<!tpu.dma_semaphore, #tpu.memory_space<semaphore_mem>>) src(%dma_wait3A_122 : memref<32x768xf32, #tpu.memory_space<vmem>>) dst(%dma_wait3A_118 : memref<32x768xf32, #tpu.memory_space<hbm>>)
    %dma_start3A_123 = arith.constant 0 : i32
    %dma_start3A_124 = arith.constant 0 : i32
    %dma_start3A_125 = arith.constant 0 : i32
    %dma_start3A_126 = tpu.memref_slice %arg6[%dma_start3A_123, %dma_start3A_124, %dma_start3A_125] : memref<5x32x768xf32, #tpu.memory_space<vmem>> -> memref<1x32x768xf32, #tpu.memory_space<vmem>>
    %dma_start3A_127 = tpu.memref_squeeze %dma_start3A_126 : memref<1x32x768xf32, #tpu.memory_space<vmem>> -> memref<32x768xf32, #tpu.memory_space<vmem>>
    %dma_start3A_128 = arith.constant 160 : i32
    %dma_start3A_129 = tpu.memref_slice %arg5[%dma_start3A_128] : memref<1024xi32, #tpu.memory_space<vmem>> -> memref<32xi32, #tpu.memory_space<vmem>>
    %dma_start3A_130 = arith.constant 0 : i32
    %dma_start3A_131 = arith.constant 0 : i32
    %dma_start3A_132 = tpu.memref_slice %arg3[%dma_start3A_130, %dma_start3A_131] : memref<8192x768xf32, #tpu.memory_space<hbm>> -> memref<8192x768xf32, #tpu.memory_space<hbm>>
    tpu.enqueue_indirect_dma source(%dma_start3A_132 : memref<8192x768xf32, #tpu.memory_space<hbm>>) target(%dma_start3A_127 : memref<32x768xf32, #tpu.memory_space<vmem>>) offsets(%dma_start3A_129 : memref<32xi32, #tpu.memory_space<vmem>>) semaphore(%arg7 : memref<!tpu.dma_semaphore, #tpu.memory_space<semaphore_mem>>)
    %dma_wait3A_133 = arith.constant 1 : i32
    %dma_wait3A_134 = arith.constant 0 : i32
    %dma_wait3A_135 = arith.constant 0 : i32
    %dma_wait3A_136 = tpu.memref_slice %arg6[%dma_wait3A_133, %dma_wait3A_134, %dma_wait3A_135] : memref<5x32x768xf32, #tpu.memory_space<vmem>> -> memref<1x32x768xf32, #tpu.memory_space<vmem>>
    %dma_wait3A_137 = tpu.memref_squeeze %dma_wait3A_136 : memref<1x32x768xf32, #tpu.memory_space<vmem>> -> memref<32x768xf32, #tpu.memory_space<vmem>>
    %dma_wait3A_138 = arith.constant 32 : i32
    %dma_wait3A_139 = tpu.memref_slice %arg5[%dma_wait3A_138] : memref<1024xi32, #tpu.memory_space<vmem>> -> memref<32xi32, #tpu.memory_space<vmem>>
    %dma_wait3A_140 = arith.constant 0 : i32
    %dma_wait3A_141 = arith.constant 0 : i32
    %dma_wait3A_142 = tpu.memref_slice %arg3[%dma_wait3A_140, %dma_wait3A_141] : memref<8192x768xf32, #tpu.memory_space<hbm>> -> memref<8192x768xf32, #tpu.memory_space<hbm>>
    tpu.wait_indirect_dma semaphore(%arg8 : memref<!tpu.dma_semaphore, #tpu.memory_space<semaphore_mem>>) src(%dma_wait3A_142 : memref<8192x768xf32, #tpu.memory_space<hbm>>) dst(%dma_wait3A_137 : memref<32x768xf32, #tpu.memory_space<vmem>>)
    %add3A_143 = arith.constant 32 : i32
    %add3A_144 = arith.addi %mul3A_32, %add3A_143 : i32
    %dma_start3A_145 = arith.constant 1 : i32
    %dma_start3A_146 = arith.constant 0 : i32
    %dma_start3A_147 = arith.constant 0 : i32
    %dma_start3A_148 = tpu.memref_slice %arg6[%dma_start3A_145, %dma_start3A_146, %dma_start3A_147] : memref<5x32x768xf32, #tpu.memory_space<vmem>> -> memref<1x32x768xf32, #tpu.memory_space<vmem>>
    %dma_start3A_149 = tpu.memref_squeeze %dma_start3A_148 : memref<1x32x768xf32, #tpu.memory_space<vmem>> -> memref<32x768xf32, #tpu.memory_space<vmem>>
    %dma_start3A_150 = arith.constant 0 : i32
    %dma_start3A_151 = tpu.memref_slice %arg4[%select_n3A, %add3A_144, %dma_start3A_150] : memref<4x8192x768xf32, #tpu.memory_space<hbm>> -> memref<1x32x768xf32, #tpu.memory_space<hbm>>
    %dma_start3A_152 = tpu.memref_squeeze %dma_start3A_151 : memref<1x32x768xf32, #tpu.memory_space<hbm>> -> memref<32x768xf32, #tpu.memory_space<hbm>>
    %dma_start3A_153 = arith.constant 0 : i32
    %dma_start3A_154 = tpu.memref_slice %arg4[%select_n3A, %add3A_144, %dma_start3A_153] : memref<4x8192x768xf32, #tpu.memory_space<hbm>> -> memref<1x32x768xf32, #tpu.memory_space<hbm>>
    %dma_start3A_155 = tpu.memref_squeeze %dma_start3A_154 : memref<1x32x768xf32, #tpu.memory_space<hbm>> -> memref<32x768xf32, #tpu.memory_space<hbm>>
    %dma_start3A_156 = arith.constant 0 : i32
    %dma_start3A_157 = arith.constant 0 : i32
    %dma_start3A_158 = tpu.memref_slice %arg6[%dma_start3A_145, %dma_start3A_156, %dma_start3A_157] : memref<5x32x768xf32, #tpu.memory_space<vmem>> -> memref<1x32x768xf32, #tpu.memory_space<vmem>>
    %dma_start3A_159 = tpu.memref_squeeze %dma_start3A_158 : memref<1x32x768xf32, #tpu.memory_space<vmem>> -> memref<32x768xf32, #tpu.memory_space<vmem>>
    tpu.enqueue_dma source(%dma_start3A_159 : memref<32x768xf32, #tpu.memory_space<vmem>>) target(%dma_start3A_155 : memref<32x768xf32, #tpu.memory_space<hbm>>) target_semaphore(%arg13 : memref<!tpu.dma_semaphore, #tpu.memory_space<semaphore_mem>>)
    %dma_wait3A_160 = arith.constant 1 : i32
    %dma_wait3A_161 = arith.constant 0 : i32
    %dma_wait3A_162 = arith.constant 0 : i32
    %dma_wait3A_163 = tpu.memref_slice %arg6[%dma_wait3A_160, %dma_wait3A_161, %dma_wait3A_162] : memref<5x32x768xf32, #tpu.memory_space<vmem>> -> memref<1x32x768xf32, #tpu.memory_space<vmem>>
    %dma_wait3A_164 = tpu.memref_squeeze %dma_wait3A_163 : memref<1x32x768xf32, #tpu.memory_space<vmem>> -> memref<32x768xf32, #tpu.memory_space<vmem>>
    %dma_wait3A_165 = arith.constant 0 : i32
    %dma_wait3A_166 = tpu.memref_slice %arg4[%select_n3A, %add3A_144, %dma_wait3A_165] : memref<4x8192x768xf32, #tpu.memory_space<hbm>> -> memref<1x32x768xf32, #tpu.memory_space<hbm>>
    %dma_wait3A_167 = tpu.memref_squeeze %dma_wait3A_166 : memref<1x32x768xf32, #tpu.memory_space<hbm>> -> memref<32x768xf32, #tpu.memory_space<hbm>>
    %dma_wait3A_168 = arith.constant 0 : i32
    %dma_wait3A_169 = tpu.memref_slice %arg4[%select_n3A, %add3A_144, %dma_wait3A_168] : memref<4x8192x768xf32, #tpu.memory_space<hbm>> -> memref<1x32x768xf32, #tpu.memory_space<hbm>>
    %dma_wait3A_170 = tpu.memref_squeeze %dma_wait3A_169 : memref<1x32x768xf32, #tpu.memory_space<hbm>> -> memref<32x768xf32, #tpu.memory_space<hbm>>
    %dma_wait3A_171 = arith.constant 0 : i32
    %dma_wait3A_172 = arith.constant 0 : i32
    %dma_wait3A_173 = tpu.memref_slice %arg6[%dma_wait3A_160, %dma_wait3A_171, %dma_wait3A_172] : memref<5x32x768xf32, #tpu.memory_space<vmem>> -> memref<1x32x768xf32, #tpu.memory_space<vmem>>
    %dma_wait3A_174 = tpu.memref_squeeze %dma_wait3A_173 : memref<1x32x768xf32, #tpu.memory_space<vmem>> -> memref<32x768xf32, #tpu.memory_space<vmem>>
    tpu.wait_dma2 semaphore(%arg13 : memref<!tpu.dma_semaphore, #tpu.memory_space<semaphore_mem>>) src(%dma_wait3A_174 : memref<32x768xf32, #tpu.memory_space<vmem>>) dst(%dma_wait3A_170 : memref<32x768xf32, #tpu.memory_space<hbm>>)
    %dma_start3A_175 = arith.constant 1 : i32
    %dma_start3A_176 = arith.constant 0 : i32
    %dma_start3A_177 = arith.constant 0 : i32
    %dma_start3A_178 = tpu.memref_slice %arg6[%dma_start3A_175, %dma_start3A_176, %dma_start3A_177] : memref<5x32x768xf32, #tpu.memory_space<vmem>> -> memref<1x32x768xf32, #tpu.memory_space<vmem>>
    %dma_start3A_179 = tpu.memref_squeeze %dma_start3A_178 : memref<1x32x768xf32, #tpu.memory_space<vmem>> -> memref<32x768xf32, #tpu.memory_space<vmem>>
    %dma_start3A_180 = arith.constant 192 : i32
    %dma_start3A_181 = tpu.memref_slice %arg5[%dma_start3A_180] : memref<1024xi32, #tpu.memory_space<vmem>> -> memref<32xi32, #tpu.memory_space<vmem>>
    %dma_start3A_182 = arith.constant 0 : i32
    %dma_start3A_183 = arith.constant 0 : i32
    %dma_start3A_184 = tpu.memref_slice %arg3[%dma_start3A_182, %dma_start3A_183] : memref<8192x768xf32, #tpu.memory_space<hbm>> -> memref<8192x768xf32, #tpu.memory_space<hbm>>
    tpu.enqueue_indirect_dma source(%dma_start3A_184 : memref<8192x768xf32, #tpu.memory_space<hbm>>) target(%dma_start3A_179 : memref<32x768xf32, #tpu.memory_space<vmem>>) offsets(%dma_start3A_181 : memref<32xi32, #tpu.memory_space<vmem>>) semaphore(%arg8 : memref<!tpu.dma_semaphore, #tpu.memory_space<semaphore_mem>>)
    %dma_wait3A_185 = arith.constant 2 : i32
    %dma_wait3A_186 = arith.constant 0 : i32
    %dma_wait3A_187 = arith.constant 0 : i32
    %dma_wait3A_188 = tpu.memref_slice %arg6[%dma_wait3A_185, %dma_wait3A_186, %dma_wait3A_187] : memref<5x32x768xf32, #tpu.memory_space<vmem>> -> memref<1x32x768xf32, #tpu.memory_space<vmem>>
    %dma_wait3A_189 = tpu.memref_squeeze %dma_wait3A_188 : memref<1x32x768xf32, #tpu.memory_space<vmem>> -> memref<32x768xf32, #tpu.memory_space<vmem>>
    %dma_wait3A_190 = arith.constant 64 : i32
    %dma_wait3A_191 = tpu.memref_slice %arg5[%dma_wait3A_190] : memref<1024xi32, #tpu.memory_space<vmem>> -> memref<32xi32, #tpu.memory_space<vmem>>
    %dma_wait3A_192 = arith.constant 0 : i32
    %dma_wait3A_193 = arith.constant 0 : i32
    %dma_wait3A_194 = tpu.memref_slice %arg3[%dma_wait3A_192, %dma_wait3A_193] : memref<8192x768xf32, #tpu.memory_space<hbm>> -> memref<8192x768xf32, #tpu.memory_space<hbm>>
    tpu.wait_indirect_dma semaphore(%arg9 : memref<!tpu.dma_semaphore, #tpu.memory_space<semaphore_mem>>) src(%dma_wait3A_194 : memref<8192x768xf32, #tpu.memory_space<hbm>>) dst(%dma_wait3A_189 : memref<32x768xf32, #tpu.memory_space<vmem>>)
    %add3A_195 = arith.constant 64 : i32
    %add3A_196 = arith.addi %mul3A_32, %add3A_195 : i32
    %dma_start3A_197 = arith.constant 2 : i32
    %dma_start3A_198 = arith.constant 0 : i32
    %dma_start3A_199 = arith.constant 0 : i32
    %dma_start3A_200 = tpu.memref_slice %arg6[%dma_start3A_197, %dma_start3A_198, %dma_start3A_199] : memref<5x32x768xf32, #tpu.memory_space<vmem>> -> memref<1x32x768xf32, #tpu.memory_space<vmem>>
    %dma_start3A_201 = tpu.memref_squeeze %dma_start3A_200 : memref<1x32x768xf32, #tpu.memory_space<vmem>> -> memref<32x768xf32, #tpu.memory_space<vmem>>
    %dma_start3A_202 = arith.constant 0 : i32
    %dma_start3A_203 = tpu.memref_slice %arg4[%select_n3A, %add3A_196, %dma_start3A_202] : memref<4x8192x768xf32, #tpu.memory_space<hbm>> -> memref<1x32x768xf32, #tpu.memory_space<hbm>>
    %dma_start3A_204 = tpu.memref_squeeze %dma_start3A_203 : memref<1x32x768xf32, #tpu.memory_space<hbm>> -> memref<32x768xf32, #tpu.memory_space<hbm>>
    %dma_start3A_205 = arith.constant 0 : i32
    %dma_start3A_206 = tpu.memref_slice %arg4[%select_n3A, %add3A_196, %dma_start3A_205] : memref<4x8192x768xf32, #tpu.memory_space<hbm>> -> memref<1x32x768xf32, #tpu.memory_space<hbm>>
    %dma_start3A_207 = tpu.memref_squeeze %dma_start3A_206 : memref<1x32x768xf32, #tpu.memory_space<hbm>> -> memref<32x768xf32, #tpu.memory_space<hbm>>
    %dma_start3A_208 = arith.constant 0 : i32
    %dma_start3A_209 = arith.constant 0 : i32
    %dma_start3A_210 = tpu.memref_slice %arg6[%dma_start3A_197, %dma_start3A_208, %dma_start3A_209] : memref<5x32x768xf32, #tpu.memory_space<vmem>> -> memref<1x32x768xf32, #tpu.memory_space<vmem>>
    %dma_start3A_211 = tpu.memref_squeeze %dma_start3A_210 : memref<1x32x768xf32, #tpu.memory_space<vmem>> -> memref<32x768xf32, #tpu.memory_space<vmem>>
    tpu.enqueue_dma source(%dma_start3A_211 : memref<32x768xf32, #tpu.memory_space<vmem>>) target(%dma_start3A_207 : memref<32x768xf32, #tpu.memory_space<hbm>>) target_semaphore(%arg14 : memref<!tpu.dma_semaphore, #tpu.memory_space<semaphore_mem>>)
    %dma_wait3A_212 = arith.constant 2 : i32
    %dma_wait3A_213 = arith.constant 0 : i32
    %dma_wait3A_214 = arith.constant 0 : i32
    %dma_wait3A_215 = tpu.memref_slice %arg6[%dma_wait3A_212, %dma_wait3A_213, %dma_wait3A_214] : memref<5x32x768xf32, #tpu.memory_space<vmem>> -> memref<1x32x768xf32, #tpu.memory_space<vmem>>
    %dma_wait3A_216 = tpu.memref_squeeze %dma_wait3A_215 : memref<1x32x768xf32, #tpu.memory_space<vmem>> -> memref<32x768xf32, #tpu.memory_space<vmem>>
    %dma_wait3A_217 = arith.constant 0 : i32
    %dma_wait3A_218 = tpu.memref_slice %arg4[%select_n3A, %add3A_196, %dma_wait3A_217] : memref<4x8192x768xf32, #tpu.memory_space<hbm>> -> memref<1x32x768xf32, #tpu.memory_space<hbm>>
    %dma_wait3A_219 = tpu.memref_squeeze %dma_wait3A_218 : memref<1x32x768xf32, #tpu.memory_space<hbm>> -> memref<32x768xf32, #tpu.memory_space<hbm>>
    %dma_wait3A_220 = arith.constant 0 : i32
    %dma_wait3A_221 = tpu.memref_slice %arg4[%select_n3A, %add3A_196, %dma_wait3A_220] : memref<4x8192x768xf32, #tpu.memory_space<hbm>> -> memref<1x32x768xf32, #tpu.memory_space<hbm>>
    %dma_wait3A_222 = tpu.memref_squeeze %dma_wait3A_221 : memref<1x32x768xf32, #tpu.memory_space<hbm>> -> memref<32x768xf32, #tpu.memory_space<hbm>>
    %dma_wait3A_223 = arith.constant 0 : i32
    %dma_wait3A_224 = arith.constant 0 : i32
    %dma_wait3A_225 = tpu.memref_slice %arg6[%dma_wait3A_212, %dma_wait3A_223, %dma_wait3A_224] : memref<5x32x768xf32, #tpu.memory_space<vmem>> -> memref<1x32x768xf32, #tpu.memory_space<vmem>>
    %dma_wait3A_226 = tpu.memref_squeeze %dma_wait3A_225 : memref<1x32x768xf32, #tpu.memory_space<vmem>> -> memref<32x768xf32, #tpu.memory_space<vmem>>
    tpu.wait_dma2 semaphore(%arg14 : memref<!tpu.dma_semaphore, #tpu.memory_space<semaphore_mem>>) src(%dma_wait3A_226 : memref<32x768xf32, #tpu.memory_space<vmem>>) dst(%dma_wait3A_222 : memref<32x768xf32, #tpu.memory_space<hbm>>)
    %dma_start3A_227 = arith.constant 2 : i32
    %dma_start3A_228 = arith.constant 0 : i32
    %dma_start3A_229 = arith.constant 0 : i32
    %dma_start3A_230 = tpu.memref_slice %arg6[%dma_start3A_227, %dma_start3A_228, %dma_start3A_229] : memref<5x32x768xf32, #tpu.memory_space<vmem>> -> memref<1x32x768xf32, #tpu.memory_space<vmem>>
    %dma_start3A_231 = tpu.memref_squeeze %dma_start3A_230 : memref<1x32x768xf32, #tpu.memory_space<vmem>> -> memref<32x768xf32, #tpu.memory_space<vmem>>
    %dma_start3A_232 = arith.constant 224 : i32
    %dma_start3A_233 = tpu.memref_slice %arg5[%dma_start3A_232] : memref<1024xi32, #tpu.memory_space<vmem>> -> memref<32xi32, #tpu.memory_space<vmem>>
    %dma_start3A_234 = arith.constant 0 : i32
    %dma_start3A_235 = arith.constant 0 : i32
    %dma_start3A_236 = tpu.memref_slice %arg3[%dma_start3A_234, %dma_start3A_235] : memref<8192x768xf32, #tpu.memory_space<hbm>> -> memref<8192x768xf32, #tpu.memory_space<hbm>>
    tpu.enqueue_indirect_dma source(%dma_start3A_236 : memref<8192x768xf32, #tpu.memory_space<hbm>>) target(%dma_start3A_231 : memref<32x768xf32, #tpu.memory_space<vmem>>) offsets(%dma_start3A_233 : memref<32xi32, #tpu.memory_space<vmem>>) semaphore(%arg9 : memref<!tpu.dma_semaphore, #tpu.memory_space<semaphore_mem>>)
    %dma_wait3A_237 = arith.constant 3 : i32
    %dma_wait3A_238 = arith.constant 0 : i32
    %dma_wait3A_239 = arith.constant 0 : i32
    %dma_wait3A_240 = tpu.memref_slice %arg6[%dma_wait3A_237, %dma_wait3A_238, %dma_wait3A_239] : memref<5x32x768xf32, #tpu.memory_space<vmem>> -> memref<1x32x768xf32, #tpu.memory_space<vmem>>
    %dma_wait3A_241 = tpu.memref_squeeze %dma_wait3A_240 : memref<1x32x768xf32, #tpu.memory_space<vmem>> -> memref<32x768xf32, #tpu.memory_space<vmem>>
    %dma_wait3A_242 = arith.constant 96 : i32
    %dma_wait3A_243 = tpu.memref_slice %arg5[%dma_wait3A_242] : memref<1024xi32, #tpu.memory_space<vmem>> -> memref<32xi32, #tpu.memory_space<vmem>>
    %dma_wait3A_244 = arith.constant 0 : i32
    %dma_wait3A_245 = arith.constant 0 : i32
    %dma_wait3A_246 = tpu.memref_slice %arg3[%dma_wait3A_244, %dma_wait3A_245] : memref<8192x768xf32, #tpu.memory_space<hbm>> -> memref<8192x768xf32, #tpu.memory_space<hbm>>
    tpu.wait_indirect_dma semaphore(%arg10 : memref<!tpu.dma_semaphore, #tpu.memory_space<semaphore_mem>>) src(%dma_wait3A_246 : memref<8192x768xf32, #tpu.memory_space<hbm>>) dst(%dma_wait3A_241 : memref<32x768xf32, #tpu.memory_space<vmem>>)
    %add3A_247 = arith.constant 96 : i32
    %add3A_248 = arith.addi %mul3A_32, %add3A_247 : i32
    %dma_start3A_249 = arith.constant 3 : i32
    %dma_start3A_250 = arith.constant 0 : i32
    %dma_start3A_251 = arith.constant 0 : i32
    %dma_start3A_252 = tpu.memref_slice %arg6[%dma_start3A_249, %dma_start3A_250, %dma_start3A_251] : memref<5x32x768xf32, #tpu.memory_space<vmem>> -> memref<1x32x768xf32, #tpu.memory_space<vmem>>
    %dma_start3A_253 = tpu.memref_squeeze %dma_start3A_252 : memref<1x32x768xf32, #tpu.memory_space<vmem>> -> memref<32x768xf32, #tpu.memory_space<vmem>>
    %dma_start3A_254 = arith.constant 0 : i32
    %dma_start3A_255 = tpu.memref_slice %arg4[%select_n3A, %add3A_248, %dma_start3A_254] : memref<4x8192x768xf32, #tpu.memory_space<hbm>> -> memref<1x32x768xf32, #tpu.memory_space<hbm>>
    %dma_start3A_256 = tpu.memref_squeeze %dma_start3A_255 : memref<1x32x768xf32, #tpu.memory_space<hbm>> -> memref<32x768xf32, #tpu.memory_space<hbm>>
    %dma_start3A_257 = arith.constant 0 : i32
    %dma_start3A_258 = tpu.memref_slice %arg4[%select_n3A, %add3A_248, %dma_start3A_257] : memref<4x8192x768xf32, #tpu.memory_space<hbm>> -> memref<1x32x768xf32, #tpu.memory_space<hbm>>
    %dma_start3A_259 = tpu.memref_squeeze %dma_start3A_258 : memref<1x32x768xf32, #tpu.memory_space<hbm>> -> memref<32x768xf32, #tpu.memory_space<hbm>>
    %dma_start3A_260 = arith.constant 0 : i32
    %dma_start3A_261 = arith.constant 0 : i32
    %dma_start3A_262 = tpu.memref_slice %arg6[%dma_start3A_249, %dma_start3A_260, %dma_start3A_261] : memref<5x32x768xf32, #tpu.memory_space<vmem>> -> memref<1x32x768xf32, #tpu.memory_space<vmem>>
    %dma_start3A_263 = tpu.memref_squeeze %dma_start3A_262 : memref<1x32x768xf32, #tpu.memory_space<vmem>> -> memref<32x768xf32, #tpu.memory_space<vmem>>
    tpu.enqueue_dma source(%dma_start3A_263 : memref<32x768xf32, #tpu.memory_space<vmem>>) target(%dma_start3A_259 : memref<32x768xf32, #tpu.memory_space<hbm>>) target_semaphore(%arg15 : memref<!tpu.dma_semaphore, #tpu.memory_space<semaphore_mem>>)
    %dma_wait3A_264 = arith.constant 3 : i32
    %dma_wait3A_265 = arith.constant 0 : i32
    %dma_wait3A_266 = arith.constant 0 : i32
    %dma_wait3A_267 = tpu.memref_slice %arg6[%dma_wait3A_264, %dma_wait3A_265, %dma_wait3A_266] : memref<5x32x768xf32, #tpu.memory_space<vmem>> -> memref<1x32x768xf32, #tpu.memory_space<vmem>>
    %dma_wait3A_268 = tpu.memref_squeeze %dma_wait3A_267 : memref<1x32x768xf32, #tpu.memory_space<vmem>> -> memref<32x768xf32, #tpu.memory_space<vmem>>
    %dma_wait3A_269 = arith.constant 0 : i32
    %dma_wait3A_270 = tpu.memref_slice %arg4[%select_n3A, %add3A_248, %dma_wait3A_269] : memref<4x8192x768xf32, #tpu.memory_space<hbm>> -> memref<1x32x768xf32, #tpu.memory_space<hbm>>
    %dma_wait3A_271 = tpu.memref_squeeze %dma_wait3A_270 : memref<1x32x768xf32, #tpu.memory_space<hbm>> -> memref<32x768xf32, #tpu.memory_space<hbm>>
    %dma_wait3A_272 = arith.constant 0 : i32
    %dma_wait3A_273 = tpu.memref_slice %arg4[%select_n3A, %add3A_248, %dma_wait3A_272] : memref<4x8192x768xf32, #tpu.memory_space<hbm>> -> memref<1x32x768xf32, #tpu.memory_space<hbm>>
    %dma_wait3A_274 = tpu.memref_squeeze %dma_wait3A_273 : memref<1x32x768xf32, #tpu.memory_space<hbm>> -> memref<32x768xf32, #tpu.memory_space<hbm>>
    %dma_wait3A_275 = arith.constant 0 : i32
    %dma_wait3A_276 = arith.constant 0 : i32
    %dma_wait3A_277 = tpu.memref_slice %arg6[%dma_wait3A_264, %dma_wait3A_275, %dma_wait3A_276] : memref<5x32x768xf32, #tpu.memory_space<vmem>> -> memref<1x32x768xf32, #tpu.memory_space<vmem>>
    %dma_wait3A_278 = tpu.memref_squeeze %dma_wait3A_277 : memref<1x32x768xf32, #tpu.memory_space<vmem>> -> memref<32x768xf32, #tpu.memory_space<vmem>>
    tpu.wait_dma2 semaphore(%arg15 : memref<!tpu.dma_semaphore, #tpu.memory_space<semaphore_mem>>) src(%dma_wait3A_278 : memref<32x768xf32, #tpu.memory_space<vmem>>) dst(%dma_wait3A_274 : memref<32x768xf32, #tpu.memory_space<hbm>>)
    %dma_start3A_279 = arith.constant 3 : i32
    %dma_start3A_280 = arith.constant 0 : i32
    %dma_start3A_281 = arith.constant 0 : i32
    %dma_start3A_282 = tpu.memref_slice %arg6[%dma_start3A_279, %dma_start3A_280, %dma_start3A_281] : memref<5x32x768xf32, #tpu.memory_space<vmem>> -> memref<1x32x768xf32, #tpu.memory_space<vmem>>
    %dma_start3A_283 = tpu.memref_squeeze %dma_start3A_282 : memref<1x32x768xf32, #tpu.memory_space<vmem>> -> memref<32x768xf32, #tpu.memory_space<vmem>>
    %dma_start3A_284 = arith.constant 256 : i32
    %dma_start3A_285 = tpu.memref_slice %arg5[%dma_start3A_284] : memref<1024xi32, #tpu.memory_space<vmem>> -> memref<32xi32, #tpu.memory_space<vmem>>
    %dma_start3A_286 = arith.constant 0 : i32
    %dma_start3A_287 = arith.constant 0 : i32
    %dma_start3A_288 = tpu.memref_slice %arg3[%dma_start3A_286, %dma_start3A_287] : memref<8192x768xf32, #tpu.memory_space<hbm>> -> memref<8192x768xf32, #tpu.memory_space<hbm>>
    tpu.enqueue_indirect_dma source(%dma_start3A_288 : memref<8192x768xf32, #tpu.memory_space<hbm>>) target(%dma_start3A_283 : memref<32x768xf32, #tpu.memory_space<vmem>>) offsets(%dma_start3A_285 : memref<32xi32, #tpu.memory_space<vmem>>) semaphore(%arg10 : memref<!tpu.dma_semaphore, #tpu.memory_space<semaphore_mem>>)
    %dma_wait3A_289 = arith.constant 4 : i32
    %dma_wait3A_290 = arith.constant 0 : i32
    %dma_wait3A_291 = arith.constant 0 : i32
    %dma_wait3A_292 = tpu.memref_slice %arg6[%dma_wait3A_289, %dma_wait3A_290, %dma_wait3A_291] : memref<5x32x768xf32, #tpu.memory_space<vmem>> -> memref<1x32x768xf32, #tpu.memory_space<vmem>>
    %dma_wait3A_293 = tpu.memref_squeeze %dma_wait3A_292 : memref<1x32x768xf32, #tpu.memory_space<vmem>> -> memref<32x768xf32, #tpu.memory_space<vmem>>
    %dma_wait3A_294 = arith.constant 128 : i32
    %dma_wait3A_295 = tpu.memref_slice %arg5[%dma_wait3A_294] : memref<1024xi32, #tpu.memory_space<vmem>> -> memref<32xi32, #tpu.memory_space<vmem>>
    %dma_wait3A_296 = arith.constant 0 : i32
    %dma_wait3A_297 = arith.constant 0 : i32
    %dma_wait3A_298 = tpu.memref_slice %arg3[%dma_wait3A_296, %dma_wait3A_297] : memref<8192x768xf32, #tpu.memory_space<hbm>> -> memref<8192x768xf32, #tpu.memory_space<hbm>>
    tpu.wait_indirect_dma semaphore(%arg11 : memref<!tpu.dma_semaphore, #tpu.memory_space<semaphore_mem>>) src(%dma_wait3A_298 : memref<8192x768xf32, #tpu.memory_space<hbm>>) dst(%dma_wait3A_293 : memref<32x768xf32, #tpu.memory_space<vmem>>)
    %add3A_299 = arith.constant 128 : i32
    %add3A_300 = arith.addi %mul3A_32, %add3A_299 : i32
    %dma_start3A_301 = arith.constant 4 : i32
    %dma_start3A_302 = arith.constant 0 : i32
    %dma_start3A_303 = arith.constant 0 : i32
    %dma_start3A_304 = tpu.memref_slice %arg6[%dma_start3A_301, %dma_start3A_302, %dma_start3A_303] : memref<5x32x768xf32, #tpu.memory_space<vmem>> -> memref<1x32x768xf32, #tpu.memory_space<vmem>>
    %dma_start3A_305 = tpu.memref_squeeze %dma_start3A_304 : memref<1x32x768xf32, #tpu.memory_space<vmem>> -> memref<32x768xf32, #tpu.memory_space<vmem>>
    %dma_start3A_306 = arith.constant 0 : i32
    %dma_start3A_307 = tpu.memref_slice %arg4[%select_n3A, %add3A_300, %dma_start3A_306] : memref<4x8192x768xf32, #tpu.memory_space<hbm>> -> memref<1x32x768xf32, #tpu.memory_space<hbm>>
    %dma_start3A_308 = tpu.memref_squeeze %dma_start3A_307 : memref<1x32x768xf32, #tpu.memory_space<hbm>> -> memref<32x768xf32, #tpu.memory_space<hbm>>
    %dma_start3A_309 = arith.constant 0 : i32
    %dma_start3A_310 = tpu.memref_slice %arg4[%select_n3A, %add3A_300, %dma_start3A_309] : memref<4x8192x768xf32, #tpu.memory_space<hbm>> -> memref<1x32x768xf32, #tpu.memory_space<hbm>>
    %dma_start3A_311 = tpu.memref_squeeze %dma_start3A_310 : memref<1x32x768xf32, #tpu.memory_space<hbm>> -> memref<32x768xf32, #tpu.memory_space<hbm>>
    %dma_start3A_312 = arith.constant 0 : i32
    %dma_start3A_313 = arith.constant 0 : i32
    %dma_start3A_314 = tpu.memref_slice %arg6[%dma_start3A_301, %dma_start3A_312, %dma_start3A_313] : memref<5x32x768xf32, #tpu.memory_space<vmem>> -> memref<1x32x768xf32, #tpu.memory_space<vmem>>
    %dma_start3A_315 = tpu.memref_squeeze %dma_start3A_314 : memref<1x32x768xf32, #tpu.memory_space<vmem>> -> memref<32x768xf32, #tpu.memory_space<vmem>>
    tpu.enqueue_dma source(%dma_start3A_315 : memref<32x768xf32, #tpu.memory_space<vmem>>) target(%dma_start3A_311 : memref<32x768xf32, #tpu.memory_space<hbm>>) target_semaphore(%arg16 : memref<!tpu.dma_semaphore, #tpu.memory_space<semaphore_mem>>)
    %dma_wait3A_316 = arith.constant 4 : i32
    %dma_wait3A_317 = arith.constant 0 : i32
    %dma_wait3A_318 = arith.constant 0 : i32
    %dma_wait3A_319 = tpu.memref_slice %arg6[%dma_wait3A_316, %dma_wait3A_317, %dma_wait3A_318] : memref<5x32x768xf32, #tpu.memory_space<vmem>> -> memref<1x32x768xf32, #tpu.memory_space<vmem>>
    %dma_wait3A_320 = tpu.memref_squeeze %dma_wait3A_319 : memref<1x32x768xf32, #tpu.memory_space<vmem>> -> memref<32x768xf32, #tpu.memory_space<vmem>>
    %dma_wait3A_321 = arith.constant 0 : i32
    %dma_wait3A_322 = tpu.memref_slice %arg4[%select_n3A, %add3A_300, %dma_wait3A_321] : memref<4x8192x768xf32, #tpu.memory_space<hbm>> -> memref<1x32x768xf32, #tpu.memory_space<hbm>>
    %dma_wait3A_323 = tpu.memref_squeeze %dma_wait3A_322 : memref<1x32x768xf32, #tpu.memory_space<hbm>> -> memref<32x768xf32, #tpu.memory_space<hbm>>
    %dma_wait3A_324 = arith.constant 0 : i32
    %dma_wait3A_325 = tpu.memref_slice %arg4[%select_n3A, %add3A_300, %dma_wait3A_324] : memref<4x8192x768xf32, #tpu.memory_space<hbm>> -> memref<1x32x768xf32, #tpu.memory_space<hbm>>
    %dma_wait3A_326 = tpu.memref_squeeze %dma_wait3A_325 : memref<1x32x768xf32, #tpu.memory_space<hbm>> -> memref<32x768xf32, #tpu.memory_space<hbm>>
    %dma_wait3A_327 = arith.constant 0 : i32
    %dma_wait3A_328 = arith.constant 0 : i32
    %dma_wait3A_329 = tpu.memref_slice %arg6[%dma_wait3A_316, %dma_wait3A_327, %dma_wait3A_328] : memref<5x32x768xf32, #tpu.memory_space<vmem>> -> memref<1x32x768xf32, #tpu.memory_space<vmem>>
    %dma_wait3A_330 = tpu.memref_squeeze %dma_wait3A_329 : memref<1x32x768xf32, #tpu.memory_space<vmem>> -> memref<32x768xf32, #tpu.memory_space<vmem>>
    tpu.wait_dma2 semaphore(%arg16 : memref<!tpu.dma_semaphore, #tpu.memory_space<semaphore_mem>>) src(%dma_wait3A_330 : memref<32x768xf32, #tpu.memory_space<vmem>>) dst(%dma_wait3A_326 : memref<32x768xf32, #tpu.memory_space<hbm>>)
    %dma_start3A_331 = arith.constant 4 : i32
    %dma_start3A_332 = arith.constant 0 : i32
    %dma_start3A_333 = arith.constant 0 : i32
    %dma_start3A_334 = tpu.memref_slice %arg6[%dma_start3A_331, %dma_start3A_332, %dma_start3A_333] : memref<5x32x768xf32, #tpu.memory_space<vmem>> -> memref<1x32x768xf32, #tpu.memory_space<vmem>>
    %dma_start3A_335 = tpu.memref_squeeze %dma_start3A_334 : memref<1x32x768xf32, #tpu.memory_space<vmem>> -> memref<32x768xf32, #tpu.memory_space<vmem>>
    %dma_start3A_336 = arith.constant 288 : i32
    %dma_start3A_337 = tpu.memref_slice %arg5[%dma_start3A_336] : memref<1024xi32, #tpu.memory_space<vmem>> -> memref<32xi32, #tpu.memory_space<vmem>>
    %dma_start3A_338 = arith.constant 0 : i32
    %dma_start3A_339 = arith.constant 0 : i32
    %dma_start3A_340 = tpu.memref_slice %arg3[%dma_start3A_338, %dma_start3A_339] : memref<8192x768xf32, #tpu.memory_space<hbm>> -> memref<8192x768xf32, #tpu.memory_space<hbm>>
    tpu.enqueue_indirect_dma source(%dma_start3A_340 : memref<8192x768xf32, #tpu.memory_space<hbm>>) target(%dma_start3A_335 : memref<32x768xf32, #tpu.memory_space<vmem>>) offsets(%dma_start3A_337 : memref<32xi32, #tpu.memory_space<vmem>>) semaphore(%arg11 : memref<!tpu.dma_semaphore, #tpu.memory_space<semaphore_mem>>)
    %dma_wait3A_341 = arith.constant 0 : i32
    %dma_wait3A_342 = arith.constant 0 : i32
    %dma_wait3A_343 = arith.constant 0 : i32
    %dma_wait3A_344 = tpu.memref_slice %arg6[%dma_wait3A_341, %dma_wait3A_342, %dma_wait3A_343] : memref<5x32x768xf32, #tpu.memory_space<vmem>> -> memref<1x32x768xf32, #tpu.memory_space<vmem>>
    %dma_wait3A_345 = tpu.memref_squeeze %dma_wait3A_344 : memref<1x32x768xf32, #tpu.memory_space<vmem>> -> memref<32x768xf32, #tpu.memory_space<vmem>>
    %dma_wait3A_346 = arith.constant 160 : i32
    %dma_wait3A_347 = tpu.memref_slice %arg5[%dma_wait3A_346] : memref<1024xi32, #tpu.memory_space<vmem>> -> memref<32xi32, #tpu.memory_space<vmem>>
    %dma_wait3A_348 = arith.constant 0 : i32
    %dma_wait3A_349 = arith.constant 0 : i32
    %dma_wait3A_350 = tpu.memref_slice %arg3[%dma_wait3A_348, %dma_wait3A_349] : memref<8192x768xf32, #tpu.memory_space<hbm>> -> memref<8192x768xf32, #tpu.memory_space<hbm>>
    tpu.wait_indirect_dma semaphore(%arg7 : memref<!tpu.dma_semaphore, #tpu.memory_space<semaphore_mem>>) src(%dma_wait3A_350 : memref<8192x768xf32, #tpu.memory_space<hbm>>) dst(%dma_wait3A_345 : memref<32x768xf32, #tpu.memory_space<vmem>>)
    %add3A_351 = arith.constant 160 : i32
    %add3A_352 = arith.addi %mul3A_32, %add3A_351 : i32
    %dma_start3A_353 = arith.constant 0 : i32
    %dma_start3A_354 = arith.constant 0 : i32
    %dma_start3A_355 = arith.constant 0 : i32
    %dma_start3A_356 = tpu.memref_slice %arg6[%dma_start3A_353, %dma_start3A_354, %dma_start3A_355] : memref<5x32x768xf32, #tpu.memory_space<vmem>> -> memref<1x32x768xf32, #tpu.memory_space<vmem>>
    %dma_start3A_357 = tpu.memref_squeeze %dma_start3A_356 : memref<1x32x768xf32, #tpu.memory_space<vmem>> -> memref<32x768xf32, #tpu.memory_space<vmem>>
    %dma_start3A_358 = arith.constant 0 : i32
    %dma_start3A_359 = tpu.memref_slice %arg4[%select_n3A, %add3A_352, %dma_start3A_358] : memref<4x8192x768xf32, #tpu.memory_space<hbm>> -> memref<1x32x768xf32, #tpu.memory_space<hbm>>
    %dma_start3A_360 = tpu.memref_squeeze %dma_start3A_359 : memref<1x32x768xf32, #tpu.memory_space<hbm>> -> memref<32x768xf32, #tpu.memory_space<hbm>>
    %dma_start3A_361 = arith.constant 0 : i32
    %dma_start3A_362 = tpu.memref_slice %arg4[%select_n3A, %add3A_352, %dma_start3A_361] : memref<4x8192x768xf32, #tpu.memory_space<hbm>> -> memref<1x32x768xf32, #tpu.memory_space<hbm>>
    %dma_start3A_363 = tpu.memref_squeeze %dma_start3A_362 : memref<1x32x768xf32, #tpu.memory_space<hbm>> -> memref<32x768xf32, #tpu.memory_space<hbm>>
    %dma_start3A_364 = arith.constant 0 : i32
    %dma_start3A_365 = arith.constant 0 : i32
    %dma_start3A_366 = tpu.memref_slice %arg6[%dma_start3A_353, %dma_start3A_364, %dma_start3A_365] : memref<5x32x768xf32, #tpu.memory_space<vmem>> -> memref<1x32x768xf32, #tpu.memory_space<vmem>>
    %dma_start3A_367 = tpu.memref_squeeze %dma_start3A_366 : memref<1x32x768xf32, #tpu.memory_space<vmem>> -> memref<32x768xf32, #tpu.memory_space<vmem>>
    tpu.enqueue_dma source(%dma_start3A_367 : memref<32x768xf32, #tpu.memory_space<vmem>>) target(%dma_start3A_363 : memref<32x768xf32, #tpu.memory_space<hbm>>) target_semaphore(%arg12 : memref<!tpu.dma_semaphore, #tpu.memory_space<semaphore_mem>>)
    %dma_wait3A_368 = arith.constant 0 : i32
    %dma_wait3A_369 = arith.constant 0 : i32
    %dma_wait3A_370 = arith.constant 0 : i32
    %dma_wait3A_371 = tpu.memref_slice %arg6[%dma_wait3A_368, %dma_wait3A_369, %dma_wait3A_370] : memref<5x32x768xf32, #tpu.memory_space<vmem>> -> memref<1x32x768xf32, #tpu.memory_space<vmem>>
    %dma_wait3A_372 = tpu.memref_squeeze %dma_wait3A_371 : memref<1x32x768xf32, #tpu.memory_space<vmem>> -> memref<32x768xf32, #tpu.memory_space<vmem>>
    %dma_wait3A_373 = arith.constant 0 : i32
    %dma_wait3A_374 = tpu.memref_slice %arg4[%select_n3A, %add3A_352, %dma_wait3A_373] : memref<4x8192x768xf32, #tpu.memory_space<hbm>> -> memref<1x32x768xf32, #tpu.memory_space<hbm>>
    %dma_wait3A_375 = tpu.memref_squeeze %dma_wait3A_374 : memref<1x32x768xf32, #tpu.memory_space<hbm>> -> memref<32x768xf32, #tpu.memory_space<hbm>>
    %dma_wait3A_376 = arith.constant 0 : i32
    %dma_wait3A_377 = tpu.memref_slice %arg4[%select_n3A, %add3A_352, %dma_wait3A_376] : memref<4x8192x768xf32, #tpu.memory_space<hbm>> -> memref<1x32x768xf32, #tpu.memory_space<hbm>>
    %dma_wait3A_378 = tpu.memref_squeeze %dma_wait3A_377 : memref<1x32x768xf32, #tpu.memory_space<hbm>> -> memref<32x768xf32, #tpu.memory_space<hbm>>
    %dma_wait3A_379 = arith.constant 0 : i32
    %dma_wait3A_380 = arith.constant 0 : i32
    %dma_wait3A_381 = tpu.memref_slice %arg6[%dma_wait3A_368, %dma_wait3A_379, %dma_wait3A_380] : memref<5x32x768xf32, #tpu.memory_space<vmem>> -> memref<1x32x768xf32, #tpu.memory_space<vmem>>
    %dma_wait3A_382 = tpu.memref_squeeze %dma_wait3A_381 : memref<1x32x768xf32, #tpu.memory_space<vmem>> -> memref<32x768xf32, #tpu.memory_space<vmem>>
    tpu.wait_dma2 semaphore(%arg12 : memref<!tpu.dma_semaphore, #tpu.memory_space<semaphore_mem>>) src(%dma_wait3A_382 : memref<32x768xf32, #tpu.memory_space<vmem>>) dst(%dma_wait3A_378 : memref<32x768xf32, #tpu.memory_space<hbm>>)
    %dma_start3A_383 = arith.constant 0 : i32
    %dma_start3A_384 = arith.constant 0 : i32
    %dma_start3A_385 = arith.constant 0 : i32
    %dma_start3A_386 = tpu.memref_slice %arg6[%dma_start3A_383, %dma_start3A_384, %dma_start3A_385] : memref<5x32x768xf32, #tpu.memory_space<vmem>> -> memref<1x32x768xf32, #tpu.memory_space<vmem>>
    %dma_start3A_387 = tpu.memref_squeeze %dma_start3A_386 : memref<1x32x768xf32, #tpu.memory_space<vmem>> -> memref<32x768xf32, #tpu.memory_space<vmem>>
    %dma_start3A_388 = arith.constant 320 : i32
    %dma_start3A_389 = tpu.memref_slice %arg5[%dma_start3A_388] : memref<1024xi32, #tpu.memory_space<vmem>> -> memref<32xi32, #tpu.memory_space<vmem>>
    %dma_start3A_390 = arith.constant 0 : i32
    %dma_start3A_391 = arith.constant 0 : i32
    %dma_start3A_392 = tpu.memref_slice %arg3[%dma_start3A_390, %dma_start3A_391] : memref<8192x768xf32, #tpu.memory_space<hbm>> -> memref<8192x768xf32, #tpu.memory_space<hbm>>
    tpu.enqueue_indirect_dma source(%dma_start3A_392 : memref<8192x768xf32, #tpu.memory_space<hbm>>) target(%dma_start3A_387 : memref<32x768xf32, #tpu.memory_space<vmem>>) offsets(%dma_start3A_389 : memref<32xi32, #tpu.memory_space<vmem>>) semaphore(%arg7 : memref<!tpu.dma_semaphore, #tpu.memory_space<semaphore_mem>>)
    %dma_wait3A_393 = arith.constant 1 : i32
    %dma_wait3A_394 = arith.constant 0 : i32
    %dma_wait3A_395 = arith.constant 0 : i32
    %dma_wait3A_396 = tpu.memref_slice %arg6[%dma_wait3A_393, %dma_wait3A_394, %dma_wait3A_395] : memref<5x32x768xf32, #tpu.memory_space<vmem>> -> memref<1x32x768xf32, #tpu.memory_space<vmem>>
    %dma_wait3A_397 = tpu.memref_squeeze %dma_wait3A_396 : memref<1x32x768xf32, #tpu.memory_space<vmem>> -> memref<32x768xf32, #tpu.memory_space<vmem>>
    %dma_wait3A_398 = arith.constant 192 : i32
    %dma_wait3A_399 = tpu.memref_slice %arg5[%dma_wait3A_398] : memref<1024xi32, #tpu.memory_space<vmem>> -> memref<32xi32, #tpu.memory_space<vmem>>
    %dma_wait3A_400 = arith.constant 0 : i32
    %dma_wait3A_401 = arith.constant 0 : i32
    %dma_wait3A_402 = tpu.memref_slice %arg3[%dma_wait3A_400, %dma_wait3A_401] : memref<8192x768xf32, #tpu.memory_space<hbm>> -> memref<8192x768xf32, #tpu.memory_space<hbm>>
    tpu.wait_indirect_dma semaphore(%arg8 : memref<!tpu.dma_semaphore, #tpu.memory_space<semaphore_mem>>) src(%dma_wait3A_402 : memref<8192x768xf32, #tpu.memory_space<hbm>>) dst(%dma_wait3A_397 : memref<32x768xf32, #tpu.memory_space<vmem>>)
    %add3A_403 = arith.constant 192 : i32
    %add3A_404 = arith.addi %mul3A_32, %add3A_403 : i32
    %dma_start3A_405 = arith.constant 1 : i32
    %dma_start3A_406 = arith.constant 0 : i32
    %dma_start3A_407 = arith.constant 0 : i32
    %dma_start3A_408 = tpu.memref_slice %arg6[%dma_start3A_405, %dma_start3A_406, %dma_start3A_407] : memref<5x32x768xf32, #tpu.memory_space<vmem>> -> memref<1x32x768xf32, #tpu.memory_space<vmem>>
    %dma_start3A_409 = tpu.memref_squeeze %dma_start3A_408 : memref<1x32x768xf32, #tpu.memory_space<vmem>> -> memref<32x768xf32, #tpu.memory_space<vmem>>
    %dma_start3A_410 = arith.constant 0 : i32
    %dma_start3A_411 = tpu.memref_slice %arg4[%select_n3A, %add3A_404, %dma_start3A_410] : memref<4x8192x768xf32, #tpu.memory_space<hbm>> -> memref<1x32x768xf32, #tpu.memory_space<hbm>>
    %dma_start3A_412 = tpu.memref_squeeze %dma_start3A_411 : memref<1x32x768xf32, #tpu.memory_space<hbm>> -> memref<32x768xf32, #tpu.memory_space<hbm>>
    %dma_start3A_413 = arith.constant 0 : i32
    %dma_start3A_414 = tpu.memref_slice %arg4[%select_n3A, %add3A_404, %dma_start3A_413] : memref<4x8192x768xf32, #tpu.memory_space<hbm>> -> memref<1x32x768xf32, #tpu.memory_space<hbm>>
    %dma_start3A_415 = tpu.memref_squeeze %dma_start3A_414 : memref<1x32x768xf32, #tpu.memory_space<hbm>> -> memref<32x768xf32, #tpu.memory_space<hbm>>
    %dma_start3A_416 = arith.constant 0 : i32
    %dma_start3A_417 = arith.constant 0 : i32
    %dma_start3A_418 = tpu.memref_slice %arg6[%dma_start3A_405, %dma_start3A_416, %dma_start3A_417] : memref<5x32x768xf32, #tpu.memory_space<vmem>> -> memref<1x32x768xf32, #tpu.memory_space<vmem>>
    %dma_start3A_419 = tpu.memref_squeeze %dma_start3A_418 : memref<1x32x768xf32, #tpu.memory_space<vmem>> -> memref<32x768xf32, #tpu.memory_space<vmem>>
    tpu.enqueue_dma source(%dma_start3A_419 : memref<32x768xf32, #tpu.memory_space<vmem>>) target(%dma_start3A_415 : memref<32x768xf32, #tpu.memory_space<hbm>>) target_semaphore(%arg13 : memref<!tpu.dma_semaphore, #tpu.memory_space<semaphore_mem>>)
    %dma_wait3A_420 = arith.constant 1 : i32
    %dma_wait3A_421 = arith.constant 0 : i32
    %dma_wait3A_422 = arith.constant 0 : i32
    %dma_wait3A_423 = tpu.memref_slice %arg6[%dma_wait3A_420, %dma_wait3A_421, %dma_wait3A_422] : memref<5x32x768xf32, #tpu.memory_space<vmem>> -> memref<1x32x768xf32, #tpu.memory_space<vmem>>
    %dma_wait3A_424 = tpu.memref_squeeze %dma_wait3A_423 : memref<1x32x768xf32, #tpu.memory_space<vmem>> -> memref<32x768xf32, #tpu.memory_space<vmem>>
    %dma_wait3A_425 = arith.constant 0 : i32
    %dma_wait3A_426 = tpu.memref_slice %arg4[%select_n3A, %add3A_404, %dma_wait3A_425] : memref<4x8192x768xf32, #tpu.memory_space<hbm>> -> memref<1x32x768xf32, #tpu.memory_space<hbm>>
    %dma_wait3A_427 = tpu.memref_squeeze %dma_wait3A_426 : memref<1x32x768xf32, #tpu.memory_space<hbm>> -> memref<32x768xf32, #tpu.memory_space<hbm>>
    %dma_wait3A_428 = arith.constant 0 : i32
    %dma_wait3A_429 = tpu.memref_slice %arg4[%select_n3A, %add3A_404, %dma_wait3A_428] : memref<4x8192x768xf32, #tpu.memory_space<hbm>> -> memref<1x32x768xf32, #tpu.memory_space<hbm>>
    %dma_wait3A_430 = tpu.memref_squeeze %dma_wait3A_429 : memref<1x32x768xf32, #tpu.memory_space<hbm>> -> memref<32x768xf32, #tpu.memory_space<hbm>>
    %dma_wait3A_431 = arith.constant 0 : i32
    %dma_wait3A_432 = arith.constant 0 : i32
    %dma_wait3A_433 = tpu.memref_slice %arg6[%dma_wait3A_420, %dma_wait3A_431, %dma_wait3A_432] : memref<5x32x768xf32, #tpu.memory_space<vmem>> -> memref<1x32x768xf32, #tpu.memory_space<vmem>>
    %dma_wait3A_434 = tpu.memref_squeeze %dma_wait3A_433 : memref<1x32x768xf32, #tpu.memory_space<vmem>> -> memref<32x768xf32, #tpu.memory_space<vmem>>
    tpu.wait_dma2 semaphore(%arg13 : memref<!tpu.dma_semaphore, #tpu.memory_space<semaphore_mem>>) src(%dma_wait3A_434 : memref<32x768xf32, #tpu.memory_space<vmem>>) dst(%dma_wait3A_430 : memref<32x768xf32, #tpu.memory_space<hbm>>)
    %dma_start3A_435 = arith.constant 1 : i32
    %dma_start3A_436 = arith.constant 0 : i32
    %dma_start3A_437 = arith.constant 0 : i32
    %dma_start3A_438 = tpu.memref_slice %arg6[%dma_start3A_435, %dma_start3A_436, %dma_start3A_437] : memref<5x32x768xf32, #tpu.memory_space<vmem>> -> memref<1x32x768xf32, #tpu.memory_space<vmem>>
    %dma_start3A_439 = tpu.memref_squeeze %dma_start3A_438 : memref<1x32x768xf32, #tpu.memory_space<vmem>> -> memref<32x768xf32, #tpu.memory_space<vmem>>
    %dma_start3A_440 = arith.constant 352 : i32
    %dma_start3A_441 = tpu.memref_slice %arg5[%dma_start3A_440] : memref<1024xi32, #tpu.memory_space<vmem>> -> memref<32xi32, #tpu.memory_space<vmem>>
    %dma_start3A_442 = arith.constant 0 : i32
    %dma_start3A_443 = arith.constant 0 : i32
    %dma_start3A_444 = tpu.memref_slice %arg3[%dma_start3A_442, %dma_start3A_443] : memref<8192x768xf32, #tpu.memory_space<hbm>> -> memref<8192x768xf32, #tpu.memory_space<hbm>>
    tpu.enqueue_indirect_dma source(%dma_start3A_444 : memref<8192x768xf32, #tpu.memory_space<hbm>>) target(%dma_start3A_439 : memref<32x768xf32, #tpu.memory_space<vmem>>) offsets(%dma_start3A_441 : memref<32xi32, #tpu.memory_space<vmem>>) semaphore(%arg8 : memref<!tpu.dma_semaphore, #tpu.memory_space<semaphore_mem>>)
    %dma_wait3A_445 = arith.constant 2 : i32
    %dma_wait3A_446 = arith.constant 0 : i32
    %dma_wait3A_447 = arith.constant 0 : i32
    %dma_wait3A_448 = tpu.memref_slice %arg6[%dma_wait3A_445, %dma_wait3A_446, %dma_wait3A_447] : memref<5x32x768xf32, #tpu.memory_space<vmem>> -> memref<1x32x768xf32, #tpu.memory_space<vmem>>
    %dma_wait3A_449 = tpu.memref_squeeze %dma_wait3A_448 : memref<1x32x768xf32, #tpu.memory_space<vmem>> -> memref<32x768xf32, #tpu.memory_space<vmem>>
    %dma_wait3A_450 = arith.constant 224 : i32
    %dma_wait3A_451 = tpu.memref_slice %arg5[%dma_wait3A_450] : memref<1024xi32, #tpu.memory_space<vmem>> -> memref<32xi32, #tpu.memory_space<vmem>>
    %dma_wait3A_452 = arith.constant 0 : i32
    %dma_wait3A_453 = arith.constant 0 : i32
    %dma_wait3A_454 = tpu.memref_slice %arg3[%dma_wait3A_452, %dma_wait3A_453] : memref<8192x768xf32, #tpu.memory_space<hbm>> -> memref<8192x768xf32, #tpu.memory_space<hbm>>
    tpu.wait_indirect_dma semaphore(%arg9 : memref<!tpu.dma_semaphore, #tpu.memory_space<semaphore_mem>>) src(%dma_wait3A_454 : memref<8192x768xf32, #tpu.memory_space<hbm>>) dst(%dma_wait3A_449 : memref<32x768xf32, #tpu.memory_space<vmem>>)
    %add3A_455 = arith.constant 224 : i32
    %add3A_456 = arith.addi %mul3A_32, %add3A_455 : i32
    %dma_start3A_457 = arith.constant 2 : i32
    %dma_start3A_458 = arith.constant 0 : i32
    %dma_start3A_459 = arith.constant 0 : i32
    %dma_start3A_460 = tpu.memref_slice %arg6[%dma_start3A_457, %dma_start3A_458, %dma_start3A_459] : memref<5x32x768xf32, #tpu.memory_space<vmem>> -> memref<1x32x768xf32, #tpu.memory_space<vmem>>
    %dma_start3A_461 = tpu.memref_squeeze %dma_start3A_460 : memref<1x32x768xf32, #tpu.memory_space<vmem>> -> memref<32x768xf32, #tpu.memory_space<vmem>>
    %dma_start3A_462 = arith.constant 0 : i32
    %dma_start3A_463 = tpu.memref_slice %arg4[%select_n3A, %add3A_456, %dma_start3A_462] : memref<4x8192x768xf32, #tpu.memory_space<hbm>> -> memref<1x32x768xf32, #tpu.memory_space<hbm>>
    %dma_start3A_464 = tpu.memref_squeeze %dma_start3A_463 : memref<1x32x768xf32, #tpu.memory_space<hbm>> -> memref<32x768xf32, #tpu.memory_space<hbm>>
    %dma_start3A_465 = arith.constant 0 : i32
    %dma_start3A_466 = tpu.memref_slice %arg4[%select_n3A, %add3A_456, %dma_start3A_465] : memref<4x8192x768xf32, #tpu.memory_space<hbm>> -> memref<1x32x768xf32, #tpu.memory_space<hbm>>
    %dma_start3A_467 = tpu.memref_squeeze %dma_start3A_466 : memref<1x32x768xf32, #tpu.memory_space<hbm>> -> memref<32x768xf32, #tpu.memory_space<hbm>>
    %dma_start3A_468 = arith.constant 0 : i32
    %dma_start3A_469 = arith.constant 0 : i32
    %dma_start3A_470 = tpu.memref_slice %arg6[%dma_start3A_457, %dma_start3A_468, %dma_start3A_469] : memref<5x32x768xf32, #tpu.memory_space<vmem>> -> memref<1x32x768xf32, #tpu.memory_space<vmem>>
    %dma_start3A_471 = tpu.memref_squeeze %dma_start3A_470 : memref<1x32x768xf32, #tpu.memory_space<vmem>> -> memref<32x768xf32, #tpu.memory_space<vmem>>
    tpu.enqueue_dma source(%dma_start3A_471 : memref<32x768xf32, #tpu.memory_space<vmem>>) target(%dma_start3A_467 : memref<32x768xf32, #tpu.memory_space<hbm>>) target_semaphore(%arg14 : memref<!tpu.dma_semaphore, #tpu.memory_space<semaphore_mem>>)
    %dma_wait3A_472 = arith.constant 2 : i32
    %dma_wait3A_473 = arith.constant 0 : i32
    %dma_wait3A_474 = arith.constant 0 : i32
    %dma_wait3A_475 = tpu.memref_slice %arg6[%dma_wait3A_472, %dma_wait3A_473, %dma_wait3A_474] : memref<5x32x768xf32, #tpu.memory_space<vmem>> -> memref<1x32x768xf32, #tpu.memory_space<vmem>>
    %dma_wait3A_476 = tpu.memref_squeeze %dma_wait3A_475 : memref<1x32x768xf32, #tpu.memory_space<vmem>> -> memref<32x768xf32, #tpu.memory_space<vmem>>
    %dma_wait3A_477 = arith.constant 0 : i32
    %dma_wait3A_478 = tpu.memref_slice %arg4[%select_n3A, %add3A_456, %dma_wait3A_477] : memref<4x8192x768xf32, #tpu.memory_space<hbm>> -> memref<1x32x768xf32, #tpu.memory_space<hbm>>
    %dma_wait3A_479 = tpu.memref_squeeze %dma_wait3A_478 : memref<1x32x768xf32, #tpu.memory_space<hbm>> -> memref<32x768xf32, #tpu.memory_space<hbm>>
    %dma_wait3A_480 = arith.constant 0 : i32
    %dma_wait3A_481 = tpu.memref_slice %arg4[%select_n3A, %add3A_456, %dma_wait3A_480] : memref<4x8192x768xf32, #tpu.memory_space<hbm>> -> memref<1x32x768xf32, #tpu.memory_space<hbm>>
    %dma_wait3A_482 = tpu.memref_squeeze %dma_wait3A_481 : memref<1x32x768xf32, #tpu.memory_space<hbm>> -> memref<32x768xf32, #tpu.memory_space<hbm>>
    %dma_wait3A_483 = arith.constant 0 : i32
    %dma_wait3A_484 = arith.constant 0 : i32
    %dma_wait3A_485 = tpu.memref_slice %arg6[%dma_wait3A_472, %dma_wait3A_483, %dma_wait3A_484] : memref<5x32x768xf32, #tpu.memory_space<vmem>> -> memref<1x32x768xf32, #tpu.memory_space<vmem>>
    %dma_wait3A_486 = tpu.memref_squeeze %dma_wait3A_485 : memref<1x32x768xf32, #tpu.memory_space<vmem>> -> memref<32x768xf32, #tpu.memory_space<vmem>>
    tpu.wait_dma2 semaphore(%arg14 : memref<!tpu.dma_semaphore, #tpu.memory_space<semaphore_mem>>) src(%dma_wait3A_486 : memref<32x768xf32, #tpu.memory_space<vmem>>) dst(%dma_wait3A_482 : memref<32x768xf32, #tpu.memory_space<hbm>>)
    %dma_start3A_487 = arith.constant 2 : i32
    %dma_start3A_488 = arith.constant 0 : i32
    %dma_start3A_489 = arith.constant 0 : i32
    %dma_start3A_490 = tpu.memref_slice %arg6[%dma_start3A_487, %dma_start3A_488, %dma_start3A_489] : memref<5x32x768xf32, #tpu.memory_space<vmem>> -> memref<1x32x768xf32, #tpu.memory_space<vmem>>
    %dma_start3A_491 = tpu.memref_squeeze %dma_start3A_490 : memref<1x32x768xf32, #tpu.memory_space<vmem>> -> memref<32x768xf32, #tpu.memory_space<vmem>>
    %dma_start3A_492 = arith.constant 384 : i32
    %dma_start3A_493 = tpu.memref_slice %arg5[%dma_start3A_492] : memref<1024xi32, #tpu.memory_space<vmem>> -> memref<32xi32, #tpu.memory_space<vmem>>
    %dma_start3A_494 = arith.constant 0 : i32
    %dma_start3A_495 = arith.constant 0 : i32
    %dma_start3A_496 = tpu.memref_slice %arg3[%dma_start3A_494, %dma_start3A_495] : memref<8192x768xf32, #tpu.memory_space<hbm>> -> memref<8192x768xf32, #tpu.memory_space<hbm>>
    tpu.enqueue_indirect_dma source(%dma_start3A_496 : memref<8192x768xf32, #tpu.memory_space<hbm>>) target(%dma_start3A_491 : memref<32x768xf32, #tpu.memory_space<vmem>>) offsets(%dma_start3A_493 : memref<32xi32, #tpu.memory_space<vmem>>) semaphore(%arg9 : memref<!tpu.dma_semaphore, #tpu.memory_space<semaphore_mem>>)
    %dma_wait3A_497 = arith.constant 3 : i32
    %dma_wait3A_498 = arith.constant 0 : i32
    %dma_wait3A_499 = arith.constant 0 : i32
    %dma_wait3A_500 = tpu.memref_slice %arg6[%dma_wait3A_497, %dma_wait3A_498, %dma_wait3A_499] : memref<5x32x768xf32, #tpu.memory_space<vmem>> -> memref<1x32x768xf32, #tpu.memory_space<vmem>>
    %dma_wait3A_501 = tpu.memref_squeeze %dma_wait3A_500 : memref<1x32x768xf32, #tpu.memory_space<vmem>> -> memref<32x768xf32, #tpu.memory_space<vmem>>
    %dma_wait3A_502 = arith.constant 256 : i32
    %dma_wait3A_503 = tpu.memref_slice %arg5[%dma_wait3A_502] : memref<1024xi32, #tpu.memory_space<vmem>> -> memref<32xi32, #tpu.memory_space<vmem>>
    %dma_wait3A_504 = arith.constant 0 : i32
    %dma_wait3A_505 = arith.constant 0 : i32
    %dma_wait3A_506 = tpu.memref_slice %arg3[%dma_wait3A_504, %dma_wait3A_505] : memref<8192x768xf32, #tpu.memory_space<hbm>> -> memref<8192x768xf32, #tpu.memory_space<hbm>>
    tpu.wait_indirect_dma semaphore(%arg10 : memref<!tpu.dma_semaphore, #tpu.memory_space<semaphore_mem>>) src(%dma_wait3A_506 : memref<8192x768xf32, #tpu.memory_space<hbm>>) dst(%dma_wait3A_501 : memref<32x768xf32, #tpu.memory_space<vmem>>)
    %add3A_507 = arith.constant 256 : i32
    %add3A_508 = arith.addi %mul3A_32, %add3A_507 : i32
    %dma_start3A_509 = arith.constant 3 : i32
    %dma_start3A_510 = arith.constant 0 : i32
    %dma_start3A_511 = arith.constant 0 : i32
    %dma_start3A_512 = tpu.memref_slice %arg6[%dma_start3A_509, %dma_start3A_510, %dma_start3A_511] : memref<5x32x768xf32, #tpu.memory_space<vmem>> -> memref<1x32x768xf32, #tpu.memory_space<vmem>>
    %dma_start3A_513 = tpu.memref_squeeze %dma_start3A_512 : memref<1x32x768xf32, #tpu.memory_space<vmem>> -> memref<32x768xf32, #tpu.memory_space<vmem>>
    %dma_start3A_514 = arith.constant 0 : i32
    %dma_start3A_515 = tpu.memref_slice %arg4[%select_n3A, %add3A_508, %dma_start3A_514] : memref<4x8192x768xf32, #tpu.memory_space<hbm>> -> memref<1x32x768xf32, #tpu.memory_space<hbm>>
    %dma_start3A_516 = tpu.memref_squeeze %dma_start3A_515 : memref<1x32x768xf32, #tpu.memory_space<hbm>> -> memref<32x768xf32, #tpu.memory_space<hbm>>
    %dma_start3A_517 = arith.constant 0 : i32
    %dma_start3A_518 = tpu.memref_slice %arg4[%select_n3A, %add3A_508, %dma_start3A_517] : memref<4x8192x768xf32, #tpu.memory_space<hbm>> -> memref<1x32x768xf32, #tpu.memory_space<hbm>>
    %dma_start3A_519 = tpu.memref_squeeze %dma_start3A_518 : memref<1x32x768xf32, #tpu.memory_space<hbm>> -> memref<32x768xf32, #tpu.memory_space<hbm>>
    %dma_start3A_520 = arith.constant 0 : i32
    %dma_start3A_521 = arith.constant 0 : i32
    %dma_start3A_522 = tpu.memref_slice %arg6[%dma_start3A_509, %dma_start3A_520, %dma_start3A_521] : memref<5x32x768xf32, #tpu.memory_space<vmem>> -> memref<1x32x768xf32, #tpu.memory_space<vmem>>
    %dma_start3A_523 = tpu.memref_squeeze %dma_start3A_522 : memref<1x32x768xf32, #tpu.memory_space<vmem>> -> memref<32x768xf32, #tpu.memory_space<vmem>>
    tpu.enqueue_dma source(%dma_start3A_523 : memref<32x768xf32, #tpu.memory_space<vmem>>) target(%dma_start3A_519 : memref<32x768xf32, #tpu.memory_space<hbm>>) target_semaphore(%arg15 : memref<!tpu.dma_semaphore, #tpu.memory_space<semaphore_mem>>)
    %dma_wait3A_524 = arith.constant 3 : i32
    %dma_wait3A_525 = arith.constant 0 : i32
    %dma_wait3A_526 = arith.constant 0 : i32
    %dma_wait3A_527 = tpu.memref_slice %arg6[%dma_wait3A_524, %dma_wait3A_525, %dma_wait3A_526] : memref<5x32x768xf32, #tpu.memory_space<vmem>> -> memref<1x32x768xf32, #tpu.memory_space<vmem>>
    %dma_wait3A_528 = tpu.memref_squeeze %dma_wait3A_527 : memref<1x32x768xf32, #tpu.memory_space<vmem>> -> memref<32x768xf32, #tpu.memory_space<vmem>>
    %dma_wait3A_529 = arith.constant 0 : i32
    %dma_wait3A_530 = tpu.memref_slice %arg4[%select_n3A, %add3A_508, %dma_wait3A_529] : memref<4x8192x768xf32, #tpu.memory_space<hbm>> -> memref<1x32x768xf32, #tpu.memory_space<hbm>>
    %dma_wait3A_531 = tpu.memref_squeeze %dma_wait3A_530 : memref<1x32x768xf32, #tpu.memory_space<hbm>> -> memref<32x768xf32, #tpu.memory_space<hbm>>
    %dma_wait3A_532 = arith.constant 0 : i32
    %dma_wait3A_533 = tpu.memref_slice %arg4[%select_n3A, %add3A_508, %dma_wait3A_532] : memref<4x8192x768xf32, #tpu.memory_space<hbm>> -> memref<1x32x768xf32, #tpu.memory_space<hbm>>
    %dma_wait3A_534 = tpu.memref_squeeze %dma_wait3A_533 : memref<1x32x768xf32, #tpu.memory_space<hbm>> -> memref<32x768xf32, #tpu.memory_space<hbm>>
    %dma_wait3A_535 = arith.constant 0 : i32
    %dma_wait3A_536 = arith.constant 0 : i32
    %dma_wait3A_537 = tpu.memref_slice %arg6[%dma_wait3A_524, %dma_wait3A_535, %dma_wait3A_536] : memref<5x32x768xf32, #tpu.memory_space<vmem>> -> memref<1x32x768xf32, #tpu.memory_space<vmem>>
    %dma_wait3A_538 = tpu.memref_squeeze %dma_wait3A_537 : memref<1x32x768xf32, #tpu.memory_space<vmem>> -> memref<32x768xf32, #tpu.memory_space<vmem>>
    tpu.wait_dma2 semaphore(%arg15 : memref<!tpu.dma_semaphore, #tpu.memory_space<semaphore_mem>>) src(%dma_wait3A_538 : memref<32x768xf32, #tpu.memory_space<vmem>>) dst(%dma_wait3A_534 : memref<32x768xf32, #tpu.memory_space<hbm>>)
    %dma_start3A_539 = arith.constant 3 : i32
    %dma_start3A_540 = arith.constant 0 : i32
    %dma_start3A_541 = arith.constant 0 : i32
    %dma_start3A_542 = tpu.memref_slice %arg6[%dma_start3A_539, %dma_start3A_540, %dma_start3A_541] : memref<5x32x768xf32, #tpu.memory_space<vmem>> -> memref<1x32x768xf32, #tpu.memory_space<vmem>>
    %dma_start3A_543 = tpu.memref_squeeze %dma_start3A_542 : memref<1x32x768xf32, #tpu.memory_space<vmem>> -> memref<32x768xf32, #tpu.memory_space<vmem>>
    %dma_start3A_544 = arith.constant 416 : i32
    %dma_start3A_545 = tpu.memref_slice %arg5[%dma_start3A_544] : memref<1024xi32, #tpu.memory_space<vmem>> -> memref<32xi32, #tpu.memory_space<vmem>>
    %dma_start3A_546 = arith.constant 0 : i32
    %dma_start3A_547 = arith.constant 0 : i32
    %dma_start3A_548 = tpu.memref_slice %arg3[%dma_start3A_546, %dma_start3A_547] : memref<8192x768xf32, #tpu.memory_space<hbm>> -> memref<8192x768xf32, #tpu.memory_space<hbm>>
    tpu.enqueue_indirect_dma source(%dma_start3A_548 : memref<8192x768xf32, #tpu.memory_space<hbm>>) target(%dma_start3A_543 : memref<32x768xf32, #tpu.memory_space<vmem>>) offsets(%dma_start3A_545 : memref<32xi32, #tpu.memory_space<vmem>>) semaphore(%arg10 : memref<!tpu.dma_semaphore, #tpu.memory_space<semaphore_mem>>)
    %dma_wait3A_549 = arith.constant 4 : i32
    %dma_wait3A_550 = arith.constant 0 : i32
    %dma_wait3A_551 = arith.constant 0 : i32
    %dma_wait3A_552 = tpu.memref_slice %arg6[%dma_wait3A_549, %dma_wait3A_550, %dma_wait3A_551] : memref<5x32x768xf32, #tpu.memory_space<vmem>> -> memref<1x32x768xf32, #tpu.memory_space<vmem>>
    %dma_wait3A_553 = tpu.memref_squeeze %dma_wait3A_552 : memref<1x32x768xf32, #tpu.memory_space<vmem>> -> memref<32x768xf32, #tpu.memory_space<vmem>>
    %dma_wait3A_554 = arith.constant 288 : i32
    %dma_wait3A_555 = tpu.memref_slice %arg5[%dma_wait3A_554] : memref<1024xi32, #tpu.memory_space<vmem>> -> memref<32xi32, #tpu.memory_space<vmem>>
    %dma_wait3A_556 = arith.constant 0 : i32
    %dma_wait3A_557 = arith.constant 0 : i32
    %dma_wait3A_558 = tpu.memref_slice %arg3[%dma_wait3A_556, %dma_wait3A_557] : memref<8192x768xf32, #tpu.memory_space<hbm>> -> memref<8192x768xf32, #tpu.memory_space<hbm>>
    tpu.wait_indirect_dma semaphore(%arg11 : memref<!tpu.dma_semaphore, #tpu.memory_space<semaphore_mem>>) src(%dma_wait3A_558 : memref<8192x768xf32, #tpu.memory_space<hbm>>) dst(%dma_wait3A_553 : memref<32x768xf32, #tpu.memory_space<vmem>>)
    %add3A_559 = arith.constant 288 : i32
    %add3A_560 = arith.addi %mul3A_32, %add3A_559 : i32
    %dma_start3A_561 = arith.constant 4 : i32
    %dma_start3A_562 = arith.constant 0 : i32
    %dma_start3A_563 = arith.constant 0 : i32
    %dma_start3A_564 = tpu.memref_slice %arg6[%dma_start3A_561, %dma_start3A_562, %dma_start3A_563] : memref<5x32x768xf32, #tpu.memory_space<vmem>> -> memref<1x32x768xf32, #tpu.memory_space<vmem>>
    %dma_start3A_565 = tpu.memref_squeeze %dma_start3A_564 : memref<1x32x768xf32, #tpu.memory_space<vmem>> -> memref<32x768xf32, #tpu.memory_space<vmem>>
    %dma_start3A_566 = arith.constant 0 : i32
    %dma_start3A_567 = tpu.memref_slice %arg4[%select_n3A, %add3A_560, %dma_start3A_566] : memref<4x8192x768xf32, #tpu.memory_space<hbm>> -> memref<1x32x768xf32, #tpu.memory_space<hbm>>
    %dma_start3A_568 = tpu.memref_squeeze %dma_start3A_567 : memref<1x32x768xf32, #tpu.memory_space<hbm>> -> memref<32x768xf32, #tpu.memory_space<hbm>>
    %dma_start3A_569 = arith.constant 0 : i32
    %dma_start3A_570 = tpu.memref_slice %arg4[%select_n3A, %add3A_560, %dma_start3A_569] : memref<4x8192x768xf32, #tpu.memory_space<hbm>> -> memref<1x32x768xf32, #tpu.memory_space<hbm>>
    %dma_start3A_571 = tpu.memref_squeeze %dma_start3A_570 : memref<1x32x768xf32, #tpu.memory_space<hbm>> -> memref<32x768xf32, #tpu.memory_space<hbm>>
    %dma_start3A_572 = arith.constant 0 : i32
    %dma_start3A_573 = arith.constant 0 : i32
    %dma_start3A_574 = tpu.memref_slice %arg6[%dma_start3A_561, %dma_start3A_572, %dma_start3A_573] : memref<5x32x768xf32, #tpu.memory_space<vmem>> -> memref<1x32x768xf32, #tpu.memory_space<vmem>>
    %dma_start3A_575 = tpu.memref_squeeze %dma_start3A_574 : memref<1x32x768xf32, #tpu.memory_space<vmem>> -> memref<32x768xf32, #tpu.memory_space<vmem>>
    tpu.enqueue_dma source(%dma_start3A_575 : memref<32x768xf32, #tpu.memory_space<vmem>>) target(%dma_start3A_571 : memref<32x768xf32, #tpu.memory_space<hbm>>) target_semaphore(%arg16 : memref<!tpu.dma_semaphore, #tpu.memory_space<semaphore_mem>>)
    %dma_wait3A_576 = arith.constant 4 : i32
    %dma_wait3A_577 = arith.constant 0 : i32
    %dma_wait3A_578 = arith.constant 0 : i32
    %dma_wait3A_579 = tpu.memref_slice %arg6[%dma_wait3A_576, %dma_wait3A_577, %dma_wait3A_578] : memref<5x32x768xf32, #tpu.memory_space<vmem>> -> memref<1x32x768xf32, #tpu.memory_space<vmem>>
    %dma_wait3A_580 = tpu.memref_squeeze %dma_wait3A_579 : memref<1x32x768xf32, #tpu.memory_space<vmem>> -> memref<32x768xf32, #tpu.memory_space<vmem>>
    %dma_wait3A_581 = arith.constant 0 : i32
    %dma_wait3A_582 = tpu.memref_slice %arg4[%select_n3A, %add3A_560, %dma_wait3A_581] : memref<4x8192x768xf32, #tpu.memory_space<hbm>> -> memref<1x32x768xf32, #tpu.memory_space<hbm>>
    %dma_wait3A_583 = tpu.memref_squeeze %dma_wait3A_582 : memref<1x32x768xf32, #tpu.memory_space<hbm>> -> memref<32x768xf32, #tpu.memory_space<hbm>>
    %dma_wait3A_584 = arith.constant 0 : i32
    %dma_wait3A_585 = tpu.memref_slice %arg4[%select_n3A, %add3A_560, %dma_wait3A_584] : memref<4x8192x768xf32, #tpu.memory_space<hbm>> -> memref<1x32x768xf32, #tpu.memory_space<hbm>>
    %dma_wait3A_586 = tpu.memref_squeeze %dma_wait3A_585 : memref<1x32x768xf32, #tpu.memory_space<hbm>> -> memref<32x768xf32, #tpu.memory_space<hbm>>
    %dma_wait3A_587 = arith.constant 0 : i32
    %dma_wait3A_588 = arith.constant 0 : i32
    %dma_wait3A_589 = tpu.memref_slice %arg6[%dma_wait3A_576, %dma_wait3A_587, %dma_wait3A_588] : memref<5x32x768xf32, #tpu.memory_space<vmem>> -> memref<1x32x768xf32, #tpu.memory_space<vmem>>
    %dma_wait3A_590 = tpu.memref_squeeze %dma_wait3A_589 : memref<1x32x768xf32, #tpu.memory_space<vmem>> -> memref<32x768xf32, #tpu.memory_space<vmem>>
    tpu.wait_dma2 semaphore(%arg16 : memref<!tpu.dma_semaphore, #tpu.memory_space<semaphore_mem>>) src(%dma_wait3A_590 : memref<32x768xf32, #tpu.memory_space<vmem>>) dst(%dma_wait3A_586 : memref<32x768xf32, #tpu.memory_space<hbm>>)
    %dma_start3A_591 = arith.constant 4 : i32
    %dma_start3A_592 = arith.constant 0 : i32
    %dma_start3A_593 = arith.constant 0 : i32
    %dma_start3A_594 = tpu.memref_slice %arg6[%dma_start3A_591, %dma_start3A_592, %dma_start3A_593] : memref<5x32x768xf32, #tpu.memory_space<vmem>> -> memref<1x32x768xf32, #tpu.memory_space<vmem>>
    %dma_start3A_595 = tpu.memref_squeeze %dma_start3A_594 : memref<1x32x768xf32, #tpu.memory_space<vmem>> -> memref<32x768xf32, #tpu.memory_space<vmem>>
    %dma_start3A_596 = arith.constant 448 : i32
    %dma_start3A_597 = tpu.memref_slice %arg5[%dma_start3A_596] : memref<1024xi32, #tpu.memory_space<vmem>> -> memref<32xi32, #tpu.memory_space<vmem>>
    %dma_start3A_598 = arith.constant 0 : i32
    %dma_start3A_599 = arith.constant 0 : i32
    %dma_start3A_600 = tpu.memref_slice %arg3[%dma_start3A_598, %dma_start3A_599] : memref<8192x768xf32, #tpu.memory_space<hbm>> -> memref<8192x768xf32, #tpu.memory_space<hbm>>
    tpu.enqueue_indirect_dma source(%dma_start3A_600 : memref<8192x768xf32, #tpu.memory_space<hbm>>) target(%dma_start3A_595 : memref<32x768xf32, #tpu.memory_space<vmem>>) offsets(%dma_start3A_597 : memref<32xi32, #tpu.memory_space<vmem>>) semaphore(%arg11 : memref<!tpu.dma_semaphore, #tpu.memory_space<semaphore_mem>>)
    %dma_wait3A_601 = arith.constant 0 : i32
    %dma_wait3A_602 = arith.constant 0 : i32
    %dma_wait3A_603 = arith.constant 0 : i32
    %dma_wait3A_604 = tpu.memref_slice %arg6[%dma_wait3A_601, %dma_wait3A_602, %dma_wait3A_603] : memref<5x32x768xf32, #tpu.memory_space<vmem>> -> memref<1x32x768xf32, #tpu.memory_space<vmem>>
    %dma_wait3A_605 = tpu.memref_squeeze %dma_wait3A_604 : memref<1x32x768xf32, #tpu.memory_space<vmem>> -> memref<32x768xf32, #tpu.memory_space<vmem>>
    %dma_wait3A_606 = arith.constant 320 : i32
    %dma_wait3A_607 = tpu.memref_slice %arg5[%dma_wait3A_606] : memref<1024xi32, #tpu.memory_space<vmem>> -> memref<32xi32, #tpu.memory_space<vmem>>
    %dma_wait3A_608 = arith.constant 0 : i32
    %dma_wait3A_609 = arith.constant 0 : i32
    %dma_wait3A_610 = tpu.memref_slice %arg3[%dma_wait3A_608, %dma_wait3A_609] : memref<8192x768xf32, #tpu.memory_space<hbm>> -> memref<8192x768xf32, #tpu.memory_space<hbm>>
    tpu.wait_indirect_dma semaphore(%arg7 : memref<!tpu.dma_semaphore, #tpu.memory_space<semaphore_mem>>) src(%dma_wait3A_610 : memref<8192x768xf32, #tpu.memory_space<hbm>>) dst(%dma_wait3A_605 : memref<32x768xf32, #tpu.memory_space<vmem>>)
    %add3A_611 = arith.constant 320 : i32
    %add3A_612 = arith.addi %mul3A_32, %add3A_611 : i32
    %dma_start3A_613 = arith.constant 0 : i32
    %dma_start3A_614 = arith.constant 0 : i32
    %dma_start3A_615 = arith.constant 0 : i32
    %dma_start3A_616 = tpu.memref_slice %arg6[%dma_start3A_613, %dma_start3A_614, %dma_start3A_615] : memref<5x32x768xf32, #tpu.memory_space<vmem>> -> memref<1x32x768xf32, #tpu.memory_space<vmem>>
    %dma_start3A_617 = tpu.memref_squeeze %dma_start3A_616 : memref<1x32x768xf32, #tpu.memory_space<vmem>> -> memref<32x768xf32, #tpu.memory_space<vmem>>
    %dma_start3A_618 = arith.constant 0 : i32
    %dma_start3A_619 = tpu.memref_slice %arg4[%select_n3A, %add3A_612, %dma_start3A_618] : memref<4x8192x768xf32, #tpu.memory_space<hbm>> -> memref<1x32x768xf32, #tpu.memory_space<hbm>>
    %dma_start3A_620 = tpu.memref_squeeze %dma_start3A_619 : memref<1x32x768xf32, #tpu.memory_space<hbm>> -> memref<32x768xf32, #tpu.memory_space<hbm>>
    %dma_start3A_621 = arith.constant 0 : i32
    %dma_start3A_622 = tpu.memref_slice %arg4[%select_n3A, %add3A_612, %dma_start3A_621] : memref<4x8192x768xf32, #tpu.memory_space<hbm>> -> memref<1x32x768xf32, #tpu.memory_space<hbm>>
    %dma_start3A_623 = tpu.memref_squeeze %dma_start3A_622 : memref<1x32x768xf32, #tpu.memory_space<hbm>> -> memref<32x768xf32, #tpu.memory_space<hbm>>
    %dma_start3A_624 = arith.constant 0 : i32
    %dma_start3A_625 = arith.constant 0 : i32
    %dma_start3A_626 = tpu.memref_slice %arg6[%dma_start3A_613, %dma_start3A_624, %dma_start3A_625] : memref<5x32x768xf32, #tpu.memory_space<vmem>> -> memref<1x32x768xf32, #tpu.memory_space<vmem>>
    %dma_start3A_627 = tpu.memref_squeeze %dma_start3A_626 : memref<1x32x768xf32, #tpu.memory_space<vmem>> -> memref<32x768xf32, #tpu.memory_space<vmem>>
    tpu.enqueue_dma source(%dma_start3A_627 : memref<32x768xf32, #tpu.memory_space<vmem>>) target(%dma_start3A_623 : memref<32x768xf32, #tpu.memory_space<hbm>>) target_semaphore(%arg12 : memref<!tpu.dma_semaphore, #tpu.memory_space<semaphore_mem>>)
    %dma_wait3A_628 = arith.constant 0 : i32
    %dma_wait3A_629 = arith.constant 0 : i32
    %dma_wait3A_630 = arith.constant 0 : i32
    %dma_wait3A_631 = tpu.memref_slice %arg6[%dma_wait3A_628, %dma_wait3A_629, %dma_wait3A_630] : memref<5x32x768xf32, #tpu.memory_space<vmem>> -> memref<1x32x768xf32, #tpu.memory_space<vmem>>
    %dma_wait3A_632 = tpu.memref_squeeze %dma_wait3A_631 : memref<1x32x768xf32, #tpu.memory_space<vmem>> -> memref<32x768xf32, #tpu.memory_space<vmem>>
    %dma_wait3A_633 = arith.constant 0 : i32
    %dma_wait3A_634 = tpu.memref_slice %arg4[%select_n3A, %add3A_612, %dma_wait3A_633] : memref<4x8192x768xf32, #tpu.memory_space<hbm>> -> memref<1x32x768xf32, #tpu.memory_space<hbm>>
    %dma_wait3A_635 = tpu.memref_squeeze %dma_wait3A_634 : memref<1x32x768xf32, #tpu.memory_space<hbm>> -> memref<32x768xf32, #tpu.memory_space<hbm>>
    %dma_wait3A_636 = arith.constant 0 : i32
    %dma_wait3A_637 = tpu.memref_slice %arg4[%select_n3A, %add3A_612, %dma_wait3A_636] : memref<4x8192x768xf32, #tpu.memory_space<hbm>> -> memref<1x32x768xf32, #tpu.memory_space<hbm>>
    %dma_wait3A_638 = tpu.memref_squeeze %dma_wait3A_637 : memref<1x32x768xf32, #tpu.memory_space<hbm>> -> memref<32x768xf32, #tpu.memory_space<hbm>>
    %dma_wait3A_639 = arith.constant 0 : i32
    %dma_wait3A_640 = arith.constant 0 : i32
    %dma_wait3A_641 = tpu.memref_slice %arg6[%dma_wait3A_628, %dma_wait3A_639, %dma_wait3A_640] : memref<5x32x768xf32, #tpu.memory_space<vmem>> -> memref<1x32x768xf32, #tpu.memory_space<vmem>>
    %dma_wait3A_642 = tpu.memref_squeeze %dma_wait3A_641 : memref<1x32x768xf32, #tpu.memory_space<vmem>> -> memref<32x768xf32, #tpu.memory_space<vmem>>
    tpu.wait_dma2 semaphore(%arg12 : memref<!tpu.dma_semaphore, #tpu.memory_space<semaphore_mem>>) src(%dma_wait3A_642 : memref<32x768xf32, #tpu.memory_space<vmem>>) dst(%dma_wait3A_638 : memref<32x768xf32, #tpu.memory_space<hbm>>)
    %dma_start3A_643 = arith.constant 0 : i32
    %dma_start3A_644 = arith.constant 0 : i32
    %dma_start3A_645 = arith.constant 0 : i32
    %dma_start3A_646 = tpu.memref_slice %arg6[%dma_start3A_643, %dma_start3A_644, %dma_start3A_645] : memref<5x32x768xf32, #tpu.memory_space<vmem>> -> memref<1x32x768xf32, #tpu.memory_space<vmem>>
    %dma_start3A_647 = tpu.memref_squeeze %dma_start3A_646 : memref<1x32x768xf32, #tpu.memory_space<vmem>> -> memref<32x768xf32, #tpu.memory_space<vmem>>
    %dma_start3A_648 = arith.constant 480 : i32
    %dma_start3A_649 = tpu.memref_slice %arg5[%dma_start3A_648] : memref<1024xi32, #tpu.memory_space<vmem>> -> memref<32xi32, #tpu.memory_space<vmem>>
    %dma_start3A_650 = arith.constant 0 : i32
    %dma_start3A_651 = arith.constant 0 : i32
    %dma_start3A_652 = tpu.memref_slice %arg3[%dma_start3A_650, %dma_start3A_651] : memref<8192x768xf32, #tpu.memory_space<hbm>> -> memref<8192x768xf32, #tpu.memory_space<hbm>>
    tpu.enqueue_indirect_dma source(%dma_start3A_652 : memref<8192x768xf32, #tpu.memory_space<hbm>>) target(%dma_start3A_647 : memref<32x768xf32, #tpu.memory_space<vmem>>) offsets(%dma_start3A_649 : memref<32xi32, #tpu.memory_space<vmem>>) semaphore(%arg7 : memref<!tpu.dma_semaphore, #tpu.memory_space<semaphore_mem>>)
    %dma_wait3A_653 = arith.constant 1 : i32
    %dma_wait3A_654 = arith.constant 0 : i32
    %dma_wait3A_655 = arith.constant 0 : i32
    %dma_wait3A_656 = tpu.memref_slice %arg6[%dma_wait3A_653, %dma_wait3A_654, %dma_wait3A_655] : memref<5x32x768xf32, #tpu.memory_space<vmem>> -> memref<1x32x768xf32, #tpu.memory_space<vmem>>
    %dma_wait3A_657 = tpu.memref_squeeze %dma_wait3A_656 : memref<1x32x768xf32, #tpu.memory_space<vmem>> -> memref<32x768xf32, #tpu.memory_space<vmem>>
    %dma_wait3A_658 = arith.constant 352 : i32
    %dma_wait3A_659 = tpu.memref_slice %arg5[%dma_wait3A_658] : memref<1024xi32, #tpu.memory_space<vmem>> -> memref<32xi32, #tpu.memory_space<vmem>>
    %dma_wait3A_660 = arith.constant 0 : i32
    %dma_wait3A_661 = arith.constant 0 : i32
    %dma_wait3A_662 = tpu.memref_slice %arg3[%dma_wait3A_660, %dma_wait3A_661] : memref<8192x768xf32, #tpu.memory_space<hbm>> -> memref<8192x768xf32, #tpu.memory_space<hbm>>
    tpu.wait_indirect_dma semaphore(%arg8 : memref<!tpu.dma_semaphore, #tpu.memory_space<semaphore_mem>>) src(%dma_wait3A_662 : memref<8192x768xf32, #tpu.memory_space<hbm>>) dst(%dma_wait3A_657 : memref<32x768xf32, #tpu.memory_space<vmem>>)
    %add3A_663 = arith.constant 352 : i32
    %add3A_664 = arith.addi %mul3A_32, %add3A_663 : i32
    %dma_start3A_665 = arith.constant 1 : i32
    %dma_start3A_666 = arith.constant 0 : i32
    %dma_start3A_667 = arith.constant 0 : i32
    %dma_start3A_668 = tpu.memref_slice %arg6[%dma_start3A_665, %dma_start3A_666, %dma_start3A_667] : memref<5x32x768xf32, #tpu.memory_space<vmem>> -> memref<1x32x768xf32, #tpu.memory_space<vmem>>
    %dma_start3A_669 = tpu.memref_squeeze %dma_start3A_668 : memref<1x32x768xf32, #tpu.memory_space<vmem>> -> memref<32x768xf32, #tpu.memory_space<vmem>>
    %dma_start3A_670 = arith.constant 0 : i32
    %dma_start3A_671 = tpu.memref_slice %arg4[%select_n3A, %add3A_664, %dma_start3A_670] : memref<4x8192x768xf32, #tpu.memory_space<hbm>> -> memref<1x32x768xf32, #tpu.memory_space<hbm>>
    %dma_start3A_672 = tpu.memref_squeeze %dma_start3A_671 : memref<1x32x768xf32, #tpu.memory_space<hbm>> -> memref<32x768xf32, #tpu.memory_space<hbm>>
    %dma_start3A_673 = arith.constant 0 : i32
    %dma_start3A_674 = tpu.memref_slice %arg4[%select_n3A, %add3A_664, %dma_start3A_673] : memref<4x8192x768xf32, #tpu.memory_space<hbm>> -> memref<1x32x768xf32, #tpu.memory_space<hbm>>
    %dma_start3A_675 = tpu.memref_squeeze %dma_start3A_674 : memref<1x32x768xf32, #tpu.memory_space<hbm>> -> memref<32x768xf32, #tpu.memory_space<hbm>>
    %dma_start3A_676 = arith.constant 0 : i32
    %dma_start3A_677 = arith.constant 0 : i32
    %dma_start3A_678 = tpu.memref_slice %arg6[%dma_start3A_665, %dma_start3A_676, %dma_start3A_677] : memref<5x32x768xf32, #tpu.memory_space<vmem>> -> memref<1x32x768xf32, #tpu.memory_space<vmem>>
    %dma_start3A_679 = tpu.memref_squeeze %dma_start3A_678 : memref<1x32x768xf32, #tpu.memory_space<vmem>> -> memref<32x768xf32, #tpu.memory_space<vmem>>
    tpu.enqueue_dma source(%dma_start3A_679 : memref<32x768xf32, #tpu.memory_space<vmem>>) target(%dma_start3A_675 : memref<32x768xf32, #tpu.memory_space<hbm>>) target_semaphore(%arg13 : memref<!tpu.dma_semaphore, #tpu.memory_space<semaphore_mem>>)
    %dma_wait3A_680 = arith.constant 1 : i32
    %dma_wait3A_681 = arith.constant 0 : i32
    %dma_wait3A_682 = arith.constant 0 : i32
    %dma_wait3A_683 = tpu.memref_slice %arg6[%dma_wait3A_680, %dma_wait3A_681, %dma_wait3A_682] : memref<5x32x768xf32, #tpu.memory_space<vmem>> -> memref<1x32x768xf32, #tpu.memory_space<vmem>>
    %dma_wait3A_684 = tpu.memref_squeeze %dma_wait3A_683 : memref<1x32x768xf32, #tpu.memory_space<vmem>> -> memref<32x768xf32, #tpu.memory_space<vmem>>
    %dma_wait3A_685 = arith.constant 0 : i32
    %dma_wait3A_686 = tpu.memref_slice %arg4[%select_n3A, %add3A_664, %dma_wait3A_685] : memref<4x8192x768xf32, #tpu.memory_space<hbm>> -> memref<1x32x768xf32, #tpu.memory_space<hbm>>
    %dma_wait3A_687 = tpu.memref_squeeze %dma_wait3A_686 : memref<1x32x768xf32, #tpu.memory_space<hbm>> -> memref<32x768xf32, #tpu.memory_space<hbm>>
    %dma_wait3A_688 = arith.constant 0 : i32
    %dma_wait3A_689 = tpu.memref_slice %arg4[%select_n3A, %add3A_664, %dma_wait3A_688] : memref<4x8192x768xf32, #tpu.memory_space<hbm>> -> memref<1x32x768xf32, #tpu.memory_space<hbm>>
    %dma_wait3A_690 = tpu.memref_squeeze %dma_wait3A_689 : memref<1x32x768xf32, #tpu.memory_space<hbm>> -> memref<32x768xf32, #tpu.memory_space<hbm>>
    %dma_wait3A_691 = arith.constant 0 : i32
    %dma_wait3A_692 = arith.constant 0 : i32
    %dma_wait3A_693 = tpu.memref_slice %arg6[%dma_wait3A_680, %dma_wait3A_691, %dma_wait3A_692] : memref<5x32x768xf32, #tpu.memory_space<vmem>> -> memref<1x32x768xf32, #tpu.memory_space<vmem>>
    %dma_wait3A_694 = tpu.memref_squeeze %dma_wait3A_693 : memref<1x32x768xf32, #tpu.memory_space<vmem>> -> memref<32x768xf32, #tpu.memory_space<vmem>>
    tpu.wait_dma2 semaphore(%arg13 : memref<!tpu.dma_semaphore, #tpu.memory_space<semaphore_mem>>) src(%dma_wait3A_694 : memref<32x768xf32, #tpu.memory_space<vmem>>) dst(%dma_wait3A_690 : memref<32x768xf32, #tpu.memory_space<hbm>>)
    %dma_start3A_695 = arith.constant 1 : i32
    %dma_start3A_696 = arith.constant 0 : i32
    %dma_start3A_697 = arith.constant 0 : i32
    %dma_start3A_698 = tpu.memref_slice %arg6[%dma_start3A_695, %dma_start3A_696, %dma_start3A_697] : memref<5x32x768xf32, #tpu.memory_space<vmem>> -> memref<1x32x768xf32, #tpu.memory_space<vmem>>
    %dma_start3A_699 = tpu.memref_squeeze %dma_start3A_698 : memref<1x32x768xf32, #tpu.memory_space<vmem>> -> memref<32x768xf32, #tpu.memory_space<vmem>>
    %dma_start3A_700 = arith.constant 512 : i32
    %dma_start3A_701 = tpu.memref_slice %arg5[%dma_start3A_700] : memref<1024xi32, #tpu.memory_space<vmem>> -> memref<32xi32, #tpu.memory_space<vmem>>
    %dma_start3A_702 = arith.constant 0 : i32
    %dma_start3A_703 = arith.constant 0 : i32
    %dma_start3A_704 = tpu.memref_slice %arg3[%dma_start3A_702, %dma_start3A_703] : memref<8192x768xf32, #tpu.memory_space<hbm>> -> memref<8192x768xf32, #tpu.memory_space<hbm>>
    tpu.enqueue_indirect_dma source(%dma_start3A_704 : memref<8192x768xf32, #tpu.memory_space<hbm>>) target(%dma_start3A_699 : memref<32x768xf32, #tpu.memory_space<vmem>>) offsets(%dma_start3A_701 : memref<32xi32, #tpu.memory_space<vmem>>) semaphore(%arg8 : memref<!tpu.dma_semaphore, #tpu.memory_space<semaphore_mem>>)
    %dma_wait3A_705 = arith.constant 2 : i32
    %dma_wait3A_706 = arith.constant 0 : i32
    %dma_wait3A_707 = arith.constant 0 : i32
    %dma_wait3A_708 = tpu.memref_slice %arg6[%dma_wait3A_705, %dma_wait3A_706, %dma_wait3A_707] : memref<5x32x768xf32, #tpu.memory_space<vmem>> -> memref<1x32x768xf32, #tpu.memory_space<vmem>>
    %dma_wait3A_709 = tpu.memref_squeeze %dma_wait3A_708 : memref<1x32x768xf32, #tpu.memory_space<vmem>> -> memref<32x768xf32, #tpu.memory_space<vmem>>
    %dma_wait3A_710 = arith.constant 384 : i32
    %dma_wait3A_711 = tpu.memref_slice %arg5[%dma_wait3A_710] : memref<1024xi32, #tpu.memory_space<vmem>> -> memref<32xi32, #tpu.memory_space<vmem>>
    %dma_wait3A_712 = arith.constant 0 : i32
    %dma_wait3A_713 = arith.constant 0 : i32
    %dma_wait3A_714 = tpu.memref_slice %arg3[%dma_wait3A_712, %dma_wait3A_713] : memref<8192x768xf32, #tpu.memory_space<hbm>> -> memref<8192x768xf32, #tpu.memory_space<hbm>>
    tpu.wait_indirect_dma semaphore(%arg9 : memref<!tpu.dma_semaphore, #tpu.memory_space<semaphore_mem>>) src(%dma_wait3A_714 : memref<8192x768xf32, #tpu.memory_space<hbm>>) dst(%dma_wait3A_709 : memref<32x768xf32, #tpu.memory_space<vmem>>)
    %add3A_715 = arith.constant 384 : i32
    %add3A_716 = arith.addi %mul3A_32, %add3A_715 : i32
    %dma_start3A_717 = arith.constant 2 : i32
    %dma_start3A_718 = arith.constant 0 : i32
    %dma_start3A_719 = arith.constant 0 : i32
    %dma_start3A_720 = tpu.memref_slice %arg6[%dma_start3A_717, %dma_start3A_718, %dma_start3A_719] : memref<5x32x768xf32, #tpu.memory_space<vmem>> -> memref<1x32x768xf32, #tpu.memory_space<vmem>>
    %dma_start3A_721 = tpu.memref_squeeze %dma_start3A_720 : memref<1x32x768xf32, #tpu.memory_space<vmem>> -> memref<32x768xf32, #tpu.memory_space<vmem>>
    %dma_start3A_722 = arith.constant 0 : i32
    %dma_start3A_723 = tpu.memref_slice %arg4[%select_n3A, %add3A_716, %dma_start3A_722] : memref<4x8192x768xf32, #tpu.memory_space<hbm>> -> memref<1x32x768xf32, #tpu.memory_space<hbm>>
    %dma_start3A_724 = tpu.memref_squeeze %dma_start3A_723 : memref<1x32x768xf32, #tpu.memory_space<hbm>> -> memref<32x768xf32, #tpu.memory_space<hbm>>
    %dma_start3A_725 = arith.constant 0 : i32
    %dma_start3A_726 = tpu.memref_slice %arg4[%select_n3A, %add3A_716, %dma_start3A_725] : memref<4x8192x768xf32, #tpu.memory_space<hbm>> -> memref<1x32x768xf32, #tpu.memory_space<hbm>>
    %dma_start3A_727 = tpu.memref_squeeze %dma_start3A_726 : memref<1x32x768xf32, #tpu.memory_space<hbm>> -> memref<32x768xf32, #tpu.memory_space<hbm>>
    %dma_start3A_728 = arith.constant 0 : i32
    %dma_start3A_729 = arith.constant 0 : i32
    %dma_start3A_730 = tpu.memref_slice %arg6[%dma_start3A_717, %dma_start3A_728, %dma_start3A_729] : memref<5x32x768xf32, #tpu.memory_space<vmem>> -> memref<1x32x768xf32, #tpu.memory_space<vmem>>
    %dma_start3A_731 = tpu.memref_squeeze %dma_start3A_730 : memref<1x32x768xf32, #tpu.memory_space<vmem>> -> memref<32x768xf32, #tpu.memory_space<vmem>>
    tpu.enqueue_dma source(%dma_start3A_731 : memref<32x768xf32, #tpu.memory_space<vmem>>) target(%dma_start3A_727 : memref<32x768xf32, #tpu.memory_space<hbm>>) target_semaphore(%arg14 : memref<!tpu.dma_semaphore, #tpu.memory_space<semaphore_mem>>)
    %dma_wait3A_732 = arith.constant 2 : i32
    %dma_wait3A_733 = arith.constant 0 : i32
    %dma_wait3A_734 = arith.constant 0 : i32
    %dma_wait3A_735 = tpu.memref_slice %arg6[%dma_wait3A_732, %dma_wait3A_733, %dma_wait3A_734] : memref<5x32x768xf32, #tpu.memory_space<vmem>> -> memref<1x32x768xf32, #tpu.memory_space<vmem>>
    %dma_wait3A_736 = tpu.memref_squeeze %dma_wait3A_735 : memref<1x32x768xf32, #tpu.memory_space<vmem>> -> memref<32x768xf32, #tpu.memory_space<vmem>>
    %dma_wait3A_737 = arith.constant 0 : i32
    %dma_wait3A_738 = tpu.memref_slice %arg4[%select_n3A, %add3A_716, %dma_wait3A_737] : memref<4x8192x768xf32, #tpu.memory_space<hbm>> -> memref<1x32x768xf32, #tpu.memory_space<hbm>>
    %dma_wait3A_739 = tpu.memref_squeeze %dma_wait3A_738 : memref<1x32x768xf32, #tpu.memory_space<hbm>> -> memref<32x768xf32, #tpu.memory_space<hbm>>
    %dma_wait3A_740 = arith.constant 0 : i32
    %dma_wait3A_741 = tpu.memref_slice %arg4[%select_n3A, %add3A_716, %dma_wait3A_740] : memref<4x8192x768xf32, #tpu.memory_space<hbm>> -> memref<1x32x768xf32, #tpu.memory_space<hbm>>
    %dma_wait3A_742 = tpu.memref_squeeze %dma_wait3A_741 : memref<1x32x768xf32, #tpu.memory_space<hbm>> -> memref<32x768xf32, #tpu.memory_space<hbm>>
    %dma_wait3A_743 = arith.constant 0 : i32
    %dma_wait3A_744 = arith.constant 0 : i32
    %dma_wait3A_745 = tpu.memref_slice %arg6[%dma_wait3A_732, %dma_wait3A_743, %dma_wait3A_744] : memref<5x32x768xf32, #tpu.memory_space<vmem>> -> memref<1x32x768xf32, #tpu.memory_space<vmem>>
    %dma_wait3A_746 = tpu.memref_squeeze %dma_wait3A_745 : memref<1x32x768xf32, #tpu.memory_space<vmem>> -> memref<32x768xf32, #tpu.memory_space<vmem>>
    tpu.wait_dma2 semaphore(%arg14 : memref<!tpu.dma_semaphore, #tpu.memory_space<semaphore_mem>>) src(%dma_wait3A_746 : memref<32x768xf32, #tpu.memory_space<vmem>>) dst(%dma_wait3A_742 : memref<32x768xf32, #tpu.memory_space<hbm>>)
    %dma_start3A_747 = arith.constant 2 : i32
    %dma_start3A_748 = arith.constant 0 : i32
    %dma_start3A_749 = arith.constant 0 : i32
    %dma_start3A_750 = tpu.memref_slice %arg6[%dma_start3A_747, %dma_start3A_748, %dma_start3A_749] : memref<5x32x768xf32, #tpu.memory_space<vmem>> -> memref<1x32x768xf32, #tpu.memory_space<vmem>>
    %dma_start3A_751 = tpu.memref_squeeze %dma_start3A_750 : memref<1x32x768xf32, #tpu.memory_space<vmem>> -> memref<32x768xf32, #tpu.memory_space<vmem>>
    %dma_start3A_752 = arith.constant 544 : i32
    %dma_start3A_753 = tpu.memref_slice %arg5[%dma_start3A_752] : memref<1024xi32, #tpu.memory_space<vmem>> -> memref<32xi32, #tpu.memory_space<vmem>>
    %dma_start3A_754 = arith.constant 0 : i32
    %dma_start3A_755 = arith.constant 0 : i32
    %dma_start3A_756 = tpu.memref_slice %arg3[%dma_start3A_754, %dma_start3A_755] : memref<8192x768xf32, #tpu.memory_space<hbm>> -> memref<8192x768xf32, #tpu.memory_space<hbm>>
    tpu.enqueue_indirect_dma source(%dma_start3A_756 : memref<8192x768xf32, #tpu.memory_space<hbm>>) target(%dma_start3A_751 : memref<32x768xf32, #tpu.memory_space<vmem>>) offsets(%dma_start3A_753 : memref<32xi32, #tpu.memory_space<vmem>>) semaphore(%arg9 : memref<!tpu.dma_semaphore, #tpu.memory_space<semaphore_mem>>)
    %dma_wait3A_757 = arith.constant 3 : i32
    %dma_wait3A_758 = arith.constant 0 : i32
    %dma_wait3A_759 = arith.constant 0 : i32
    %dma_wait3A_760 = tpu.memref_slice %arg6[%dma_wait3A_757, %dma_wait3A_758, %dma_wait3A_759] : memref<5x32x768xf32, #tpu.memory_space<vmem>> -> memref<1x32x768xf32, #tpu.memory_space<vmem>>
    %dma_wait3A_761 = tpu.memref_squeeze %dma_wait3A_760 : memref<1x32x768xf32, #tpu.memory_space<vmem>> -> memref<32x768xf32, #tpu.memory_space<vmem>>
    %dma_wait3A_762 = arith.constant 416 : i32
    %dma_wait3A_763 = tpu.memref_slice %arg5[%dma_wait3A_762] : memref<1024xi32, #tpu.memory_space<vmem>> -> memref<32xi32, #tpu.memory_space<vmem>>
    %dma_wait3A_764 = arith.constant 0 : i32
    %dma_wait3A_765 = arith.constant 0 : i32
    %dma_wait3A_766 = tpu.memref_slice %arg3[%dma_wait3A_764, %dma_wait3A_765] : memref<8192x768xf32, #tpu.memory_space<hbm>> -> memref<8192x768xf32, #tpu.memory_space<hbm>>
    tpu.wait_indirect_dma semaphore(%arg10 : memref<!tpu.dma_semaphore, #tpu.memory_space<semaphore_mem>>) src(%dma_wait3A_766 : memref<8192x768xf32, #tpu.memory_space<hbm>>) dst(%dma_wait3A_761 : memref<32x768xf32, #tpu.memory_space<vmem>>)
    %add3A_767 = arith.constant 416 : i32
    %add3A_768 = arith.addi %mul3A_32, %add3A_767 : i32
    %dma_start3A_769 = arith.constant 3 : i32
    %dma_start3A_770 = arith.constant 0 : i32
    %dma_start3A_771 = arith.constant 0 : i32
    %dma_start3A_772 = tpu.memref_slice %arg6[%dma_start3A_769, %dma_start3A_770, %dma_start3A_771] : memref<5x32x768xf32, #tpu.memory_space<vmem>> -> memref<1x32x768xf32, #tpu.memory_space<vmem>>
    %dma_start3A_773 = tpu.memref_squeeze %dma_start3A_772 : memref<1x32x768xf32, #tpu.memory_space<vmem>> -> memref<32x768xf32, #tpu.memory_space<vmem>>
    %dma_start3A_774 = arith.constant 0 : i32
    %dma_start3A_775 = tpu.memref_slice %arg4[%select_n3A, %add3A_768, %dma_start3A_774] : memref<4x8192x768xf32, #tpu.memory_space<hbm>> -> memref<1x32x768xf32, #tpu.memory_space<hbm>>
    %dma_start3A_776 = tpu.memref_squeeze %dma_start3A_775 : memref<1x32x768xf32, #tpu.memory_space<hbm>> -> memref<32x768xf32, #tpu.memory_space<hbm>>
    %dma_start3A_777 = arith.constant 0 : i32
    %dma_start3A_778 = tpu.memref_slice %arg4[%select_n3A, %add3A_768, %dma_start3A_777] : memref<4x8192x768xf32, #tpu.memory_space<hbm>> -> memref<1x32x768xf32, #tpu.memory_space<hbm>>
    %dma_start3A_779 = tpu.memref_squeeze %dma_start3A_778 : memref<1x32x768xf32, #tpu.memory_space<hbm>> -> memref<32x768xf32, #tpu.memory_space<hbm>>
    %dma_start3A_780 = arith.constant 0 : i32
    %dma_start3A_781 = arith.constant 0 : i32
    %dma_start3A_782 = tpu.memref_slice %arg6[%dma_start3A_769, %dma_start3A_780, %dma_start3A_781] : memref<5x32x768xf32, #tpu.memory_space<vmem>> -> memref<1x32x768xf32, #tpu.memory_space<vmem>>
    %dma_start3A_783 = tpu.memref_squeeze %dma_start3A_782 : memref<1x32x768xf32, #tpu.memory_space<vmem>> -> memref<32x768xf32, #tpu.memory_space<vmem>>
    tpu.enqueue_dma source(%dma_start3A_783 : memref<32x768xf32, #tpu.memory_space<vmem>>) target(%dma_start3A_779 : memref<32x768xf32, #tpu.memory_space<hbm>>) target_semaphore(%arg15 : memref<!tpu.dma_semaphore, #tpu.memory_space<semaphore_mem>>)
    %dma_wait3A_784 = arith.constant 3 : i32
    %dma_wait3A_785 = arith.constant 0 : i32
    %dma_wait3A_786 = arith.constant 0 : i32
    %dma_wait3A_787 = tpu.memref_slice %arg6[%dma_wait3A_784, %dma_wait3A_785, %dma_wait3A_786] : memref<5x32x768xf32, #tpu.memory_space<vmem>> -> memref<1x32x768xf32, #tpu.memory_space<vmem>>
    %dma_wait3A_788 = tpu.memref_squeeze %dma_wait3A_787 : memref<1x32x768xf32, #tpu.memory_space<vmem>> -> memref<32x768xf32, #tpu.memory_space<vmem>>
    %dma_wait3A_789 = arith.constant 0 : i32
    %dma_wait3A_790 = tpu.memref_slice %arg4[%select_n3A, %add3A_768, %dma_wait3A_789] : memref<4x8192x768xf32, #tpu.memory_space<hbm>> -> memref<1x32x768xf32, #tpu.memory_space<hbm>>
    %dma_wait3A_791 = tpu.memref_squeeze %dma_wait3A_790 : memref<1x32x768xf32, #tpu.memory_space<hbm>> -> memref<32x768xf32, #tpu.memory_space<hbm>>
    %dma_wait3A_792 = arith.constant 0 : i32
    %dma_wait3A_793 = tpu.memref_slice %arg4[%select_n3A, %add3A_768, %dma_wait3A_792] : memref<4x8192x768xf32, #tpu.memory_space<hbm>> -> memref<1x32x768xf32, #tpu.memory_space<hbm>>
    %dma_wait3A_794 = tpu.memref_squeeze %dma_wait3A_793 : memref<1x32x768xf32, #tpu.memory_space<hbm>> -> memref<32x768xf32, #tpu.memory_space<hbm>>
    %dma_wait3A_795 = arith.constant 0 : i32
    %dma_wait3A_796 = arith.constant 0 : i32
    %dma_wait3A_797 = tpu.memref_slice %arg6[%dma_wait3A_784, %dma_wait3A_795, %dma_wait3A_796] : memref<5x32x768xf32, #tpu.memory_space<vmem>> -> memref<1x32x768xf32, #tpu.memory_space<vmem>>
    %dma_wait3A_798 = tpu.memref_squeeze %dma_wait3A_797 : memref<1x32x768xf32, #tpu.memory_space<vmem>> -> memref<32x768xf32, #tpu.memory_space<vmem>>
    tpu.wait_dma2 semaphore(%arg15 : memref<!tpu.dma_semaphore, #tpu.memory_space<semaphore_mem>>) src(%dma_wait3A_798 : memref<32x768xf32, #tpu.memory_space<vmem>>) dst(%dma_wait3A_794 : memref<32x768xf32, #tpu.memory_space<hbm>>)
    %dma_start3A_799 = arith.constant 3 : i32
    %dma_start3A_800 = arith.constant 0 : i32
    %dma_start3A_801 = arith.constant 0 : i32
    %dma_start3A_802 = tpu.memref_slice %arg6[%dma_start3A_799, %dma_start3A_800, %dma_start3A_801] : memref<5x32x768xf32, #tpu.memory_space<vmem>> -> memref<1x32x768xf32, #tpu.memory_space<vmem>>
    %dma_start3A_803 = tpu.memref_squeeze %dma_start3A_802 : memref<1x32x768xf32, #tpu.memory_space<vmem>> -> memref<32x768xf32, #tpu.memory_space<vmem>>
    %dma_start3A_804 = arith.constant 576 : i32
    %dma_start3A_805 = tpu.memref_slice %arg5[%dma_start3A_804] : memref<1024xi32, #tpu.memory_space<vmem>> -> memref<32xi32, #tpu.memory_space<vmem>>
    %dma_start3A_806 = arith.constant 0 : i32
    %dma_start3A_807 = arith.constant 0 : i32
    %dma_start3A_808 = tpu.memref_slice %arg3[%dma_start3A_806, %dma_start3A_807] : memref<8192x768xf32, #tpu.memory_space<hbm>> -> memref<8192x768xf32, #tpu.memory_space<hbm>>
    tpu.enqueue_indirect_dma source(%dma_start3A_808 : memref<8192x768xf32, #tpu.memory_space<hbm>>) target(%dma_start3A_803 : memref<32x768xf32, #tpu.memory_space<vmem>>) offsets(%dma_start3A_805 : memref<32xi32, #tpu.memory_space<vmem>>) semaphore(%arg10 : memref<!tpu.dma_semaphore, #tpu.memory_space<semaphore_mem>>)
    %dma_wait3A_809 = arith.constant 4 : i32
    %dma_wait3A_810 = arith.constant 0 : i32
    %dma_wait3A_811 = arith.constant 0 : i32
    %dma_wait3A_812 = tpu.memref_slice %arg6[%dma_wait3A_809, %dma_wait3A_810, %dma_wait3A_811] : memref<5x32x768xf32, #tpu.memory_space<vmem>> -> memref<1x32x768xf32, #tpu.memory_space<vmem>>
    %dma_wait3A_813 = tpu.memref_squeeze %dma_wait3A_812 : memref<1x32x768xf32, #tpu.memory_space<vmem>> -> memref<32x768xf32, #tpu.memory_space<vmem>>
    %dma_wait3A_814 = arith.constant 448 : i32
    %dma_wait3A_815 = tpu.memref_slice %arg5[%dma_wait3A_814] : memref<1024xi32, #tpu.memory_space<vmem>> -> memref<32xi32, #tpu.memory_space<vmem>>
    %dma_wait3A_816 = arith.constant 0 : i32
    %dma_wait3A_817 = arith.constant 0 : i32
    %dma_wait3A_818 = tpu.memref_slice %arg3[%dma_wait3A_816, %dma_wait3A_817] : memref<8192x768xf32, #tpu.memory_space<hbm>> -> memref<8192x768xf32, #tpu.memory_space<hbm>>
    tpu.wait_indirect_dma semaphore(%arg11 : memref<!tpu.dma_semaphore, #tpu.memory_space<semaphore_mem>>) src(%dma_wait3A_818 : memref<8192x768xf32, #tpu.memory_space<hbm>>) dst(%dma_wait3A_813 : memref<32x768xf32, #tpu.memory_space<vmem>>)
    %add3A_819 = arith.constant 448 : i32
    %add3A_820 = arith.addi %mul3A_32, %add3A_819 : i32
    %dma_start3A_821 = arith.constant 4 : i32
    %dma_start3A_822 = arith.constant 0 : i32
    %dma_start3A_823 = arith.constant 0 : i32
    %dma_start3A_824 = tpu.memref_slice %arg6[%dma_start3A_821, %dma_start3A_822, %dma_start3A_823] : memref<5x32x768xf32, #tpu.memory_space<vmem>> -> memref<1x32x768xf32, #tpu.memory_space<vmem>>
    %dma_start3A_825 = tpu.memref_squeeze %dma_start3A_824 : memref<1x32x768xf32, #tpu.memory_space<vmem>> -> memref<32x768xf32, #tpu.memory_space<vmem>>
    %dma_start3A_826 = arith.constant 0 : i32
    %dma_start3A_827 = tpu.memref_slice %arg4[%select_n3A, %add3A_820, %dma_start3A_826] : memref<4x8192x768xf32, #tpu.memory_space<hbm>> -> memref<1x32x768xf32, #tpu.memory_space<hbm>>
    %dma_start3A_828 = tpu.memref_squeeze %dma_start3A_827 : memref<1x32x768xf32, #tpu.memory_space<hbm>> -> memref<32x768xf32, #tpu.memory_space<hbm>>
    %dma_start3A_829 = arith.constant 0 : i32
    %dma_start3A_830 = tpu.memref_slice %arg4[%select_n3A, %add3A_820, %dma_start3A_829] : memref<4x8192x768xf32, #tpu.memory_space<hbm>> -> memref<1x32x768xf32, #tpu.memory_space<hbm>>
    %dma_start3A_831 = tpu.memref_squeeze %dma_start3A_830 : memref<1x32x768xf32, #tpu.memory_space<hbm>> -> memref<32x768xf32, #tpu.memory_space<hbm>>
    %dma_start3A_832 = arith.constant 0 : i32
    %dma_start3A_833 = arith.constant 0 : i32
    %dma_start3A_834 = tpu.memref_slice %arg6[%dma_start3A_821, %dma_start3A_832, %dma_start3A_833] : memref<5x32x768xf32, #tpu.memory_space<vmem>> -> memref<1x32x768xf32, #tpu.memory_space<vmem>>
    %dma_start3A_835 = tpu.memref_squeeze %dma_start3A_834 : memref<1x32x768xf32, #tpu.memory_space<vmem>> -> memref<32x768xf32, #tpu.memory_space<vmem>>
    tpu.enqueue_dma source(%dma_start3A_835 : memref<32x768xf32, #tpu.memory_space<vmem>>) target(%dma_start3A_831 : memref<32x768xf32, #tpu.memory_space<hbm>>) target_semaphore(%arg16 : memref<!tpu.dma_semaphore, #tpu.memory_space<semaphore_mem>>)
    %dma_wait3A_836 = arith.constant 4 : i32
    %dma_wait3A_837 = arith.constant 0 : i32
    %dma_wait3A_838 = arith.constant 0 : i32
    %dma_wait3A_839 = tpu.memref_slice %arg6[%dma_wait3A_836, %dma_wait3A_837, %dma_wait3A_838] : memref<5x32x768xf32, #tpu.memory_space<vmem>> -> memref<1x32x768xf32, #tpu.memory_space<vmem>>
    %dma_wait3A_840 = tpu.memref_squeeze %dma_wait3A_839 : memref<1x32x768xf32, #tpu.memory_space<vmem>> -> memref<32x768xf32, #tpu.memory_space<vmem>>
    %dma_wait3A_841 = arith.constant 0 : i32
    %dma_wait3A_842 = tpu.memref_slice %arg4[%select_n3A, %add3A_820, %dma_wait3A_841] : memref<4x8192x768xf32, #tpu.memory_space<hbm>> -> memref<1x32x768xf32, #tpu.memory_space<hbm>>
    %dma_wait3A_843 = tpu.memref_squeeze %dma_wait3A_842 : memref<1x32x768xf32, #tpu.memory_space<hbm>> -> memref<32x768xf32, #tpu.memory_space<hbm>>
    %dma_wait3A_844 = arith.constant 0 : i32
    %dma_wait3A_845 = tpu.memref_slice %arg4[%select_n3A, %add3A_820, %dma_wait3A_844] : memref<4x8192x768xf32, #tpu.memory_space<hbm>> -> memref<1x32x768xf32, #tpu.memory_space<hbm>>
    %dma_wait3A_846 = tpu.memref_squeeze %dma_wait3A_845 : memref<1x32x768xf32, #tpu.memory_space<hbm>> -> memref<32x768xf32, #tpu.memory_space<hbm>>
    %dma_wait3A_847 = arith.constant 0 : i32
    %dma_wait3A_848 = arith.constant 0 : i32
    %dma_wait3A_849 = tpu.memref_slice %arg6[%dma_wait3A_836, %dma_wait3A_847, %dma_wait3A_848] : memref<5x32x768xf32, #tpu.memory_space<vmem>> -> memref<1x32x768xf32, #tpu.memory_space<vmem>>
    %dma_wait3A_850 = tpu.memref_squeeze %dma_wait3A_849 : memref<1x32x768xf32, #tpu.memory_space<vmem>> -> memref<32x768xf32, #tpu.memory_space<vmem>>
    tpu.wait_dma2 semaphore(%arg16 : memref<!tpu.dma_semaphore, #tpu.memory_space<semaphore_mem>>) src(%dma_wait3A_850 : memref<32x768xf32, #tpu.memory_space<vmem>>) dst(%dma_wait3A_846 : memref<32x768xf32, #tpu.memory_space<hbm>>)
    %dma_start3A_851 = arith.constant 4 : i32
    %dma_start3A_852 = arith.constant 0 : i32
    %dma_start3A_853 = arith.constant 0 : i32
    %dma_start3A_854 = tpu.memref_slice %arg6[%dma_start3A_851, %dma_start3A_852, %dma_start3A_853] : memref<5x32x768xf32, #tpu.memory_space<vmem>> -> memref<1x32x768xf32, #tpu.memory_space<vmem>>
    %dma_start3A_855 = tpu.memref_squeeze %dma_start3A_854 : memref<1x32x768xf32, #tpu.memory_space<vmem>> -> memref<32x768xf32, #tpu.memory_space<vmem>>
    %dma_start3A_856 = arith.constant 608 : i32
    %dma_start3A_857 = tpu.memref_slice %arg5[%dma_start3A_856] : memref<1024xi32, #tpu.memory_space<vmem>> -> memref<32xi32, #tpu.memory_space<vmem>>
    %dma_start3A_858 = arith.constant 0 : i32
    %dma_start3A_859 = arith.constant 0 : i32
    %dma_start3A_860 = tpu.memref_slice %arg3[%dma_start3A_858, %dma_start3A_859] : memref<8192x768xf32, #tpu.memory_space<hbm>> -> memref<8192x768xf32, #tpu.memory_space<hbm>>
    tpu.enqueue_indirect_dma source(%dma_start3A_860 : memref<8192x768xf32, #tpu.memory_space<hbm>>) target(%dma_start3A_855 : memref<32x768xf32, #tpu.memory_space<vmem>>) offsets(%dma_start3A_857 : memref<32xi32, #tpu.memory_space<vmem>>) semaphore(%arg11 : memref<!tpu.dma_semaphore, #tpu.memory_space<semaphore_mem>>)
    %dma_wait3A_861 = arith.constant 0 : i32
    %dma_wait3A_862 = arith.constant 0 : i32
    %dma_wait3A_863 = arith.constant 0 : i32
    %dma_wait3A_864 = tpu.memref_slice %arg6[%dma_wait3A_861, %dma_wait3A_862, %dma_wait3A_863] : memref<5x32x768xf32, #tpu.memory_space<vmem>> -> memref<1x32x768xf32, #tpu.memory_space<vmem>>
    %dma_wait3A_865 = tpu.memref_squeeze %dma_wait3A_864 : memref<1x32x768xf32, #tpu.memory_space<vmem>> -> memref<32x768xf32, #tpu.memory_space<vmem>>
    %dma_wait3A_866 = arith.constant 480 : i32
    %dma_wait3A_867 = tpu.memref_slice %arg5[%dma_wait3A_866] : memref<1024xi32, #tpu.memory_space<vmem>> -> memref<32xi32, #tpu.memory_space<vmem>>
    %dma_wait3A_868 = arith.constant 0 : i32
    %dma_wait3A_869 = arith.constant 0 : i32
    %dma_wait3A_870 = tpu.memref_slice %arg3[%dma_wait3A_868, %dma_wait3A_869] : memref<8192x768xf32, #tpu.memory_space<hbm>> -> memref<8192x768xf32, #tpu.memory_space<hbm>>
    tpu.wait_indirect_dma semaphore(%arg7 : memref<!tpu.dma_semaphore, #tpu.memory_space<semaphore_mem>>) src(%dma_wait3A_870 : memref<8192x768xf32, #tpu.memory_space<hbm>>) dst(%dma_wait3A_865 : memref<32x768xf32, #tpu.memory_space<vmem>>)
    %add3A_871 = arith.constant 480 : i32
    %add3A_872 = arith.addi %mul3A_32, %add3A_871 : i32
    %dma_start3A_873 = arith.constant 0 : i32
    %dma_start3A_874 = arith.constant 0 : i32
    %dma_start3A_875 = arith.constant 0 : i32
    %dma_start3A_876 = tpu.memref_slice %arg6[%dma_start3A_873, %dma_start3A_874, %dma_start3A_875] : memref<5x32x768xf32, #tpu.memory_space<vmem>> -> memref<1x32x768xf32, #tpu.memory_space<vmem>>
    %dma_start3A_877 = tpu.memref_squeeze %dma_start3A_876 : memref<1x32x768xf32, #tpu.memory_space<vmem>> -> memref<32x768xf32, #tpu.memory_space<vmem>>
    %dma_start3A_878 = arith.constant 0 : i32
    %dma_start3A_879 = tpu.memref_slice %arg4[%select_n3A, %add3A_872, %dma_start3A_878] : memref<4x8192x768xf32, #tpu.memory_space<hbm>> -> memref<1x32x768xf32, #tpu.memory_space<hbm>>
    %dma_start3A_880 = tpu.memref_squeeze %dma_start3A_879 : memref<1x32x768xf32, #tpu.memory_space<hbm>> -> memref<32x768xf32, #tpu.memory_space<hbm>>
    %dma_start3A_881 = arith.constant 0 : i32
    %dma_start3A_882 = tpu.memref_slice %arg4[%select_n3A, %add3A_872, %dma_start3A_881] : memref<4x8192x768xf32, #tpu.memory_space<hbm>> -> memref<1x32x768xf32, #tpu.memory_space<hbm>>
    %dma_start3A_883 = tpu.memref_squeeze %dma_start3A_882 : memref<1x32x768xf32, #tpu.memory_space<hbm>> -> memref<32x768xf32, #tpu.memory_space<hbm>>
    %dma_start3A_884 = arith.constant 0 : i32
    %dma_start3A_885 = arith.constant 0 : i32
    %dma_start3A_886 = tpu.memref_slice %arg6[%dma_start3A_873, %dma_start3A_884, %dma_start3A_885] : memref<5x32x768xf32, #tpu.memory_space<vmem>> -> memref<1x32x768xf32, #tpu.memory_space<vmem>>
    %dma_start3A_887 = tpu.memref_squeeze %dma_start3A_886 : memref<1x32x768xf32, #tpu.memory_space<vmem>> -> memref<32x768xf32, #tpu.memory_space<vmem>>
    tpu.enqueue_dma source(%dma_start3A_887 : memref<32x768xf32, #tpu.memory_space<vmem>>) target(%dma_start3A_883 : memref<32x768xf32, #tpu.memory_space<hbm>>) target_semaphore(%arg12 : memref<!tpu.dma_semaphore, #tpu.memory_space<semaphore_mem>>)
    %dma_wait3A_888 = arith.constant 0 : i32
    %dma_wait3A_889 = arith.constant 0 : i32
    %dma_wait3A_890 = arith.constant 0 : i32
    %dma_wait3A_891 = tpu.memref_slice %arg6[%dma_wait3A_888, %dma_wait3A_889, %dma_wait3A_890] : memref<5x32x768xf32, #tpu.memory_space<vmem>> -> memref<1x32x768xf32, #tpu.memory_space<vmem>>
    %dma_wait3A_892 = tpu.memref_squeeze %dma_wait3A_891 : memref<1x32x768xf32, #tpu.memory_space<vmem>> -> memref<32x768xf32, #tpu.memory_space<vmem>>
    %dma_wait3A_893 = arith.constant 0 : i32
    %dma_wait3A_894 = tpu.memref_slice %arg4[%select_n3A, %add3A_872, %dma_wait3A_893] : memref<4x8192x768xf32, #tpu.memory_space<hbm>> -> memref<1x32x768xf32, #tpu.memory_space<hbm>>
    %dma_wait3A_895 = tpu.memref_squeeze %dma_wait3A_894 : memref<1x32x768xf32, #tpu.memory_space<hbm>> -> memref<32x768xf32, #tpu.memory_space<hbm>>
    %dma_wait3A_896 = arith.constant 0 : i32
    %dma_wait3A_897 = tpu.memref_slice %arg4[%select_n3A, %add3A_872, %dma_wait3A_896] : memref<4x8192x768xf32, #tpu.memory_space<hbm>> -> memref<1x32x768xf32, #tpu.memory_space<hbm>>
    %dma_wait3A_898 = tpu.memref_squeeze %dma_wait3A_897 : memref<1x32x768xf32, #tpu.memory_space<hbm>> -> memref<32x768xf32, #tpu.memory_space<hbm>>
    %dma_wait3A_899 = arith.constant 0 : i32
    %dma_wait3A_900 = arith.constant 0 : i32
    %dma_wait3A_901 = tpu.memref_slice %arg6[%dma_wait3A_888, %dma_wait3A_899, %dma_wait3A_900] : memref<5x32x768xf32, #tpu.memory_space<vmem>> -> memref<1x32x768xf32, #tpu.memory_space<vmem>>
    %dma_wait3A_902 = tpu.memref_squeeze %dma_wait3A_901 : memref<1x32x768xf32, #tpu.memory_space<vmem>> -> memref<32x768xf32, #tpu.memory_space<vmem>>
    tpu.wait_dma2 semaphore(%arg12 : memref<!tpu.dma_semaphore, #tpu.memory_space<semaphore_mem>>) src(%dma_wait3A_902 : memref<32x768xf32, #tpu.memory_space<vmem>>) dst(%dma_wait3A_898 : memref<32x768xf32, #tpu.memory_space<hbm>>)
    %dma_start3A_903 = arith.constant 0 : i32
    %dma_start3A_904 = arith.constant 0 : i32
    %dma_start3A_905 = arith.constant 0 : i32
    %dma_start3A_906 = tpu.memref_slice %arg6[%dma_start3A_903, %dma_start3A_904, %dma_start3A_905] : memref<5x32x768xf32, #tpu.memory_space<vmem>> -> memref<1x32x768xf32, #tpu.memory_space<vmem>>
    %dma_start3A_907 = tpu.memref_squeeze %dma_start3A_906 : memref<1x32x768xf32, #tpu.memory_space<vmem>> -> memref<32x768xf32, #tpu.memory_space<vmem>>
    %dma_start3A_908 = arith.constant 640 : i32
    %dma_start3A_909 = tpu.memref_slice %arg5[%dma_start3A_908] : memref<1024xi32, #tpu.memory_space<vmem>> -> memref<32xi32, #tpu.memory_space<vmem>>
    %dma_start3A_910 = arith.constant 0 : i32
    %dma_start3A_911 = arith.constant 0 : i32
    %dma_start3A_912 = tpu.memref_slice %arg3[%dma_start3A_910, %dma_start3A_911] : memref<8192x768xf32, #tpu.memory_space<hbm>> -> memref<8192x768xf32, #tpu.memory_space<hbm>>
    tpu.enqueue_indirect_dma source(%dma_start3A_912 : memref<8192x768xf32, #tpu.memory_space<hbm>>) target(%dma_start3A_907 : memref<32x768xf32, #tpu.memory_space<vmem>>) offsets(%dma_start3A_909 : memref<32xi32, #tpu.memory_space<vmem>>) semaphore(%arg7 : memref<!tpu.dma_semaphore, #tpu.memory_space<semaphore_mem>>)
    %dma_wait3A_913 = arith.constant 1 : i32
    %dma_wait3A_914 = arith.constant 0 : i32
    %dma_wait3A_915 = arith.constant 0 : i32
    %dma_wait3A_916 = tpu.memref_slice %arg6[%dma_wait3A_913, %dma_wait3A_914, %dma_wait3A_915] : memref<5x32x768xf32, #tpu.memory_space<vmem>> -> memref<1x32x768xf32, #tpu.memory_space<vmem>>
    %dma_wait3A_917 = tpu.memref_squeeze %dma_wait3A_916 : memref<1x32x768xf32, #tpu.memory_space<vmem>> -> memref<32x768xf32, #tpu.memory_space<vmem>>
    %dma_wait3A_918 = arith.constant 512 : i32
    %dma_wait3A_919 = tpu.memref_slice %arg5[%dma_wait3A_918] : memref<1024xi32, #tpu.memory_space<vmem>> -> memref<32xi32, #tpu.memory_space<vmem>>
    %dma_wait3A_920 = arith.constant 0 : i32
    %dma_wait3A_921 = arith.constant 0 : i32
    %dma_wait3A_922 = tpu.memref_slice %arg3[%dma_wait3A_920, %dma_wait3A_921] : memref<8192x768xf32, #tpu.memory_space<hbm>> -> memref<8192x768xf32, #tpu.memory_space<hbm>>
    tpu.wait_indirect_dma semaphore(%arg8 : memref<!tpu.dma_semaphore, #tpu.memory_space<semaphore_mem>>) src(%dma_wait3A_922 : memref<8192x768xf32, #tpu.memory_space<hbm>>) dst(%dma_wait3A_917 : memref<32x768xf32, #tpu.memory_space<vmem>>)
    %add3A_923 = arith.constant 512 : i32
    %add3A_924 = arith.addi %mul3A_32, %add3A_923 : i32
    %dma_start3A_925 = arith.constant 1 : i32
    %dma_start3A_926 = arith.constant 0 : i32
    %dma_start3A_927 = arith.constant 0 : i32
    %dma_start3A_928 = tpu.memref_slice %arg6[%dma_start3A_925, %dma_start3A_926, %dma_start3A_927] : memref<5x32x768xf32, #tpu.memory_space<vmem>> -> memref<1x32x768xf32, #tpu.memory_space<vmem>>
    %dma_start3A_929 = tpu.memref_squeeze %dma_start3A_928 : memref<1x32x768xf32, #tpu.memory_space<vmem>> -> memref<32x768xf32, #tpu.memory_space<vmem>>
    %dma_start3A_930 = arith.constant 0 : i32
    %dma_start3A_931 = tpu.memref_slice %arg4[%select_n3A, %add3A_924, %dma_start3A_930] : memref<4x8192x768xf32, #tpu.memory_space<hbm>> -> memref<1x32x768xf32, #tpu.memory_space<hbm>>
    %dma_start3A_932 = tpu.memref_squeeze %dma_start3A_931 : memref<1x32x768xf32, #tpu.memory_space<hbm>> -> memref<32x768xf32, #tpu.memory_space<hbm>>
    %dma_start3A_933 = arith.constant 0 : i32
    %dma_start3A_934 = tpu.memref_slice %arg4[%select_n3A, %add3A_924, %dma_start3A_933] : memref<4x8192x768xf32, #tpu.memory_space<hbm>> -> memref<1x32x768xf32, #tpu.memory_space<hbm>>
    %dma_start3A_935 = tpu.memref_squeeze %dma_start3A_934 : memref<1x32x768xf32, #tpu.memory_space<hbm>> -> memref<32x768xf32, #tpu.memory_space<hbm>>
    %dma_start3A_936 = arith.constant 0 : i32
    %dma_start3A_937 = arith.constant 0 : i32
    %dma_start3A_938 = tpu.memref_slice %arg6[%dma_start3A_925, %dma_start3A_936, %dma_start3A_937] : memref<5x32x768xf32, #tpu.memory_space<vmem>> -> memref<1x32x768xf32, #tpu.memory_space<vmem>>
    %dma_start3A_939 = tpu.memref_squeeze %dma_start3A_938 : memref<1x32x768xf32, #tpu.memory_space<vmem>> -> memref<32x768xf32, #tpu.memory_space<vmem>>
    tpu.enqueue_dma source(%dma_start3A_939 : memref<32x768xf32, #tpu.memory_space<vmem>>) target(%dma_start3A_935 : memref<32x768xf32, #tpu.memory_space<hbm>>) target_semaphore(%arg13 : memref<!tpu.dma_semaphore, #tpu.memory_space<semaphore_mem>>)
    %dma_wait3A_940 = arith.constant 1 : i32
    %dma_wait3A_941 = arith.constant 0 : i32
    %dma_wait3A_942 = arith.constant 0 : i32
    %dma_wait3A_943 = tpu.memref_slice %arg6[%dma_wait3A_940, %dma_wait3A_941, %dma_wait3A_942] : memref<5x32x768xf32, #tpu.memory_space<vmem>> -> memref<1x32x768xf32, #tpu.memory_space<vmem>>
    %dma_wait3A_944 = tpu.memref_squeeze %dma_wait3A_943 : memref<1x32x768xf32, #tpu.memory_space<vmem>> -> memref<32x768xf32, #tpu.memory_space<vmem>>
    %dma_wait3A_945 = arith.constant 0 : i32
    %dma_wait3A_946 = tpu.memref_slice %arg4[%select_n3A, %add3A_924, %dma_wait3A_945] : memref<4x8192x768xf32, #tpu.memory_space<hbm>> -> memref<1x32x768xf32, #tpu.memory_space<hbm>>
    %dma_wait3A_947 = tpu.memref_squeeze %dma_wait3A_946 : memref<1x32x768xf32, #tpu.memory_space<hbm>> -> memref<32x768xf32, #tpu.memory_space<hbm>>
    %dma_wait3A_948 = arith.constant 0 : i32
    %dma_wait3A_949 = tpu.memref_slice %arg4[%select_n3A, %add3A_924, %dma_wait3A_948] : memref<4x8192x768xf32, #tpu.memory_space<hbm>> -> memref<1x32x768xf32, #tpu.memory_space<hbm>>
    %dma_wait3A_950 = tpu.memref_squeeze %dma_wait3A_949 : memref<1x32x768xf32, #tpu.memory_space<hbm>> -> memref<32x768xf32, #tpu.memory_space<hbm>>
    %dma_wait3A_951 = arith.constant 0 : i32
    %dma_wait3A_952 = arith.constant 0 : i32
    %dma_wait3A_953 = tpu.memref_slice %arg6[%dma_wait3A_940, %dma_wait3A_951, %dma_wait3A_952] : memref<5x32x768xf32, #tpu.memory_space<vmem>> -> memref<1x32x768xf32, #tpu.memory_space<vmem>>
    %dma_wait3A_954 = tpu.memref_squeeze %dma_wait3A_953 : memref<1x32x768xf32, #tpu.memory_space<vmem>> -> memref<32x768xf32, #tpu.memory_space<vmem>>
    tpu.wait_dma2 semaphore(%arg13 : memref<!tpu.dma_semaphore, #tpu.memory_space<semaphore_mem>>) src(%dma_wait3A_954 : memref<32x768xf32, #tpu.memory_space<vmem>>) dst(%dma_wait3A_950 : memref<32x768xf32, #tpu.memory_space<hbm>>)
    %dma_start3A_955 = arith.constant 1 : i32
    %dma_start3A_956 = arith.constant 0 : i32
    %dma_start3A_957 = arith.constant 0 : i32
    %dma_start3A_958 = tpu.memref_slice %arg6[%dma_start3A_955, %dma_start3A_956, %dma_start3A_957] : memref<5x32x768xf32, #tpu.memory_space<vmem>> -> memref<1x32x768xf32, #tpu.memory_space<vmem>>
    %dma_start3A_959 = tpu.memref_squeeze %dma_start3A_958 : memref<1x32x768xf32, #tpu.memory_space<vmem>> -> memref<32x768xf32, #tpu.memory_space<vmem>>
    %dma_start3A_960 = arith.constant 672 : i32
    %dma_start3A_961 = tpu.memref_slice %arg5[%dma_start3A_960] : memref<1024xi32, #tpu.memory_space<vmem>> -> memref<32xi32, #tpu.memory_space<vmem>>
    %dma_start3A_962 = arith.constant 0 : i32
    %dma_start3A_963 = arith.constant 0 : i32
    %dma_start3A_964 = tpu.memref_slice %arg3[%dma_start3A_962, %dma_start3A_963] : memref<8192x768xf32, #tpu.memory_space<hbm>> -> memref<8192x768xf32, #tpu.memory_space<hbm>>
    tpu.enqueue_indirect_dma source(%dma_start3A_964 : memref<8192x768xf32, #tpu.memory_space<hbm>>) target(%dma_start3A_959 : memref<32x768xf32, #tpu.memory_space<vmem>>) offsets(%dma_start3A_961 : memref<32xi32, #tpu.memory_space<vmem>>) semaphore(%arg8 : memref<!tpu.dma_semaphore, #tpu.memory_space<semaphore_mem>>)
    %dma_wait3A_965 = arith.constant 2 : i32
    %dma_wait3A_966 = arith.constant 0 : i32
    %dma_wait3A_967 = arith.constant 0 : i32
    %dma_wait3A_968 = tpu.memref_slice %arg6[%dma_wait3A_965, %dma_wait3A_966, %dma_wait3A_967] : memref<5x32x768xf32, #tpu.memory_space<vmem>> -> memref<1x32x768xf32, #tpu.memory_space<vmem>>
    %dma_wait3A_969 = tpu.memref_squeeze %dma_wait3A_968 : memref<1x32x768xf32, #tpu.memory_space<vmem>> -> memref<32x768xf32, #tpu.memory_space<vmem>>
    %dma_wait3A_970 = arith.constant 544 : i32
    %dma_wait3A_971 = tpu.memref_slice %arg5[%dma_wait3A_970] : memref<1024xi32, #tpu.memory_space<vmem>> -> memref<32xi32, #tpu.memory_space<vmem>>
    %dma_wait3A_972 = arith.constant 0 : i32
    %dma_wait3A_973 = arith.constant 0 : i32
    %dma_wait3A_974 = tpu.memref_slice %arg3[%dma_wait3A_972, %dma_wait3A_973] : memref<8192x768xf32, #tpu.memory_space<hbm>> -> memref<8192x768xf32, #tpu.memory_space<hbm>>
    tpu.wait_indirect_dma semaphore(%arg9 : memref<!tpu.dma_semaphore, #tpu.memory_space<semaphore_mem>>) src(%dma_wait3A_974 : memref<8192x768xf32, #tpu.memory_space<hbm>>) dst(%dma_wait3A_969 : memref<32x768xf32, #tpu.memory_space<vmem>>)
    %add3A_975 = arith.constant 544 : i32
    %add3A_976 = arith.addi %mul3A_32, %add3A_975 : i32
    %dma_start3A_977 = arith.constant 2 : i32
    %dma_start3A_978 = arith.constant 0 : i32
    %dma_start3A_979 = arith.constant 0 : i32
    %dma_start3A_980 = tpu.memref_slice %arg6[%dma_start3A_977, %dma_start3A_978, %dma_start3A_979] : memref<5x32x768xf32, #tpu.memory_space<vmem>> -> memref<1x32x768xf32, #tpu.memory_space<vmem>>
    %dma_start3A_981 = tpu.memref_squeeze %dma_start3A_980 : memref<1x32x768xf32, #tpu.memory_space<vmem>> -> memref<32x768xf32, #tpu.memory_space<vmem>>
    %dma_start3A_982 = arith.constant 0 : i32
    %dma_start3A_983 = tpu.memref_slice %arg4[%select_n3A, %add3A_976, %dma_start3A_982] : memref<4x8192x768xf32, #tpu.memory_space<hbm>> -> memref<1x32x768xf32, #tpu.memory_space<hbm>>
    %dma_start3A_984 = tpu.memref_squeeze %dma_start3A_983 : memref<1x32x768xf32, #tpu.memory_space<hbm>> -> memref<32x768xf32, #tpu.memory_space<hbm>>
    %dma_start3A_985 = arith.constant 0 : i32
    %dma_start3A_986 = tpu.memref_slice %arg4[%select_n3A, %add3A_976, %dma_start3A_985] : memref<4x8192x768xf32, #tpu.memory_space<hbm>> -> memref<1x32x768xf32, #tpu.memory_space<hbm>>
    %dma_start3A_987 = tpu.memref_squeeze %dma_start3A_986 : memref<1x32x768xf32, #tpu.memory_space<hbm>> -> memref<32x768xf32, #tpu.memory_space<hbm>>
    %dma_start3A_988 = arith.constant 0 : i32
    %dma_start3A_989 = arith.constant 0 : i32
    %dma_start3A_990 = tpu.memref_slice %arg6[%dma_start3A_977, %dma_start3A_988, %dma_start3A_989] : memref<5x32x768xf32, #tpu.memory_space<vmem>> -> memref<1x32x768xf32, #tpu.memory_space<vmem>>
    %dma_start3A_991 = tpu.memref_squeeze %dma_start3A_990 : memref<1x32x768xf32, #tpu.memory_space<vmem>> -> memref<32x768xf32, #tpu.memory_space<vmem>>
    tpu.enqueue_dma source(%dma_start3A_991 : memref<32x768xf32, #tpu.memory_space<vmem>>) target(%dma_start3A_987 : memref<32x768xf32, #tpu.memory_space<hbm>>) target_semaphore(%arg14 : memref<!tpu.dma_semaphore, #tpu.memory_space<semaphore_mem>>)
    %dma_wait3A_992 = arith.constant 2 : i32
    %dma_wait3A_993 = arith.constant 0 : i32
    %dma_wait3A_994 = arith.constant 0 : i32
    %dma_wait3A_995 = tpu.memref_slice %arg6[%dma_wait3A_992, %dma_wait3A_993, %dma_wait3A_994] : memref<5x32x768xf32, #tpu.memory_space<vmem>> -> memref<1x32x768xf32, #tpu.memory_space<vmem>>
    %dma_wait3A_996 = tpu.memref_squeeze %dma_wait3A_995 : memref<1x32x768xf32, #tpu.memory_space<vmem>> -> memref<32x768xf32, #tpu.memory_space<vmem>>
    %dma_wait3A_997 = arith.constant 0 : i32
    %dma_wait3A_998 = tpu.memref_slice %arg4[%select_n3A, %add3A_976, %dma_wait3A_997] : memref<4x8192x768xf32, #tpu.memory_space<hbm>> -> memref<1x32x768xf32, #tpu.memory_space<hbm>>
    %dma_wait3A_999 = tpu.memref_squeeze %dma_wait3A_998 : memref<1x32x768xf32, #tpu.memory_space<hbm>> -> memref<32x768xf32, #tpu.memory_space<hbm>>
    %dma_wait3A_1000 = arith.constant 0 : i32
    %dma_wait3A_1001 = tpu.memref_slice %arg4[%select_n3A, %add3A_976, %dma_wait3A_1000] : memref<4x8192x768xf32, #tpu.memory_space<hbm>> -> memref<1x32x768xf32, #tpu.memory_space<hbm>>
    %dma_wait3A_1002 = tpu.memref_squeeze %dma_wait3A_1001 : memref<1x32x768xf32, #tpu.memory_space<hbm>> -> memref<32x768xf32, #tpu.memory_space<hbm>>
    %dma_wait3A_1003 = arith.constant 0 : i32
    %dma_wait3A_1004 = arith.constant 0 : i32
    %dma_wait3A_1005 = tpu.memref_slice %arg6[%dma_wait3A_992, %dma_wait3A_1003, %dma_wait3A_1004] : memref<5x32x768xf32, #tpu.memory_space<vmem>> -> memref<1x32x768xf32, #tpu.memory_space<vmem>>
    %dma_wait3A_1006 = tpu.memref_squeeze %dma_wait3A_1005 : memref<1x32x768xf32, #tpu.memory_space<vmem>> -> memref<32x768xf32, #tpu.memory_space<vmem>>
    tpu.wait_dma2 semaphore(%arg14 : memref<!tpu.dma_semaphore, #tpu.memory_space<semaphore_mem>>) src(%dma_wait3A_1006 : memref<32x768xf32, #tpu.memory_space<vmem>>) dst(%dma_wait3A_1002 : memref<32x768xf32, #tpu.memory_space<hbm>>)
    %dma_start3A_1007 = arith.constant 2 : i32
    %dma_start3A_1008 = arith.constant 0 : i32
    %dma_start3A_1009 = arith.constant 0 : i32
    %dma_start3A_1010 = tpu.memref_slice %arg6[%dma_start3A_1007, %dma_start3A_1008, %dma_start3A_1009] : memref<5x32x768xf32, #tpu.memory_space<vmem>> -> memref<1x32x768xf32, #tpu.memory_space<vmem>>
    %dma_start3A_1011 = tpu.memref_squeeze %dma_start3A_1010 : memref<1x32x768xf32, #tpu.memory_space<vmem>> -> memref<32x768xf32, #tpu.memory_space<vmem>>
    %dma_start3A_1012 = arith.constant 704 : i32
    %dma_start3A_1013 = tpu.memref_slice %arg5[%dma_start3A_1012] : memref<1024xi32, #tpu.memory_space<vmem>> -> memref<32xi32, #tpu.memory_space<vmem>>
    %dma_start3A_1014 = arith.constant 0 : i32
    %dma_start3A_1015 = arith.constant 0 : i32
    %dma_start3A_1016 = tpu.memref_slice %arg3[%dma_start3A_1014, %dma_start3A_1015] : memref<8192x768xf32, #tpu.memory_space<hbm>> -> memref<8192x768xf32, #tpu.memory_space<hbm>>
    tpu.enqueue_indirect_dma source(%dma_start3A_1016 : memref<8192x768xf32, #tpu.memory_space<hbm>>) target(%dma_start3A_1011 : memref<32x768xf32, #tpu.memory_space<vmem>>) offsets(%dma_start3A_1013 : memref<32xi32, #tpu.memory_space<vmem>>) semaphore(%arg9 : memref<!tpu.dma_semaphore, #tpu.memory_space<semaphore_mem>>)
    %dma_wait3A_1017 = arith.constant 3 : i32
    %dma_wait3A_1018 = arith.constant 0 : i32
    %dma_wait3A_1019 = arith.constant 0 : i32
    %dma_wait3A_1020 = tpu.memref_slice %arg6[%dma_wait3A_1017, %dma_wait3A_1018, %dma_wait3A_1019] : memref<5x32x768xf32, #tpu.memory_space<vmem>> -> memref<1x32x768xf32, #tpu.memory_space<vmem>>
    %dma_wait3A_1021 = tpu.memref_squeeze %dma_wait3A_1020 : memref<1x32x768xf32, #tpu.memory_space<vmem>> -> memref<32x768xf32, #tpu.memory_space<vmem>>
    %dma_wait3A_1022 = arith.constant 576 : i32
    %dma_wait3A_1023 = tpu.memref_slice %arg5[%dma_wait3A_1022] : memref<1024xi32, #tpu.memory_space<vmem>> -> memref<32xi32, #tpu.memory_space<vmem>>
    %dma_wait3A_1024 = arith.constant 0 : i32
    %dma_wait3A_1025 = arith.constant 0 : i32
    %dma_wait3A_1026 = tpu.memref_slice %arg3[%dma_wait3A_1024, %dma_wait3A_1025] : memref<8192x768xf32, #tpu.memory_space<hbm>> -> memref<8192x768xf32, #tpu.memory_space<hbm>>
    tpu.wait_indirect_dma semaphore(%arg10 : memref<!tpu.dma_semaphore, #tpu.memory_space<semaphore_mem>>) src(%dma_wait3A_1026 : memref<8192x768xf32, #tpu.memory_space<hbm>>) dst(%dma_wait3A_1021 : memref<32x768xf32, #tpu.memory_space<vmem>>)
    %add3A_1027 = arith.constant 576 : i32
    %add3A_1028 = arith.addi %mul3A_32, %add3A_1027 : i32
    %dma_start3A_1029 = arith.constant 3 : i32
    %dma_start3A_1030 = arith.constant 0 : i32
    %dma_start3A_1031 = arith.constant 0 : i32
    %dma_start3A_1032 = tpu.memref_slice %arg6[%dma_start3A_1029, %dma_start3A_1030, %dma_start3A_1031] : memref<5x32x768xf32, #tpu.memory_space<vmem>> -> memref<1x32x768xf32, #tpu.memory_space<vmem>>
    %dma_start3A_1033 = tpu.memref_squeeze %dma_start3A_1032 : memref<1x32x768xf32, #tpu.memory_space<vmem>> -> memref<32x768xf32, #tpu.memory_space<vmem>>
    %dma_start3A_1034 = arith.constant 0 : i32
    %dma_start3A_1035 = tpu.memref_slice %arg4[%select_n3A, %add3A_1028, %dma_start3A_1034] : memref<4x8192x768xf32, #tpu.memory_space<hbm>> -> memref<1x32x768xf32, #tpu.memory_space<hbm>>
    %dma_start3A_1036 = tpu.memref_squeeze %dma_start3A_1035 : memref<1x32x768xf32, #tpu.memory_space<hbm>> -> memref<32x768xf32, #tpu.memory_space<hbm>>
    %dma_start3A_1037 = arith.constant 0 : i32
    %dma_start3A_1038 = tpu.memref_slice %arg4[%select_n3A, %add3A_1028, %dma_start3A_1037] : memref<4x8192x768xf32, #tpu.memory_space<hbm>> -> memref<1x32x768xf32, #tpu.memory_space<hbm>>
    %dma_start3A_1039 = tpu.memref_squeeze %dma_start3A_1038 : memref<1x32x768xf32, #tpu.memory_space<hbm>> -> memref<32x768xf32, #tpu.memory_space<hbm>>
    %dma_start3A_1040 = arith.constant 0 : i32
    %dma_start3A_1041 = arith.constant 0 : i32
    %dma_start3A_1042 = tpu.memref_slice %arg6[%dma_start3A_1029, %dma_start3A_1040, %dma_start3A_1041] : memref<5x32x768xf32, #tpu.memory_space<vmem>> -> memref<1x32x768xf32, #tpu.memory_space<vmem>>
    %dma_start3A_1043 = tpu.memref_squeeze %dma_start3A_1042 : memref<1x32x768xf32, #tpu.memory_space<vmem>> -> memref<32x768xf32, #tpu.memory_space<vmem>>
    tpu.enqueue_dma source(%dma_start3A_1043 : memref<32x768xf32, #tpu.memory_space<vmem>>) target(%dma_start3A_1039 : memref<32x768xf32, #tpu.memory_space<hbm>>) target_semaphore(%arg15 : memref<!tpu.dma_semaphore, #tpu.memory_space<semaphore_mem>>)
    %dma_wait3A_1044 = arith.constant 3 : i32
    %dma_wait3A_1045 = arith.constant 0 : i32
    %dma_wait3A_1046 = arith.constant 0 : i32
    %dma_wait3A_1047 = tpu.memref_slice %arg6[%dma_wait3A_1044, %dma_wait3A_1045, %dma_wait3A_1046] : memref<5x32x768xf32, #tpu.memory_space<vmem>> -> memref<1x32x768xf32, #tpu.memory_space<vmem>>
    %dma_wait3A_1048 = tpu.memref_squeeze %dma_wait3A_1047 : memref<1x32x768xf32, #tpu.memory_space<vmem>> -> memref<32x768xf32, #tpu.memory_space<vmem>>
    %dma_wait3A_1049 = arith.constant 0 : i32
    %dma_wait3A_1050 = tpu.memref_slice %arg4[%select_n3A, %add3A_1028, %dma_wait3A_1049] : memref<4x8192x768xf32, #tpu.memory_space<hbm>> -> memref<1x32x768xf32, #tpu.memory_space<hbm>>
    %dma_wait3A_1051 = tpu.memref_squeeze %dma_wait3A_1050 : memref<1x32x768xf32, #tpu.memory_space<hbm>> -> memref<32x768xf32, #tpu.memory_space<hbm>>
    %dma_wait3A_1052 = arith.constant 0 : i32
    %dma_wait3A_1053 = tpu.memref_slice %arg4[%select_n3A, %add3A_1028, %dma_wait3A_1052] : memref<4x8192x768xf32, #tpu.memory_space<hbm>> -> memref<1x32x768xf32, #tpu.memory_space<hbm>>
    %dma_wait3A_1054 = tpu.memref_squeeze %dma_wait3A_1053 : memref<1x32x768xf32, #tpu.memory_space<hbm>> -> memref<32x768xf32, #tpu.memory_space<hbm>>
    %dma_wait3A_1055 = arith.constant 0 : i32
    %dma_wait3A_1056 = arith.constant 0 : i32
    %dma_wait3A_1057 = tpu.memref_slice %arg6[%dma_wait3A_1044, %dma_wait3A_1055, %dma_wait3A_1056] : memref<5x32x768xf32, #tpu.memory_space<vmem>> -> memref<1x32x768xf32, #tpu.memory_space<vmem>>
    %dma_wait3A_1058 = tpu.memref_squeeze %dma_wait3A_1057 : memref<1x32x768xf32, #tpu.memory_space<vmem>> -> memref<32x768xf32, #tpu.memory_space<vmem>>
    tpu.wait_dma2 semaphore(%arg15 : memref<!tpu.dma_semaphore, #tpu.memory_space<semaphore_mem>>) src(%dma_wait3A_1058 : memref<32x768xf32, #tpu.memory_space<vmem>>) dst(%dma_wait3A_1054 : memref<32x768xf32, #tpu.memory_space<hbm>>)
    %dma_start3A_1059 = arith.constant 3 : i32
    %dma_start3A_1060 = arith.constant 0 : i32
    %dma_start3A_1061 = arith.constant 0 : i32
    %dma_start3A_1062 = tpu.memref_slice %arg6[%dma_start3A_1059, %dma_start3A_1060, %dma_start3A_1061] : memref<5x32x768xf32, #tpu.memory_space<vmem>> -> memref<1x32x768xf32, #tpu.memory_space<vmem>>
    %dma_start3A_1063 = tpu.memref_squeeze %dma_start3A_1062 : memref<1x32x768xf32, #tpu.memory_space<vmem>> -> memref<32x768xf32, #tpu.memory_space<vmem>>
    %dma_start3A_1064 = arith.constant 736 : i32
    %dma_start3A_1065 = tpu.memref_slice %arg5[%dma_start3A_1064] : memref<1024xi32, #tpu.memory_space<vmem>> -> memref<32xi32, #tpu.memory_space<vmem>>
    %dma_start3A_1066 = arith.constant 0 : i32
    %dma_start3A_1067 = arith.constant 0 : i32
    %dma_start3A_1068 = tpu.memref_slice %arg3[%dma_start3A_1066, %dma_start3A_1067] : memref<8192x768xf32, #tpu.memory_space<hbm>> -> memref<8192x768xf32, #tpu.memory_space<hbm>>
    tpu.enqueue_indirect_dma source(%dma_start3A_1068 : memref<8192x768xf32, #tpu.memory_space<hbm>>) target(%dma_start3A_1063 : memref<32x768xf32, #tpu.memory_space<vmem>>) offsets(%dma_start3A_1065 : memref<32xi32, #tpu.memory_space<vmem>>) semaphore(%arg10 : memref<!tpu.dma_semaphore, #tpu.memory_space<semaphore_mem>>)
    %dma_wait3A_1069 = arith.constant 4 : i32
    %dma_wait3A_1070 = arith.constant 0 : i32
    %dma_wait3A_1071 = arith.constant 0 : i32
    %dma_wait3A_1072 = tpu.memref_slice %arg6[%dma_wait3A_1069, %dma_wait3A_1070, %dma_wait3A_1071] : memref<5x32x768xf32, #tpu.memory_space<vmem>> -> memref<1x32x768xf32, #tpu.memory_space<vmem>>
    %dma_wait3A_1073 = tpu.memref_squeeze %dma_wait3A_1072 : memref<1x32x768xf32, #tpu.memory_space<vmem>> -> memref<32x768xf32, #tpu.memory_space<vmem>>
    %dma_wait3A_1074 = arith.constant 608 : i32
    %dma_wait3A_1075 = tpu.memref_slice %arg5[%dma_wait3A_1074] : memref<1024xi32, #tpu.memory_space<vmem>> -> memref<32xi32, #tpu.memory_space<vmem>>
    %dma_wait3A_1076 = arith.constant 0 : i32
    %dma_wait3A_1077 = arith.constant 0 : i32
    %dma_wait3A_1078 = tpu.memref_slice %arg3[%dma_wait3A_1076, %dma_wait3A_1077] : memref<8192x768xf32, #tpu.memory_space<hbm>> -> memref<8192x768xf32, #tpu.memory_space<hbm>>
    tpu.wait_indirect_dma semaphore(%arg11 : memref<!tpu.dma_semaphore, #tpu.memory_space<semaphore_mem>>) src(%dma_wait3A_1078 : memref<8192x768xf32, #tpu.memory_space<hbm>>) dst(%dma_wait3A_1073 : memref<32x768xf32, #tpu.memory_space<vmem>>)
    %add3A_1079 = arith.constant 608 : i32
    %add3A_1080 = arith.addi %mul3A_32, %add3A_1079 : i32
    %dma_start3A_1081 = arith.constant 4 : i32
    %dma_start3A_1082 = arith.constant 0 : i32
    %dma_start3A_1083 = arith.constant 0 : i32
    %dma_start3A_1084 = tpu.memref_slice %arg6[%dma_start3A_1081, %dma_start3A_1082, %dma_start3A_1083] : memref<5x32x768xf32, #tpu.memory_space<vmem>> -> memref<1x32x768xf32, #tpu.memory_space<vmem>>
    %dma_start3A_1085 = tpu.memref_squeeze %dma_start3A_1084 : memref<1x32x768xf32, #tpu.memory_space<vmem>> -> memref<32x768xf32, #tpu.memory_space<vmem>>
    %dma_start3A_1086 = arith.constant 0 : i32
    %dma_start3A_1087 = tpu.memref_slice %arg4[%select_n3A, %add3A_1080, %dma_start3A_1086] : memref<4x8192x768xf32, #tpu.memory_space<hbm>> -> memref<1x32x768xf32, #tpu.memory_space<hbm>>
    %dma_start3A_1088 = tpu.memref_squeeze %dma_start3A_1087 : memref<1x32x768xf32, #tpu.memory_space<hbm>> -> memref<32x768xf32, #tpu.memory_space<hbm>>
    %dma_start3A_1089 = arith.constant 0 : i32
    %dma_start3A_1090 = tpu.memref_slice %arg4[%select_n3A, %add3A_1080, %dma_start3A_1089] : memref<4x8192x768xf32, #tpu.memory_space<hbm>> -> memref<1x32x768xf32, #tpu.memory_space<hbm>>
    %dma_start3A_1091 = tpu.memref_squeeze %dma_start3A_1090 : memref<1x32x768xf32, #tpu.memory_space<hbm>> -> memref<32x768xf32, #tpu.memory_space<hbm>>
    %dma_start3A_1092 = arith.constant 0 : i32
    %dma_start3A_1093 = arith.constant 0 : i32
    %dma_start3A_1094 = tpu.memref_slice %arg6[%dma_start3A_1081, %dma_start3A_1092, %dma_start3A_1093] : memref<5x32x768xf32, #tpu.memory_space<vmem>> -> memref<1x32x768xf32, #tpu.memory_space<vmem>>
    %dma_start3A_1095 = tpu.memref_squeeze %dma_start3A_1094 : memref<1x32x768xf32, #tpu.memory_space<vmem>> -> memref<32x768xf32, #tpu.memory_space<vmem>>
    tpu.enqueue_dma source(%dma_start3A_1095 : memref<32x768xf32, #tpu.memory_space<vmem>>) target(%dma_start3A_1091 : memref<32x768xf32, #tpu.memory_space<hbm>>) target_semaphore(%arg16 : memref<!tpu.dma_semaphore, #tpu.memory_space<semaphore_mem>>)
    %dma_wait3A_1096 = arith.constant 4 : i32
    %dma_wait3A_1097 = arith.constant 0 : i32
    %dma_wait3A_1098 = arith.constant 0 : i32
    %dma_wait3A_1099 = tpu.memref_slice %arg6[%dma_wait3A_1096, %dma_wait3A_1097, %dma_wait3A_1098] : memref<5x32x768xf32, #tpu.memory_space<vmem>> -> memref<1x32x768xf32, #tpu.memory_space<vmem>>
    %dma_wait3A_1100 = tpu.memref_squeeze %dma_wait3A_1099 : memref<1x32x768xf32, #tpu.memory_space<vmem>> -> memref<32x768xf32, #tpu.memory_space<vmem>>
    %dma_wait3A_1101 = arith.constant 0 : i32
    %dma_wait3A_1102 = tpu.memref_slice %arg4[%select_n3A, %add3A_1080, %dma_wait3A_1101] : memref<4x8192x768xf32, #tpu.memory_space<hbm>> -> memref<1x32x768xf32, #tpu.memory_space<hbm>>
    %dma_wait3A_1103 = tpu.memref_squeeze %dma_wait3A_1102 : memref<1x32x768xf32, #tpu.memory_space<hbm>> -> memref<32x768xf32, #tpu.memory_space<hbm>>
    %dma_wait3A_1104 = arith.constant 0 : i32
    %dma_wait3A_1105 = tpu.memref_slice %arg4[%select_n3A, %add3A_1080, %dma_wait3A_1104] : memref<4x8192x768xf32, #tpu.memory_space<hbm>> -> memref<1x32x768xf32, #tpu.memory_space<hbm>>
    %dma_wait3A_1106 = tpu.memref_squeeze %dma_wait3A_1105 : memref<1x32x768xf32, #tpu.memory_space<hbm>> -> memref<32x768xf32, #tpu.memory_space<hbm>>
    %dma_wait3A_1107 = arith.constant 0 : i32
    %dma_wait3A_1108 = arith.constant 0 : i32
    %dma_wait3A_1109 = tpu.memref_slice %arg6[%dma_wait3A_1096, %dma_wait3A_1107, %dma_wait3A_1108] : memref<5x32x768xf32, #tpu.memory_space<vmem>> -> memref<1x32x768xf32, #tpu.memory_space<vmem>>
    %dma_wait3A_1110 = tpu.memref_squeeze %dma_wait3A_1109 : memref<1x32x768xf32, #tpu.memory_space<vmem>> -> memref<32x768xf32, #tpu.memory_space<vmem>>
    tpu.wait_dma2 semaphore(%arg16 : memref<!tpu.dma_semaphore, #tpu.memory_space<semaphore_mem>>) src(%dma_wait3A_1110 : memref<32x768xf32, #tpu.memory_space<vmem>>) dst(%dma_wait3A_1106 : memref<32x768xf32, #tpu.memory_space<hbm>>)
    %dma_start3A_1111 = arith.constant 4 : i32
    %dma_start3A_1112 = arith.constant 0 : i32
    %dma_start3A_1113 = arith.constant 0 : i32
    %dma_start3A_1114 = tpu.memref_slice %arg6[%dma_start3A_1111, %dma_start3A_1112, %dma_start3A_1113] : memref<5x32x768xf32, #tpu.memory_space<vmem>> -> memref<1x32x768xf32, #tpu.memory_space<vmem>>
    %dma_start3A_1115 = tpu.memref_squeeze %dma_start3A_1114 : memref<1x32x768xf32, #tpu.memory_space<vmem>> -> memref<32x768xf32, #tpu.memory_space<vmem>>
    %dma_start3A_1116 = arith.constant 768 : i32
    %dma_start3A_1117 = tpu.memref_slice %arg5[%dma_start3A_1116] : memref<1024xi32, #tpu.memory_space<vmem>> -> memref<32xi32, #tpu.memory_space<vmem>>
    %dma_start3A_1118 = arith.constant 0 : i32
    %dma_start3A_1119 = arith.constant 0 : i32
    %dma_start3A_1120 = tpu.memref_slice %arg3[%dma_start3A_1118, %dma_start3A_1119] : memref<8192x768xf32, #tpu.memory_space<hbm>> -> memref<8192x768xf32, #tpu.memory_space<hbm>>
    tpu.enqueue_indirect_dma source(%dma_start3A_1120 : memref<8192x768xf32, #tpu.memory_space<hbm>>) target(%dma_start3A_1115 : memref<32x768xf32, #tpu.memory_space<vmem>>) offsets(%dma_start3A_1117 : memref<32xi32, #tpu.memory_space<vmem>>) semaphore(%arg11 : memref<!tpu.dma_semaphore, #tpu.memory_space<semaphore_mem>>)
    %dma_wait3A_1121 = arith.constant 0 : i32
    %dma_wait3A_1122 = arith.constant 0 : i32
    %dma_wait3A_1123 = arith.constant 0 : i32
    %dma_wait3A_1124 = tpu.memref_slice %arg6[%dma_wait3A_1121, %dma_wait3A_1122, %dma_wait3A_1123] : memref<5x32x768xf32, #tpu.memory_space<vmem>> -> memref<1x32x768xf32, #tpu.memory_space<vmem>>
    %dma_wait3A_1125 = tpu.memref_squeeze %dma_wait3A_1124 : memref<1x32x768xf32, #tpu.memory_space<vmem>> -> memref<32x768xf32, #tpu.memory_space<vmem>>
    %dma_wait3A_1126 = arith.constant 640 : i32
    %dma_wait3A_1127 = tpu.memref_slice %arg5[%dma_wait3A_1126] : memref<1024xi32, #tpu.memory_space<vmem>> -> memref<32xi32, #tpu.memory_space<vmem>>
    %dma_wait3A_1128 = arith.constant 0 : i32
    %dma_wait3A_1129 = arith.constant 0 : i32
    %dma_wait3A_1130 = tpu.memref_slice %arg3[%dma_wait3A_1128, %dma_wait3A_1129] : memref<8192x768xf32, #tpu.memory_space<hbm>> -> memref<8192x768xf32, #tpu.memory_space<hbm>>
    tpu.wait_indirect_dma semaphore(%arg7 : memref<!tpu.dma_semaphore, #tpu.memory_space<semaphore_mem>>) src(%dma_wait3A_1130 : memref<8192x768xf32, #tpu.memory_space<hbm>>) dst(%dma_wait3A_1125 : memref<32x768xf32, #tpu.memory_space<vmem>>)
    %add3A_1131 = arith.constant 640 : i32
    %add3A_1132 = arith.addi %mul3A_32, %add3A_1131 : i32
    %dma_start3A_1133 = arith.constant 0 : i32
    %dma_start3A_1134 = arith.constant 0 : i32
    %dma_start3A_1135 = arith.constant 0 : i32
    %dma_start3A_1136 = tpu.memref_slice %arg6[%dma_start3A_1133, %dma_start3A_1134, %dma_start3A_1135] : memref<5x32x768xf32, #tpu.memory_space<vmem>> -> memref<1x32x768xf32, #tpu.memory_space<vmem>>
    %dma_start3A_1137 = tpu.memref_squeeze %dma_start3A_1136 : memref<1x32x768xf32, #tpu.memory_space<vmem>> -> memref<32x768xf32, #tpu.memory_space<vmem>>
    %dma_start3A_1138 = arith.constant 0 : i32
    %dma_start3A_1139 = tpu.memref_slice %arg4[%select_n3A, %add3A_1132, %dma_start3A_1138] : memref<4x8192x768xf32, #tpu.memory_space<hbm>> -> memref<1x32x768xf32, #tpu.memory_space<hbm>>
    %dma_start3A_1140 = tpu.memref_squeeze %dma_start3A_1139 : memref<1x32x768xf32, #tpu.memory_space<hbm>> -> memref<32x768xf32, #tpu.memory_space<hbm>>
    %dma_start3A_1141 = arith.constant 0 : i32
    %dma_start3A_1142 = tpu.memref_slice %arg4[%select_n3A, %add3A_1132, %dma_start3A_1141] : memref<4x8192x768xf32, #tpu.memory_space<hbm>> -> memref<1x32x768xf32, #tpu.memory_space<hbm>>
    %dma_start3A_1143 = tpu.memref_squeeze %dma_start3A_1142 : memref<1x32x768xf32, #tpu.memory_space<hbm>> -> memref<32x768xf32, #tpu.memory_space<hbm>>
    %dma_start3A_1144 = arith.constant 0 : i32
    %dma_start3A_1145 = arith.constant 0 : i32
    %dma_start3A_1146 = tpu.memref_slice %arg6[%dma_start3A_1133, %dma_start3A_1144, %dma_start3A_1145] : memref<5x32x768xf32, #tpu.memory_space<vmem>> -> memref<1x32x768xf32, #tpu.memory_space<vmem>>
    %dma_start3A_1147 = tpu.memref_squeeze %dma_start3A_1146 : memref<1x32x768xf32, #tpu.memory_space<vmem>> -> memref<32x768xf32, #tpu.memory_space<vmem>>
    tpu.enqueue_dma source(%dma_start3A_1147 : memref<32x768xf32, #tpu.memory_space<vmem>>) target(%dma_start3A_1143 : memref<32x768xf32, #tpu.memory_space<hbm>>) target_semaphore(%arg12 : memref<!tpu.dma_semaphore, #tpu.memory_space<semaphore_mem>>)
    %dma_wait3A_1148 = arith.constant 0 : i32
    %dma_wait3A_1149 = arith.constant 0 : i32
    %dma_wait3A_1150 = arith.constant 0 : i32
    %dma_wait3A_1151 = tpu.memref_slice %arg6[%dma_wait3A_1148, %dma_wait3A_1149, %dma_wait3A_1150] : memref<5x32x768xf32, #tpu.memory_space<vmem>> -> memref<1x32x768xf32, #tpu.memory_space<vmem>>
    %dma_wait3A_1152 = tpu.memref_squeeze %dma_wait3A_1151 : memref<1x32x768xf32, #tpu.memory_space<vmem>> -> memref<32x768xf32, #tpu.memory_space<vmem>>
    %dma_wait3A_1153 = arith.constant 0 : i32
    %dma_wait3A_1154 = tpu.memref_slice %arg4[%select_n3A, %add3A_1132, %dma_wait3A_1153] : memref<4x8192x768xf32, #tpu.memory_space<hbm>> -> memref<1x32x768xf32, #tpu.memory_space<hbm>>
    %dma_wait3A_1155 = tpu.memref_squeeze %dma_wait3A_1154 : memref<1x32x768xf32, #tpu.memory_space<hbm>> -> memref<32x768xf32, #tpu.memory_space<hbm>>
    %dma_wait3A_1156 = arith.constant 0 : i32
    %dma_wait3A_1157 = tpu.memref_slice %arg4[%select_n3A, %add3A_1132, %dma_wait3A_1156] : memref<4x8192x768xf32, #tpu.memory_space<hbm>> -> memref<1x32x768xf32, #tpu.memory_space<hbm>>
    %dma_wait3A_1158 = tpu.memref_squeeze %dma_wait3A_1157 : memref<1x32x768xf32, #tpu.memory_space<hbm>> -> memref<32x768xf32, #tpu.memory_space<hbm>>
    %dma_wait3A_1159 = arith.constant 0 : i32
    %dma_wait3A_1160 = arith.constant 0 : i32
    %dma_wait3A_1161 = tpu.memref_slice %arg6[%dma_wait3A_1148, %dma_wait3A_1159, %dma_wait3A_1160] : memref<5x32x768xf32, #tpu.memory_space<vmem>> -> memref<1x32x768xf32, #tpu.memory_space<vmem>>
    %dma_wait3A_1162 = tpu.memref_squeeze %dma_wait3A_1161 : memref<1x32x768xf32, #tpu.memory_space<vmem>> -> memref<32x768xf32, #tpu.memory_space<vmem>>
    tpu.wait_dma2 semaphore(%arg12 : memref<!tpu.dma_semaphore, #tpu.memory_space<semaphore_mem>>) src(%dma_wait3A_1162 : memref<32x768xf32, #tpu.memory_space<vmem>>) dst(%dma_wait3A_1158 : memref<32x768xf32, #tpu.memory_space<hbm>>)
    %dma_start3A_1163 = arith.constant 0 : i32
    %dma_start3A_1164 = arith.constant 0 : i32
    %dma_start3A_1165 = arith.constant 0 : i32
    %dma_start3A_1166 = tpu.memref_slice %arg6[%dma_start3A_1163, %dma_start3A_1164, %dma_start3A_1165] : memref<5x32x768xf32, #tpu.memory_space<vmem>> -> memref<1x32x768xf32, #tpu.memory_space<vmem>>
    %dma_start3A_1167 = tpu.memref_squeeze %dma_start3A_1166 : memref<1x32x768xf32, #tpu.memory_space<vmem>> -> memref<32x768xf32, #tpu.memory_space<vmem>>
    %dma_start3A_1168 = arith.constant 800 : i32
    %dma_start3A_1169 = tpu.memref_slice %arg5[%dma_start3A_1168] : memref<1024xi32, #tpu.memory_space<vmem>> -> memref<32xi32, #tpu.memory_space<vmem>>
    %dma_start3A_1170 = arith.constant 0 : i32
    %dma_start3A_1171 = arith.constant 0 : i32
    %dma_start3A_1172 = tpu.memref_slice %arg3[%dma_start3A_1170, %dma_start3A_1171] : memref<8192x768xf32, #tpu.memory_space<hbm>> -> memref<8192x768xf32, #tpu.memory_space<hbm>>
    tpu.enqueue_indirect_dma source(%dma_start3A_1172 : memref<8192x768xf32, #tpu.memory_space<hbm>>) target(%dma_start3A_1167 : memref<32x768xf32, #tpu.memory_space<vmem>>) offsets(%dma_start3A_1169 : memref<32xi32, #tpu.memory_space<vmem>>) semaphore(%arg7 : memref<!tpu.dma_semaphore, #tpu.memory_space<semaphore_mem>>)
    %dma_wait3A_1173 = arith.constant 1 : i32
    %dma_wait3A_1174 = arith.constant 0 : i32
    %dma_wait3A_1175 = arith.constant 0 : i32
    %dma_wait3A_1176 = tpu.memref_slice %arg6[%dma_wait3A_1173, %dma_wait3A_1174, %dma_wait3A_1175] : memref<5x32x768xf32, #tpu.memory_space<vmem>> -> memref<1x32x768xf32, #tpu.memory_space<vmem>>
    %dma_wait3A_1177 = tpu.memref_squeeze %dma_wait3A_1176 : memref<1x32x768xf32, #tpu.memory_space<vmem>> -> memref<32x768xf32, #tpu.memory_space<vmem>>
    %dma_wait3A_1178 = arith.constant 672 : i32
    %dma_wait3A_1179 = tpu.memref_slice %arg5[%dma_wait3A_1178] : memref<1024xi32, #tpu.memory_space<vmem>> -> memref<32xi32, #tpu.memory_space<vmem>>
    %dma_wait3A_1180 = arith.constant 0 : i32
    %dma_wait3A_1181 = arith.constant 0 : i32
    %dma_wait3A_1182 = tpu.memref_slice %arg3[%dma_wait3A_1180, %dma_wait3A_1181] : memref<8192x768xf32, #tpu.memory_space<hbm>> -> memref<8192x768xf32, #tpu.memory_space<hbm>>
    tpu.wait_indirect_dma semaphore(%arg8 : memref<!tpu.dma_semaphore, #tpu.memory_space<semaphore_mem>>) src(%dma_wait3A_1182 : memref<8192x768xf32, #tpu.memory_space<hbm>>) dst(%dma_wait3A_1177 : memref<32x768xf32, #tpu.memory_space<vmem>>)
    %add3A_1183 = arith.constant 672 : i32
    %add3A_1184 = arith.addi %mul3A_32, %add3A_1183 : i32
    %dma_start3A_1185 = arith.constant 1 : i32
    %dma_start3A_1186 = arith.constant 0 : i32
    %dma_start3A_1187 = arith.constant 0 : i32
    %dma_start3A_1188 = tpu.memref_slice %arg6[%dma_start3A_1185, %dma_start3A_1186, %dma_start3A_1187] : memref<5x32x768xf32, #tpu.memory_space<vmem>> -> memref<1x32x768xf32, #tpu.memory_space<vmem>>
    %dma_start3A_1189 = tpu.memref_squeeze %dma_start3A_1188 : memref<1x32x768xf32, #tpu.memory_space<vmem>> -> memref<32x768xf32, #tpu.memory_space<vmem>>
    %dma_start3A_1190 = arith.constant 0 : i32
    %dma_start3A_1191 = tpu.memref_slice %arg4[%select_n3A, %add3A_1184, %dma_start3A_1190] : memref<4x8192x768xf32, #tpu.memory_space<hbm>> -> memref<1x32x768xf32, #tpu.memory_space<hbm>>
    %dma_start3A_1192 = tpu.memref_squeeze %dma_start3A_1191 : memref<1x32x768xf32, #tpu.memory_space<hbm>> -> memref<32x768xf32, #tpu.memory_space<hbm>>
    %dma_start3A_1193 = arith.constant 0 : i32
    %dma_start3A_1194 = tpu.memref_slice %arg4[%select_n3A, %add3A_1184, %dma_start3A_1193] : memref<4x8192x768xf32, #tpu.memory_space<hbm>> -> memref<1x32x768xf32, #tpu.memory_space<hbm>>
    %dma_start3A_1195 = tpu.memref_squeeze %dma_start3A_1194 : memref<1x32x768xf32, #tpu.memory_space<hbm>> -> memref<32x768xf32, #tpu.memory_space<hbm>>
    %dma_start3A_1196 = arith.constant 0 : i32
    %dma_start3A_1197 = arith.constant 0 : i32
    %dma_start3A_1198 = tpu.memref_slice %arg6[%dma_start3A_1185, %dma_start3A_1196, %dma_start3A_1197] : memref<5x32x768xf32, #tpu.memory_space<vmem>> -> memref<1x32x768xf32, #tpu.memory_space<vmem>>
    %dma_start3A_1199 = tpu.memref_squeeze %dma_start3A_1198 : memref<1x32x768xf32, #tpu.memory_space<vmem>> -> memref<32x768xf32, #tpu.memory_space<vmem>>
    tpu.enqueue_dma source(%dma_start3A_1199 : memref<32x768xf32, #tpu.memory_space<vmem>>) target(%dma_start3A_1195 : memref<32x768xf32, #tpu.memory_space<hbm>>) target_semaphore(%arg13 : memref<!tpu.dma_semaphore, #tpu.memory_space<semaphore_mem>>)
    %dma_wait3A_1200 = arith.constant 1 : i32
    %dma_wait3A_1201 = arith.constant 0 : i32
    %dma_wait3A_1202 = arith.constant 0 : i32
    %dma_wait3A_1203 = tpu.memref_slice %arg6[%dma_wait3A_1200, %dma_wait3A_1201, %dma_wait3A_1202] : memref<5x32x768xf32, #tpu.memory_space<vmem>> -> memref<1x32x768xf32, #tpu.memory_space<vmem>>
    %dma_wait3A_1204 = tpu.memref_squeeze %dma_wait3A_1203 : memref<1x32x768xf32, #tpu.memory_space<vmem>> -> memref<32x768xf32, #tpu.memory_space<vmem>>
    %dma_wait3A_1205 = arith.constant 0 : i32
    %dma_wait3A_1206 = tpu.memref_slice %arg4[%select_n3A, %add3A_1184, %dma_wait3A_1205] : memref<4x8192x768xf32, #tpu.memory_space<hbm>> -> memref<1x32x768xf32, #tpu.memory_space<hbm>>
    %dma_wait3A_1207 = tpu.memref_squeeze %dma_wait3A_1206 : memref<1x32x768xf32, #tpu.memory_space<hbm>> -> memref<32x768xf32, #tpu.memory_space<hbm>>
    %dma_wait3A_1208 = arith.constant 0 : i32
    %dma_wait3A_1209 = tpu.memref_slice %arg4[%select_n3A, %add3A_1184, %dma_wait3A_1208] : memref<4x8192x768xf32, #tpu.memory_space<hbm>> -> memref<1x32x768xf32, #tpu.memory_space<hbm>>
    %dma_wait3A_1210 = tpu.memref_squeeze %dma_wait3A_1209 : memref<1x32x768xf32, #tpu.memory_space<hbm>> -> memref<32x768xf32, #tpu.memory_space<hbm>>
    %dma_wait3A_1211 = arith.constant 0 : i32
    %dma_wait3A_1212 = arith.constant 0 : i32
    %dma_wait3A_1213 = tpu.memref_slice %arg6[%dma_wait3A_1200, %dma_wait3A_1211, %dma_wait3A_1212] : memref<5x32x768xf32, #tpu.memory_space<vmem>> -> memref<1x32x768xf32, #tpu.memory_space<vmem>>
    %dma_wait3A_1214 = tpu.memref_squeeze %dma_wait3A_1213 : memref<1x32x768xf32, #tpu.memory_space<vmem>> -> memref<32x768xf32, #tpu.memory_space<vmem>>
    tpu.wait_dma2 semaphore(%arg13 : memref<!tpu.dma_semaphore, #tpu.memory_space<semaphore_mem>>) src(%dma_wait3A_1214 : memref<32x768xf32, #tpu.memory_space<vmem>>) dst(%dma_wait3A_1210 : memref<32x768xf32, #tpu.memory_space<hbm>>)
    %dma_start3A_1215 = arith.constant 1 : i32
    %dma_start3A_1216 = arith.constant 0 : i32
    %dma_start3A_1217 = arith.constant 0 : i32
    %dma_start3A_1218 = tpu.memref_slice %arg6[%dma_start3A_1215, %dma_start3A_1216, %dma_start3A_1217] : memref<5x32x768xf32, #tpu.memory_space<vmem>> -> memref<1x32x768xf32, #tpu.memory_space<vmem>>
    %dma_start3A_1219 = tpu.memref_squeeze %dma_start3A_1218 : memref<1x32x768xf32, #tpu.memory_space<vmem>> -> memref<32x768xf32, #tpu.memory_space<vmem>>
    %dma_start3A_1220 = arith.constant 832 : i32
    %dma_start3A_1221 = tpu.memref_slice %arg5[%dma_start3A_1220] : memref<1024xi32, #tpu.memory_space<vmem>> -> memref<32xi32, #tpu.memory_space<vmem>>
    %dma_start3A_1222 = arith.constant 0 : i32
    %dma_start3A_1223 = arith.constant 0 : i32
    %dma_start3A_1224 = tpu.memref_slice %arg3[%dma_start3A_1222, %dma_start3A_1223] : memref<8192x768xf32, #tpu.memory_space<hbm>> -> memref<8192x768xf32, #tpu.memory_space<hbm>>
    tpu.enqueue_indirect_dma source(%dma_start3A_1224 : memref<8192x768xf32, #tpu.memory_space<hbm>>) target(%dma_start3A_1219 : memref<32x768xf32, #tpu.memory_space<vmem>>) offsets(%dma_start3A_1221 : memref<32xi32, #tpu.memory_space<vmem>>) semaphore(%arg8 : memref<!tpu.dma_semaphore, #tpu.memory_space<semaphore_mem>>)
    %dma_wait3A_1225 = arith.constant 2 : i32
    %dma_wait3A_1226 = arith.constant 0 : i32
    %dma_wait3A_1227 = arith.constant 0 : i32
    %dma_wait3A_1228 = tpu.memref_slice %arg6[%dma_wait3A_1225, %dma_wait3A_1226, %dma_wait3A_1227] : memref<5x32x768xf32, #tpu.memory_space<vmem>> -> memref<1x32x768xf32, #tpu.memory_space<vmem>>
    %dma_wait3A_1229 = tpu.memref_squeeze %dma_wait3A_1228 : memref<1x32x768xf32, #tpu.memory_space<vmem>> -> memref<32x768xf32, #tpu.memory_space<vmem>>
    %dma_wait3A_1230 = arith.constant 704 : i32
    %dma_wait3A_1231 = tpu.memref_slice %arg5[%dma_wait3A_1230] : memref<1024xi32, #tpu.memory_space<vmem>> -> memref<32xi32, #tpu.memory_space<vmem>>
    %dma_wait3A_1232 = arith.constant 0 : i32
    %dma_wait3A_1233 = arith.constant 0 : i32
    %dma_wait3A_1234 = tpu.memref_slice %arg3[%dma_wait3A_1232, %dma_wait3A_1233] : memref<8192x768xf32, #tpu.memory_space<hbm>> -> memref<8192x768xf32, #tpu.memory_space<hbm>>
    tpu.wait_indirect_dma semaphore(%arg9 : memref<!tpu.dma_semaphore, #tpu.memory_space<semaphore_mem>>) src(%dma_wait3A_1234 : memref<8192x768xf32, #tpu.memory_space<hbm>>) dst(%dma_wait3A_1229 : memref<32x768xf32, #tpu.memory_space<vmem>>)
    %add3A_1235 = arith.constant 704 : i32
    %add3A_1236 = arith.addi %mul3A_32, %add3A_1235 : i32
    %dma_start3A_1237 = arith.constant 2 : i32
    %dma_start3A_1238 = arith.constant 0 : i32
    %dma_start3A_1239 = arith.constant 0 : i32
    %dma_start3A_1240 = tpu.memref_slice %arg6[%dma_start3A_1237, %dma_start3A_1238, %dma_start3A_1239] : memref<5x32x768xf32, #tpu.memory_space<vmem>> -> memref<1x32x768xf32, #tpu.memory_space<vmem>>
    %dma_start3A_1241 = tpu.memref_squeeze %dma_start3A_1240 : memref<1x32x768xf32, #tpu.memory_space<vmem>> -> memref<32x768xf32, #tpu.memory_space<vmem>>
    %dma_start3A_1242 = arith.constant 0 : i32
    %dma_start3A_1243 = tpu.memref_slice %arg4[%select_n3A, %add3A_1236, %dma_start3A_1242] : memref<4x8192x768xf32, #tpu.memory_space<hbm>> -> memref<1x32x768xf32, #tpu.memory_space<hbm>>
    %dma_start3A_1244 = tpu.memref_squeeze %dma_start3A_1243 : memref<1x32x768xf32, #tpu.memory_space<hbm>> -> memref<32x768xf32, #tpu.memory_space<hbm>>
    %dma_start3A_1245 = arith.constant 0 : i32
    %dma_start3A_1246 = tpu.memref_slice %arg4[%select_n3A, %add3A_1236, %dma_start3A_1245] : memref<4x8192x768xf32, #tpu.memory_space<hbm>> -> memref<1x32x768xf32, #tpu.memory_space<hbm>>
    %dma_start3A_1247 = tpu.memref_squeeze %dma_start3A_1246 : memref<1x32x768xf32, #tpu.memory_space<hbm>> -> memref<32x768xf32, #tpu.memory_space<hbm>>
    %dma_start3A_1248 = arith.constant 0 : i32
    %dma_start3A_1249 = arith.constant 0 : i32
    %dma_start3A_1250 = tpu.memref_slice %arg6[%dma_start3A_1237, %dma_start3A_1248, %dma_start3A_1249] : memref<5x32x768xf32, #tpu.memory_space<vmem>> -> memref<1x32x768xf32, #tpu.memory_space<vmem>>
    %dma_start3A_1251 = tpu.memref_squeeze %dma_start3A_1250 : memref<1x32x768xf32, #tpu.memory_space<vmem>> -> memref<32x768xf32, #tpu.memory_space<vmem>>
    tpu.enqueue_dma source(%dma_start3A_1251 : memref<32x768xf32, #tpu.memory_space<vmem>>) target(%dma_start3A_1247 : memref<32x768xf32, #tpu.memory_space<hbm>>) target_semaphore(%arg14 : memref<!tpu.dma_semaphore, #tpu.memory_space<semaphore_mem>>)
    %dma_wait3A_1252 = arith.constant 2 : i32
    %dma_wait3A_1253 = arith.constant 0 : i32
    %dma_wait3A_1254 = arith.constant 0 : i32
    %dma_wait3A_1255 = tpu.memref_slice %arg6[%dma_wait3A_1252, %dma_wait3A_1253, %dma_wait3A_1254] : memref<5x32x768xf32, #tpu.memory_space<vmem>> -> memref<1x32x768xf32, #tpu.memory_space<vmem>>
    %dma_wait3A_1256 = tpu.memref_squeeze %dma_wait3A_1255 : memref<1x32x768xf32, #tpu.memory_space<vmem>> -> memref<32x768xf32, #tpu.memory_space<vmem>>
    %dma_wait3A_1257 = arith.constant 0 : i32
    %dma_wait3A_1258 = tpu.memref_slice %arg4[%select_n3A, %add3A_1236, %dma_wait3A_1257] : memref<4x8192x768xf32, #tpu.memory_space<hbm>> -> memref<1x32x768xf32, #tpu.memory_space<hbm>>
    %dma_wait3A_1259 = tpu.memref_squeeze %dma_wait3A_1258 : memref<1x32x768xf32, #tpu.memory_space<hbm>> -> memref<32x768xf32, #tpu.memory_space<hbm>>
    %dma_wait3A_1260 = arith.constant 0 : i32
    %dma_wait3A_1261 = tpu.memref_slice %arg4[%select_n3A, %add3A_1236, %dma_wait3A_1260] : memref<4x8192x768xf32, #tpu.memory_space<hbm>> -> memref<1x32x768xf32, #tpu.memory_space<hbm>>
    %dma_wait3A_1262 = tpu.memref_squeeze %dma_wait3A_1261 : memref<1x32x768xf32, #tpu.memory_space<hbm>> -> memref<32x768xf32, #tpu.memory_space<hbm>>
    %dma_wait3A_1263 = arith.constant 0 : i32
    %dma_wait3A_1264 = arith.constant 0 : i32
    %dma_wait3A_1265 = tpu.memref_slice %arg6[%dma_wait3A_1252, %dma_wait3A_1263, %dma_wait3A_1264] : memref<5x32x768xf32, #tpu.memory_space<vmem>> -> memref<1x32x768xf32, #tpu.memory_space<vmem>>
    %dma_wait3A_1266 = tpu.memref_squeeze %dma_wait3A_1265 : memref<1x32x768xf32, #tpu.memory_space<vmem>> -> memref<32x768xf32, #tpu.memory_space<vmem>>
    tpu.wait_dma2 semaphore(%arg14 : memref<!tpu.dma_semaphore, #tpu.memory_space<semaphore_mem>>) src(%dma_wait3A_1266 : memref<32x768xf32, #tpu.memory_space<vmem>>) dst(%dma_wait3A_1262 : memref<32x768xf32, #tpu.memory_space<hbm>>)
    %dma_start3A_1267 = arith.constant 2 : i32
    %dma_start3A_1268 = arith.constant 0 : i32
    %dma_start3A_1269 = arith.constant 0 : i32
    %dma_start3A_1270 = tpu.memref_slice %arg6[%dma_start3A_1267, %dma_start3A_1268, %dma_start3A_1269] : memref<5x32x768xf32, #tpu.memory_space<vmem>> -> memref<1x32x768xf32, #tpu.memory_space<vmem>>
    %dma_start3A_1271 = tpu.memref_squeeze %dma_start3A_1270 : memref<1x32x768xf32, #tpu.memory_space<vmem>> -> memref<32x768xf32, #tpu.memory_space<vmem>>
    %dma_start3A_1272 = arith.constant 864 : i32
    %dma_start3A_1273 = tpu.memref_slice %arg5[%dma_start3A_1272] : memref<1024xi32, #tpu.memory_space<vmem>> -> memref<32xi32, #tpu.memory_space<vmem>>
    %dma_start3A_1274 = arith.constant 0 : i32
    %dma_start3A_1275 = arith.constant 0 : i32
    %dma_start3A_1276 = tpu.memref_slice %arg3[%dma_start3A_1274, %dma_start3A_1275] : memref<8192x768xf32, #tpu.memory_space<hbm>> -> memref<8192x768xf32, #tpu.memory_space<hbm>>
    tpu.enqueue_indirect_dma source(%dma_start3A_1276 : memref<8192x768xf32, #tpu.memory_space<hbm>>) target(%dma_start3A_1271 : memref<32x768xf32, #tpu.memory_space<vmem>>) offsets(%dma_start3A_1273 : memref<32xi32, #tpu.memory_space<vmem>>) semaphore(%arg9 : memref<!tpu.dma_semaphore, #tpu.memory_space<semaphore_mem>>)
    %dma_wait3A_1277 = arith.constant 3 : i32
    %dma_wait3A_1278 = arith.constant 0 : i32
    %dma_wait3A_1279 = arith.constant 0 : i32
    %dma_wait3A_1280 = tpu.memref_slice %arg6[%dma_wait3A_1277, %dma_wait3A_1278, %dma_wait3A_1279] : memref<5x32x768xf32, #tpu.memory_space<vmem>> -> memref<1x32x768xf32, #tpu.memory_space<vmem>>
    %dma_wait3A_1281 = tpu.memref_squeeze %dma_wait3A_1280 : memref<1x32x768xf32, #tpu.memory_space<vmem>> -> memref<32x768xf32, #tpu.memory_space<vmem>>
    %dma_wait3A_1282 = arith.constant 736 : i32
    %dma_wait3A_1283 = tpu.memref_slice %arg5[%dma_wait3A_1282] : memref<1024xi32, #tpu.memory_space<vmem>> -> memref<32xi32, #tpu.memory_space<vmem>>
    %dma_wait3A_1284 = arith.constant 0 : i32
    %dma_wait3A_1285 = arith.constant 0 : i32
    %dma_wait3A_1286 = tpu.memref_slice %arg3[%dma_wait3A_1284, %dma_wait3A_1285] : memref<8192x768xf32, #tpu.memory_space<hbm>> -> memref<8192x768xf32, #tpu.memory_space<hbm>>
    tpu.wait_indirect_dma semaphore(%arg10 : memref<!tpu.dma_semaphore, #tpu.memory_space<semaphore_mem>>) src(%dma_wait3A_1286 : memref<8192x768xf32, #tpu.memory_space<hbm>>) dst(%dma_wait3A_1281 : memref<32x768xf32, #tpu.memory_space<vmem>>)
    %add3A_1287 = arith.constant 736 : i32
    %add3A_1288 = arith.addi %mul3A_32, %add3A_1287 : i32
    %dma_start3A_1289 = arith.constant 3 : i32
    %dma_start3A_1290 = arith.constant 0 : i32
    %dma_start3A_1291 = arith.constant 0 : i32
    %dma_start3A_1292 = tpu.memref_slice %arg6[%dma_start3A_1289, %dma_start3A_1290, %dma_start3A_1291] : memref<5x32x768xf32, #tpu.memory_space<vmem>> -> memref<1x32x768xf32, #tpu.memory_space<vmem>>
    %dma_start3A_1293 = tpu.memref_squeeze %dma_start3A_1292 : memref<1x32x768xf32, #tpu.memory_space<vmem>> -> memref<32x768xf32, #tpu.memory_space<vmem>>
    %dma_start3A_1294 = arith.constant 0 : i32
    %dma_start3A_1295 = tpu.memref_slice %arg4[%select_n3A, %add3A_1288, %dma_start3A_1294] : memref<4x8192x768xf32, #tpu.memory_space<hbm>> -> memref<1x32x768xf32, #tpu.memory_space<hbm>>
    %dma_start3A_1296 = tpu.memref_squeeze %dma_start3A_1295 : memref<1x32x768xf32, #tpu.memory_space<hbm>> -> memref<32x768xf32, #tpu.memory_space<hbm>>
    %dma_start3A_1297 = arith.constant 0 : i32
    %dma_start3A_1298 = tpu.memref_slice %arg4[%select_n3A, %add3A_1288, %dma_start3A_1297] : memref<4x8192x768xf32, #tpu.memory_space<hbm>> -> memref<1x32x768xf32, #tpu.memory_space<hbm>>
    %dma_start3A_1299 = tpu.memref_squeeze %dma_start3A_1298 : memref<1x32x768xf32, #tpu.memory_space<hbm>> -> memref<32x768xf32, #tpu.memory_space<hbm>>
    %dma_start3A_1300 = arith.constant 0 : i32
    %dma_start3A_1301 = arith.constant 0 : i32
    %dma_start3A_1302 = tpu.memref_slice %arg6[%dma_start3A_1289, %dma_start3A_1300, %dma_start3A_1301] : memref<5x32x768xf32, #tpu.memory_space<vmem>> -> memref<1x32x768xf32, #tpu.memory_space<vmem>>
    %dma_start3A_1303 = tpu.memref_squeeze %dma_start3A_1302 : memref<1x32x768xf32, #tpu.memory_space<vmem>> -> memref<32x768xf32, #tpu.memory_space<vmem>>
    tpu.enqueue_dma source(%dma_start3A_1303 : memref<32x768xf32, #tpu.memory_space<vmem>>) target(%dma_start3A_1299 : memref<32x768xf32, #tpu.memory_space<hbm>>) target_semaphore(%arg15 : memref<!tpu.dma_semaphore, #tpu.memory_space<semaphore_mem>>)
    %dma_wait3A_1304 = arith.constant 3 : i32
    %dma_wait3A_1305 = arith.constant 0 : i32
    %dma_wait3A_1306 = arith.constant 0 : i32
    %dma_wait3A_1307 = tpu.memref_slice %arg6[%dma_wait3A_1304, %dma_wait3A_1305, %dma_wait3A_1306] : memref<5x32x768xf32, #tpu.memory_space<vmem>> -> memref<1x32x768xf32, #tpu.memory_space<vmem>>
    %dma_wait3A_1308 = tpu.memref_squeeze %dma_wait3A_1307 : memref<1x32x768xf32, #tpu.memory_space<vmem>> -> memref<32x768xf32, #tpu.memory_space<vmem>>
    %dma_wait3A_1309 = arith.constant 0 : i32
    %dma_wait3A_1310 = tpu.memref_slice %arg4[%select_n3A, %add3A_1288, %dma_wait3A_1309] : memref<4x8192x768xf32, #tpu.memory_space<hbm>> -> memref<1x32x768xf32, #tpu.memory_space<hbm>>
    %dma_wait3A_1311 = tpu.memref_squeeze %dma_wait3A_1310 : memref<1x32x768xf32, #tpu.memory_space<hbm>> -> memref<32x768xf32, #tpu.memory_space<hbm>>
    %dma_wait3A_1312 = arith.constant 0 : i32
    %dma_wait3A_1313 = tpu.memref_slice %arg4[%select_n3A, %add3A_1288, %dma_wait3A_1312] : memref<4x8192x768xf32, #tpu.memory_space<hbm>> -> memref<1x32x768xf32, #tpu.memory_space<hbm>>
    %dma_wait3A_1314 = tpu.memref_squeeze %dma_wait3A_1313 : memref<1x32x768xf32, #tpu.memory_space<hbm>> -> memref<32x768xf32, #tpu.memory_space<hbm>>
    %dma_wait3A_1315 = arith.constant 0 : i32
    %dma_wait3A_1316 = arith.constant 0 : i32
    %dma_wait3A_1317 = tpu.memref_slice %arg6[%dma_wait3A_1304, %dma_wait3A_1315, %dma_wait3A_1316] : memref<5x32x768xf32, #tpu.memory_space<vmem>> -> memref<1x32x768xf32, #tpu.memory_space<vmem>>
    %dma_wait3A_1318 = tpu.memref_squeeze %dma_wait3A_1317 : memref<1x32x768xf32, #tpu.memory_space<vmem>> -> memref<32x768xf32, #tpu.memory_space<vmem>>
    tpu.wait_dma2 semaphore(%arg15 : memref<!tpu.dma_semaphore, #tpu.memory_space<semaphore_mem>>) src(%dma_wait3A_1318 : memref<32x768xf32, #tpu.memory_space<vmem>>) dst(%dma_wait3A_1314 : memref<32x768xf32, #tpu.memory_space<hbm>>)
    %dma_start3A_1319 = arith.constant 3 : i32
    %dma_start3A_1320 = arith.constant 0 : i32
    %dma_start3A_1321 = arith.constant 0 : i32
    %dma_start3A_1322 = tpu.memref_slice %arg6[%dma_start3A_1319, %dma_start3A_1320, %dma_start3A_1321] : memref<5x32x768xf32, #tpu.memory_space<vmem>> -> memref<1x32x768xf32, #tpu.memory_space<vmem>>
    %dma_start3A_1323 = tpu.memref_squeeze %dma_start3A_1322 : memref<1x32x768xf32, #tpu.memory_space<vmem>> -> memref<32x768xf32, #tpu.memory_space<vmem>>
    %dma_start3A_1324 = arith.constant 896 : i32
    %dma_start3A_1325 = tpu.memref_slice %arg5[%dma_start3A_1324] : memref<1024xi32, #tpu.memory_space<vmem>> -> memref<32xi32, #tpu.memory_space<vmem>>
    %dma_start3A_1326 = arith.constant 0 : i32
    %dma_start3A_1327 = arith.constant 0 : i32
    %dma_start3A_1328 = tpu.memref_slice %arg3[%dma_start3A_1326, %dma_start3A_1327] : memref<8192x768xf32, #tpu.memory_space<hbm>> -> memref<8192x768xf32, #tpu.memory_space<hbm>>
    tpu.enqueue_indirect_dma source(%dma_start3A_1328 : memref<8192x768xf32, #tpu.memory_space<hbm>>) target(%dma_start3A_1323 : memref<32x768xf32, #tpu.memory_space<vmem>>) offsets(%dma_start3A_1325 : memref<32xi32, #tpu.memory_space<vmem>>) semaphore(%arg10 : memref<!tpu.dma_semaphore, #tpu.memory_space<semaphore_mem>>)
    %dma_wait3A_1329 = arith.constant 4 : i32
    %dma_wait3A_1330 = arith.constant 0 : i32
    %dma_wait3A_1331 = arith.constant 0 : i32
    %dma_wait3A_1332 = tpu.memref_slice %arg6[%dma_wait3A_1329, %dma_wait3A_1330, %dma_wait3A_1331] : memref<5x32x768xf32, #tpu.memory_space<vmem>> -> memref<1x32x768xf32, #tpu.memory_space<vmem>>
    %dma_wait3A_1333 = tpu.memref_squeeze %dma_wait3A_1332 : memref<1x32x768xf32, #tpu.memory_space<vmem>> -> memref<32x768xf32, #tpu.memory_space<vmem>>
    %dma_wait3A_1334 = arith.constant 768 : i32
    %dma_wait3A_1335 = tpu.memref_slice %arg5[%dma_wait3A_1334] : memref<1024xi32, #tpu.memory_space<vmem>> -> memref<32xi32, #tpu.memory_space<vmem>>
    %dma_wait3A_1336 = arith.constant 0 : i32
    %dma_wait3A_1337 = arith.constant 0 : i32
    %dma_wait3A_1338 = tpu.memref_slice %arg3[%dma_wait3A_1336, %dma_wait3A_1337] : memref<8192x768xf32, #tpu.memory_space<hbm>> -> memref<8192x768xf32, #tpu.memory_space<hbm>>
    tpu.wait_indirect_dma semaphore(%arg11 : memref<!tpu.dma_semaphore, #tpu.memory_space<semaphore_mem>>) src(%dma_wait3A_1338 : memref<8192x768xf32, #tpu.memory_space<hbm>>) dst(%dma_wait3A_1333 : memref<32x768xf32, #tpu.memory_space<vmem>>)
    %add3A_1339 = arith.constant 768 : i32
    %add3A_1340 = arith.addi %mul3A_32, %add3A_1339 : i32
    %dma_start3A_1341 = arith.constant 4 : i32
    %dma_start3A_1342 = arith.constant 0 : i32
    %dma_start3A_1343 = arith.constant 0 : i32
    %dma_start3A_1344 = tpu.memref_slice %arg6[%dma_start3A_1341, %dma_start3A_1342, %dma_start3A_1343] : memref<5x32x768xf32, #tpu.memory_space<vmem>> -> memref<1x32x768xf32, #tpu.memory_space<vmem>>
    %dma_start3A_1345 = tpu.memref_squeeze %dma_start3A_1344 : memref<1x32x768xf32, #tpu.memory_space<vmem>> -> memref<32x768xf32, #tpu.memory_space<vmem>>
    %dma_start3A_1346 = arith.constant 0 : i32
    %dma_start3A_1347 = tpu.memref_slice %arg4[%select_n3A, %add3A_1340, %dma_start3A_1346] : memref<4x8192x768xf32, #tpu.memory_space<hbm>> -> memref<1x32x768xf32, #tpu.memory_space<hbm>>
    %dma_start3A_1348 = tpu.memref_squeeze %dma_start3A_1347 : memref<1x32x768xf32, #tpu.memory_space<hbm>> -> memref<32x768xf32, #tpu.memory_space<hbm>>
    %dma_start3A_1349 = arith.constant 0 : i32
    %dma_start3A_1350 = tpu.memref_slice %arg4[%select_n3A, %add3A_1340, %dma_start3A_1349] : memref<4x8192x768xf32, #tpu.memory_space<hbm>> -> memref<1x32x768xf32, #tpu.memory_space<hbm>>
    %dma_start3A_1351 = tpu.memref_squeeze %dma_start3A_1350 : memref<1x32x768xf32, #tpu.memory_space<hbm>> -> memref<32x768xf32, #tpu.memory_space<hbm>>
    %dma_start3A_1352 = arith.constant 0 : i32
    %dma_start3A_1353 = arith.constant 0 : i32
    %dma_start3A_1354 = tpu.memref_slice %arg6[%dma_start3A_1341, %dma_start3A_1352, %dma_start3A_1353] : memref<5x32x768xf32, #tpu.memory_space<vmem>> -> memref<1x32x768xf32, #tpu.memory_space<vmem>>
    %dma_start3A_1355 = tpu.memref_squeeze %dma_start3A_1354 : memref<1x32x768xf32, #tpu.memory_space<vmem>> -> memref<32x768xf32, #tpu.memory_space<vmem>>
    tpu.enqueue_dma source(%dma_start3A_1355 : memref<32x768xf32, #tpu.memory_space<vmem>>) target(%dma_start3A_1351 : memref<32x768xf32, #tpu.memory_space<hbm>>) target_semaphore(%arg16 : memref<!tpu.dma_semaphore, #tpu.memory_space<semaphore_mem>>)
    %dma_wait3A_1356 = arith.constant 4 : i32
    %dma_wait3A_1357 = arith.constant 0 : i32
    %dma_wait3A_1358 = arith.constant 0 : i32
    %dma_wait3A_1359 = tpu.memref_slice %arg6[%dma_wait3A_1356, %dma_wait3A_1357, %dma_wait3A_1358] : memref<5x32x768xf32, #tpu.memory_space<vmem>> -> memref<1x32x768xf32, #tpu.memory_space<vmem>>
    %dma_wait3A_1360 = tpu.memref_squeeze %dma_wait3A_1359 : memref<1x32x768xf32, #tpu.memory_space<vmem>> -> memref<32x768xf32, #tpu.memory_space<vmem>>
    %dma_wait3A_1361 = arith.constant 0 : i32
    %dma_wait3A_1362 = tpu.memref_slice %arg4[%select_n3A, %add3A_1340, %dma_wait3A_1361] : memref<4x8192x768xf32, #tpu.memory_space<hbm>> -> memref<1x32x768xf32, #tpu.memory_space<hbm>>
    %dma_wait3A_1363 = tpu.memref_squeeze %dma_wait3A_1362 : memref<1x32x768xf32, #tpu.memory_space<hbm>> -> memref<32x768xf32, #tpu.memory_space<hbm>>
    %dma_wait3A_1364 = arith.constant 0 : i32
    %dma_wait3A_1365 = tpu.memref_slice %arg4[%select_n3A, %add3A_1340, %dma_wait3A_1364] : memref<4x8192x768xf32, #tpu.memory_space<hbm>> -> memref<1x32x768xf32, #tpu.memory_space<hbm>>
    %dma_wait3A_1366 = tpu.memref_squeeze %dma_wait3A_1365 : memref<1x32x768xf32, #tpu.memory_space<hbm>> -> memref<32x768xf32, #tpu.memory_space<hbm>>
    %dma_wait3A_1367 = arith.constant 0 : i32
    %dma_wait3A_1368 = arith.constant 0 : i32
    %dma_wait3A_1369 = tpu.memref_slice %arg6[%dma_wait3A_1356, %dma_wait3A_1367, %dma_wait3A_1368] : memref<5x32x768xf32, #tpu.memory_space<vmem>> -> memref<1x32x768xf32, #tpu.memory_space<vmem>>
    %dma_wait3A_1370 = tpu.memref_squeeze %dma_wait3A_1369 : memref<1x32x768xf32, #tpu.memory_space<vmem>> -> memref<32x768xf32, #tpu.memory_space<vmem>>
    tpu.wait_dma2 semaphore(%arg16 : memref<!tpu.dma_semaphore, #tpu.memory_space<semaphore_mem>>) src(%dma_wait3A_1370 : memref<32x768xf32, #tpu.memory_space<vmem>>) dst(%dma_wait3A_1366 : memref<32x768xf32, #tpu.memory_space<hbm>>)
    %dma_start3A_1371 = arith.constant 4 : i32
    %dma_start3A_1372 = arith.constant 0 : i32
    %dma_start3A_1373 = arith.constant 0 : i32
    %dma_start3A_1374 = tpu.memref_slice %arg6[%dma_start3A_1371, %dma_start3A_1372, %dma_start3A_1373] : memref<5x32x768xf32, #tpu.memory_space<vmem>> -> memref<1x32x768xf32, #tpu.memory_space<vmem>>
    %dma_start3A_1375 = tpu.memref_squeeze %dma_start3A_1374 : memref<1x32x768xf32, #tpu.memory_space<vmem>> -> memref<32x768xf32, #tpu.memory_space<vmem>>
    %dma_start3A_1376 = arith.constant 928 : i32
    %dma_start3A_1377 = tpu.memref_slice %arg5[%dma_start3A_1376] : memref<1024xi32, #tpu.memory_space<vmem>> -> memref<32xi32, #tpu.memory_space<vmem>>
    %dma_start3A_1378 = arith.constant 0 : i32
    %dma_start3A_1379 = arith.constant 0 : i32
    %dma_start3A_1380 = tpu.memref_slice %arg3[%dma_start3A_1378, %dma_start3A_1379] : memref<8192x768xf32, #tpu.memory_space<hbm>> -> memref<8192x768xf32, #tpu.memory_space<hbm>>
    tpu.enqueue_indirect_dma source(%dma_start3A_1380 : memref<8192x768xf32, #tpu.memory_space<hbm>>) target(%dma_start3A_1375 : memref<32x768xf32, #tpu.memory_space<vmem>>) offsets(%dma_start3A_1377 : memref<32xi32, #tpu.memory_space<vmem>>) semaphore(%arg11 : memref<!tpu.dma_semaphore, #tpu.memory_space<semaphore_mem>>)
    %dma_wait3A_1381 = arith.constant 0 : i32
    %dma_wait3A_1382 = arith.constant 0 : i32
    %dma_wait3A_1383 = arith.constant 0 : i32
    %dma_wait3A_1384 = tpu.memref_slice %arg6[%dma_wait3A_1381, %dma_wait3A_1382, %dma_wait3A_1383] : memref<5x32x768xf32, #tpu.memory_space<vmem>> -> memref<1x32x768xf32, #tpu.memory_space<vmem>>
    %dma_wait3A_1385 = tpu.memref_squeeze %dma_wait3A_1384 : memref<1x32x768xf32, #tpu.memory_space<vmem>> -> memref<32x768xf32, #tpu.memory_space<vmem>>
    %dma_wait3A_1386 = arith.constant 800 : i32
    %dma_wait3A_1387 = tpu.memref_slice %arg5[%dma_wait3A_1386] : memref<1024xi32, #tpu.memory_space<vmem>> -> memref<32xi32, #tpu.memory_space<vmem>>
    %dma_wait3A_1388 = arith.constant 0 : i32
    %dma_wait3A_1389 = arith.constant 0 : i32
    %dma_wait3A_1390 = tpu.memref_slice %arg3[%dma_wait3A_1388, %dma_wait3A_1389] : memref<8192x768xf32, #tpu.memory_space<hbm>> -> memref<8192x768xf32, #tpu.memory_space<hbm>>
    tpu.wait_indirect_dma semaphore(%arg7 : memref<!tpu.dma_semaphore, #tpu.memory_space<semaphore_mem>>) src(%dma_wait3A_1390 : memref<8192x768xf32, #tpu.memory_space<hbm>>) dst(%dma_wait3A_1385 : memref<32x768xf32, #tpu.memory_space<vmem>>)
    %add3A_1391 = arith.constant 800 : i32
    %add3A_1392 = arith.addi %mul3A_32, %add3A_1391 : i32
    %dma_start3A_1393 = arith.constant 0 : i32
    %dma_start3A_1394 = arith.constant 0 : i32
    %dma_start3A_1395 = arith.constant 0 : i32
    %dma_start3A_1396 = tpu.memref_slice %arg6[%dma_start3A_1393, %dma_start3A_1394, %dma_start3A_1395] : memref<5x32x768xf32, #tpu.memory_space<vmem>> -> memref<1x32x768xf32, #tpu.memory_space<vmem>>
    %dma_start3A_1397 = tpu.memref_squeeze %dma_start3A_1396 : memref<1x32x768xf32, #tpu.memory_space<vmem>> -> memref<32x768xf32, #tpu.memory_space<vmem>>
    %dma_start3A_1398 = arith.constant 0 : i32
    %dma_start3A_1399 = tpu.memref_slice %arg4[%select_n3A, %add3A_1392, %dma_start3A_1398] : memref<4x8192x768xf32, #tpu.memory_space<hbm>> -> memref<1x32x768xf32, #tpu.memory_space<hbm>>
    %dma_start3A_1400 = tpu.memref_squeeze %dma_start3A_1399 : memref<1x32x768xf32, #tpu.memory_space<hbm>> -> memref<32x768xf32, #tpu.memory_space<hbm>>
    %dma_start3A_1401 = arith.constant 0 : i32
    %dma_start3A_1402 = tpu.memref_slice %arg4[%select_n3A, %add3A_1392, %dma_start3A_1401] : memref<4x8192x768xf32, #tpu.memory_space<hbm>> -> memref<1x32x768xf32, #tpu.memory_space<hbm>>
    %dma_start3A_1403 = tpu.memref_squeeze %dma_start3A_1402 : memref<1x32x768xf32, #tpu.memory_space<hbm>> -> memref<32x768xf32, #tpu.memory_space<hbm>>
    %dma_start3A_1404 = arith.constant 0 : i32
    %dma_start3A_1405 = arith.constant 0 : i32
    %dma_start3A_1406 = tpu.memref_slice %arg6[%dma_start3A_1393, %dma_start3A_1404, %dma_start3A_1405] : memref<5x32x768xf32, #tpu.memory_space<vmem>> -> memref<1x32x768xf32, #tpu.memory_space<vmem>>
    %dma_start3A_1407 = tpu.memref_squeeze %dma_start3A_1406 : memref<1x32x768xf32, #tpu.memory_space<vmem>> -> memref<32x768xf32, #tpu.memory_space<vmem>>
    tpu.enqueue_dma source(%dma_start3A_1407 : memref<32x768xf32, #tpu.memory_space<vmem>>) target(%dma_start3A_1403 : memref<32x768xf32, #tpu.memory_space<hbm>>) target_semaphore(%arg12 : memref<!tpu.dma_semaphore, #tpu.memory_space<semaphore_mem>>)
    %dma_wait3A_1408 = arith.constant 0 : i32
    %dma_wait3A_1409 = arith.constant 0 : i32
    %dma_wait3A_1410 = arith.constant 0 : i32
    %dma_wait3A_1411 = tpu.memref_slice %arg6[%dma_wait3A_1408, %dma_wait3A_1409, %dma_wait3A_1410] : memref<5x32x768xf32, #tpu.memory_space<vmem>> -> memref<1x32x768xf32, #tpu.memory_space<vmem>>
    %dma_wait3A_1412 = tpu.memref_squeeze %dma_wait3A_1411 : memref<1x32x768xf32, #tpu.memory_space<vmem>> -> memref<32x768xf32, #tpu.memory_space<vmem>>
    %dma_wait3A_1413 = arith.constant 0 : i32
    %dma_wait3A_1414 = tpu.memref_slice %arg4[%select_n3A, %add3A_1392, %dma_wait3A_1413] : memref<4x8192x768xf32, #tpu.memory_space<hbm>> -> memref<1x32x768xf32, #tpu.memory_space<hbm>>
    %dma_wait3A_1415 = tpu.memref_squeeze %dma_wait3A_1414 : memref<1x32x768xf32, #tpu.memory_space<hbm>> -> memref<32x768xf32, #tpu.memory_space<hbm>>
    %dma_wait3A_1416 = arith.constant 0 : i32
    %dma_wait3A_1417 = tpu.memref_slice %arg4[%select_n3A, %add3A_1392, %dma_wait3A_1416] : memref<4x8192x768xf32, #tpu.memory_space<hbm>> -> memref<1x32x768xf32, #tpu.memory_space<hbm>>
    %dma_wait3A_1418 = tpu.memref_squeeze %dma_wait3A_1417 : memref<1x32x768xf32, #tpu.memory_space<hbm>> -> memref<32x768xf32, #tpu.memory_space<hbm>>
    %dma_wait3A_1419 = arith.constant 0 : i32
    %dma_wait3A_1420 = arith.constant 0 : i32
    %dma_wait3A_1421 = tpu.memref_slice %arg6[%dma_wait3A_1408, %dma_wait3A_1419, %dma_wait3A_1420] : memref<5x32x768xf32, #tpu.memory_space<vmem>> -> memref<1x32x768xf32, #tpu.memory_space<vmem>>
    %dma_wait3A_1422 = tpu.memref_squeeze %dma_wait3A_1421 : memref<1x32x768xf32, #tpu.memory_space<vmem>> -> memref<32x768xf32, #tpu.memory_space<vmem>>
    tpu.wait_dma2 semaphore(%arg12 : memref<!tpu.dma_semaphore, #tpu.memory_space<semaphore_mem>>) src(%dma_wait3A_1422 : memref<32x768xf32, #tpu.memory_space<vmem>>) dst(%dma_wait3A_1418 : memref<32x768xf32, #tpu.memory_space<hbm>>)
    %dma_start3A_1423 = arith.constant 0 : i32
    %dma_start3A_1424 = arith.constant 0 : i32
    %dma_start3A_1425 = arith.constant 0 : i32
    %dma_start3A_1426 = tpu.memref_slice %arg6[%dma_start3A_1423, %dma_start3A_1424, %dma_start3A_1425] : memref<5x32x768xf32, #tpu.memory_space<vmem>> -> memref<1x32x768xf32, #tpu.memory_space<vmem>>
    %dma_start3A_1427 = tpu.memref_squeeze %dma_start3A_1426 : memref<1x32x768xf32, #tpu.memory_space<vmem>> -> memref<32x768xf32, #tpu.memory_space<vmem>>
    %dma_start3A_1428 = arith.constant 960 : i32
    %dma_start3A_1429 = tpu.memref_slice %arg5[%dma_start3A_1428] : memref<1024xi32, #tpu.memory_space<vmem>> -> memref<32xi32, #tpu.memory_space<vmem>>
    %dma_start3A_1430 = arith.constant 0 : i32
    %dma_start3A_1431 = arith.constant 0 : i32
    %dma_start3A_1432 = tpu.memref_slice %arg3[%dma_start3A_1430, %dma_start3A_1431] : memref<8192x768xf32, #tpu.memory_space<hbm>> -> memref<8192x768xf32, #tpu.memory_space<hbm>>
    tpu.enqueue_indirect_dma source(%dma_start3A_1432 : memref<8192x768xf32, #tpu.memory_space<hbm>>) target(%dma_start3A_1427 : memref<32x768xf32, #tpu.memory_space<vmem>>) offsets(%dma_start3A_1429 : memref<32xi32, #tpu.memory_space<vmem>>) semaphore(%arg7 : memref<!tpu.dma_semaphore, #tpu.memory_space<semaphore_mem>>)
    %dma_wait3A_1433 = arith.constant 1 : i32
    %dma_wait3A_1434 = arith.constant 0 : i32
    %dma_wait3A_1435 = arith.constant 0 : i32
    %dma_wait3A_1436 = tpu.memref_slice %arg6[%dma_wait3A_1433, %dma_wait3A_1434, %dma_wait3A_1435] : memref<5x32x768xf32, #tpu.memory_space<vmem>> -> memref<1x32x768xf32, #tpu.memory_space<vmem>>
    %dma_wait3A_1437 = tpu.memref_squeeze %dma_wait3A_1436 : memref<1x32x768xf32, #tpu.memory_space<vmem>> -> memref<32x768xf32, #tpu.memory_space<vmem>>
    %dma_wait3A_1438 = arith.constant 832 : i32
    %dma_wait3A_1439 = tpu.memref_slice %arg5[%dma_wait3A_1438] : memref<1024xi32, #tpu.memory_space<vmem>> -> memref<32xi32, #tpu.memory_space<vmem>>
    %dma_wait3A_1440 = arith.constant 0 : i32
    %dma_wait3A_1441 = arith.constant 0 : i32
    %dma_wait3A_1442 = tpu.memref_slice %arg3[%dma_wait3A_1440, %dma_wait3A_1441] : memref<8192x768xf32, #tpu.memory_space<hbm>> -> memref<8192x768xf32, #tpu.memory_space<hbm>>
    tpu.wait_indirect_dma semaphore(%arg8 : memref<!tpu.dma_semaphore, #tpu.memory_space<semaphore_mem>>) src(%dma_wait3A_1442 : memref<8192x768xf32, #tpu.memory_space<hbm>>) dst(%dma_wait3A_1437 : memref<32x768xf32, #tpu.memory_space<vmem>>)
    %add3A_1443 = arith.constant 832 : i32
    %add3A_1444 = arith.addi %mul3A_32, %add3A_1443 : i32
    %dma_start3A_1445 = arith.constant 1 : i32
    %dma_start3A_1446 = arith.constant 0 : i32
    %dma_start3A_1447 = arith.constant 0 : i32
    %dma_start3A_1448 = tpu.memref_slice %arg6[%dma_start3A_1445, %dma_start3A_1446, %dma_start3A_1447] : memref<5x32x768xf32, #tpu.memory_space<vmem>> -> memref<1x32x768xf32, #tpu.memory_space<vmem>>
    %dma_start3A_1449 = tpu.memref_squeeze %dma_start3A_1448 : memref<1x32x768xf32, #tpu.memory_space<vmem>> -> memref<32x768xf32, #tpu.memory_space<vmem>>
    %dma_start3A_1450 = arith.constant 0 : i32
    %dma_start3A_1451 = tpu.memref_slice %arg4[%select_n3A, %add3A_1444, %dma_start3A_1450] : memref<4x8192x768xf32, #tpu.memory_space<hbm>> -> memref<1x32x768xf32, #tpu.memory_space<hbm>>
    %dma_start3A_1452 = tpu.memref_squeeze %dma_start3A_1451 : memref<1x32x768xf32, #tpu.memory_space<hbm>> -> memref<32x768xf32, #tpu.memory_space<hbm>>
    %dma_start3A_1453 = arith.constant 0 : i32
    %dma_start3A_1454 = tpu.memref_slice %arg4[%select_n3A, %add3A_1444, %dma_start3A_1453] : memref<4x8192x768xf32, #tpu.memory_space<hbm>> -> memref<1x32x768xf32, #tpu.memory_space<hbm>>
    %dma_start3A_1455 = tpu.memref_squeeze %dma_start3A_1454 : memref<1x32x768xf32, #tpu.memory_space<hbm>> -> memref<32x768xf32, #tpu.memory_space<hbm>>
    %dma_start3A_1456 = arith.constant 0 : i32
    %dma_start3A_1457 = arith.constant 0 : i32
    %dma_start3A_1458 = tpu.memref_slice %arg6[%dma_start3A_1445, %dma_start3A_1456, %dma_start3A_1457] : memref<5x32x768xf32, #tpu.memory_space<vmem>> -> memref<1x32x768xf32, #tpu.memory_space<vmem>>
    %dma_start3A_1459 = tpu.memref_squeeze %dma_start3A_1458 : memref<1x32x768xf32, #tpu.memory_space<vmem>> -> memref<32x768xf32, #tpu.memory_space<vmem>>
    tpu.enqueue_dma source(%dma_start3A_1459 : memref<32x768xf32, #tpu.memory_space<vmem>>) target(%dma_start3A_1455 : memref<32x768xf32, #tpu.memory_space<hbm>>) target_semaphore(%arg13 : memref<!tpu.dma_semaphore, #tpu.memory_space<semaphore_mem>>)
    %dma_wait3A_1460 = arith.constant 1 : i32
    %dma_wait3A_1461 = arith.constant 0 : i32
    %dma_wait3A_1462 = arith.constant 0 : i32
    %dma_wait3A_1463 = tpu.memref_slice %arg6[%dma_wait3A_1460, %dma_wait3A_1461, %dma_wait3A_1462] : memref<5x32x768xf32, #tpu.memory_space<vmem>> -> memref<1x32x768xf32, #tpu.memory_space<vmem>>
    %dma_wait3A_1464 = tpu.memref_squeeze %dma_wait3A_1463 : memref<1x32x768xf32, #tpu.memory_space<vmem>> -> memref<32x768xf32, #tpu.memory_space<vmem>>
    %dma_wait3A_1465 = arith.constant 0 : i32
    %dma_wait3A_1466 = tpu.memref_slice %arg4[%select_n3A, %add3A_1444, %dma_wait3A_1465] : memref<4x8192x768xf32, #tpu.memory_space<hbm>> -> memref<1x32x768xf32, #tpu.memory_space<hbm>>
    %dma_wait3A_1467 = tpu.memref_squeeze %dma_wait3A_1466 : memref<1x32x768xf32, #tpu.memory_space<hbm>> -> memref<32x768xf32, #tpu.memory_space<hbm>>
    %dma_wait3A_1468 = arith.constant 0 : i32
    %dma_wait3A_1469 = tpu.memref_slice %arg4[%select_n3A, %add3A_1444, %dma_wait3A_1468] : memref<4x8192x768xf32, #tpu.memory_space<hbm>> -> memref<1x32x768xf32, #tpu.memory_space<hbm>>
    %dma_wait3A_1470 = tpu.memref_squeeze %dma_wait3A_1469 : memref<1x32x768xf32, #tpu.memory_space<hbm>> -> memref<32x768xf32, #tpu.memory_space<hbm>>
    %dma_wait3A_1471 = arith.constant 0 : i32
    %dma_wait3A_1472 = arith.constant 0 : i32
    %dma_wait3A_1473 = tpu.memref_slice %arg6[%dma_wait3A_1460, %dma_wait3A_1471, %dma_wait3A_1472] : memref<5x32x768xf32, #tpu.memory_space<vmem>> -> memref<1x32x768xf32, #tpu.memory_space<vmem>>
    %dma_wait3A_1474 = tpu.memref_squeeze %dma_wait3A_1473 : memref<1x32x768xf32, #tpu.memory_space<vmem>> -> memref<32x768xf32, #tpu.memory_space<vmem>>
    tpu.wait_dma2 semaphore(%arg13 : memref<!tpu.dma_semaphore, #tpu.memory_space<semaphore_mem>>) src(%dma_wait3A_1474 : memref<32x768xf32, #tpu.memory_space<vmem>>) dst(%dma_wait3A_1470 : memref<32x768xf32, #tpu.memory_space<hbm>>)
    %dma_start3A_1475 = arith.constant 1 : i32
    %dma_start3A_1476 = arith.constant 0 : i32
    %dma_start3A_1477 = arith.constant 0 : i32
    %dma_start3A_1478 = tpu.memref_slice %arg6[%dma_start3A_1475, %dma_start3A_1476, %dma_start3A_1477] : memref<5x32x768xf32, #tpu.memory_space<vmem>> -> memref<1x32x768xf32, #tpu.memory_space<vmem>>
    %dma_start3A_1479 = tpu.memref_squeeze %dma_start3A_1478 : memref<1x32x768xf32, #tpu.memory_space<vmem>> -> memref<32x768xf32, #tpu.memory_space<vmem>>
    %dma_start3A_1480 = arith.constant 992 : i32
    %dma_start3A_1481 = tpu.memref_slice %arg5[%dma_start3A_1480] : memref<1024xi32, #tpu.memory_space<vmem>> -> memref<32xi32, #tpu.memory_space<vmem>>
    %dma_start3A_1482 = arith.constant 0 : i32
    %dma_start3A_1483 = arith.constant 0 : i32
    %dma_start3A_1484 = tpu.memref_slice %arg3[%dma_start3A_1482, %dma_start3A_1483] : memref<8192x768xf32, #tpu.memory_space<hbm>> -> memref<8192x768xf32, #tpu.memory_space<hbm>>
    tpu.enqueue_indirect_dma source(%dma_start3A_1484 : memref<8192x768xf32, #tpu.memory_space<hbm>>) target(%dma_start3A_1479 : memref<32x768xf32, #tpu.memory_space<vmem>>) offsets(%dma_start3A_1481 : memref<32xi32, #tpu.memory_space<vmem>>) semaphore(%arg8 : memref<!tpu.dma_semaphore, #tpu.memory_space<semaphore_mem>>)
    %dma_wait3A_1485 = arith.constant 2 : i32
    %dma_wait3A_1486 = arith.constant 0 : i32
    %dma_wait3A_1487 = arith.constant 0 : i32
    %dma_wait3A_1488 = tpu.memref_slice %arg6[%dma_wait3A_1485, %dma_wait3A_1486, %dma_wait3A_1487] : memref<5x32x768xf32, #tpu.memory_space<vmem>> -> memref<1x32x768xf32, #tpu.memory_space<vmem>>
    %dma_wait3A_1489 = tpu.memref_squeeze %dma_wait3A_1488 : memref<1x32x768xf32, #tpu.memory_space<vmem>> -> memref<32x768xf32, #tpu.memory_space<vmem>>
    %dma_wait3A_1490 = arith.constant 864 : i32
    %dma_wait3A_1491 = tpu.memref_slice %arg5[%dma_wait3A_1490] : memref<1024xi32, #tpu.memory_space<vmem>> -> memref<32xi32, #tpu.memory_space<vmem>>
    %dma_wait3A_1492 = arith.constant 0 : i32
    %dma_wait3A_1493 = arith.constant 0 : i32
    %dma_wait3A_1494 = tpu.memref_slice %arg3[%dma_wait3A_1492, %dma_wait3A_1493] : memref<8192x768xf32, #tpu.memory_space<hbm>> -> memref<8192x768xf32, #tpu.memory_space<hbm>>
    tpu.wait_indirect_dma semaphore(%arg9 : memref<!tpu.dma_semaphore, #tpu.memory_space<semaphore_mem>>) src(%dma_wait3A_1494 : memref<8192x768xf32, #tpu.memory_space<hbm>>) dst(%dma_wait3A_1489 : memref<32x768xf32, #tpu.memory_space<vmem>>)
    %add3A_1495 = arith.constant 864 : i32
    %add3A_1496 = arith.addi %mul3A_32, %add3A_1495 : i32
    %dma_start3A_1497 = arith.constant 2 : i32
    %dma_start3A_1498 = arith.constant 0 : i32
    %dma_start3A_1499 = arith.constant 0 : i32
    %dma_start3A_1500 = tpu.memref_slice %arg6[%dma_start3A_1497, %dma_start3A_1498, %dma_start3A_1499] : memref<5x32x768xf32, #tpu.memory_space<vmem>> -> memref<1x32x768xf32, #tpu.memory_space<vmem>>
    %dma_start3A_1501 = tpu.memref_squeeze %dma_start3A_1500 : memref<1x32x768xf32, #tpu.memory_space<vmem>> -> memref<32x768xf32, #tpu.memory_space<vmem>>
    %dma_start3A_1502 = arith.constant 0 : i32
    %dma_start3A_1503 = tpu.memref_slice %arg4[%select_n3A, %add3A_1496, %dma_start3A_1502] : memref<4x8192x768xf32, #tpu.memory_space<hbm>> -> memref<1x32x768xf32, #tpu.memory_space<hbm>>
    %dma_start3A_1504 = tpu.memref_squeeze %dma_start3A_1503 : memref<1x32x768xf32, #tpu.memory_space<hbm>> -> memref<32x768xf32, #tpu.memory_space<hbm>>
    %dma_start3A_1505 = arith.constant 0 : i32
    %dma_start3A_1506 = tpu.memref_slice %arg4[%select_n3A, %add3A_1496, %dma_start3A_1505] : memref<4x8192x768xf32, #tpu.memory_space<hbm>> -> memref<1x32x768xf32, #tpu.memory_space<hbm>>
    %dma_start3A_1507 = tpu.memref_squeeze %dma_start3A_1506 : memref<1x32x768xf32, #tpu.memory_space<hbm>> -> memref<32x768xf32, #tpu.memory_space<hbm>>
    %dma_start3A_1508 = arith.constant 0 : i32
    %dma_start3A_1509 = arith.constant 0 : i32
    %dma_start3A_1510 = tpu.memref_slice %arg6[%dma_start3A_1497, %dma_start3A_1508, %dma_start3A_1509] : memref<5x32x768xf32, #tpu.memory_space<vmem>> -> memref<1x32x768xf32, #tpu.memory_space<vmem>>
    %dma_start3A_1511 = tpu.memref_squeeze %dma_start3A_1510 : memref<1x32x768xf32, #tpu.memory_space<vmem>> -> memref<32x768xf32, #tpu.memory_space<vmem>>
    tpu.enqueue_dma source(%dma_start3A_1511 : memref<32x768xf32, #tpu.memory_space<vmem>>) target(%dma_start3A_1507 : memref<32x768xf32, #tpu.memory_space<hbm>>) target_semaphore(%arg14 : memref<!tpu.dma_semaphore, #tpu.memory_space<semaphore_mem>>)
    %dma_wait3A_1512 = arith.constant 3 : i32
    %dma_wait3A_1513 = arith.constant 0 : i32
    %dma_wait3A_1514 = arith.constant 0 : i32
    %dma_wait3A_1515 = tpu.memref_slice %arg6[%dma_wait3A_1512, %dma_wait3A_1513, %dma_wait3A_1514] : memref<5x32x768xf32, #tpu.memory_space<vmem>> -> memref<1x32x768xf32, #tpu.memory_space<vmem>>
    %dma_wait3A_1516 = tpu.memref_squeeze %dma_wait3A_1515 : memref<1x32x768xf32, #tpu.memory_space<vmem>> -> memref<32x768xf32, #tpu.memory_space<vmem>>
    %dma_wait3A_1517 = arith.constant 896 : i32
    %dma_wait3A_1518 = tpu.memref_slice %arg5[%dma_wait3A_1517] : memref<1024xi32, #tpu.memory_space<vmem>> -> memref<32xi32, #tpu.memory_space<vmem>>
    %dma_wait3A_1519 = arith.constant 0 : i32
    %dma_wait3A_1520 = arith.constant 0 : i32
    %dma_wait3A_1521 = tpu.memref_slice %arg3[%dma_wait3A_1519, %dma_wait3A_1520] : memref<8192x768xf32, #tpu.memory_space<hbm>> -> memref<8192x768xf32, #tpu.memory_space<hbm>>
    tpu.wait_indirect_dma semaphore(%arg10 : memref<!tpu.dma_semaphore, #tpu.memory_space<semaphore_mem>>) src(%dma_wait3A_1521 : memref<8192x768xf32, #tpu.memory_space<hbm>>) dst(%dma_wait3A_1516 : memref<32x768xf32, #tpu.memory_space<vmem>>)
    %add3A_1522 = arith.constant 896 : i32
    %add3A_1523 = arith.addi %mul3A_32, %add3A_1522 : i32
    %dma_start3A_1524 = arith.constant 3 : i32
    %dma_start3A_1525 = arith.constant 0 : i32
    %dma_start3A_1526 = arith.constant 0 : i32
    %dma_start3A_1527 = tpu.memref_slice %arg6[%dma_start3A_1524, %dma_start3A_1525, %dma_start3A_1526] : memref<5x32x768xf32, #tpu.memory_space<vmem>> -> memref<1x32x768xf32, #tpu.memory_space<vmem>>
    %dma_start3A_1528 = tpu.memref_squeeze %dma_start3A_1527 : memref<1x32x768xf32, #tpu.memory_space<vmem>> -> memref<32x768xf32, #tpu.memory_space<vmem>>
    %dma_start3A_1529 = arith.constant 0 : i32
    %dma_start3A_1530 = tpu.memref_slice %arg4[%select_n3A, %add3A_1523, %dma_start3A_1529] : memref<4x8192x768xf32, #tpu.memory_space<hbm>> -> memref<1x32x768xf32, #tpu.memory_space<hbm>>
    %dma_start3A_1531 = tpu.memref_squeeze %dma_start3A_1530 : memref<1x32x768xf32, #tpu.memory_space<hbm>> -> memref<32x768xf32, #tpu.memory_space<hbm>>
    %dma_start3A_1532 = arith.constant 0 : i32
    %dma_start3A_1533 = tpu.memref_slice %arg4[%select_n3A, %add3A_1523, %dma_start3A_1532] : memref<4x8192x768xf32, #tpu.memory_space<hbm>> -> memref<1x32x768xf32, #tpu.memory_space<hbm>>
    %dma_start3A_1534 = tpu.memref_squeeze %dma_start3A_1533 : memref<1x32x768xf32, #tpu.memory_space<hbm>> -> memref<32x768xf32, #tpu.memory_space<hbm>>
    %dma_start3A_1535 = arith.constant 0 : i32
    %dma_start3A_1536 = arith.constant 0 : i32
    %dma_start3A_1537 = tpu.memref_slice %arg6[%dma_start3A_1524, %dma_start3A_1535, %dma_start3A_1536] : memref<5x32x768xf32, #tpu.memory_space<vmem>> -> memref<1x32x768xf32, #tpu.memory_space<vmem>>
    %dma_start3A_1538 = tpu.memref_squeeze %dma_start3A_1537 : memref<1x32x768xf32, #tpu.memory_space<vmem>> -> memref<32x768xf32, #tpu.memory_space<vmem>>
    tpu.enqueue_dma source(%dma_start3A_1538 : memref<32x768xf32, #tpu.memory_space<vmem>>) target(%dma_start3A_1534 : memref<32x768xf32, #tpu.memory_space<hbm>>) target_semaphore(%arg15 : memref<!tpu.dma_semaphore, #tpu.memory_space<semaphore_mem>>)
    %dma_wait3A_1539 = arith.constant 4 : i32
    %dma_wait3A_1540 = arith.constant 0 : i32
    %dma_wait3A_1541 = arith.constant 0 : i32
    %dma_wait3A_1542 = tpu.memref_slice %arg6[%dma_wait3A_1539, %dma_wait3A_1540, %dma_wait3A_1541] : memref<5x32x768xf32, #tpu.memory_space<vmem>> -> memref<1x32x768xf32, #tpu.memory_space<vmem>>
    %dma_wait3A_1543 = tpu.memref_squeeze %dma_wait3A_1542 : memref<1x32x768xf32, #tpu.memory_space<vmem>> -> memref<32x768xf32, #tpu.memory_space<vmem>>
    %dma_wait3A_1544 = arith.constant 928 : i32
    %dma_wait3A_1545 = tpu.memref_slice %arg5[%dma_wait3A_1544] : memref<1024xi32, #tpu.memory_space<vmem>> -> memref<32xi32, #tpu.memory_space<vmem>>
    %dma_wait3A_1546 = arith.constant 0 : i32
    %dma_wait3A_1547 = arith.constant 0 : i32
    %dma_wait3A_1548 = tpu.memref_slice %arg3[%dma_wait3A_1546, %dma_wait3A_1547] : memref<8192x768xf32, #tpu.memory_space<hbm>> -> memref<8192x768xf32, #tpu.memory_space<hbm>>
    tpu.wait_indirect_dma semaphore(%arg11 : memref<!tpu.dma_semaphore, #tpu.memory_space<semaphore_mem>>) src(%dma_wait3A_1548 : memref<8192x768xf32, #tpu.memory_space<hbm>>) dst(%dma_wait3A_1543 : memref<32x768xf32, #tpu.memory_space<vmem>>)
    %add3A_1549 = arith.constant 928 : i32
    %add3A_1550 = arith.addi %mul3A_32, %add3A_1549 : i32
    %dma_start3A_1551 = arith.constant 4 : i32
    %dma_start3A_1552 = arith.constant 0 : i32
    %dma_start3A_1553 = arith.constant 0 : i32
    %dma_start3A_1554 = tpu.memref_slice %arg6[%dma_start3A_1551, %dma_start3A_1552, %dma_start3A_1553] : memref<5x32x768xf32, #tpu.memory_space<vmem>> -> memref<1x32x768xf32, #tpu.memory_space<vmem>>
    %dma_start3A_1555 = tpu.memref_squeeze %dma_start3A_1554 : memref<1x32x768xf32, #tpu.memory_space<vmem>> -> memref<32x768xf32, #tpu.memory_space<vmem>>
    %dma_start3A_1556 = arith.constant 0 : i32
    %dma_start3A_1557 = tpu.memref_slice %arg4[%select_n3A, %add3A_1550, %dma_start3A_1556] : memref<4x8192x768xf32, #tpu.memory_space<hbm>> -> memref<1x32x768xf32, #tpu.memory_space<hbm>>
    %dma_start3A_1558 = tpu.memref_squeeze %dma_start3A_1557 : memref<1x32x768xf32, #tpu.memory_space<hbm>> -> memref<32x768xf32, #tpu.memory_space<hbm>>
    %dma_start3A_1559 = arith.constant 0 : i32
    %dma_start3A_1560 = tpu.memref_slice %arg4[%select_n3A, %add3A_1550, %dma_start3A_1559] : memref<4x8192x768xf32, #tpu.memory_space<hbm>> -> memref<1x32x768xf32, #tpu.memory_space<hbm>>
    %dma_start3A_1561 = tpu.memref_squeeze %dma_start3A_1560 : memref<1x32x768xf32, #tpu.memory_space<hbm>> -> memref<32x768xf32, #tpu.memory_space<hbm>>
    %dma_start3A_1562 = arith.constant 0 : i32
    %dma_start3A_1563 = arith.constant 0 : i32
    %dma_start3A_1564 = tpu.memref_slice %arg6[%dma_start3A_1551, %dma_start3A_1562, %dma_start3A_1563] : memref<5x32x768xf32, #tpu.memory_space<vmem>> -> memref<1x32x768xf32, #tpu.memory_space<vmem>>
    %dma_start3A_1565 = tpu.memref_squeeze %dma_start3A_1564 : memref<1x32x768xf32, #tpu.memory_space<vmem>> -> memref<32x768xf32, #tpu.memory_space<vmem>>
    tpu.enqueue_dma source(%dma_start3A_1565 : memref<32x768xf32, #tpu.memory_space<vmem>>) target(%dma_start3A_1561 : memref<32x768xf32, #tpu.memory_space<hbm>>) target_semaphore(%arg16 : memref<!tpu.dma_semaphore, #tpu.memory_space<semaphore_mem>>)
    %dma_wait3A_1566 = arith.constant 0 : i32
    %dma_wait3A_1567 = arith.constant 0 : i32
    %dma_wait3A_1568 = arith.constant 0 : i32
    %dma_wait3A_1569 = tpu.memref_slice %arg6[%dma_wait3A_1566, %dma_wait3A_1567, %dma_wait3A_1568] : memref<5x32x768xf32, #tpu.memory_space<vmem>> -> memref<1x32x768xf32, #tpu.memory_space<vmem>>
    %dma_wait3A_1570 = tpu.memref_squeeze %dma_wait3A_1569 : memref<1x32x768xf32, #tpu.memory_space<vmem>> -> memref<32x768xf32, #tpu.memory_space<vmem>>
    %dma_wait3A_1571 = arith.constant 960 : i32
    %dma_wait3A_1572 = tpu.memref_slice %arg5[%dma_wait3A_1571] : memref<1024xi32, #tpu.memory_space<vmem>> -> memref<32xi32, #tpu.memory_space<vmem>>
    %dma_wait3A_1573 = arith.constant 0 : i32
    %dma_wait3A_1574 = arith.constant 0 : i32
    %dma_wait3A_1575 = tpu.memref_slice %arg3[%dma_wait3A_1573, %dma_wait3A_1574] : memref<8192x768xf32, #tpu.memory_space<hbm>> -> memref<8192x768xf32, #tpu.memory_space<hbm>>
    tpu.wait_indirect_dma semaphore(%arg7 : memref<!tpu.dma_semaphore, #tpu.memory_space<semaphore_mem>>) src(%dma_wait3A_1575 : memref<8192x768xf32, #tpu.memory_space<hbm>>) dst(%dma_wait3A_1570 : memref<32x768xf32, #tpu.memory_space<vmem>>)
    %add3A_1576 = arith.constant 960 : i32
    %add3A_1577 = arith.addi %mul3A_32, %add3A_1576 : i32
    %dma_start3A_1578 = arith.constant 0 : i32
    %dma_start3A_1579 = arith.constant 0 : i32
    %dma_start3A_1580 = arith.constant 0 : i32
    %dma_start3A_1581 = tpu.memref_slice %arg6[%dma_start3A_1578, %dma_start3A_1579, %dma_start3A_1580] : memref<5x32x768xf32, #tpu.memory_space<vmem>> -> memref<1x32x768xf32, #tpu.memory_space<vmem>>
    %dma_start3A_1582 = tpu.memref_squeeze %dma_start3A_1581 : memref<1x32x768xf32, #tpu.memory_space<vmem>> -> memref<32x768xf32, #tpu.memory_space<vmem>>
    %dma_start3A_1583 = arith.constant 0 : i32
    %dma_start3A_1584 = tpu.memref_slice %arg4[%select_n3A, %add3A_1577, %dma_start3A_1583] : memref<4x8192x768xf32, #tpu.memory_space<hbm>> -> memref<1x32x768xf32, #tpu.memory_space<hbm>>
    %dma_start3A_1585 = tpu.memref_squeeze %dma_start3A_1584 : memref<1x32x768xf32, #tpu.memory_space<hbm>> -> memref<32x768xf32, #tpu.memory_space<hbm>>
    %dma_start3A_1586 = arith.constant 0 : i32
    %dma_start3A_1587 = tpu.memref_slice %arg4[%select_n3A, %add3A_1577, %dma_start3A_1586] : memref<4x8192x768xf32, #tpu.memory_space<hbm>> -> memref<1x32x768xf32, #tpu.memory_space<hbm>>
    %dma_start3A_1588 = tpu.memref_squeeze %dma_start3A_1587 : memref<1x32x768xf32, #tpu.memory_space<hbm>> -> memref<32x768xf32, #tpu.memory_space<hbm>>
    %dma_start3A_1589 = arith.constant 0 : i32
    %dma_start3A_1590 = arith.constant 0 : i32
    %dma_start3A_1591 = tpu.memref_slice %arg6[%dma_start3A_1578, %dma_start3A_1589, %dma_start3A_1590] : memref<5x32x768xf32, #tpu.memory_space<vmem>> -> memref<1x32x768xf32, #tpu.memory_space<vmem>>
    %dma_start3A_1592 = tpu.memref_squeeze %dma_start3A_1591 : memref<1x32x768xf32, #tpu.memory_space<vmem>> -> memref<32x768xf32, #tpu.memory_space<vmem>>
    tpu.enqueue_dma source(%dma_start3A_1592 : memref<32x768xf32, #tpu.memory_space<vmem>>) target(%dma_start3A_1588 : memref<32x768xf32, #tpu.memory_space<hbm>>) target_semaphore(%arg12 : memref<!tpu.dma_semaphore, #tpu.memory_space<semaphore_mem>>)
    %dma_wait3A_1593 = arith.constant 1 : i32
    %dma_wait3A_1594 = arith.constant 0 : i32
    %dma_wait3A_1595 = arith.constant 0 : i32
    %dma_wait3A_1596 = tpu.memref_slice %arg6[%dma_wait3A_1593, %dma_wait3A_1594, %dma_wait3A_1595] : memref<5x32x768xf32, #tpu.memory_space<vmem>> -> memref<1x32x768xf32, #tpu.memory_space<vmem>>
    %dma_wait3A_1597 = tpu.memref_squeeze %dma_wait3A_1596 : memref<1x32x768xf32, #tpu.memory_space<vmem>> -> memref<32x768xf32, #tpu.memory_space<vmem>>
    %dma_wait3A_1598 = arith.constant 992 : i32
    %dma_wait3A_1599 = tpu.memref_slice %arg5[%dma_wait3A_1598] : memref<1024xi32, #tpu.memory_space<vmem>> -> memref<32xi32, #tpu.memory_space<vmem>>
    %dma_wait3A_1600 = arith.constant 0 : i32
    %dma_wait3A_1601 = arith.constant 0 : i32
    %dma_wait3A_1602 = tpu.memref_slice %arg3[%dma_wait3A_1600, %dma_wait3A_1601] : memref<8192x768xf32, #tpu.memory_space<hbm>> -> memref<8192x768xf32, #tpu.memory_space<hbm>>
    tpu.wait_indirect_dma semaphore(%arg8 : memref<!tpu.dma_semaphore, #tpu.memory_space<semaphore_mem>>) src(%dma_wait3A_1602 : memref<8192x768xf32, #tpu.memory_space<hbm>>) dst(%dma_wait3A_1597 : memref<32x768xf32, #tpu.memory_space<vmem>>)
    %add3A_1603 = arith.constant 992 : i32
    %add3A_1604 = arith.addi %mul3A_32, %add3A_1603 : i32
    %dma_start3A_1605 = arith.constant 1 : i32
    %dma_start3A_1606 = arith.constant 0 : i32
    %dma_start3A_1607 = arith.constant 0 : i32
    %dma_start3A_1608 = tpu.memref_slice %arg6[%dma_start3A_1605, %dma_start3A_1606, %dma_start3A_1607] : memref<5x32x768xf32, #tpu.memory_space<vmem>> -> memref<1x32x768xf32, #tpu.memory_space<vmem>>
    %dma_start3A_1609 = tpu.memref_squeeze %dma_start3A_1608 : memref<1x32x768xf32, #tpu.memory_space<vmem>> -> memref<32x768xf32, #tpu.memory_space<vmem>>
    %dma_start3A_1610 = arith.constant 0 : i32
    %dma_start3A_1611 = tpu.memref_slice %arg4[%select_n3A, %add3A_1604, %dma_start3A_1610] : memref<4x8192x768xf32, #tpu.memory_space<hbm>> -> memref<1x32x768xf32, #tpu.memory_space<hbm>>
    %dma_start3A_1612 = tpu.memref_squeeze %dma_start3A_1611 : memref<1x32x768xf32, #tpu.memory_space<hbm>> -> memref<32x768xf32, #tpu.memory_space<hbm>>
    %dma_start3A_1613 = arith.constant 0 : i32
    %dma_start3A_1614 = tpu.memref_slice %arg4[%select_n3A, %add3A_1604, %dma_start3A_1613] : memref<4x8192x768xf32, #tpu.memory_space<hbm>> -> memref<1x32x768xf32, #tpu.memory_space<hbm>>
    %dma_start3A_1615 = tpu.memref_squeeze %dma_start3A_1614 : memref<1x32x768xf32, #tpu.memory_space<hbm>> -> memref<32x768xf32, #tpu.memory_space<hbm>>
    %dma_start3A_1616 = arith.constant 0 : i32
    %dma_start3A_1617 = arith.constant 0 : i32
    %dma_start3A_1618 = tpu.memref_slice %arg6[%dma_start3A_1605, %dma_start3A_1616, %dma_start3A_1617] : memref<5x32x768xf32, #tpu.memory_space<vmem>> -> memref<1x32x768xf32, #tpu.memory_space<vmem>>
    %dma_start3A_1619 = tpu.memref_squeeze %dma_start3A_1618 : memref<1x32x768xf32, #tpu.memory_space<vmem>> -> memref<32x768xf32, #tpu.memory_space<vmem>>
    tpu.enqueue_dma source(%dma_start3A_1619 : memref<32x768xf32, #tpu.memory_space<vmem>>) target(%dma_start3A_1615 : memref<32x768xf32, #tpu.memory_space<hbm>>) target_semaphore(%arg13 : memref<!tpu.dma_semaphore, #tpu.memory_space<semaphore_mem>>)
    %dma_wait3A_1620 = arith.constant 2 : i32
    %dma_wait3A_1621 = arith.constant 0 : i32
    %dma_wait3A_1622 = arith.constant 0 : i32
    %dma_wait3A_1623 = tpu.memref_slice %arg6[%dma_wait3A_1620, %dma_wait3A_1621, %dma_wait3A_1622] : memref<5x32x768xf32, #tpu.memory_space<vmem>> -> memref<1x32x768xf32, #tpu.memory_space<vmem>>
    %dma_wait3A_1624 = tpu.memref_squeeze %dma_wait3A_1623 : memref<1x32x768xf32, #tpu.memory_space<vmem>> -> memref<32x768xf32, #tpu.memory_space<vmem>>
    %dma_wait3A_1625 = arith.constant 0 : i32
    %dma_wait3A_1626 = tpu.memref_slice %arg4[%select_n3A, %add3A_1496, %dma_wait3A_1625] : memref<4x8192x768xf32, #tpu.memory_space<hbm>> -> memref<1x32x768xf32, #tpu.memory_space<hbm>>
    %dma_wait3A_1627 = tpu.memref_squeeze %dma_wait3A_1626 : memref<1x32x768xf32, #tpu.memory_space<hbm>> -> memref<32x768xf32, #tpu.memory_space<hbm>>
    %dma_wait3A_1628 = arith.constant 0 : i32
    %dma_wait3A_1629 = tpu.memref_slice %arg4[%select_n3A, %add3A_1496, %dma_wait3A_1628] : memref<4x8192x768xf32, #tpu.memory_space<hbm>> -> memref<1x32x768xf32, #tpu.memory_space<hbm>>
    %dma_wait3A_1630 = tpu.memref_squeeze %dma_wait3A_1629 : memref<1x32x768xf32, #tpu.memory_space<hbm>> -> memref<32x768xf32, #tpu.memory_space<hbm>>
    %dma_wait3A_1631 = arith.constant 0 : i32
    %dma_wait3A_1632 = arith.constant 0 : i32
    %dma_wait3A_1633 = tpu.memref_slice %arg6[%dma_wait3A_1620, %dma_wait3A_1631, %dma_wait3A_1632] : memref<5x32x768xf32, #tpu.memory_space<vmem>> -> memref<1x32x768xf32, #tpu.memory_space<vmem>>
    %dma_wait3A_1634 = tpu.memref_squeeze %dma_wait3A_1633 : memref<1x32x768xf32, #tpu.memory_space<vmem>> -> memref<32x768xf32, #tpu.memory_space<vmem>>
    tpu.wait_dma2 semaphore(%arg14 : memref<!tpu.dma_semaphore, #tpu.memory_space<semaphore_mem>>) src(%dma_wait3A_1634 : memref<32x768xf32, #tpu.memory_space<vmem>>) dst(%dma_wait3A_1630 : memref<32x768xf32, #tpu.memory_space<hbm>>)
    %dma_wait3A_1635 = arith.constant 3 : i32
    %dma_wait3A_1636 = arith.constant 0 : i32
    %dma_wait3A_1637 = arith.constant 0 : i32
    %dma_wait3A_1638 = tpu.memref_slice %arg6[%dma_wait3A_1635, %dma_wait3A_1636, %dma_wait3A_1637] : memref<5x32x768xf32, #tpu.memory_space<vmem>> -> memref<1x32x768xf32, #tpu.memory_space<vmem>>
    %dma_wait3A_1639 = tpu.memref_squeeze %dma_wait3A_1638 : memref<1x32x768xf32, #tpu.memory_space<vmem>> -> memref<32x768xf32, #tpu.memory_space<vmem>>
    %dma_wait3A_1640 = arith.constant 0 : i32
    %dma_wait3A_1641 = tpu.memref_slice %arg4[%select_n3A, %add3A_1523, %dma_wait3A_1640] : memref<4x8192x768xf32, #tpu.memory_space<hbm>> -> memref<1x32x768xf32, #tpu.memory_space<hbm>>
    %dma_wait3A_1642 = tpu.memref_squeeze %dma_wait3A_1641 : memref<1x32x768xf32, #tpu.memory_space<hbm>> -> memref<32x768xf32, #tpu.memory_space<hbm>>
    %dma_wait3A_1643 = arith.constant 0 : i32
    %dma_wait3A_1644 = tpu.memref_slice %arg4[%select_n3A, %add3A_1523, %dma_wait3A_1643] : memref<4x8192x768xf32, #tpu.memory_space<hbm>> -> memref<1x32x768xf32, #tpu.memory_space<hbm>>
    %dma_wait3A_1645 = tpu.memref_squeeze %dma_wait3A_1644 : memref<1x32x768xf32, #tpu.memory_space<hbm>> -> memref<32x768xf32, #tpu.memory_space<hbm>>
    %dma_wait3A_1646 = arith.constant 0 : i32
    %dma_wait3A_1647 = arith.constant 0 : i32
    %dma_wait3A_1648 = tpu.memref_slice %arg6[%dma_wait3A_1635, %dma_wait3A_1646, %dma_wait3A_1647] : memref<5x32x768xf32, #tpu.memory_space<vmem>> -> memref<1x32x768xf32, #tpu.memory_space<vmem>>
    %dma_wait3A_1649 = tpu.memref_squeeze %dma_wait3A_1648 : memref<1x32x768xf32, #tpu.memory_space<vmem>> -> memref<32x768xf32, #tpu.memory_space<vmem>>
    tpu.wait_dma2 semaphore(%arg15 : memref<!tpu.dma_semaphore, #tpu.memory_space<semaphore_mem>>) src(%dma_wait3A_1649 : memref<32x768xf32, #tpu.memory_space<vmem>>) dst(%dma_wait3A_1645 : memref<32x768xf32, #tpu.memory_space<hbm>>)
    %dma_wait3A_1650 = arith.constant 4 : i32
    %dma_wait3A_1651 = arith.constant 0 : i32
    %dma_wait3A_1652 = arith.constant 0 : i32
    %dma_wait3A_1653 = tpu.memref_slice %arg6[%dma_wait3A_1650, %dma_wait3A_1651, %dma_wait3A_1652] : memref<5x32x768xf32, #tpu.memory_space<vmem>> -> memref<1x32x768xf32, #tpu.memory_space<vmem>>
    %dma_wait3A_1654 = tpu.memref_squeeze %dma_wait3A_1653 : memref<1x32x768xf32, #tpu.memory_space<vmem>> -> memref<32x768xf32, #tpu.memory_space<vmem>>
    %dma_wait3A_1655 = arith.constant 0 : i32
    %dma_wait3A_1656 = tpu.memref_slice %arg4[%select_n3A, %add3A_1550, %dma_wait3A_1655] : memref<4x8192x768xf32, #tpu.memory_space<hbm>> -> memref<1x32x768xf32, #tpu.memory_space<hbm>>
    %dma_wait3A_1657 = tpu.memref_squeeze %dma_wait3A_1656 : memref<1x32x768xf32, #tpu.memory_space<hbm>> -> memref<32x768xf32, #tpu.memory_space<hbm>>
    %dma_wait3A_1658 = arith.constant 0 : i32
    %dma_wait3A_1659 = tpu.memref_slice %arg4[%select_n3A, %add3A_1550, %dma_wait3A_1658] : memref<4x8192x768xf32, #tpu.memory_space<hbm>> -> memref<1x32x768xf32, #tpu.memory_space<hbm>>
    %dma_wait3A_1660 = tpu.memref_squeeze %dma_wait3A_1659 : memref<1x32x768xf32, #tpu.memory_space<hbm>> -> memref<32x768xf32, #tpu.memory_space<hbm>>
    %dma_wait3A_1661 = arith.constant 0 : i32
    %dma_wait3A_1662 = arith.constant 0 : i32
    %dma_wait3A_1663 = tpu.memref_slice %arg6[%dma_wait3A_1650, %dma_wait3A_1661, %dma_wait3A_1662] : memref<5x32x768xf32, #tpu.memory_space<vmem>> -> memref<1x32x768xf32, #tpu.memory_space<vmem>>
    %dma_wait3A_1664 = tpu.memref_squeeze %dma_wait3A_1663 : memref<1x32x768xf32, #tpu.memory_space<vmem>> -> memref<32x768xf32, #tpu.memory_space<vmem>>
    tpu.wait_dma2 semaphore(%arg16 : memref<!tpu.dma_semaphore, #tpu.memory_space<semaphore_mem>>) src(%dma_wait3A_1664 : memref<32x768xf32, #tpu.memory_space<vmem>>) dst(%dma_wait3A_1660 : memref<32x768xf32, #tpu.memory_space<hbm>>)
    %dma_wait3A_1665 = arith.constant 0 : i32
    %dma_wait3A_1666 = arith.constant 0 : i32
    %dma_wait3A_1667 = arith.constant 0 : i32
    %dma_wait3A_1668 = tpu.memref_slice %arg6[%dma_wait3A_1665, %dma_wait3A_1666, %dma_wait3A_1667] : memref<5x32x768xf32, #tpu.memory_space<vmem>> -> memref<1x32x768xf32, #tpu.memory_space<vmem>>
    %dma_wait3A_1669 = tpu.memref_squeeze %dma_wait3A_1668 : memref<1x32x768xf32, #tpu.memory_space<vmem>> -> memref<32x768xf32, #tpu.memory_space<vmem>>
    %dma_wait3A_1670 = arith.constant 0 : i32
    %dma_wait3A_1671 = tpu.memref_slice %arg4[%select_n3A, %add3A_1577, %dma_wait3A_1670] : memref<4x8192x768xf32, #tpu.memory_space<hbm>> -> memref<1x32x768xf32, #tpu.memory_space<hbm>>
    %dma_wait3A_1672 = tpu.memref_squeeze %dma_wait3A_1671 : memref<1x32x768xf32, #tpu.memory_space<hbm>> -> memref<32x768xf32, #tpu.memory_space<hbm>>
    %dma_wait3A_1673 = arith.constant 0 : i32
    %dma_wait3A_1674 = tpu.memref_slice %arg4[%select_n3A, %add3A_1577, %dma_wait3A_1673] : memref<4x8192x768xf32, #tpu.memory_space<hbm>> -> memref<1x32x768xf32, #tpu.memory_space<hbm>>
    %dma_wait3A_1675 = tpu.memref_squeeze %dma_wait3A_1674 : memref<1x32x768xf32, #tpu.memory_space<hbm>> -> memref<32x768xf32, #tpu.memory_space<hbm>>
    %dma_wait3A_1676 = arith.constant 0 : i32
    %dma_wait3A_1677 = arith.constant 0 : i32
    %dma_wait3A_1678 = tpu.memref_slice %arg6[%dma_wait3A_1665, %dma_wait3A_1676, %dma_wait3A_1677] : memref<5x32x768xf32, #tpu.memory_space<vmem>> -> memref<1x32x768xf32, #tpu.memory_space<vmem>>
    %dma_wait3A_1679 = tpu.memref_squeeze %dma_wait3A_1678 : memref<1x32x768xf32, #tpu.memory_space<vmem>> -> memref<32x768xf32, #tpu.memory_space<vmem>>
    tpu.wait_dma2 semaphore(%arg12 : memref<!tpu.dma_semaphore, #tpu.memory_space<semaphore_mem>>) src(%dma_wait3A_1679 : memref<32x768xf32, #tpu.memory_space<vmem>>) dst(%dma_wait3A_1675 : memref<32x768xf32, #tpu.memory_space<hbm>>)
    %dma_wait3A_1680 = arith.constant 1 : i32
    %dma_wait3A_1681 = arith.constant 0 : i32
    %dma_wait3A_1682 = arith.constant 0 : i32
    %dma_wait3A_1683 = tpu.memref_slice %arg6[%dma_wait3A_1680, %dma_wait3A_1681, %dma_wait3A_1682] : memref<5x32x768xf32, #tpu.memory_space<vmem>> -> memref<1x32x768xf32, #tpu.memory_space<vmem>>
    %dma_wait3A_1684 = tpu.memref_squeeze %dma_wait3A_1683 : memref<1x32x768xf32, #tpu.memory_space<vmem>> -> memref<32x768xf32, #tpu.memory_space<vmem>>
    %dma_wait3A_1685 = arith.constant 0 : i32
    %dma_wait3A_1686 = tpu.memref_slice %arg4[%select_n3A, %add3A_1604, %dma_wait3A_1685] : memref<4x8192x768xf32, #tpu.memory_space<hbm>> -> memref<1x32x768xf32, #tpu.memory_space<hbm>>
    %dma_wait3A_1687 = tpu.memref_squeeze %dma_wait3A_1686 : memref<1x32x768xf32, #tpu.memory_space<hbm>> -> memref<32x768xf32, #tpu.memory_space<hbm>>
    %dma_wait3A_1688 = arith.constant 0 : i32
    %dma_wait3A_1689 = tpu.memref_slice %arg4[%select_n3A, %add3A_1604, %dma_wait3A_1688] : memref<4x8192x768xf32, #tpu.memory_space<hbm>> -> memref<1x32x768xf32, #tpu.memory_space<hbm>>
    %dma_wait3A_1690 = tpu.memref_squeeze %dma_wait3A_1689 : memref<1x32x768xf32, #tpu.memory_space<hbm>> -> memref<32x768xf32, #tpu.memory_space<hbm>>
    %dma_wait3A_1691 = arith.constant 0 : i32
    %dma_wait3A_1692 = arith.constant 0 : i32
    %dma_wait3A_1693 = tpu.memref_slice %arg6[%dma_wait3A_1680, %dma_wait3A_1691, %dma_wait3A_1692] : memref<5x32x768xf32, #tpu.memory_space<vmem>> -> memref<1x32x768xf32, #tpu.memory_space<vmem>>
    %dma_wait3A_1694 = tpu.memref_squeeze %dma_wait3A_1693 : memref<1x32x768xf32, #tpu.memory_space<vmem>> -> memref<32x768xf32, #tpu.memory_space<vmem>>
    tpu.wait_dma2 semaphore(%arg13 : memref<!tpu.dma_semaphore, #tpu.memory_space<semaphore_mem>>) src(%dma_wait3A_1694 : memref<32x768xf32, #tpu.memory_space<vmem>>) dst(%dma_wait3A_1690 : memref<32x768xf32, #tpu.memory_space<hbm>>)
    return
  }
}

</mosaic_0001>

<sc_bundles>
// kernel: kernel.3.cloned.1.call-start
scs
__scs_entry_jumppad:
0x0: {  	(pc) =	sbr.rel $0x88, $3  }
0x1: {  	(tag) =	ssettag $0x0;
	lr =	simm.s32 $0x1  }
0x2: {  	[smem:$0x3F9F] =	sst lr;
	_ =	strace $0xD0000000  }
0x3: {  	_ = 	snop  }
0x4: {  	_ = 	snop  }
0x5: {  	_ = 	snop  }
0x6: {  	_ = 	snop  }
0x7: {  	_ = 	snop  }
__scs_overlays_trampoline_lowered:
0x8: {  	[smem:$0x3FAE] =	sst s0  }
0x9: {  	[smem:$0x3FAF] =	sst s1  }
0xa: {  	[smem:$0x3FB0] =	sst s2  }
0xb: {  	[smem:$0x3FB1] =	sst s3  }
0xc: {  	[smem:$0x3FB2] =	sst s4  }
0xd: {  	[smem:$0x3FB3] =	sst s5  }
0xe: {  	[smem:$0x3FB4] =	sst s6  }
0xf: {  	[smem:$0x3FB5] =	sst s7  }
0x10: {  	[smem:$0x3FB6] =	sst s8  }
0x11: {  	[smem:$0x3FB7] =	sst s9;
	s0 =	simm.s32 @!p0 $0x0  }
0x12: {  	s1 =	sld [smem:$0x3F9D];
	s0 =	simm.s32 @p0 $0x1  }
0x13: {  	[smem:$0x3FB8] =	sst s0;
	s0 =	simm.s32 @!p1 $0x0  }
0x14: {  	s2 =	sld [smem:$0x3F9C];
	s0 =	simm.s32 @p1 $0x1  }
0x15: {  	[smem:$0x3FB9] =	sst s0;
	s0 =	simm.s32 @!p2 $0x0  }
0x16: {  	s3 =	sld [smem:$0x3FDB];
	s0 =	simm.s32 @p2 $0x1  }
0x17: {  	s4 =	simm.s32 $0x1BF5;
	[smem:$0x3FBB] =	sst s0  }
0x18: {  	s0 =	sld [smem:$0x3F9E];
	_ =	swait.ge [sflag:s4], $0x0  }
0x19: {  	s7 =	sld [smem:$0x3F9F]  }
0x1a: {  	s8 =	sadd.s32 $0xFFFFE003, lr  }
0x1b: {  	s9 =	sadd.s32 $0xFFFFFEF7, lr;
	s5 =	simm.s32 $0xFFFFFFFF;
	p2 =	slt.u32 s8, $0xFFFFF086  }
0x1c: {  	p1 =	slt.u32 s9, $0xF7A;
	s5 =	simm.s32 @!p2 $0x0  }
0x1d: {  	s5 =	simm.s32 @p1 $0x1;
	p0 =	seq.s32 s7, s2  }
0x1e: {  	s7 =	smul.u32 @!p0 $0xF7A, s2;
	p2 =	seq.s32 @!p0 s5, $0x0  }
0x1f: {  	s9 =	smul.u32 $0xF7A, s1;
	s8 =	simm.s32 @!p0 $0x1BF5;
	p2 =	por !p2, p0  }
0x20: {  	[sflag:s8] =	ssyncset.s32 @!p0 $0xFFFFF086;
	s6 =	sadd.s32 @!p0 s3, s7;
	s7 =	simm.s32 @!p0 $0x108  }
0x21: {  	s3 =	sadd.s32 s3, s9;
	s6 =	sadd.s32 @!p0 $0x88, s6;
	s7 =	simm.s32 @p2 $0x1082  }
0x22: {  	[simem:s7], [sflag:s8] =	dma.local @!p0 [hbm:s6], $0xF7A  }
0x23: {  	s9 =	sor.u32 $0xD0000000, s2;
	s6 =	simm.s32 $0x108;
	_ =	swait.ge @!p0 [sflag:s8], $0x0  }
0x24: {  	s3 =	sadd.s32 $0x88, s3;
	s6 =	simm.s32 @!p1 $0x1082;
	[sflag:s4] =	ssyncset.s32 $0xFFFFF086  }
0x25: {  	[simem:s6], [sflag:s4] =	dma.local [hbm:s3], $0xF7A  }
0x26: {  	[smem:$0x3F9F] =	sst s1;
	(tag) =	ssettag s2;
	_ =	strace s9  }
0x27: {  	s1 =	sld [smem:$0x3FAF]  }
0x28: {  	s2 =	sld [smem:$0x3FB0]  }
0x29: {  	s4 =	sld [smem:$0x3FB2]  }
0x2a: {  	p0 =	seq.s32 s5, $0x0;
	s5 =	sld [smem:$0x3FB3]  }
0x2b: {  	s6 =	sld [smem:$0x3FB4]  }
0x2c: {  	s7 =	sld [smem:$0x3FB5]  }
0x2d: {  	s3 =	simm.s32 $0x108;
	s8 =	sld [smem:$0x3FB6]  }
0x2e: {  	s3 =	simm.s32 @!p0 $0x1082;
	s9 =	sld [smem:$0x3FB7]  }
0x2f: {  	lr =	sadd.s32 s0, s3;
	s0 =	sld [smem:$0x3FAE]  }
0x30: {  	s3 =	sld [smem:$0x3FB1]  }
0x31: {  	[smem:$0x3FBA] =	sst s10  }
0x32: {  	s10 =	sld [smem:$0x3FB8];
	_ =	sdelay $0x3  }
0x33: {  	p0 =	seq.s32 s10, $0x1;
	s10 =	sld [smem:$0x3FBA];
	_ =	sdelay $0x3  }
0x34: {  	[smem:$0x3FBA] =	sst s10  }
0x35: {  	s10 =	sld [smem:$0x3FB9];
	_ =	sdelay $0x3  }
0x36: {  	p1 =	seq.s32 s10, $0x1;
	s10 =	sld [smem:$0x3FBA];
	_ =	sdelay $0x3  }
0x37: {  	[smem:$0x3FBA] =	sst s10  }
0x38: {  	s10 =	sld [smem:$0x3FBB]  }
0x39: {  	_ = 	snop;
	(pc) =	sbr.ind lr, $3  }
0x3a: {  	_ = 	snop  }
0x3b: {  	_ = 	snop  }
0x3c: {  	p2 =	seq.s32 s10, $0x1;
	s10 =	sld [smem:$0x3FBA]  }
0x3d: {  	_ =	shalt  }
0x3e: {  	_ =	shalt  }
0x3f: {  	_ =	shalt  }
0x40: {  	_ =	shalt  }
0x41: {  	_ =	shalt  }
0x42: {  	_ =	shalt  }
0x43: {  	_ =	shalt  }
0x44: {  	_ =	shalt  }
0x45: {  	_ =	shalt  }
0x46: {  	_ =	shalt  }
0x47: {  	_ =	shalt  }
0x48: {  	_ =	shalt  }
0x49: {  	_ =	shalt  }
0x4a: {  	_ =	shalt  }
0x4b: {  	_ =	shalt  }
0x4c: {  	_ =	shalt  }
0x4d: {  	_ =	shalt  }
0x4e: {  	_ =	shalt  }
0x4f: {  	_ =	shalt  }
0x50: {  	_ =	shalt  }
0x51: {  	_ =	shalt  }
0x52: {  	_ =	shalt  }
0x53: {  	_ =	shalt  }
0x54: {  	_ =	shalt  }
0x55: {  	_ =	shalt  }
0x56: {  	_ =	shalt  }
0x57: {  	_ =	shalt  }
0x58: {  	_ =	shalt  }
0x59: {  	_ =	shalt  }
0x5a: {  	_ =	shalt  }
0x5b: {  	_ =	shalt  }
0x5c: {  	_ =	shalt  }
0x5d: {  	_ =	shalt  }
0x5e: {  	_ =	shalt  }
0x5f: {  	_ =	shalt  }
0x60: {  	_ =	shalt  }
0x61: {  	_ =	shalt  }
0x62: {  	_ =	shalt  }
0x63: {  	_ =	shalt  }
0x64: {  	_ =	shalt  }
0x65: {  	_ =	shalt  }
0x66: {  	_ =	shalt  }
0x67: {  	_ =	shalt  }
0x68: {  	_ =	shalt  }
0x69: {  	_ =	shalt  }
0x6a: {  	_ =	shalt  }
0x6b: {  	_ =	shalt  }
0x6c: {  	_ =	shalt  }
0x6d: {  	_ =	shalt  }
0x6e: {  	_ =	shalt  }
0x6f: {  	_ =	shalt  }
0x70: {  	_ =	shalt  }
0x71: {  	_ =	shalt  }
0x72: {  	_ =	shalt  }
0x73: {  	_ =	shalt  }
0x74: {  	_ =	shalt  }
0x75: {  	_ =	shalt  }
0x76: {  	_ =	shalt  }
0x77: {  	_ =	shalt  }
0x78: {  	_ =	shalt  }
0x79: {  	_ =	shalt  }
0x7a: {  	_ =	shalt  }
0x7b: {  	_ =	shalt  }
0x7c: {  	_ =	shalt  }
0x7d: {  	_ =	shalt  }
0x7e: {  	_ =	shalt  }
0x7f: {  	_ =	shalt  }
0x80: {  	_ =	shalt  }
0x81: {  	_ =	shalt  }
0x82: {  	_ =	shalt  }
0x83: {  	_ =	shalt  }
0x84: {  	_ =	shalt  }
0x85: {  	_ =	shalt  }
0x86: {  	_ =	shalt  }
0x87: {  	_ =	shalt  }
.Lfunc_end0:
.L_simem_size_0:
called_computation_lowered:
.L_overlay_start_0:
0x88: {  	s2 =	sld [smem:$0x3FD9]  }
0x89: {  	s3 =	sld [smem:$0x3FFE];
	_ =	sdelay $0x1  }
0x8a: {  	s1 =	srdreg.scid  }
0x8b: {  	s0 =	sand.u32 $0x1, s1  }
0x8c: {  	s18 =	sshll.u32 s0, $0xA;
	s2 =	sadd.s32 s3, s2  }
0x8d: {  	s2 =	sadd.s32 s2, s18  }
0x8e: {  	[smem:$0x3FC6] =	sst s2  }
0x8f: {  	_ = 	snop  }
0x90: {  	s2 =	sld [smem:$0x3FC9]  }
0x91: {  	s19 =	sld [smem:$0x3FC8]  }
0x92: {  	s4 =	sld [smem:$0x3FD0];
	(tm) =	ssettm $0x1  }
0x93: {  	s5 =	sld [smem:$0x3FFB];
	_ =	sdelay $0x3  }
0x94: {  	_ =	strace s5  }
0x95: {  	s5 =	sld [smem:$0x3FFC];
	_ =	sdelay $0x3  }
0x96: {  	_ =	strace s5  }
0x97: {  	s5 =	sld [smem:$0x3FFD];
	_ =	sdelay $0x3  }
0x98: {  	_ =	strace s5  }
0x99: {  	_ =	strace $0x8FFFFFFF  }
0x9a: {  	s20 =	sld [smem:$0x3FDB];
	_ =	sdelay $0x1  }
0x9b: {  	s6 =	simm.s32 $_scs_section_size  }
0x9c: {  	s7 =	simm.s32 $_size__tile_overlayer_lowered;
	s8 =	simm.s32 $_tile_overlayer_lowered  }
0x9d: {  	s23 =	simm.s32 $0x1BFF;
	s22 =	sshll.u32 s8, $0x1;
	s5 =	sadd.s32 s6, s20  }
0x9e: {  	s9 =	simm.s32 $0x0;
	s21 =	sshll.u32 s7, $0x1;
	s7 =	sadd.s32 s22, s5  }
0x9f: {  	[timem:s9], [sflag:s23] =	dma.local [hbm:s7], s21  }
0xa0: {  	_ =	swait.ge [sflag:s23], s21  }
0xa1: {  	s6 =	ssub.s32 $0x0, s21;
	[sflag:s23] =	ssyncset.done $0x0  }
0xa2: {  	[sflag:s23] =	ssyncadd.s32 s6;
	_ =	sdelay $0x1  }
0xa3: {  	s24 =	simm.s32 $0x1B8B  }
0xa4: {  	_ =	swait.ge [sflag:s24], $0x1  }
0xa5: {  	[sflag:s24] =	ssyncset.done $0x0  }
0xa6: {  	s25 =	simm.s32 $0x1B8E;
	[sflag:s24] =	ssyncadd.s32 $0xFFFFFFFF  }
0xa7: {  	s26 =	simm.s32 $execute0_lowered;
	[smem:$0x3FD2] =	sst s25  }
0xa8: {  	s6 =	sshll.u32 s26, $0x1;
	_ =	strace $0x80000046;
	[dreg:$0x1] =	wrdreg $0xFFFFFFFF  }
0xa9: {  	s28 =	simm.s32 $_size_execute0_lowered;
	s5 =	sadd.s32 s5, s6;
	[dreg:$0x0] =	wrdreg $0x0  }
0xaa: {  	s6 =	sshll.u32 s28, $0x1;
	[dreg:$0x2] =	wrdreg s5  }
0xab: {  	[dreg:$0x3] =	wrdreg s6  }
0xac: {  	[dreg:$0x4] =	wrdreg $0xC0  }
0xad: {  	_ =	task [dreg:s9], $0x5FFFF  }
0xae: {  	[dreg:$0x1] =	wrdreg $0xFFFFFFFF  }
0xaf: {  	[dreg:$0x0] =	wrdreg $0x60  }
0xb0: {  	[dreg:$0x2] =	wrdreg s2  }
0xb1: {  	[dreg:$0x3] =	wrdreg s19  }
0xb2: {  	[dreg:$0x4] =	wrdreg s4  }
0xb3: {  	[dreg:$0x5] =	wrdreg $0x9  }
0xb4: {  	_ =	task.clear_ibuf [dreg:s9], $0x6FFFF;
	_ =	strace $0x90000046  }
0xb5: {  	s29 =	simm.s32 $0x9;
	_ =	strace $0x80000048  }
0xb6: {  	_ =	swait.ge [sflag:s29], $0x1  }
0xb7: {  	[sflag:s29] =	ssyncadd.s32 $0xFFFFFFFF  }
0xb8: {  	_ =	strace $0x90000048  }
0xb9: {  	_ =	sfence  }
0xba: {  	s30 =	sld [smem:$0x0];
	_ =	sdelay $0x2  }
0xbb: {  	s31 =	sshll.u32 s1, $0xD;
	s1 =	sshrl.u32 s1, $0x2  }
0xbc: {  	s3 =	sand.u32 $0x4000, s31;
	s1 =	sadd.s32 s1, s30  }
0xbd: {  	s0 =	sor.u32 s3, s0;
	s1 =	sshll.u32 s1, $0x11  }
0xbe: {  	s0 =	sor.u32 s1, s0  }
0xbf: {  	s0 =	sadd.s32 $0x8F2B, s0  }
0xc0: {  	[sflag:s0] =	ssyncadd.remote.s32 $0x1  }
0xc1: {  	_ =	sfence.sel $0xFFFF  }
0xc2: {  	[dreg:$0x0] =	wrdreg $0xFFFFFFFF;
	(pc) =	sbr.abs _section_cstart, $3  }
0xc3: {  	[dreg:$0x1] =	wrdreg $0xFFFFFFFF  }
0xc4: {  	_ =	task.clear_ibuf [dreg:s9], $0x2FFFF;
	_ =	strace $0x9FFFFFFF  }
0xc5: {  	(tm) =	ssettm $0x7FFFFFFF  }
tec
execute0_lowered:
.L_overlay_start_1:
0x0: {  	(tag) =	ssettag $0x1  }
0x1: {  	s4 =	stileid.u32  }
0x2: {  	s0 =	srdreg.scid;
	s2 =	sshll.u32 s4, $0x1  }
0x3: {  	s0 =	sand.u32 $0x1, s0;
	s4 =	sshrl.u32 s4, $0x2;
	s3 =	sand.u32 $0x6, s2  }
0x4: {  	s1 =	rddreg [dreg:$0x0];
	s6 =	smul.u32 $0x600000, s4;
	s5 =	sor.u32 s0, s3  }
0x5: {  	s7 =	rddreg [dreg:$0x2];
	s8 =	smul.u32 $0xC0000, s5  }
0x6: {  	s2 =	rddreg [dreg:$0x1];
	s4 =	sshll.u32 s4, $0x4;
	s3 =	simm.s32 $0x0  }
0x7: {  	s1 =	sadd.s32 s1, s4;
	s5 =	sshll.u32 s5, $0x9;
	s6 =	sadd.s32 s6, s8  }
0x8: {  	[smem:$0x7FF] =	sst s3;
	s1 =	sadd.s32 s5, s1;
	s22 =	sshrl.u32 s6, $0x3  }
0x9: {  	_ =	strace $0x80000047;
	[dreg:$0x4] =	wrdreg s1;
	s6 =	sadd.s32 s7, s22  }
0xa: {  	s23 =	sadd.s32 $0xC00, s6;
	[smem:$0x7FA] =	sst s6  }
0xb: {  	s24 =	sadd.s32 $0x1800, s6;
	[dreg:$0x5] =	wrdreg s23  }
0xc: {  	s25 =	sadd.s32 $0x2400, s6;
	[dreg:$0x6] =	wrdreg s24  }
0xd: {  	s26 =	sadd.s32 $0x3000, s6;
	[dreg:$0x7] =	wrdreg s25  }
0xe: {  	s28 =	sadd.s32 $0x3C00, s6;
	[dreg:$0x8] =	wrdreg s26  }
0xf: {  	s29 =	sadd.s32 $0x4800, s6;
	[dreg:$0x9] =	wrdreg s28  }
0x10: {  	s30 =	sadd.s32 $0x5400, s6;
	[dreg:$0xa] =	wrdreg s29  }
0x11: {  	s31 =	sadd.s32 $0x6000, s6;
	[dreg:$0xb] =	wrdreg s30  }
0x12: {  	s4 =	sadd.s32 $0x6C00, s6;
	[dreg:$0xc] =	wrdreg s31  }
0x13: {  	s5 =	sadd.s32 $0x7800, s6;
	[dreg:$0xd] =	wrdreg s4  }
0x14: {  	s7 =	sadd.s32 $0x8400, s6;
	[dreg:$0xe] =	wrdreg s5  }
0x15: {  	s8 =	sadd.s32 $0x9000, s6;
	[dreg:$0xf] =	wrdreg s7  }
0x16: {  	s9 =	sadd.s32 $0x9C00, s6;
	[dreg:$0x10] =	wrdreg s8  }
0x17: {  	s10 =	sadd.s32 $0xA800, s6;
	[dreg:$0x11] =	wrdreg s9  }
0x18: {  	s11 =	sadd.s32 $0xB400, s6;
	[dreg:$0x12] =	wrdreg s10  }
0x19: {  	s12 =	sadd.s32 $0xC000, s6;
	[dreg:$0x13] =	wrdreg s11  }
0x1a: {  	s13 =	sadd.s32 $0xCC00, s6;
	[dreg:$0x14] =	wrdreg s12  }
0x1b: {  	s14 =	sadd.s32 $0xD800, s6;
	[dreg:$0x15] =	wrdreg s13  }
0x1c: {  	s15 =	sadd.s32 $0xE400, s6;
	[dreg:$0x16] =	wrdreg s14  }
0x1d: {  	s16 =	sadd.s32 $0xF000, s6;
	[dreg:$0x17] =	wrdreg s15  }
0x1e: {  	s17 =	sadd.s32 $0xFC00, s6;
	[dreg:$0x18] =	wrdreg s16  }
0x1f: {  	s18 =	sadd.s32 $0x10800, s6;
	[dreg:$0x19] =	wrdreg s17  }
0x20: {  	s19 =	sadd.s32 $0x11400, s6;
	[dreg:$0x1a] =	wrdreg s18  }
0x21: {  	s20 =	sadd.s32 $0x12000, s6;
	[dreg:$0x1b] =	wrdreg s19  }
0x22: {  	s21 =	sadd.s32 $0x12C00, s6;
	[dreg:$0x1c] =	wrdreg s20  }
0x23: {  	s0 =	ssub.s32 $0x2, s0;
	s22 =	sadd.s32 $0x13800, s6;
	[dreg:$0x1d] =	wrdreg s21  }
0x24: {  	[dreg:$0x1e] =	wrdreg s22;
	s23 =	sadd.s32 $0x14400, s6;
	s24 =	sadd.s32 $0x15000, s6  }
0x25: {  	s25 =	sshrl.u32 s0, $0x1;
	s26 =	sadd.s32 $0x15C00, s6;
	s28 =	sadd.s32 $0x16800, s6  }
0x26: {  	s5 =	sadd.s32 $0x100, s2;
	s29 =	sadd.s32 $0x17400, s6;
	s6 =	sadd.s32 $0x200, s2  }
0x27: {  	s30 =	simm.s32 $0x80;
	s31 =	simm.s32 $0x200;
	[dreg:$0x1f] =	wrdreg s23  }
0x28: {  	s11 =	simm.s32 $0x1;
	s12 =	simm.s32 $0x6;
	[smem:$0x7F7] =	sst s24  }
0x29: {  	s13 =	simm.s32 $0x2;
	s14 =	simm.s32 $0x7;
	[smem:$0x7F8] =	sst s26  }
0x2a: {  	s15 =	simm.s32 $0x3;
	s16 =	simm.s32 $0x8;
	[smem:$0x7F9] =	sst s28  }
0x2b: {  	v2 =	vlaneseq.u32;
	s17 =	simm.s32 $0x4;
	s18 =	simm.s32 $0x9;
	[smem:$0x7FB] =	sst s29  }
0x2c: {  	vm0 =	vmmov $0xffff;
	v1 =	vshrl.u32 v2, $0x3;
	s19 =	simm.s32 $0x5;
	s0 =	ssub.s32 s0, s25;
	[smem:$0x7FC] =	sst s30  }
0x2d: {  	v0 =	vand.u32 $0x7, v2;
	v2 =	vor.u32 $0x8, v2;
	v1 =	vmul.u32 $0x8, v1;
	s20 =	simm.s32 $0xA;
	[smem:$0x7FD] =	sst s31;
	s4 =	smax.u32 s0, $0x1  }
.LBB2_1:
0x2e: {  	s23 =	sld [smem:$0x7FC]  }
0x2f: {  	s24 =	sld [smem:$0x7FD];
	_ =	sdelay $0x1  }
0x30: {  	s22 =	rddreg [dreg:$0x4]  }
0x31: {  	[tilespmem:s3], [sflag:$0xB] =	stream.strided.gather [hbm4b:s22+s23], $0x400, s24, s23, $0x38;
	[tilespmem:$0x1E400] =	vst v63  }
0x32: {  	[smem:$0x7F6] =	sst s4;
	s23 =	simm.s32 $0xB  }
0x33: {  	_ =	swait.ge [sflag:s23], $0x400  }
0x34: {  	[sflag:s23] =	ssyncset.done $0x0  }
0x35: {  	[sflag:s23] =	ssyncadd.s32 $0xFFFFFC00  }
0x36: {  	v3 =	vld [tilespmem:$0x0];
	_ =	sdelay $0x4  }
0x37: {  	v4 =	vshrl.u32 v3, $0x3  }
0x38: {  	v4 =	vmul.u32 $0x30, v4  }
0x39: {  	v3 =	vand.u32 $0x7, v3  }
0x3a: {  	v3 =	vor.u32 v3, v4  }
0x3b: {  	v4 =	vperm.xlane v3, v0;
	_ =	sdelay $0x1  }
0x3c: {  	v4 =	vadd.s32 v1, v4;
	_ =	sdelay $0x3  }
0x3d: {  	s0 =	simm.s32 $0x400;
	v3 =	vperm.xlane v3, v2  }
0x3e: {  	[tilespmem:s0], [sflag:$0x1] =	stream.indirect_vreg.gather [hbm4b:s2+s3], $0x80, v4, vm0, $0xb8;
	[tilespmem:$0x1E400] =	vst v63  }
0x3f: {  	s24 =	simm.s32 $0xC00;
	v3 =	vadd.s32 v1, v3  }
0x40: {  	[tilespmem:s24], [sflag:$0x1] =	stream.indirect_vreg.gather [hbm4b:s5+s3], $0x80, v4, vm0, $0xb8;
	[tilespmem:$0x1E400] =	vst v63  }
0x41: {  	s25 =	simm.s32 $0x1400  }
0x42: {  	[tilespmem:s25], [sflag:$0x1] =	stream.indirect_vreg.gather [hbm4b:s6+s3], $0x80, v4, vm0, $0xb8;
	[tilespmem:$0x1E400] =	vst v63  }
0x43: {  	s26 =	simm.s32 $0x1C00  }
0x44: {  	[tilespmem:s26], [sflag:$0x1] =	stream.indirect_vreg.gather [hbm4b:s2+s3], $0x80, v3, vm0, $0xb8;
	[tilespmem:$0x1E400] =	vst v63  }
0x45: {  	s28 =	simm.s32 $0x2400  }
0x46: {  	[tilespmem:s28], [sflag:$0x1] =	stream.indirect_vreg.gather [hbm4b:s5+s3], $0x80, v3, vm0, $0xb8;
	[tilespmem:$0x1E400] =	vst v63  }
0x47: {  	s29 =	simm.s32 $0x2C00  }
0x48: {  	[tilespmem:s29], [sflag:$0x1] =	stream.indirect_vreg.gather [hbm4b:s6+s3], $0x80, v3, vm0, $0xb8;
	[tilespmem:$0x1E400] =	vst v63  }
0x49: {  	v3 =	vld [tilespmem:$0x10];
	_ =	sdelay $0x4  }
0x4a: {  	v57 =	vshrl.u32 v3, $0x3  }
0x4b: {  	v4 =	vmul.u32 $0x30, v57  }
0x4c: {  	v3 =	vand.u32 $0x7, v3  }
0x4d: {  	v3 =	vor.u32 v3, v4  }
0x4e: {  	v4 =	vperm.xlane v3, v0;
	_ =	sdelay $0x1  }
0x4f: {  	v4 =	vadd.s32 v1, v4;
	_ =	sdelay $0x3  }
0x50: {  	s30 =	simm.s32 $0x3400;
	v3 =	vperm.xlane v3, v2  }
0x51: {  	[tilespmem:s30], [sflag:$0x1] =	stream.indirect_vreg.gather [hbm4b:s2+s3], $0x80, v4, vm0, $0xb8;
	[tilespmem:$0x1E400] =	vst v63  }
0x52: {  	s31 =	simm.s32 $0x3C00;
	v3 =	vadd.s32 v1, v3  }
0x53: {  	[tilespmem:s31], [sflag:$0x1] =	stream.indirect_vreg.gather [hbm4b:s5+s3], $0x80, v4, vm0, $0xb8;
	[tilespmem:$0x1E400] =	vst v63  }
0x54: {  	s1 =	simm.s32 $0x4400  }
0x55: {  	[tilespmem:s1], [sflag:$0x1] =	stream.indirect_vreg.gather [hbm4b:s6+s3], $0x80, v4, vm0, $0xb8;
	[tilespmem:$0x1E400] =	vst v63  }
0x56: {  	s4 =	simm.s32 $0x4C00  }
0x57: {  	[tilespmem:s4], [sflag:$0x1] =	stream.indirect_vreg.gather [hbm4b:s2+s3], $0x80, v3, vm0, $0xb8;
	[tilespmem:$0x1E400] =	vst v63  }
0x58: {  	s9 =	simm.s32 $0x5400  }
0x59: {  	[tilespmem:s9], [sflag:$0x1] =	stream.indirect_vreg.gather [hbm4b:s5+s3], $0x80, v3, vm0, $0xb8;
	[tilespmem:$0x1E400] =	vst v63  }
0x5a: {  	s10 =	simm.s32 $0x5C00  }
0x5b: {  	[tilespmem:s10], [sflag:$0x1] =	stream.indirect_vreg.gather [hbm4b:s6+s3], $0x80, v3, vm0, $0xb8;
	[tilespmem:$0x1E400] =	vst v63  }
0x5c: {  	v3 =	vld [tilespmem:$0x20];
	_ =	sdelay $0x4  }
0x5d: {  	v58 =	vshrl.u32 v3, $0x3  }
0x5e: {  	v4 =	vmul.u32 $0x30, v58  }
0x5f: {  	v3 =	vand.u32 $0x7, v3  }
0x60: {  	v3 =	vor.u32 v3, v4  }
0x61: {  	v4 =	vperm.xlane v3, v0;
	_ =	sdelay $0x1  }
0x62: {  	v4 =	vadd.s32 v1, v4;
	_ =	sdelay $0x3  }
0x63: {  	s21 =	simm.s32 $0x6400;
	v3 =	vperm.xlane v3, v2  }
0x64: {  	[tilespmem:s21], [sflag:$0x2] =	stream.indirect_vreg.gather [hbm4b:s2+s3], $0x80, v4, vm0, $0xb8;
	[tilespmem:$0x1E400] =	vst v63  }
0x65: {  	s22 =	simm.s32 $0x6C00;
	v3 =	vadd.s32 v1, v3  }
0x66: {  	[tilespmem:s22], [sflag:$0x2] =	stream.indirect_vreg.gather [hbm4b:s5+s3], $0x80, v4, vm0, $0xb8;
	[tilespmem:$0x1E400] =	vst v63  }
0x67: {  	s23 =	simm.s32 $0x7400  }
0x68: {  	[tilespmem:s23], [sflag:$0x2] =	stream.indirect_vreg.gather [hbm4b:s6+s3], $0x80, v4, vm0, $0xb8;
	[tilespmem:$0x1E400] =	vst v63  }
0x69: {  	s24 =	simm.s32 $0x7C00  }
0x6a: {  	[tilespmem:s24], [sflag:$0x2] =	stream.indirect_vreg.gather [hbm4b:s2+s3], $0x80, v3, vm0, $0xb8;
	[tilespmem:$0x1E400] =	vst v63  }
0x6b: {  	s25 =	simm.s32 $0x8400  }
0x6c: {  	[tilespmem:s25], [sflag:$0x2] =	stream.indirect_vreg.gather [hbm4b:s5+s3], $0x80, v3, vm0, $0xb8;
	[tilespmem:$0x1E400] =	vst v63  }
0x6d: {  	s26 =	simm.s32 $0x8C00  }
0x6e: {  	[tilespmem:s26], [sflag:$0x2] =	stream.indirect_vreg.gather [hbm4b:s6+s3], $0x80, v3, vm0, $0xb8;
	[tilespmem:$0x1E400] =	vst v63  }
0x6f: {  	v3 =	vld [tilespmem:$0x30];
	_ =	sdelay $0x4  }
0x70: {  	v59 =	vshrl.u32 v3, $0x3  }
0x71: {  	v4 =	vmul.u32 $0x30, v59  }
0x72: {  	v3 =	vand.u32 $0x7, v3  }
0x73: {  	v3 =	vor.u32 v3, v4  }
0x74: {  	v4 =	vperm.xlane v3, v0;
	_ =	sdelay $0x1  }
0x75: {  	v4 =	vadd.s32 v1, v4;
	_ =	sdelay $0x3  }
0x76: {  	s28 =	simm.s32 $0x9400;
	v3 =	vperm.xlane v3, v2  }
0x77: {  	[tilespmem:s28], [sflag:$0x2] =	stream.indirect_vreg.gather [hbm4b:s2+s3], $0x80, v4, vm0, $0xb8;
	[tilespmem:$0x1E400] =	vst v63  }
0x78: {  	s29 =	simm.s32 $0x9C00;
	v3 =	vadd.s32 v1, v3  }
0x79: {  	[tilespmem:s29], [sflag:$0x2] =	stream.indirect_vreg.gather [hbm4b:s5+s3], $0x80, v4, vm0, $0xb8;
	[tilespmem:$0x1E400] =	vst v63  }
0x7a: {  	s30 =	simm.s32 $0xA400  }
0x7b: {  	[tilespmem:s30], [sflag:$0x2] =	stream.indirect_vreg.gather [hbm4b:s6+s3], $0x80, v4, vm0, $0xb8;
	[tilespmem:$0x1E400] =	vst v63  }
0x7c: {  	s31 =	simm.s32 $0xAC00  }
0x7d: {  	[tilespmem:s31], [sflag:$0x2] =	stream.indirect_vreg.gather [hbm4b:s2+s3], $0x80, v3, vm0, $0xb8;
	[tilespmem:$0x1E400] =	vst v63  }
0x7e: {  	s1 =	simm.s32 $0xB400  }
0x7f: {  	[tilespmem:s1], [sflag:$0x2] =	stream.indirect_vreg.gather [hbm4b:s5+s3], $0x80, v3, vm0, $0xb8;
	[tilespmem:$0x1E400] =	vst v63  }
0x80: {  	s9 =	simm.s32 $0xBC00  }
0x81: {  	[tilespmem:s9], [sflag:$0x2] =	stream.indirect_vreg.gather [hbm4b:s6+s3], $0x80, v3, vm0, $0xb8;
	[tilespmem:$0x1E400] =	vst v63  }
0x82: {  	v3 =	vld [tilespmem:$0x40];
	_ =	sdelay $0x4  }
0x83: {  	v60 =	vshrl.u32 v3, $0x3  }
0x84: {  	v4 =	vmul.u32 $0x30, v60  }
0x85: {  	v3 =	vand.u32 $0x7, v3  }
0x86: {  	v3 =	vor.u32 v3, v4  }
0x87: {  	v4 =	vperm.xlane v3, v0;
	_ =	sdelay $0x1  }
0x88: {  	v4 =	vadd.s32 v1, v4;
	_ =	sdelay $0x3  }
0x89: {  	s10 =	simm.s32 $0xC400;
	v3 =	vperm.xlane v3, v2  }
0x8a: {  	[tilespmem:s10], [sflag:$0x3] =	stream.indirect_vreg.gather [hbm4b:s2+s3], $0x80, v4, vm0, $0xb8;
	[tilespmem:$0x1E400] =	vst v63  }
0x8b: {  	s21 =	simm.s32 $0xCC00;
	v3 =	vadd.s32 v1, v3  }
0x8c: {  	[tilespmem:s21], [sflag:$0x3] =	stream.indirect_vreg.gather [hbm4b:s5+s3], $0x80, v4, vm0, $0xb8;
	[tilespmem:$0x1E400] =	vst v63  }
0x8d: {  	s22 =	simm.s32 $0xD400  }
0x8e: {  	[tilespmem:s22], [sflag:$0x3] =	stream.indirect_vreg.gather [hbm4b:s6+s3], $0x80, v4, vm0, $0xb8;
	[tilespmem:$0x1E400] =	vst v63  }
0x8f: {  	s23 =	simm.s32 $0xDC00  }
0x90: {  	[tilespmem:s23], [sflag:$0x3] =	stream.indirect_vreg.gather [hbm4b:s2+s3], $0x80, v3, vm0, $0xb8;
	[tilespmem:$0x1E400] =	vst v63  }
0x91: {  	s24 =	simm.s32 $0xE400  }
0x92: {  	[tilespmem:s24], [sflag:$0x3] =	stream.indirect_vreg.gather [hbm4b:s5+s3], $0x80, v3, vm0, $0xb8;
	[tilespmem:$0x1E400] =	vst v63  }
0x93: {  	s25 =	simm.s32 $0xEC00  }
0x94: {  	[tilespmem:s25], [sflag:$0x3] =	stream.indirect_vreg.gather [hbm4b:s6+s3], $0x80, v3, vm0, $0xb8;
	[tilespmem:$0x1E400] =	vst v63  }
0x95: {  	v3 =	vld [tilespmem:$0x50];
	_ =	sdelay $0x4  }
0x96: {  	v61 =	vshrl.u32 v3, $0x3  }
0x97: {  	v4 =	vmul.u32 $0x30, v61  }
0x98: {  	v3 =	vand.u32 $0x7, v3  }
0x99: {  	v3 =	vor.u32 v3, v4  }
0x9a: {  	v4 =	vperm.xlane v3, v0;
	_ =	sdelay $0x1  }
0x9b: {  	v4 =	vadd.s32 v1, v4;
	_ =	sdelay $0x3  }
0x9c: {  	s26 =	simm.s32 $0xF400;
	v3 =	vperm.xlane v3, v2  }
0x9d: {  	[tilespmem:s26], [sflag:$0x3] =	stream.indirect_vreg.gather [hbm4b:s2+s3], $0x80, v4, vm0, $0xb8;
	[tilespmem:$0x1E400] =	vst v63  }
0x9e: {  	s28 =	simm.s32 $0xFC00;
	v3 =	vadd.s32 v1, v3  }
0x9f: {  	[tilespmem:s28], [sflag:$0x3] =	stream.indirect_vreg.gather [hbm4b:s5+s3], $0x80, v4, vm0, $0xb8;
	[tilespmem:$0x1E400] =	vst v63  }
0xa0: {  	s29 =	simm.s32 $0x10400  }
0xa1: {  	[tilespmem:s29], [sflag:$0x3] =	stream.indirect_vreg.gather [hbm4b:s6+s3], $0x80, v4, vm0, $0xb8;
	[tilespmem:$0x1E400] =	vst v63  }
0xa2: {  	s30 =	simm.s32 $0x10C00  }
0xa3: {  	[tilespmem:s30], [sflag:$0x3] =	stream.indirect_vreg.gather [hbm4b:s2+s3], $0x80, v3, vm0, $0xb8;
	[tilespmem:$0x1E400] =	vst v63  }
0xa4: {  	s31 =	simm.s32 $0x11400  }
0xa5: {  	[tilespmem:s31], [sflag:$0x3] =	stream.indirect_vreg.gather [hbm4b:s5+s3], $0x80, v3, vm0, $0xb8;
	[tilespmem:$0x1E400] =	vst v63  }
0xa6: {  	s9 =	simm.s32 $0x11C00  }
0xa7: {  	[tilespmem:s9], [sflag:$0x3] =	stream.indirect_vreg.gather [hbm4b:s6+s3], $0x80, v3, vm0, $0xb8;
	[tilespmem:$0x1E400] =	vst v63  }
0xa8: {  	v3 =	vld [tilespmem:$0x60];
	_ =	sdelay $0x4  }
0xa9: {  	v62 =	vshrl.u32 v3, $0x3  }
0xaa: {  	v4 =	vmul.u32 $0x30, v62  }
0xab: {  	v3 =	vand.u32 $0x7, v3  }
0xac: {  	v3 =	vor.u32 v3, v4  }
0xad: {  	v4 =	vperm.xlane v3, v0;
	_ =	sdelay $0x1  }
0xae: {  	v4 =	vadd.s32 v1, v4;
	_ =	sdelay $0x3  }
0xaf: {  	s22 =	simm.s32 $0x12400;
	v3 =	vperm.xlane v3, v2  }
0xb0: {  	[tilespmem:s22], [sflag:$0x4] =	stream.indirect_vreg.gather [hbm4b:s2+s3], $0x80, v4, vm0, $0xb8;
	[tilespmem:$0x1E400] =	vst v63  }
0xb1: {  	s24 =	simm.s32 $0x12C00;
	v3 =	vadd.s32 v1, v3  }
0xb2: {  	[tilespmem:s24], [sflag:$0x4] =	stream.indirect_vreg.gather [hbm4b:s5+s3], $0x80, v4, vm0, $0xb8;
	[tilespmem:$0x1E400] =	vst v63  }
0xb3: {  	s25 =	simm.s32 $0x13400  }
0xb4: {  	[tilespmem:s25], [sflag:$0x4] =	stream.indirect_vreg.gather [hbm4b:s6+s3], $0x80, v4, vm0, $0xb8;
	[tilespmem:$0x1E400] =	vst v63  }
0xb5: {  	s26 =	simm.s32 $0x13C00  }
0xb6: {  	[tilespmem:s26], [sflag:$0x4] =	stream.indirect_vreg.gather [hbm4b:s2+s3], $0x80, v3, vm0, $0xb8;
	[tilespmem:$0x1E400] =	vst v63  }
0xb7: {  	s28 =	simm.s32 $0x14400  }
0xb8: {  	[tilespmem:s28], [sflag:$0x4] =	stream.indirect_vreg.gather [hbm4b:s5+s3], $0x80, v3, vm0, $0xb8;
	[tilespmem:$0x1E400] =	vst v63  }
0xb9: {  	s29 =	simm.s32 $0x14C00  }
0xba: {  	[tilespmem:s29], [sflag:$0x4] =	stream.indirect_vreg.gather [hbm4b:s6+s3], $0x80, v3, vm0, $0xb8;
	[tilespmem:$0x1E400] =	vst v63  }
0xbb: {  	v3 =	vld [tilespmem:$0x70];
	_ =	sdelay $0x4  }
0xbc: {  	v63 =	vshrl.u32 v3, $0x3  }
0xbd: {  	v4 =	vmul.u32 $0x30, v63  }
0xbe: {  	v3 =	vand.u32 $0x7, v3  }
0xbf: {  	v3 =	vor.u32 v3, v4  }
0xc0: {  	v4 =	vperm.xlane v3, v0;
	_ =	sdelay $0x1  }
0xc1: {  	v4 =	vadd.s32 v1, v4;
	_ =	sdelay $0x3  }
0xc2: {  	s30 =	simm.s32 $0x15400;
	v3 =	vperm.xlane v3, v2  }
0xc3: {  	[tilespmem:s30], [sflag:$0x4] =	stream.indirect_vreg.gather [hbm4b:s2+s3], $0x80, v4, vm0, $0xb8;
	[tilespmem:$0x1E400] =	vst v63  }
0xc4: {  	s31 =	simm.s32 $0x15C00;
	v3 =	vadd.s32 v1, v3  }
0xc5: {  	[tilespmem:s31], [sflag:$0x4] =	stream.indirect_vreg.gather [hbm4b:s5+s3], $0x80, v4, vm0, $0xb8;
	[tilespmem:$0x1E400] =	vst v63  }
0xc6: {  	s9 =	simm.s32 $0x16400  }
0xc7: {  	[tilespmem:s9], [sflag:$0x4] =	stream.indirect_vreg.gather [hbm4b:s6+s3], $0x80, v4, vm0, $0xb8;
	[tilespmem:$0x1E400] =	vst v63  }
0xc8: {  	s22 =	simm.s32 $0x16C00  }
0xc9: {  	[tilespmem:s22], [sflag:$0x4] =	stream.indirect_vreg.gather [hbm4b:s2+s3], $0x80, v3, vm0, $0xb8;
	[tilespmem:$0x1E400] =	vst v63  }
0xca: {  	s24 =	simm.s32 $0x17400  }
0xcb: {  	[tilespmem:s24], [sflag:$0x4] =	stream.indirect_vreg.gather [hbm4b:s5+s3], $0x80, v3, vm0, $0xb8;
	[tilespmem:$0x1E400] =	vst v63  }
0xcc: {  	s25 =	simm.s32 $0x17C00  }
0xcd: {  	[tilespmem:s25], [sflag:$0x4] =	stream.indirect_vreg.gather [hbm4b:s6+s3], $0x80, v3, vm0, $0xb8;
	[tilespmem:$0x1E400] =	vst v63  }
0xce: {  	v3 =	vld [tilespmem:$0x80];
	_ =	sdelay $0x4  }
0xcf: {  	v8 =	vshrl.u32 v3, $0x3  }
0xd0: {  	v4 =	vmul.u32 $0x30, v8  }
0xd1: {  	v3 =	vand.u32 $0x7, v3  }
0xd2: {  	v3 =	vor.u32 v3, v4  }
0xd3: {  	v4 =	vperm.xlane v3, v0;
	_ =	sdelay $0x1  }
0xd4: {  	v4 =	vadd.s32 v1, v4;
	_ =	sdelay $0x3  }
0xd5: {  	s26 =	simm.s32 $0x18400;
	v3 =	vperm.xlane v3, v2  }
0xd6: {  	[tilespmem:s26], [sflag:$0x5] =	stream.indirect_vreg.gather [hbm4b:s2+s3], $0x80, v4, vm0, $0xb8;
	[tilespmem:$0x1E400] =	vst v63  }
0xd7: {  	s28 =	simm.s32 $0x18C00;
	v3 =	vadd.s32 v1, v3  }
0xd8: {  	[tilespmem:s28], [sflag:$0x5] =	stream.indirect_vreg.gather [hbm4b:s5+s3], $0x80, v4, vm0, $0xb8;
	[tilespmem:$0x1E400] =	vst v63  }
0xd9: {  	s29 =	simm.s32 $0x19400  }
0xda: {  	[tilespmem:s29], [sflag:$0x5] =	stream.indirect_vreg.gather [hbm4b:s6+s3], $0x80, v4, vm0, $0xb8;
	[tilespmem:$0x1E400] =	vst v63  }
0xdb: {  	s30 =	simm.s32 $0x19C00  }
0xdc: {  	[tilespmem:s30], [sflag:$0x5] =	stream.indirect_vreg.gather [hbm4b:s2+s3], $0x80, v3, vm0, $0xb8;
	[tilespmem:$0x1E400] =	vst v63  }
0xdd: {  	s31 =	simm.s32 $0x1A400  }
0xde: {  	[tilespmem:s31], [sflag:$0x5] =	stream.indirect_vreg.gather [hbm4b:s5+s3], $0x80, v3, vm0, $0xb8;
	[tilespmem:$0x1E400] =	vst v63  }
0xdf: {  	s9 =	simm.s32 $0x1AC00  }
0xe0: {  	[tilespmem:s9], [sflag:$0x5] =	stream.indirect_vreg.gather [hbm4b:s6+s3], $0x80, v3, vm0, $0xb8;
	[tilespmem:$0x1E400] =	vst v63  }
0xe1: {  	v3 =	vld [tilespmem:$0x90];
	_ =	sdelay $0x4  }
0xe2: {  	v9 =	vshrl.u32 v3, $0x3  }
0xe3: {  	v4 =	vmul.u32 $0x30, v9  }
0xe4: {  	v3 =	vand.u32 $0x7, v3  }
0xe5: {  	v3 =	vor.u32 v3, v4  }
0xe6: {  	v4 =	vperm.xlane v3, v0;
	_ =	sdelay $0x1  }
0xe7: {  	v4 =	vadd.s32 v1, v4;
	_ =	sdelay $0x3  }
0xe8: {  	s22 =	simm.s32 $0x1B400;
	v3 =	vperm.xlane v3, v2  }
0xe9: {  	[tilespmem:s22], [sflag:$0x5] =	stream.indirect_vreg.gather [hbm4b:s2+s3], $0x80, v4, vm0, $0xb8;
	[tilespmem:$0x1E400] =	vst v63  }
0xea: {  	s24 =	simm.s32 $0x1BC00;
	v3 =	vadd.s32 v1, v3  }
0xeb: {  	[tilespmem:s24], [sflag:$0x5] =	stream.indirect_vreg.gather [hbm4b:s5+s3], $0x80, v4, vm0, $0xb8;
	[tilespmem:$0x1E400] =	vst v63  }
0xec: {  	s25 =	simm.s32 $0x1C400  }
0xed: {  	[tilespmem:s25], [sflag:$0x5] =	stream.indirect_vreg.gather [hbm4b:s6+s3], $0x80, v4, vm0, $0xb8;
	[tilespmem:$0x1E400] =	vst v63  }
0xee: {  	s26 =	simm.s32 $0x1CC00  }
0xef: {  	[tilespmem:s26], [sflag:$0x5] =	stream.indirect_vreg.gather [hbm4b:s2+s3], $0x80, v3, vm0, $0xb8;
	[tilespmem:$0x1E400] =	vst v63  }
0xf0: {  	s28 =	simm.s32 $0x1D400  }
0xf1: {  	[tilespmem:s28], [sflag:$0x5] =	stream.indirect_vreg.gather [hbm4b:s5+s3], $0x80, v3, vm0, $0xb8;
	[tilespmem:$0x1E400] =	vst v63  }
0xf2: {  	s29 =	simm.s32 $0x1DC00  }
0xf3: {  	[tilespmem:s29], [sflag:$0x5] =	stream.indirect_vreg.gather [hbm4b:s6+s3], $0x80, v3, vm0, $0xb8;
	[tilespmem:$0x1E400] =	vst v63  }
0xf4: {  	_ =	swait.ge [sflag:s11], $0x6000  }
0xf5: {  	s30 =	sld [smem:$0x7FA]  }
0xf6: {  	[sflag:s11] =	ssyncset.done $0x0  }
0xf7: {  	s31 =	simm.s32 $0x400;
	[sflag:s11] =	ssyncadd.s32 $0xFFFFA000  }
0xf8: {  	[hbm4b:s30+s3] =	stream.linear.scatter [tilespmem:s31], [sflag:$0x6], $0x6000, $0x38;
	[tilespmem:$0x1E400] =	vst v63  }
0xf9: {  	_ =	swait.ge [sflag:s12], $0x6000  }
0xfa: {  	[sflag:s12] =	ssyncset.done $0x0  }
0xfb: {  	[sflag:s12] =	ssyncadd.s32 $0xFFFFA000  }
0xfc: {  	v3 =	vld [tilespmem:$0xA0];
	_ =	sdelay $0x4  }
0xfd: {  	v10 =	vshrl.u32 v3, $0x3  }
0xfe: {  	v4 =	vmul.u32 $0x30, v10  }
0xff: {  	v3 =	vand.u32 $0x7, v3  }
0x100: {  	v3 =	vor.u32 v3, v4  }
0x101: {  	v4 =	vperm.xlane v3, v0;
	_ =	sdelay $0x1  }
0x102: {  	v4 =	vadd.s32 v1, v4;
	_ =	sdelay $0x3  }
0x103: {  	v3 =	vperm.xlane v3, v2  }
0x104: {  	[tilespmem:s31], [sflag:$0x1] =	stream.indirect_vreg.gather [hbm4b:s2+s3], $0x80, v4, vm0, $0xb8;
	[tilespmem:$0x1E400] =	vst v63  }
0x105: {  	s25 =	simm.s32 $0xC00;
	v3 =	vadd.s32 v1, v3  }
0x106: {  	[tilespmem:s25], [sflag:$0x1] =	stream.indirect_vreg.gather [hbm4b:s5+s3], $0x80, v4, vm0, $0xb8;
	[tilespmem:$0x1E400] =	vst v63  }
0x107: {  	s26 =	simm.s32 $0x1400  }
0x108: {  	[tilespmem:s26], [sflag:$0x1] =	stream.indirect_vreg.gather [hbm4b:s6+s3], $0x80, v4, vm0, $0xb8;
	[tilespmem:$0x1E400] =	vst v63  }
0x109: {  	s28 =	simm.s32 $0x1C00  }
0x10a: {  	[tilespmem:s28], [sflag:$0x1] =	stream.indirect_vreg.gather [hbm4b:s2+s3], $0x80, v3, vm0, $0xb8;
	[tilespmem:$0x1E400] =	vst v63  }
0x10b: {  	s29 =	simm.s32 $0x2400  }
0x10c: {  	[tilespmem:s29], [sflag:$0x1] =	stream.indirect_vreg.gather [hbm4b:s5+s3], $0x80, v3, vm0, $0xb8;
	[tilespmem:$0x1E400] =	vst v63  }
0x10d: {  	s7 =	simm.s32 $0x2C00  }
0x10e: {  	[tilespmem:s7], [sflag:$0x1] =	stream.indirect_vreg.gather [hbm4b:s6+s3], $0x80, v3, vm0, $0xb8;
	[tilespmem:$0x1E400] =	vst v63  }
0x10f: {  	v3 =	vld [tilespmem:$0xB0];
	_ =	sdelay $0x4  }
0x110: {  	v11 =	vshrl.u32 v3, $0x3  }
0x111: {  	v4 =	vmul.u32 $0x30, v11  }
0x112: {  	v3 =	vand.u32 $0x7, v3  }
0x113: {  	v3 =	vor.u32 v3, v4  }
0x114: {  	v4 =	vperm.xlane v3, v0;
	_ =	sdelay $0x1  }
0x115: {  	v4 =	vadd.s32 v1, v4;
	_ =	sdelay $0x3  }
0x116: {  	s8 =	simm.s32 $0x3400;
	v3 =	vperm.xlane v3, v2  }
0x117: {  	[tilespmem:s8], [sflag:$0x1] =	stream.indirect_vreg.gather [hbm4b:s2+s3], $0x80, v4, vm0, $0xb8;
	[tilespmem:$0x1E400] =	vst v63  }
0x118: {  	s30 =	simm.s32 $0x3C00;
	v3 =	vadd.s32 v1, v3  }
0x119: {  	[tilespmem:s30], [sflag:$0x1] =	stream.indirect_vreg.gather [hbm4b:s5+s3], $0x80, v4, vm0, $0xb8;
	[tilespmem:$0x1E400] =	vst v63  }
0x11a: {  	s9 =	simm.s32 $0x4400  }
0x11b: {  	[tilespmem:s9], [sflag:$0x1] =	stream.indirect_vreg.gather [hbm4b:s6+s3], $0x80, v4, vm0, $0xb8;
	[tilespmem:$0x1E400] =	vst v63  }
0x11c: {  	s7 =	simm.s32 $0x4C00  }
0x11d: {  	[tilespmem:s7], [sflag:$0x1] =	stream.indirect_vreg.gather [hbm4b:s2+s3], $0x80, v3, vm0, $0xb8;
	[tilespmem:$0x1E400] =	vst v63  }
0x11e: {  	s8 =	simm.s32 $0x5400  }
0x11f: {  	[tilespmem:s8], [sflag:$0x1] =	stream.indirect_vreg.gather [hbm4b:s5+s3], $0x80, v3, vm0, $0xb8;
	[tilespmem:$0x1E400] =	vst v63  }
0x120: {  	s31 =	simm.s32 $0x5C00  }
0x121: {  	[tilespmem:s31], [sflag:$0x1] =	stream.indirect_vreg.gather [hbm4b:s6+s3], $0x80, v3, vm0, $0xb8;
	[tilespmem:$0x1E400] =	vst v63  }
0x122: {  	_ =	swait.ge [sflag:s13], $0x6000  }
0x123: {  	[sflag:s13] =	ssyncset.done $0x0  }
0x124: {  	s4 =	simm.s32 $0x6400;
	s0 =	rddreg [dreg:$0x5];
	[sflag:s13] =	ssyncadd.s32 $0xFFFFA000  }
0x125: {  	[hbm4b:s0+s3] =	stream.linear.scatter [tilespmem:s4], [sflag:$0x7], $0x6000, $0x38;
	[tilespmem:$0x1E400] =	vst v63  }
0x126: {  	_ =	swait.ge [sflag:s14], $0x6000  }
0x127: {  	[sflag:s14] =	ssyncset.done $0x0  }
0x128: {  	[sflag:s14] =	ssyncadd.s32 $0xFFFFA000  }
0x129: {  	v3 =	vld [tilespmem:$0xC0];
	_ =	sdelay $0x4  }
0x12a: {  	v12 =	vshrl.u32 v3, $0x3  }
0x12b: {  	v4 =	vmul.u32 $0x30, v12  }
0x12c: {  	v3 =	vand.u32 $0x7, v3  }
0x12d: {  	v3 =	vor.u32 v3, v4  }
0x12e: {  	v4 =	vperm.xlane v3, v0;
	_ =	sdelay $0x1  }
0x12f: {  	v4 =	vadd.s32 v1, v4;
	_ =	sdelay $0x3  }
0x130: {  	v3 =	vperm.xlane v3, v2  }
0x131: {  	[tilespmem:s4], [sflag:$0x2] =	stream.indirect_vreg.gather [hbm4b:s2+s3], $0x80, v4, vm0, $0xb8;
	[tilespmem:$0x1E400] =	vst v63  }
0x132: {  	s24 =	simm.s32 $0x6C00;
	v3 =	vadd.s32 v1, v3  }
0x133: {  	[tilespmem:s24], [sflag:$0x2] =	stream.indirect_vreg.gather [hbm4b:s5+s3], $0x80, v4, vm0, $0xb8;
	[tilespmem:$0x1E400] =	vst v63  }
0x134: {  	s22 =	simm.s32 $0x7400  }
0x135: {  	[tilespmem:s22], [sflag:$0x2] =	stream.indirect_vreg.gather [hbm4b:s6+s3], $0x80, v4, vm0, $0xb8;
	[tilespmem:$0x1E400] =	vst v63  }
0x136: {  	s4 =	simm.s32 $0x7C00  }
0x137: {  	[tilespmem:s4], [sflag:$0x2] =	stream.indirect_vreg.gather [hbm4b:s2+s3], $0x80, v3, vm0, $0xb8;
	[tilespmem:$0x1E400] =	vst v63  }
0x138: {  	s22 =	simm.s32 $0x8400  }
0x139: {  	[tilespmem:s22], [sflag:$0x2] =	stream.indirect_vreg.gather [hbm4b:s5+s3], $0x80, v3, vm0, $0xb8;
	[tilespmem:$0x1E400] =	vst v63  }
0x13a: {  	s4 =	simm.s32 $0x8C00  }
0x13b: {  	[tilespmem:s4], [sflag:$0x2] =	stream.indirect_vreg.gather [hbm4b:s6+s3], $0x80, v3, vm0, $0xb8;
	[tilespmem:$0x1E400] =	vst v63  }
0x13c: {  	v3 =	vld [tilespmem:$0xD0];
	_ =	sdelay $0x4  }
0x13d: {  	v13 =	vshrl.u32 v3, $0x3  }
0x13e: {  	v4 =	vmul.u32 $0x30, v13  }
0x13f: {  	v3 =	vand.u32 $0x7, v3  }
0x140: {  	v3 =	vor.u32 v3, v4  }
0x141: {  	v4 =	vperm.xlane v3, v0;
	_ =	sdelay $0x1  }
0x142: {  	v4 =	vadd.s32 v1, v4;
	_ =	sdelay $0x3  }
0x143: {  	s22 =	simm.s32 $0x9400;
	v3 =	vperm.xlane v3, v2  }
0x144: {  	[tilespmem:s22], [sflag:$0x2] =	stream.indirect_vreg.gather [hbm4b:s2+s3], $0x80, v4, vm0, $0xb8;
	[tilespmem:$0x1E400] =	vst v63  }
0x145: {  	s4 =	simm.s32 $0x9C00;
	v3 =	vadd.s32 v1, v3  }
0x146: {  	[tilespmem:s4], [sflag:$0x2] =	stream.indirect_vreg.gather [hbm4b:s5+s3], $0x80, v4, vm0, $0xb8;
	[tilespmem:$0x1E400] =	vst v63  }
0x147: {  	s22 =	simm.s32 $0xA400  }
0x148: {  	[tilespmem:s22], [sflag:$0x2] =	stream.indirect_vreg.gather [hbm4b:s6+s3], $0x80, v4, vm0, $0xb8;
	[tilespmem:$0x1E400] =	vst v63  }
0x149: {  	s4 =	simm.s32 $0xAC00  }
0x14a: {  	[tilespmem:s4], [sflag:$0x2] =	stream.indirect_vreg.gather [hbm4b:s2+s3], $0x80, v3, vm0, $0xb8;
	[tilespmem:$0x1E400] =	vst v63  }
0x14b: {  	s22 =	simm.s32 $0xB400  }
0x14c: {  	[tilespmem:s22], [sflag:$0x2] =	stream.indirect_vreg.gather [hbm4b:s5+s3], $0x80, v3, vm0, $0xb8;
	[tilespmem:$0x1E400] =	vst v63  }
0x14d: {  	s1 =	simm.s32 $0xBC00  }
0x14e: {  	[tilespmem:s1], [sflag:$0x2] =	stream.indirect_vreg.gather [hbm4b:s6+s3], $0x80, v3, vm0, $0xb8;
	[tilespmem:$0x1E400] =	vst v63  }
0x14f: {  	_ =	swait.ge [sflag:s15], $0x6000  }
0x150: {  	[sflag:s15] =	ssyncset.done $0x0  }
0x151: {  	s0 =	simm.s32 $0xC400;
	s4 =	rddreg [dreg:$0x6];
	[sflag:s15] =	ssyncadd.s32 $0xFFFFA000  }
0x152: {  	[hbm4b:s4+s3] =	stream.linear.scatter [tilespmem:s0], [sflag:$0x8], $0x6000, $0x38;
	[tilespmem:$0x1E400] =	vst v63  }
0x153: {  	_ =	swait.ge [sflag:s16], $0x6000  }
0x154: {  	[sflag:s16] =	ssyncset.done $0x0  }
0x155: {  	[sflag:s16] =	ssyncadd.s32 $0xFFFFA000  }
0x156: {  	v3 =	vld [tilespmem:$0xE0];
	_ =	sdelay $0x4  }
0x157: {  	v14 =	vshrl.u32 v3, $0x3  }
0x158: {  	v4 =	vmul.u32 $0x30, v14  }
0x159: {  	v3 =	vand.u32 $0x7, v3  }
0x15a: {  	v3 =	vor.u32 v3, v4  }
0x15b: {  	v4 =	vperm.xlane v3, v0;
	_ =	sdelay $0x1  }
0x15c: {  	v4 =	vadd.s32 v1, v4;
	_ =	sdelay $0x3  }
0x15d: {  	v3 =	vperm.xlane v3, v2  }
0x15e: {  	[tilespmem:s0], [sflag:$0x3] =	stream.indirect_vreg.gather [hbm4b:s2+s3], $0x80, v4, vm0, $0xb8;
	[tilespmem:$0x1E400] =	vst v63  }
0x15f: {  	s4 =	simm.s32 $0xCC00;
	v3 =	vadd.s32 v1, v3  }
0x160: {  	[tilespmem:s4], [sflag:$0x3] =	stream.indirect_vreg.gather [hbm4b:s5+s3], $0x80, v4, vm0, $0xb8;
	[tilespmem:$0x1E400] =	vst v63  }
0x161: {  	s22 =	simm.s32 $0xD400  }
0x162: {  	[tilespmem:s22], [sflag:$0x3] =	stream.indirect_vreg.gather [hbm4b:s6+s3], $0x80, v4, vm0, $0xb8;
	[tilespmem:$0x1E400] =	vst v63  }
0x163: {  	s1 =	simm.s32 $0xDC00  }
0x164: {  	[tilespmem:s1], [sflag:$0x3] =	stream.indirect_vreg.gather [hbm4b:s2+s3], $0x80, v3, vm0, $0xb8;
	[tilespmem:$0x1E400] =	vst v63  }
0x165: {  	s4 =	simm.s32 $0xE400  }
0x166: {  	[tilespmem:s4], [sflag:$0x3] =	stream.indirect_vreg.gather [hbm4b:s5+s3], $0x80, v3, vm0, $0xb8;
	[tilespmem:$0x1E400] =	vst v63  }
0x167: {  	s10 =	simm.s32 $0xEC00  }
0x168: {  	[tilespmem:s10], [sflag:$0x3] =	stream.indirect_vreg.gather [hbm4b:s6+s3], $0x80, v3, vm0, $0xb8;
	[tilespmem:$0x1E400] =	vst v63  }
0x169: {  	v3 =	vld [tilespmem:$0xF0];
	_ =	sdelay $0x4  }
0x16a: {  	v15 =	vshrl.u32 v3, $0x3  }
0x16b: {  	v4 =	vmul.u32 $0x30, v15  }
0x16c: {  	v3 =	vand.u32 $0x7, v3  }
0x16d: {  	v3 =	vor.u32 v3, v4  }
0x16e: {  	v4 =	vperm.xlane v3, v0;
	_ =	sdelay $0x1  }
0x16f: {  	v4 =	vadd.s32 v1, v4;
	_ =	sdelay $0x3  }
0x170: {  	s21 =	simm.s32 $0xF400;
	v3 =	vperm.xlane v3, v2  }
0x171: {  	[tilespmem:s21], [sflag:$0x3] =	stream.indirect_vreg.gather [hbm4b:s2+s3], $0x80, v4, vm0, $0xb8;
	[tilespmem:$0x1E400] =	vst v63  }
0x172: {  	s10 =	simm.s32 $0xFC00;
	v3 =	vadd.s32 v1, v3  }
0x173: {  	[tilespmem:s10], [sflag:$0x3] =	stream.indirect_vreg.gather [hbm4b:s5+s3], $0x80, v4, vm0, $0xb8;
	[tilespmem:$0x1E400] =	vst v63  }
0x174: {  	s21 =	simm.s32 $0x10400  }
0x175: {  	[tilespmem:s21], [sflag:$0x3] =	stream.indirect_vreg.gather [hbm4b:s6+s3], $0x80, v4, vm0, $0xb8;
	[tilespmem:$0x1E400] =	vst v63  }
0x176: {  	s22 =	simm.s32 $0x10C00  }
0x177: {  	[tilespmem:s22], [sflag:$0x3] =	stream.indirect_vreg.gather [hbm4b:s2+s3], $0x80, v3, vm0, $0xb8;
	[tilespmem:$0x1E400] =	vst v63  }
0x178: {  	s1 =	simm.s32 $0x11400  }
0x179: {  	[tilespmem:s1], [sflag:$0x3] =	stream.indirect_vreg.gather [hbm4b:s5+s3], $0x80, v3, vm0, $0xb8;
	[tilespmem:$0x1E400] =	vst v63  }
0x17a: {  	s23 =	simm.s32 $0x11C00  }
0x17b: {  	[tilespmem:s23], [sflag:$0x3] =	stream.indirect_vreg.gather [hbm4b:s6+s3], $0x80, v3, vm0, $0xb8;
	[tilespmem:$0x1E400] =	vst v63  }
0x17c: {  	_ =	swait.ge [sflag:s17], $0x6000  }
0x17d: {  	[sflag:s17] =	ssyncset.done $0x0  }
0x17e: {  	s10 =	simm.s32 $0x12400;
	s4 =	rddreg [dreg:$0x7];
	[sflag:s17] =	ssyncadd.s32 $0xFFFFA000  }
0x17f: {  	[hbm4b:s4+s3] =	stream.linear.scatter [tilespmem:s10], [sflag:$0x9], $0x6000, $0x38;
	[tilespmem:$0x1E400] =	vst v63  }
0x180: {  	_ =	swait.ge [sflag:s18], $0x6000  }
0x181: {  	[sflag:s18] =	ssyncset.done $0x0  }
0x182: {  	[sflag:s18] =	ssyncadd.s32 $0xFFFFA000  }
0x183: {  	v3 =	vld [tilespmem:$0x100];
	_ =	sdelay $0x4  }
0x184: {  	v16 =	vshrl.u32 v3, $0x3  }
0x185: {  	v4 =	vmul.u32 $0x30, v16  }
0x186: {  	v3 =	vand.u32 $0x7, v3  }
0x187: {  	v3 =	vor.u32 v3, v4  }
0x188: {  	v4 =	vperm.xlane v3, v0;
	_ =	sdelay $0x1  }
0x189: {  	v4 =	vadd.s32 v1, v4;
	_ =	sdelay $0x3  }
0x18a: {  	v3 =	vperm.xlane v3, v2  }
0x18b: {  	[tilespmem:s10], [sflag:$0x4] =	stream.indirect_vreg.gather [hbm4b:s2+s3], $0x80, v4, vm0, $0xb8;
	[tilespmem:$0x1E400] =	vst v63  }
0x18c: {  	s21 =	simm.s32 $0x12C00;
	v3 =	vadd.s32 v1, v3  }
0x18d: {  	[tilespmem:s21], [sflag:$0x4] =	stream.indirect_vreg.gather [hbm4b:s5+s3], $0x80, v4, vm0, $0xb8;
	[tilespmem:$0x1E400] =	vst v63  }
0x18e: {  	s22 =	simm.s32 $0x13400  }
0x18f: {  	[tilespmem:s22], [sflag:$0x4] =	stream.indirect_vreg.gather [hbm4b:s6+s3], $0x80, v4, vm0, $0xb8;
	[tilespmem:$0x1E400] =	vst v63  }
0x190: {  	s23 =	simm.s32 $0x13C00  }
0x191: {  	[tilespmem:s23], [sflag:$0x4] =	stream.indirect_vreg.gather [hbm4b:s2+s3], $0x80, v3, vm0, $0xb8;
	[tilespmem:$0x1E400] =	vst v63  }
0x192: {  	s1 =	simm.s32 $0x14400  }
0x193: {  	[tilespmem:s1], [sflag:$0x4] =	stream.indirect_vreg.gather [hbm4b:s5+s3], $0x80, v3, vm0, $0xb8;
	[tilespmem:$0x1E400] =	vst v63  }
0x194: {  	s4 =	simm.s32 $0x14C00  }
0x195: {  	[tilespmem:s4], [sflag:$0x4] =	stream.indirect_vreg.gather [hbm4b:s6+s3], $0x80, v3, vm0, $0xb8;
	[tilespmem:$0x1E400] =	vst v63  }
0x196: {  	v3 =	vld [tilespmem:$0x110];
	_ =	sdelay $0x4  }
0x197: {  	v17 =	vshrl.u32 v3, $0x3  }
0x198: {  	v4 =	vmul.u32 $0x30, v17  }
0x199: {  	v3 =	vand.u32 $0x7, v3  }
0x19a: {  	v3 =	vor.u32 v3, v4  }
0x19b: {  	v4 =	vperm.xlane v3, v0;
	_ =	sdelay $0x1  }
0x19c: {  	v4 =	vadd.s32 v1, v4;
	_ =	sdelay $0x3  }
0x19d: {  	s10 =	simm.s32 $0x15400;
	v3 =	vperm.xlane v3, v2  }
0x19e: {  	[tilespmem:s10], [sflag:$0x4] =	stream.indirect_vreg.gather [hbm4b:s2+s3], $0x80, v4, vm0, $0xb8;
	[tilespmem:$0x1E400] =	vst v63  }
0x19f: {  	s21 =	simm.s32 $0x15C00;
	v3 =	vadd.s32 v1, v3  }
0x1a0: {  	[tilespmem:s21], [sflag:$0x4] =	stream.indirect_vreg.gather [hbm4b:s5+s3], $0x80, v4, vm0, $0xb8;
	[tilespmem:$0x1E400] =	vst v63  }
0x1a1: {  	s22 =	simm.s32 $0x16400  }
0x1a2: {  	[tilespmem:s22], [sflag:$0x4] =	stream.indirect_vreg.gather [hbm4b:s6+s3], $0x80, v4, vm0, $0xb8;
	[tilespmem:$0x1E400] =	vst v63  }
0x1a3: {  	s23 =	simm.s32 $0x16C00  }
0x1a4: {  	[tilespmem:s23], [sflag:$0x4] =	stream.indirect_vreg.gather [hbm4b:s2+s3], $0x80, v3, vm0, $0xb8;
	[tilespmem:$0x1E400] =	vst v63  }
0x1a5: {  	s1 =	simm.s32 $0x17400  }
0x1a6: {  	[tilespmem:s1], [sflag:$0x4] =	stream.indirect_vreg.gather [hbm4b:s5+s3], $0x80, v3, vm0, $0xb8;
	[tilespmem:$0x1E400] =	vst v63  }
0x1a7: {  	s4 =	simm.s32 $0x17C00  }
0x1a8: {  	[tilespmem:s4], [sflag:$0x4] =	stream.indirect_vreg.gather [hbm4b:s6+s3], $0x80, v3, vm0, $0xb8;
	[tilespmem:$0x1E400] =	vst v63  }
0x1a9: {  	_ =	swait.ge [sflag:s19], $0x6000  }
0x1aa: {  	[sflag:s19] =	ssyncset.done $0x0  }
0x1ab: {  	s21 =	simm.s32 $0x18400;
	s10 =	rddreg [dreg:$0x8];
	[sflag:s19] =	ssyncadd.s32 $0xFFFFA000  }
0x1ac: {  	[hbm4b:s10+s3] =	stream.linear.scatter [tilespmem:s21], [sflag:$0xA], $0x6000, $0x38;
	[tilespmem:$0x1E400] =	vst v63  }
0x1ad: {  	_ =	swait.ge [sflag:s20], $0x6000  }
0x1ae: {  	[sflag:s20] =	ssyncset.done $0x0  }
0x1af: {  	[sflag:s20] =	ssyncadd.s32 $0xFFFFA000  }
0x1b0: {  	v3 =	vld [tilespmem:$0x120];
	_ =	sdelay $0x4  }
0x1b1: {  	v18 =	vshrl.u32 v3, $0x3  }
0x1b2: {  	v4 =	vmul.u32 $0x30, v18  }
0x1b3: {  	v3 =	vand.u32 $0x7, v3  }
0x1b4: {  	v3 =	vor.u32 v3, v4  }
0x1b5: {  	v4 =	vperm.xlane v3, v0;
	_ =	sdelay $0x1  }
0x1b6: {  	v4 =	vadd.s32 v1, v4;
	_ =	sdelay $0x3  }
0x1b7: {  	v3 =	vperm.xlane v3, v2  }
0x1b8: {  	[tilespmem:s21], [sflag:$0x5] =	stream.indirect_vreg.gather [hbm4b:s2+s3], $0x80, v4, vm0, $0xb8;
	[tilespmem:$0x1E400] =	vst v63  }
0x1b9: {  	s1 =	simm.s32 $0x18C00;
	v3 =	vadd.s32 v1, v3  }
0x1ba: {  	[tilespmem:s1], [sflag:$0x5] =	stream.indirect_vreg.gather [hbm4b:s5+s3], $0x80, v4, vm0, $0xb8;
	[tilespmem:$0x1E400] =	vst v63  }
0x1bb: {  	s4 =	simm.s32 $0x19400  }
0x1bc: {  	[tilespmem:s4], [sflag:$0x5] =	stream.indirect_vreg.gather [hbm4b:s6+s3], $0x80, v4, vm0, $0xb8;
	[tilespmem:$0x1E400] =	vst v63  }
0x1bd: {  	s10 =	simm.s32 $0x19C00  }
0x1be: {  	[tilespmem:s10], [sflag:$0x5] =	stream.indirect_vreg.gather [hbm4b:s2+s3], $0x80, v3, vm0, $0xb8;
	[tilespmem:$0x1E400] =	vst v63  }
0x1bf: {  	s21 =	simm.s32 $0x1A400  }
0x1c0: {  	[tilespmem:s21], [sflag:$0x5] =	stream.indirect_vreg.gather [hbm4b:s5+s3], $0x80, v3, vm0, $0xb8;
	[tilespmem:$0x1E400] =	vst v63  }
0x1c1: {  	s22 =	simm.s32 $0x1AC00  }
0x1c2: {  	[tilespmem:s22], [sflag:$0x5] =	stream.indirect_vreg.gather [hbm4b:s6+s3], $0x80, v3, vm0, $0xb8;
	[tilespmem:$0x1E400] =	vst v63  }
0x1c3: {  	v3 =	vld [tilespmem:$0x130];
	_ =	sdelay $0x4  }
0x1c4: {  	v19 =	vshrl.u32 v3, $0x3  }
0x1c5: {  	v4 =	vmul.u32 $0x30, v19  }
0x1c6: {  	v3 =	vand.u32 $0x7, v3  }
0x1c7: {  	v3 =	vor.u32 v3, v4  }
0x1c8: {  	v4 =	vperm.xlane v3, v0;
	_ =	sdelay $0x1  }
0x1c9: {  	v4 =	vadd.s32 v1, v4;
	_ =	sdelay $0x3  }
0x1ca: {  	s23 =	simm.s32 $0x1B400;
	v3 =	vperm.xlane v3, v2  }
0x1cb: {  	[tilespmem:s23], [sflag:$0x5] =	stream.indirect_vreg.gather [hbm4b:s2+s3], $0x80, v4, vm0, $0xb8;
	[tilespmem:$0x1E400] =	vst v63  }
0x1cc: {  	v3 =	vadd.s32 v1, v3;
	s23 =	simm.s32 $0x1BC00  }
0x1cd: {  	[tilespmem:s23], [sflag:$0x5] =	stream.indirect_vreg.gather [hbm4b:s5+s3], $0x80, v4, vm0, $0xb8;
	[tilespmem:$0x1E400] =	vst v63  }
0x1ce: {  	s22 =	simm.s32 $0x1C400  }
0x1cf: {  	[tilespmem:s22], [sflag:$0x5] =	stream.indirect_vreg.gather [hbm4b:s6+s3], $0x80, v4, vm0, $0xb8;
	[tilespmem:$0x1E400] =	vst v63  }
0x1d0: {  	s22 =	simm.s32 $0x1CC00  }
0x1d1: {  	[tilespmem:s22], [sflag:$0x5] =	stream.indirect_vreg.gather [hbm4b:s2+s3], $0x80, v3, vm0, $0xb8;
	[tilespmem:$0x1E400] =	vst v63  }
0x1d2: {  	s22 =	simm.s32 $0x1D400  }
0x1d3: {  	[tilespmem:s22], [sflag:$0x5] =	stream.indirect_vreg.gather [hbm4b:s5+s3], $0x80, v3, vm0, $0xb8;
	[tilespmem:$0x1E400] =	vst v63  }
0x1d4: {  	s22 =	simm.s32 $0x1DC00  }
0x1d5: {  	[tilespmem:s22], [sflag:$0x5] =	stream.indirect_vreg.gather [hbm4b:s6+s3], $0x80, v3, vm0, $0xb8;
	[tilespmem:$0x1E400] =	vst v63  }
0x1d6: {  	_ =	swait.ge [sflag:s11], $0x6000  }
0x1d7: {  	[sflag:s11] =	ssyncset.done $0x0  }
0x1d8: {  	s0 =	simm.s32 $0x400;
	s22 =	rddreg [dreg:$0x9];
	[sflag:s11] =	ssyncadd.s32 $0xFFFFA000  }
0x1d9: {  	[hbm4b:s22+s3] =	stream.linear.scatter [tilespmem:s0], [sflag:$0x6], $0x6000, $0x38;
	[tilespmem:$0x1E400] =	vst v63  }
0x1da: {  	_ =	swait.ge [sflag:s12], $0x6000  }
0x1db: {  	[sflag:s12] =	ssyncset.done $0x0  }
0x1dc: {  	[sflag:s12] =	ssyncadd.s32 $0xFFFFA000  }
0x1dd: {  	v3 =	vld [tilespmem:$0x140];
	_ =	sdelay $0x4  }
0x1de: {  	v20 =	vshrl.u32 v3, $0x3  }
0x1df: {  	v4 =	vmul.u32 $0x30, v20  }
0x1e0: {  	v3 =	vand.u32 $0x7, v3  }
0x1e1: {  	v3 =	vor.u32 v3, v4  }
0x1e2: {  	v4 =	vperm.xlane v3, v0;
	_ =	sdelay $0x1  }
0x1e3: {  	v4 =	vadd.s32 v1, v4;
	_ =	sdelay $0x3  }
0x1e4: {  	v3 =	vperm.xlane v3, v2  }
0x1e5: {  	[tilespmem:s0], [sflag:$0x1] =	stream.indirect_vreg.gather [hbm4b:s2+s3], $0x80, v4, vm0, $0xb8;
	[tilespmem:$0x1E400] =	vst v63  }
0x1e6: {  	v3 =	vadd.s32 v1, v3  }
0x1e7: {  	[tilespmem:s25], [sflag:$0x1] =	stream.indirect_vreg.gather [hbm4b:s5+s3], $0x80, v4, vm0, $0xb8;
	[tilespmem:$0x1E400] =	vst v63  }
0x1e8: {  	_ = 	snop  }
0x1e9: {  	[tilespmem:s26], [sflag:$0x1] =	stream.indirect_vreg.gather [hbm4b:s6+s3], $0x80, v4, vm0, $0xb8;
	[tilespmem:$0x1E400] =	vst v63  }
0x1ea: {  	_ = 	snop  }
0x1eb: {  	[tilespmem:s28], [sflag:$0x1] =	stream.indirect_vreg.gather [hbm4b:s2+s3], $0x80, v3, vm0, $0xb8;
	[tilespmem:$0x1E400] =	vst v63  }
0x1ec: {  	_ = 	snop  }
0x1ed: {  	[tilespmem:s29], [sflag:$0x1] =	stream.indirect_vreg.gather [hbm4b:s5+s3], $0x80, v3, vm0, $0xb8;
	[tilespmem:$0x1E400] =	vst v63  }
0x1ee: {  	s28 =	simm.s32 $0x2C00  }
0x1ef: {  	[tilespmem:s28], [sflag:$0x1] =	stream.indirect_vreg.gather [hbm4b:s6+s3], $0x80, v3, vm0, $0xb8;
	[tilespmem:$0x1E400] =	vst v63  }
0x1f0: {  	v3 =	vld [tilespmem:$0x150];
	_ =	sdelay $0x4  }
0x1f1: {  	v21 =	vshrl.u32 v3, $0x3  }
0x1f2: {  	v4 =	vmul.u32 $0x30, v21  }
0x1f3: {  	v3 =	vand.u32 $0x7, v3  }
0x1f4: {  	v3 =	vor.u32 v3, v4  }
0x1f5: {  	v4 =	vperm.xlane v3, v0;
	_ =	sdelay $0x1  }
0x1f6: {  	v4 =	vadd.s32 v1, v4;
	_ =	sdelay $0x3  }
0x1f7: {  	s29 =	simm.s32 $0x3400;
	v3 =	vperm.xlane v3, v2  }
0x1f8: {  	[tilespmem:s29], [sflag:$0x1] =	stream.indirect_vreg.gather [hbm4b:s2+s3], $0x80, v4, vm0, $0xb8;
	[tilespmem:$0x1E400] =	vst v63  }
0x1f9: {  	v3 =	vadd.s32 v1, v3  }
0x1fa: {  	[tilespmem:s30], [sflag:$0x1] =	stream.indirect_vreg.gather [hbm4b:s5+s3], $0x80, v4, vm0, $0xb8;
	[tilespmem:$0x1E400] =	vst v63  }
0x1fb: {  	_ = 	snop  }
0x1fc: {  	[tilespmem:s9], [sflag:$0x1] =	stream.indirect_vreg.gather [hbm4b:s6+s3], $0x80, v4, vm0, $0xb8;
	[tilespmem:$0x1E400] =	vst v63  }
0x1fd: {  	_ = 	snop  }
0x1fe: {  	[tilespmem:s7], [sflag:$0x1] =	stream.indirect_vreg.gather [hbm4b:s2+s3], $0x80, v3, vm0, $0xb8;
	[tilespmem:$0x1E400] =	vst v63  }
0x1ff: {  	_ = 	snop  }
0x200: {  	[tilespmem:s8], [sflag:$0x1] =	stream.indirect_vreg.gather [hbm4b:s5+s3], $0x80, v3, vm0, $0xb8;
	[tilespmem:$0x1E400] =	vst v63  }
0x201: {  	_ = 	snop  }
0x202: {  	[tilespmem:s31], [sflag:$0x1] =	stream.indirect_vreg.gather [hbm4b:s6+s3], $0x80, v3, vm0, $0xb8;
	[tilespmem:$0x1E400] =	vst v63  }
0x203: {  	_ =	swait.ge [sflag:s13], $0x6000  }
0x204: {  	[sflag:s13] =	ssyncset.done $0x0  }
0x205: {  	s25 =	simm.s32 $0x6400;
	s9 =	rddreg [dreg:$0xa];
	[sflag:s13] =	ssyncadd.s32 $0xFFFFA000  }
0x206: {  	[hbm4b:s9+s3] =	stream.linear.scatter [tilespmem:s25], [sflag:$0x7], $0x6000, $0x38;
	[tilespmem:$0x1E400] =	vst v63  }
0x207: {  	_ =	swait.ge [sflag:s14], $0x6000  }
0x208: {  	[sflag:s14] =	ssyncset.done $0x0  }
0x209: {  	[sflag:s14] =	ssyncadd.s32 $0xFFFFA000  }
0x20a: {  	v3 =	vld [tilespmem:$0x160];
	_ =	sdelay $0x4  }
0x20b: {  	v22 =	vshrl.u32 v3, $0x3  }
0x20c: {  	v4 =	vmul.u32 $0x30, v22  }
0x20d: {  	v3 =	vand.u32 $0x7, v3  }
0x20e: {  	v3 =	vor.u32 v3, v4  }
0x20f: {  	v4 =	vperm.xlane v3, v0;
	_ =	sdelay $0x1  }
0x210: {  	v4 =	vadd.s32 v1, v4;
	_ =	sdelay $0x3  }
0x211: {  	v3 =	vperm.xlane v3, v2  }
0x212: {  	[tilespmem:s25], [sflag:$0x2] =	stream.indirect_vreg.gather [hbm4b:s2+s3], $0x80, v4, vm0, $0xb8;
	[tilespmem:$0x1E400] =	vst v63  }
0x213: {  	v3 =	vadd.s32 v1, v3  }
0x214: {  	[tilespmem:s24], [sflag:$0x2] =	stream.indirect_vreg.gather [hbm4b:s5+s3], $0x80, v4, vm0, $0xb8;
	[tilespmem:$0x1E400] =	vst v63  }
0x215: {  	s26 =	simm.s32 $0x7400  }
0x216: {  	[tilespmem:s26], [sflag:$0x2] =	stream.indirect_vreg.gather [hbm4b:s6+s3], $0x80, v4, vm0, $0xb8;
	[tilespmem:$0x1E400] =	vst v63  }
0x217: {  	s28 =	simm.s32 $0x7C00  }
0x218: {  	[tilespmem:s28], [sflag:$0x2] =	stream.indirect_vreg.gather [hbm4b:s2+s3], $0x80, v3, vm0, $0xb8;
	[tilespmem:$0x1E400] =	vst v63  }
0x219: {  	s29 =	simm.s32 $0x8400  }
0x21a: {  	[tilespmem:s29], [sflag:$0x2] =	stream.indirect_vreg.gather [hbm4b:s5+s3], $0x80, v3, vm0, $0xb8;
	[tilespmem:$0x1E400] =	vst v63  }
0x21b: {  	s30 =	simm.s32 $0x8C00  }
0x21c: {  	[tilespmem:s30], [sflag:$0x2] =	stream.indirect_vreg.gather [hbm4b:s6+s3], $0x80, v3, vm0, $0xb8;
	[tilespmem:$0x1E400] =	vst v63  }
0x21d: {  	v3 =	vld [tilespmem:$0x170];
	_ =	sdelay $0x4  }
0x21e: {  	v23 =	vshrl.u32 v3, $0x3  }
0x21f: {  	v4 =	vmul.u32 $0x30, v23  }
0x220: {  	v3 =	vand.u32 $0x7, v3  }
0x221: {  	v3 =	vor.u32 v3, v4  }
0x222: {  	v4 =	vperm.xlane v3, v0;
	_ =	sdelay $0x1  }
0x223: {  	v4 =	vadd.s32 v1, v4;
	_ =	sdelay $0x3  }
0x224: {  	s31 =	simm.s32 $0x9400;
	v3 =	vperm.xlane v3, v2  }
0x225: {  	[tilespmem:s31], [sflag:$0x2] =	stream.indirect_vreg.gather [hbm4b:s2+s3], $0x80, v4, vm0, $0xb8;
	[tilespmem:$0x1E400] =	vst v63  }
0x226: {  	s7 =	simm.s32 $0x9C00;
	v3 =	vadd.s32 v1, v3  }
0x227: {  	[tilespmem:s7], [sflag:$0x2] =	stream.indirect_vreg.gather [hbm4b:s5+s3], $0x80, v4, vm0, $0xb8;
	[tilespmem:$0x1E400] =	vst v63  }
0x228: {  	s8 =	simm.s32 $0xA400  }
0x229: {  	[tilespmem:s8], [sflag:$0x2] =	stream.indirect_vreg.gather [hbm4b:s6+s3], $0x80, v4, vm0, $0xb8;
	[tilespmem:$0x1E400] =	vst v63  }
0x22a: {  	s9 =	simm.s32 $0xAC00  }
0x22b: {  	[tilespmem:s9], [sflag:$0x2] =	stream.indirect_vreg.gather [hbm4b:s2+s3], $0x80, v3, vm0, $0xb8;
	[tilespmem:$0x1E400] =	vst v63  }
0x22c: {  	s22 =	simm.s32 $0xB400  }
0x22d: {  	[tilespmem:s22], [sflag:$0x2] =	stream.indirect_vreg.gather [hbm4b:s5+s3], $0x80, v3, vm0, $0xb8;
	[tilespmem:$0x1E400] =	vst v63  }
0x22e: {  	s24 =	simm.s32 $0xBC00  }
0x22f: {  	[tilespmem:s24], [sflag:$0x2] =	stream.indirect_vreg.gather [hbm4b:s6+s3], $0x80, v3, vm0, $0xb8;
	[tilespmem:$0x1E400] =	vst v63  }
0x230: {  	_ =	swait.ge [sflag:s15], $0x6000  }
0x231: {  	[sflag:s15] =	ssyncset.done $0x0  }
0x232: {  	s26 =	simm.s32 $0xC400;
	s25 =	rddreg [dreg:$0xb];
	[sflag:s15] =	ssyncadd.s32 $0xFFFFA000  }
0x233: {  	[hbm4b:s25+s3] =	stream.linear.scatter [tilespmem:s26], [sflag:$0x8], $0x6000, $0x38;
	[tilespmem:$0x1E400] =	vst v63  }
0x234: {  	_ =	swait.ge [sflag:s16], $0x6000  }
0x235: {  	[sflag:s16] =	ssyncset.done $0x0  }
0x236: {  	[sflag:s16] =	ssyncadd.s32 $0xFFFFA000  }
0x237: {  	v3 =	vld [tilespmem:$0x180];
	_ =	sdelay $0x4  }
0x238: {  	v24 =	vshrl.u32 v3, $0x3  }
0x239: {  	v4 =	vmul.u32 $0x30, v24  }
0x23a: {  	v3 =	vand.u32 $0x7, v3  }
0x23b: {  	v3 =	vor.u32 v3, v4  }
0x23c: {  	v4 =	vperm.xlane v3, v0;
	_ =	sdelay $0x1  }
0x23d: {  	v4 =	vadd.s32 v1, v4;
	_ =	sdelay $0x3  }
0x23e: {  	v3 =	vperm.xlane v3, v2  }
0x23f: {  	[tilespmem:s26], [sflag:$0x3] =	stream.indirect_vreg.gather [hbm4b:s2+s3], $0x80, v4, vm0, $0xb8;
	[tilespmem:$0x1E400] =	vst v63  }
0x240: {  	s31 =	simm.s32 $0xCC00;
	v3 =	vadd.s32 v1, v3  }
0x241: {  	[tilespmem:s31], [sflag:$0x3] =	stream.indirect_vreg.gather [hbm4b:s5+s3], $0x80, v4, vm0, $0xb8;
	[tilespmem:$0x1E400] =	vst v63  }
0x242: {  	s7 =	simm.s32 $0xD400  }
0x243: {  	[tilespmem:s7], [sflag:$0x3] =	stream.indirect_vreg.gather [hbm4b:s6+s3], $0x80, v4, vm0, $0xb8;
	[tilespmem:$0x1E400] =	vst v63  }
0x244: {  	s28 =	simm.s32 $0xDC00  }
0x245: {  	[tilespmem:s28], [sflag:$0x3] =	stream.indirect_vreg.gather [hbm4b:s2+s3], $0x80, v3, vm0, $0xb8;
	[tilespmem:$0x1E400] =	vst v63  }
0x246: {  	s29 =	simm.s32 $0xE400  }
0x247: {  	[tilespmem:s29], [sflag:$0x3] =	stream.indirect_vreg.gather [hbm4b:s5+s3], $0x80, v3, vm0, $0xb8;
	[tilespmem:$0x1E400] =	vst v63  }
0x248: {  	s30 =	simm.s32 $0xEC00  }
0x249: {  	[tilespmem:s30], [sflag:$0x3] =	stream.indirect_vreg.gather [hbm4b:s6+s3], $0x80, v3, vm0, $0xb8;
	[tilespmem:$0x1E400] =	vst v63  }
0x24a: {  	v3 =	vld [tilespmem:$0x190];
	_ =	sdelay $0x4  }
0x24b: {  	v25 =	vshrl.u32 v3, $0x3  }
0x24c: {  	v4 =	vmul.u32 $0x30, v25  }
0x24d: {  	v3 =	vand.u32 $0x7, v3  }
0x24e: {  	v3 =	vor.u32 v3, v4  }
0x24f: {  	v4 =	vperm.xlane v3, v0;
	_ =	sdelay $0x1  }
0x250: {  	v4 =	vadd.s32 v1, v4;
	_ =	sdelay $0x3  }
0x251: {  	s8 =	simm.s32 $0xF400;
	v3 =	vperm.xlane v3, v2  }
0x252: {  	[tilespmem:s8], [sflag:$0x3] =	stream.indirect_vreg.gather [hbm4b:s2+s3], $0x80, v4, vm0, $0xb8;
	[tilespmem:$0x1E400] =	vst v63  }
0x253: {  	s9 =	simm.s32 $0xFC00;
	v3 =	vadd.s32 v1, v3  }
0x254: {  	[tilespmem:s9], [sflag:$0x3] =	stream.indirect_vreg.gather [hbm4b:s5+s3], $0x80, v4, vm0, $0xb8;
	[tilespmem:$0x1E400] =	vst v63  }
0x255: {  	s22 =	simm.s32 $0x10400  }
0x256: {  	[tilespmem:s22], [sflag:$0x3] =	stream.indirect_vreg.gather [hbm4b:s6+s3], $0x80, v4, vm0, $0xb8;
	[tilespmem:$0x1E400] =	vst v63  }
0x257: {  	s24 =	simm.s32 $0x10C00  }
0x258: {  	[tilespmem:s24], [sflag:$0x3] =	stream.indirect_vreg.gather [hbm4b:s2+s3], $0x80, v3, vm0, $0xb8;
	[tilespmem:$0x1E400] =	vst v63  }
0x259: {  	s25 =	simm.s32 $0x11400  }
0x25a: {  	[tilespmem:s25], [sflag:$0x3] =	stream.indirect_vreg.gather [hbm4b:s5+s3], $0x80, v3, vm0, $0xb8;
	[tilespmem:$0x1E400] =	vst v63  }
0x25b: {  	s26 =	simm.s32 $0x11C00  }
0x25c: {  	[tilespmem:s26], [sflag:$0x3] =	stream.indirect_vreg.gather [hbm4b:s6+s3], $0x80, v3, vm0, $0xb8;
	[tilespmem:$0x1E400] =	vst v63  }
0x25d: {  	_ =	swait.ge [sflag:s17], $0x6000  }
0x25e: {  	[sflag:s17] =	ssyncset.done $0x0  }
0x25f: {  	s29 =	simm.s32 $0x12400;
	s28 =	rddreg [dreg:$0xc];
	[sflag:s17] =	ssyncadd.s32 $0xFFFFA000  }
0x260: {  	[hbm4b:s28+s3] =	stream.linear.scatter [tilespmem:s29], [sflag:$0x9], $0x6000, $0x38;
	[tilespmem:$0x1E400] =	vst v63  }
0x261: {  	_ =	swait.ge [sflag:s18], $0x6000  }
0x262: {  	[sflag:s18] =	ssyncset.done $0x0  }
0x263: {  	[sflag:s18] =	ssyncadd.s32 $0xFFFFA000  }
0x264: {  	v3 =	vld [tilespmem:$0x1A0];
	_ =	sdelay $0x4  }
0x265: {  	v26 =	vshrl.u32 v3, $0x3  }
0x266: {  	v4 =	vmul.u32 $0x30, v26  }
0x267: {  	v3 =	vand.u32 $0x7, v3  }
0x268: {  	v3 =	vor.u32 v3, v4  }
0x269: {  	v4 =	vperm.xlane v3, v0;
	_ =	sdelay $0x1  }
0x26a: {  	v4 =	vadd.s32 v1, v4;
	_ =	sdelay $0x3  }
0x26b: {  	v3 =	vperm.xlane v3, v2  }
0x26c: {  	[tilespmem:s29], [sflag:$0x4] =	stream.indirect_vreg.gather [hbm4b:s2+s3], $0x80, v4, vm0, $0xb8;
	[tilespmem:$0x1E400] =	vst v63  }
0x26d: {  	s30 =	simm.s32 $0x12C00;
	v3 =	vadd.s32 v1, v3  }
0x26e: {  	[tilespmem:s30], [sflag:$0x4] =	stream.indirect_vreg.gather [hbm4b:s5+s3], $0x80, v4, vm0, $0xb8;
	[tilespmem:$0x1E400] =	vst v63  }
0x26f: {  	s8 =	simm.s32 $0x13400  }
0x270: {  	[tilespmem:s8], [sflag:$0x4] =	stream.indirect_vreg.gather [hbm4b:s6+s3], $0x80, v4, vm0, $0xb8;
	[tilespmem:$0x1E400] =	vst v63  }
0x271: {  	s9 =	simm.s32 $0x13C00  }
0x272: {  	[tilespmem:s9], [sflag:$0x4] =	stream.indirect_vreg.gather [hbm4b:s2+s3], $0x80, v3, vm0, $0xb8;
	[tilespmem:$0x1E400] =	vst v63  }
0x273: {  	s8 =	simm.s32 $0x14400  }
0x274: {  	[tilespmem:s8], [sflag:$0x4] =	stream.indirect_vreg.gather [hbm4b:s5+s3], $0x80, v3, vm0, $0xb8;
	[tilespmem:$0x1E400] =	vst v63  }
0x275: {  	s28 =	simm.s32 $0x14C00  }
0x276: {  	[tilespmem:s28], [sflag:$0x4] =	stream.indirect_vreg.gather [hbm4b:s6+s3], $0x80, v3, vm0, $0xb8;
	[tilespmem:$0x1E400] =	vst v63  }
0x277: {  	v3 =	vld [tilespmem:$0x1B0];
	_ =	sdelay $0x4  }
0x278: {  	v27 =	vshrl.u32 v3, $0x3  }
0x279: {  	v4 =	vmul.u32 $0x30, v27  }
0x27a: {  	v3 =	vand.u32 $0x7, v3  }
0x27b: {  	v3 =	vor.u32 v3, v4  }
0x27c: {  	v4 =	vperm.xlane v3, v0;
	_ =	sdelay $0x1  }
0x27d: {  	v4 =	vadd.s32 v1, v4;
	_ =	sdelay $0x3  }
0x27e: {  	s29 =	simm.s32 $0x15400;
	v3 =	vperm.xlane v3, v2  }
0x27f: {  	[tilespmem:s29], [sflag:$0x4] =	stream.indirect_vreg.gather [hbm4b:s2+s3], $0x80, v4, vm0, $0xb8;
	[tilespmem:$0x1E400] =	vst v63  }
0x280: {  	s9 =	simm.s32 $0x15C00;
	v3 =	vadd.s32 v1, v3  }
0x281: {  	[tilespmem:s9], [sflag:$0x4] =	stream.indirect_vreg.gather [hbm4b:s5+s3], $0x80, v4, vm0, $0xb8;
	[tilespmem:$0x1E400] =	vst v63  }
0x282: {  	s24 =	simm.s32 $0x16400  }
0x283: {  	[tilespmem:s24], [sflag:$0x4] =	stream.indirect_vreg.gather [hbm4b:s6+s3], $0x80, v4, vm0, $0xb8;
	[tilespmem:$0x1E400] =	vst v63  }
0x284: {  	s25 =	simm.s32 $0x16C00  }
0x285: {  	[tilespmem:s25], [sflag:$0x4] =	stream.indirect_vreg.gather [hbm4b:s2+s3], $0x80, v3, vm0, $0xb8;
	[tilespmem:$0x1E400] =	vst v63  }
0x286: {  	s26 =	simm.s32 $0x17400  }
0x287: {  	[tilespmem:s26], [sflag:$0x4] =	stream.indirect_vreg.gather [hbm4b:s5+s3], $0x80, v3, vm0, $0xb8;
	[tilespmem:$0x1E400] =	vst v63  }
0x288: {  	s30 =	simm.s32 $0x17C00  }
0x289: {  	[tilespmem:s30], [sflag:$0x4] =	stream.indirect_vreg.gather [hbm4b:s6+s3], $0x80, v3, vm0, $0xb8;
	[tilespmem:$0x1E400] =	vst v63  }
0x28a: {  	_ =	swait.ge [sflag:s19], $0x6000  }
0x28b: {  	[sflag:s19] =	ssyncset.done $0x0  }
0x28c: {  	s0 =	simm.s32 $0x18400;
	s22 =	rddreg [dreg:$0xd];
	[sflag:s19] =	ssyncadd.s32 $0xFFFFA000  }
0x28d: {  	[hbm4b:s22+s3] =	stream.linear.scatter [tilespmem:s0], [sflag:$0xA], $0x6000, $0x38;
	[tilespmem:$0x1E400] =	vst v63  }
0x28e: {  	_ =	swait.ge [sflag:s20], $0x6000  }
0x28f: {  	[sflag:s20] =	ssyncset.done $0x0  }
0x290: {  	[sflag:s20] =	ssyncadd.s32 $0xFFFFA000  }
0x291: {  	v3 =	vld [tilespmem:$0x1C0];
	_ =	sdelay $0x4  }
0x292: {  	v28 =	vshrl.u32 v3, $0x3  }
0x293: {  	v4 =	vmul.u32 $0x30, v28  }
0x294: {  	v3 =	vand.u32 $0x7, v3  }
0x295: {  	v3 =	vor.u32 v3, v4  }
0x296: {  	v4 =	vperm.xlane v3, v0;
	_ =	sdelay $0x1  }
0x297: {  	v4 =	vadd.s32 v1, v4;
	_ =	sdelay $0x3  }
0x298: {  	v3 =	vperm.xlane v3, v2  }
0x299: {  	[tilespmem:s0], [sflag:$0x5] =	stream.indirect_vreg.gather [hbm4b:s2+s3], $0x80, v4, vm0, $0xb8;
	[tilespmem:$0x1E400] =	vst v63  }
0x29a: {  	v3 =	vadd.s32 v1, v3  }
0x29b: {  	[tilespmem:s1], [sflag:$0x5] =	stream.indirect_vreg.gather [hbm4b:s5+s3], $0x80, v4, vm0, $0xb8;
	[tilespmem:$0x1E400] =	vst v63  }
0x29c: {  	_ = 	snop  }
0x29d: {  	[tilespmem:s4], [sflag:$0x5] =	stream.indirect_vreg.gather [hbm4b:s6+s3], $0x80, v4, vm0, $0xb8;
	[tilespmem:$0x1E400] =	vst v63  }
0x29e: {  	_ = 	snop  }
0x29f: {  	[tilespmem:s10], [sflag:$0x5] =	stream.indirect_vreg.gather [hbm4b:s2+s3], $0x80, v3, vm0, $0xb8;
	[tilespmem:$0x1E400] =	vst v63  }
0x2a0: {  	_ = 	snop  }
0x2a1: {  	[tilespmem:s21], [sflag:$0x5] =	stream.indirect_vreg.gather [hbm4b:s5+s3], $0x80, v3, vm0, $0xb8;
	[tilespmem:$0x1E400] =	vst v63  }
0x2a2: {  	s22 =	simm.s32 $0x1AC00  }
0x2a3: {  	[tilespmem:s22], [sflag:$0x5] =	stream.indirect_vreg.gather [hbm4b:s6+s3], $0x80, v3, vm0, $0xb8;
	[tilespmem:$0x1E400] =	vst v63  }
0x2a4: {  	v3 =	vld [tilespmem:$0x1D0];
	_ =	sdelay $0x4  }
0x2a5: {  	v29 =	vshrl.u32 v3, $0x3  }
0x2a6: {  	v4 =	vmul.u32 $0x30, v29  }
0x2a7: {  	v3 =	vand.u32 $0x7, v3  }
0x2a8: {  	v3 =	vor.u32 v3, v4  }
0x2a9: {  	v4 =	vperm.xlane v3, v0;
	_ =	sdelay $0x1  }
0x2aa: {  	v4 =	vadd.s32 v1, v4;
	_ =	sdelay $0x3  }
0x2ab: {  	s1 =	simm.s32 $0x1B400;
	v3 =	vperm.xlane v3, v2  }
0x2ac: {  	[tilespmem:s1], [sflag:$0x5] =	stream.indirect_vreg.gather [hbm4b:s2+s3], $0x80, v4, vm0, $0xb8;
	[tilespmem:$0x1E400] =	vst v63  }
0x2ad: {  	v3 =	vadd.s32 v1, v3  }
0x2ae: {  	[tilespmem:s23], [sflag:$0x5] =	stream.indirect_vreg.gather [hbm4b:s5+s3], $0x80, v4, vm0, $0xb8;
	[tilespmem:$0x1E400] =	vst v63  }
0x2af: {  	s23 =	simm.s32 $0x1C400  }
0x2b0: {  	[tilespmem:s23], [sflag:$0x5] =	stream.indirect_vreg.gather [hbm4b:s6+s3], $0x80, v4, vm0, $0xb8;
	[tilespmem:$0x1E400] =	vst v63  }
0x2b1: {  	s0 =	simm.s32 $0x1CC00  }
0x2b2: {  	[tilespmem:s0], [sflag:$0x5] =	stream.indirect_vreg.gather [hbm4b:s2+s3], $0x80, v3, vm0, $0xb8;
	[tilespmem:$0x1E400] =	vst v63  }
0x2b3: {  	s4 =	simm.s32 $0x1D400  }
0x2b4: {  	[tilespmem:s4], [sflag:$0x5] =	stream.indirect_vreg.gather [hbm4b:s5+s3], $0x80, v3, vm0, $0xb8;
	[tilespmem:$0x1E400] =	vst v63  }
0x2b5: {  	s22 =	simm.s32 $0x1DC00  }
0x2b6: {  	[tilespmem:s22], [sflag:$0x5] =	stream.indirect_vreg.gather [hbm4b:s6+s3], $0x80, v3, vm0, $0xb8;
	[tilespmem:$0x1E400] =	vst v63  }
0x2b7: {  	_ =	swait.ge [sflag:s11], $0x6000  }
0x2b8: {  	[sflag:s11] =	ssyncset.done $0x0  }
0x2b9: {  	s4 =	simm.s32 $0x400;
	s1 =	rddreg [dreg:$0xe];
	[sflag:s11] =	ssyncadd.s32 $0xFFFFA000  }
0x2ba: {  	[hbm4b:s1+s3] =	stream.linear.scatter [tilespmem:s4], [sflag:$0x6], $0x6000, $0x38;
	[tilespmem:$0x1E400] =	vst v63  }
0x2bb: {  	_ =	swait.ge [sflag:s12], $0x6000  }
0x2bc: {  	[sflag:s12] =	ssyncset.done $0x0  }
0x2bd: {  	[sflag:s12] =	ssyncadd.s32 $0xFFFFA000  }
0x2be: {  	v3 =	vld [tilespmem:$0x1E0];
	_ =	sdelay $0x4  }
0x2bf: {  	v30 =	vshrl.u32 v3, $0x3  }
0x2c0: {  	v4 =	vmul.u32 $0x30, v30  }
0x2c1: {  	v3 =	vand.u32 $0x7, v3  }
0x2c2: {  	v3 =	vor.u32 v3, v4  }
0x2c3: {  	v4 =	vperm.xlane v3, v0;
	_ =	sdelay $0x1  }
0x2c4: {  	v4 =	vadd.s32 v1, v4;
	_ =	sdelay $0x3  }
0x2c5: {  	v3 =	vperm.xlane v3, v2  }
0x2c6: {  	[tilespmem:s4], [sflag:$0x1] =	stream.indirect_vreg.gather [hbm4b:s2+s3], $0x80, v4, vm0, $0xb8;
	[tilespmem:$0x1E400] =	vst v63  }
0x2c7: {  	s22 =	simm.s32 $0xC00;
	v3 =	vadd.s32 v1, v3  }
0x2c8: {  	[tilespmem:s22], [sflag:$0x1] =	stream.indirect_vreg.gather [hbm4b:s5+s3], $0x80, v4, vm0, $0xb8;
	[tilespmem:$0x1E400] =	vst v63  }
0x2c9: {  	s4 =	simm.s32 $0x1400  }
0x2ca: {  	[tilespmem:s4], [sflag:$0x1] =	stream.indirect_vreg.gather [hbm4b:s6+s3], $0x80, v4, vm0, $0xb8;
	[tilespmem:$0x1E400] =	vst v63  }
0x2cb: {  	s22 =	simm.s32 $0x1C00  }
0x2cc: {  	[tilespmem:s22], [sflag:$0x1] =	stream.indirect_vreg.gather [hbm4b:s2+s3], $0x80, v3, vm0, $0xb8;
	[tilespmem:$0x1E400] =	vst v63  }
0x2cd: {  	s4 =	simm.s32 $0x2400  }
0x2ce: {  	[tilespmem:s4], [sflag:$0x1] =	stream.indirect_vreg.gather [hbm4b:s5+s3], $0x80, v3, vm0, $0xb8;
	[tilespmem:$0x1E400] =	vst v63  }
0x2cf: {  	s22 =	simm.s32 $0x2C00  }
0x2d0: {  	[tilespmem:s22], [sflag:$0x1] =	stream.indirect_vreg.gather [hbm4b:s6+s3], $0x80, v3, vm0, $0xb8;
	[tilespmem:$0x1E400] =	vst v63  }
0x2d1: {  	v3 =	vld [tilespmem:$0x1F0];
	_ =	sdelay $0x4  }
0x2d2: {  	v31 =	vshrl.u32 v3, $0x3  }
0x2d3: {  	v4 =	vmul.u32 $0x30, v31  }
0x2d4: {  	v3 =	vand.u32 $0x7, v3  }
0x2d5: {  	v3 =	vor.u32 v3, v4  }
0x2d6: {  	v4 =	vperm.xlane v3, v0;
	_ =	sdelay $0x1  }
0x2d7: {  	v4 =	vadd.s32 v1, v4;
	_ =	sdelay $0x3  }
0x2d8: {  	s4 =	simm.s32 $0x3400;
	v3 =	vperm.xlane v3, v2  }
0x2d9: {  	[tilespmem:s4], [sflag:$0x1] =	stream.indirect_vreg.gather [hbm4b:s2+s3], $0x80, v4, vm0, $0xb8;
	[tilespmem:$0x1E400] =	vst v63  }
0x2da: {  	s22 =	simm.s32 $0x3C00;
	v3 =	vadd.s32 v1, v3  }
0x2db: {  	[tilespmem:s22], [sflag:$0x1] =	stream.indirect_vreg.gather [hbm4b:s5+s3], $0x80, v4, vm0, $0xb8;
	[tilespmem:$0x1E400] =	vst v63  }
0x2dc: {  	s4 =	simm.s32 $0x4400  }
0x2dd: {  	[tilespmem:s4], [sflag:$0x1] =	stream.indirect_vreg.gather [hbm4b:s6+s3], $0x80, v4, vm0, $0xb8;
	[tilespmem:$0x1E400] =	vst v63  }
0x2de: {  	s22 =	simm.s32 $0x4C00  }
0x2df: {  	[tilespmem:s22], [sflag:$0x1] =	stream.indirect_vreg.gather [hbm4b:s2+s3], $0x80, v3, vm0, $0xb8;
	[tilespmem:$0x1E400] =	vst v63  }
0x2e0: {  	s4 =	simm.s32 $0x5400  }
0x2e1: {  	[tilespmem:s4], [sflag:$0x1] =	stream.indirect_vreg.gather [hbm4b:s5+s3], $0x80, v3, vm0, $0xb8;
	[tilespmem:$0x1E400] =	vst v63  }
0x2e2: {  	s22 =	simm.s32 $0x5C00  }
0x2e3: {  	[tilespmem:s22], [sflag:$0x1] =	stream.indirect_vreg.gather [hbm4b:s6+s3], $0x80, v3, vm0, $0xb8;
	[tilespmem:$0x1E400] =	vst v63  }
0x2e4: {  	_ =	swait.ge [sflag:s13], $0x6000  }
0x2e5: {  	[sflag:s13] =	ssyncset.done $0x0  }
0x2e6: {  	s4 =	simm.s32 $0x6400;
	s1 =	rddreg [dreg:$0xf];
	[sflag:s13] =	ssyncadd.s32 $0xFFFFA000  }
0x2e7: {  	[hbm4b:s1+s3] =	stream.linear.scatter [tilespmem:s4], [sflag:$0x7], $0x6000, $0x38;
	[tilespmem:$0x1E400] =	vst v63  }
0x2e8: {  	_ =	swait.ge [sflag:s14], $0x6000  }
0x2e9: {  	[sflag:s14] =	ssyncset.done $0x0  }
0x2ea: {  	[sflag:s14] =	ssyncadd.s32 $0xFFFFA000  }
0x2eb: {  	v3 =	vld [tilespmem:$0x200];
	_ =	sdelay $0x4  }
0x2ec: {  	v32 =	vshrl.u32 v3, $0x3  }
0x2ed: {  	v4 =	vmul.u32 $0x30, v32  }
0x2ee: {  	v3 =	vand.u32 $0x7, v3  }
0x2ef: {  	v3 =	vor.u32 v3, v4  }
0x2f0: {  	v4 =	vperm.xlane v3, v0;
	_ =	sdelay $0x1  }
0x2f1: {  	v4 =	vadd.s32 v1, v4;
	_ =	sdelay $0x3  }
0x2f2: {  	v3 =	vperm.xlane v3, v2  }
0x2f3: {  	[tilespmem:s4], [sflag:$0x2] =	stream.indirect_vreg.gather [hbm4b:s2+s3], $0x80, v4, vm0, $0xb8;
	[tilespmem:$0x1E400] =	vst v63  }
0x2f4: {  	s22 =	simm.s32 $0x6C00;
	v3 =	vadd.s32 v1, v3  }
0x2f5: {  	[tilespmem:s22], [sflag:$0x2] =	stream.indirect_vreg.gather [hbm4b:s5+s3], $0x80, v4, vm0, $0xb8;
	[tilespmem:$0x1E400] =	vst v63  }
0x2f6: {  	s4 =	simm.s32 $0x7400  }
0x2f7: {  	[tilespmem:s4], [sflag:$0x2] =	stream.indirect_vreg.gather [hbm4b:s6+s3], $0x80, v4, vm0, $0xb8;
	[tilespmem:$0x1E400] =	vst v63  }
0x2f8: {  	s22 =	simm.s32 $0x7C00  }
0x2f9: {  	[tilespmem:s22], [sflag:$0x2] =	stream.indirect_vreg.gather [hbm4b:s2+s3], $0x80, v3, vm0, $0xb8;
	[tilespmem:$0x1E400] =	vst v63  }
0x2fa: {  	s4 =	simm.s32 $0x8400  }
0x2fb: {  	[tilespmem:s4], [sflag:$0x2] =	stream.indirect_vreg.gather [hbm4b:s5+s3], $0x80, v3, vm0, $0xb8;
	[tilespmem:$0x1E400] =	vst v63  }
0x2fc: {  	s22 =	simm.s32 $0x8C00  }
0x2fd: {  	[tilespmem:s22], [sflag:$0x2] =	stream.indirect_vreg.gather [hbm4b:s6+s3], $0x80, v3, vm0, $0xb8;
	[tilespmem:$0x1E400] =	vst v63  }
0x2fe: {  	v3 =	vld [tilespmem:$0x210];
	_ =	sdelay $0x4  }
0x2ff: {  	v33 =	vshrl.u32 v3, $0x3  }
0x300: {  	v4 =	vmul.u32 $0x30, v33  }
0x301: {  	v3 =	vand.u32 $0x7, v3  }
0x302: {  	v3 =	vor.u32 v3, v4  }
0x303: {  	v4 =	vperm.xlane v3, v0;
	_ =	sdelay $0x1  }
0x304: {  	v4 =	vadd.s32 v1, v4;
	_ =	sdelay $0x3  }
0x305: {  	s4 =	simm.s32 $0x9400;
	v3 =	vperm.xlane v3, v2  }
0x306: {  	[tilespmem:s4], [sflag:$0x2] =	stream.indirect_vreg.gather [hbm4b:s2+s3], $0x80, v4, vm0, $0xb8;
	[tilespmem:$0x1E400] =	vst v63  }
0x307: {  	s22 =	simm.s32 $0x9C00;
	v3 =	vadd.s32 v1, v3  }
0x308: {  	[tilespmem:s22], [sflag:$0x2] =	stream.indirect_vreg.gather [hbm4b:s5+s3], $0x80, v4, vm0, $0xb8;
	[tilespmem:$0x1E400] =	vst v63  }
0x309: {  	s4 =	simm.s32 $0xA400  }
0x30a: {  	[tilespmem:s4], [sflag:$0x2] =	stream.indirect_vreg.gather [hbm4b:s6+s3], $0x80, v4, vm0, $0xb8;
	[tilespmem:$0x1E400] =	vst v63  }
0x30b: {  	s22 =	simm.s32 $0xAC00  }
0x30c: {  	[tilespmem:s22], [sflag:$0x2] =	stream.indirect_vreg.gather [hbm4b:s2+s3], $0x80, v3, vm0, $0xb8;
	[tilespmem:$0x1E400] =	vst v63  }
0x30d: {  	s4 =	simm.s32 $0xB400  }
0x30e: {  	[tilespmem:s4], [sflag:$0x2] =	stream.indirect_vreg.gather [hbm4b:s5+s3], $0x80, v3, vm0, $0xb8;
	[tilespmem:$0x1E400] =	vst v63  }
0x30f: {  	s22 =	simm.s32 $0xBC00  }
0x310: {  	[tilespmem:s22], [sflag:$0x2] =	stream.indirect_vreg.gather [hbm4b:s6+s3], $0x80, v3, vm0, $0xb8;
	[tilespmem:$0x1E400] =	vst v63  }
0x311: {  	_ =	swait.ge [sflag:s15], $0x6000  }
0x312: {  	[sflag:s15] =	ssyncset.done $0x0  }
0x313: {  	s1 =	simm.s32 $0xC400;
	s4 =	rddreg [dreg:$0x10];
	[sflag:s15] =	ssyncadd.s32 $0xFFFFA000  }
0x314: {  	[hbm4b:s4+s3] =	stream.linear.scatter [tilespmem:s1], [sflag:$0x8], $0x6000, $0x38;
	[tilespmem:$0x1E400] =	vst v63  }
0x315: {  	_ =	swait.ge [sflag:s16], $0x6000  }
0x316: {  	[sflag:s16] =	ssyncset.done $0x0  }
0x317: {  	[sflag:s16] =	ssyncadd.s32 $0xFFFFA000  }
0x318: {  	v3 =	vld [tilespmem:$0x220];
	_ =	sdelay $0x4  }
0x319: {  	v34 =	vshrl.u32 v3, $0x3  }
0x31a: {  	v4 =	vmul.u32 $0x30, v34  }
0x31b: {  	v3 =	vand.u32 $0x7, v3  }
0x31c: {  	v3 =	vor.u32 v3, v4  }
0x31d: {  	v4 =	vperm.xlane v3, v0;
	_ =	sdelay $0x1  }
0x31e: {  	v4 =	vadd.s32 v1, v4;
	_ =	sdelay $0x3  }
0x31f: {  	v3 =	vperm.xlane v3, v2  }
0x320: {  	[tilespmem:s1], [sflag:$0x3] =	stream.indirect_vreg.gather [hbm4b:s2+s3], $0x80, v4, vm0, $0xb8;
	[tilespmem:$0x1E400] =	vst v63  }
0x321: {  	v3 =	vadd.s32 v1, v3  }
0x322: {  	[tilespmem:s31], [sflag:$0x3] =	stream.indirect_vreg.gather [hbm4b:s5+s3], $0x80, v4, vm0, $0xb8;
	[tilespmem:$0x1E400] =	vst v63  }
0x323: {  	_ = 	snop  }
0x324: {  	[tilespmem:s7], [sflag:$0x3] =	stream.indirect_vreg.gather [hbm4b:s6+s3], $0x80, v4, vm0, $0xb8;
	[tilespmem:$0x1E400] =	vst v63  }
0x325: {  	s7 =	simm.s32 $0xDC00  }
0x326: {  	[tilespmem:s7], [sflag:$0x3] =	stream.indirect_vreg.gather [hbm4b:s2+s3], $0x80, v3, vm0, $0xb8;
	[tilespmem:$0x1E400] =	vst v63  }
0x327: {  	s22 =	simm.s32 $0xE400  }
0x328: {  	[tilespmem:s22], [sflag:$0x3] =	stream.indirect_vreg.gather [hbm4b:s5+s3], $0x80, v3, vm0, $0xb8;
	[tilespmem:$0x1E400] =	vst v63  }
0x329: {  	s31 =	simm.s32 $0xEC00  }
0x32a: {  	[tilespmem:s31], [sflag:$0x3] =	stream.indirect_vreg.gather [hbm4b:s6+s3], $0x80, v3, vm0, $0xb8;
	[tilespmem:$0x1E400] =	vst v63  }
0x32b: {  	v3 =	vld [tilespmem:$0x230];
	_ =	sdelay $0x4  }
0x32c: {  	v35 =	vshrl.u32 v3, $0x3  }
0x32d: {  	v4 =	vmul.u32 $0x30, v35  }
0x32e: {  	v3 =	vand.u32 $0x7, v3  }
0x32f: {  	v3 =	vor.u32 v3, v4  }
0x330: {  	v4 =	vperm.xlane v3, v0;
	_ =	sdelay $0x1  }
0x331: {  	v4 =	vadd.s32 v1, v4;
	_ =	sdelay $0x3  }
0x332: {  	s7 =	simm.s32 $0xF400;
	v3 =	vperm.xlane v3, v2  }
0x333: {  	[tilespmem:s7], [sflag:$0x3] =	stream.indirect_vreg.gather [hbm4b:s2+s3], $0x80, v4, vm0, $0xb8;
	[tilespmem:$0x1E400] =	vst v63  }
0x334: {  	s22 =	simm.s32 $0xFC00;
	v3 =	vadd.s32 v1, v3  }
0x335: {  	[tilespmem:s22], [sflag:$0x3] =	stream.indirect_vreg.gather [hbm4b:s5+s3], $0x80, v4, vm0, $0xb8;
	[tilespmem:$0x1E400] =	vst v63  }
0x336: {  	s31 =	simm.s32 $0x10400  }
0x337: {  	[tilespmem:s31], [sflag:$0x3] =	stream.indirect_vreg.gather [hbm4b:s6+s3], $0x80, v4, vm0, $0xb8;
	[tilespmem:$0x1E400] =	vst v63  }
0x338: {  	s7 =	simm.s32 $0x10C00  }
0x339: {  	[tilespmem:s7], [sflag:$0x3] =	stream.indirect_vreg.gather [hbm4b:s2+s3], $0x80, v3, vm0, $0xb8;
	[tilespmem:$0x1E400] =	vst v63  }
0x33a: {  	s22 =	simm.s32 $0x11400  }
0x33b: {  	[tilespmem:s22], [sflag:$0x3] =	stream.indirect_vreg.gather [hbm4b:s5+s3], $0x80, v3, vm0, $0xb8;
	[tilespmem:$0x1E400] =	vst v63  }
0x33c: {  	s31 =	simm.s32 $0x11C00  }
0x33d: {  	[tilespmem:s31], [sflag:$0x3] =	stream.indirect_vreg.gather [hbm4b:s6+s3], $0x80, v3, vm0, $0xb8;
	[tilespmem:$0x1E400] =	vst v63  }
0x33e: {  	_ =	swait.ge [sflag:s17], $0x6000  }
0x33f: {  	[sflag:s17] =	ssyncset.done $0x0  }
0x340: {  	s7 =	simm.s32 $0x12400;
	s4 =	rddreg [dreg:$0x11];
	[sflag:s17] =	ssyncadd.s32 $0xFFFFA000  }
0x341: {  	[hbm4b:s4+s3] =	stream.linear.scatter [tilespmem:s7], [sflag:$0x9], $0x6000, $0x38;
	[tilespmem:$0x1E400] =	vst v63  }
0x342: {  	_ =	swait.ge [sflag:s18], $0x6000  }
0x343: {  	[sflag:s18] =	ssyncset.done $0x0  }
0x344: {  	[sflag:s18] =	ssyncadd.s32 $0xFFFFA000  }
0x345: {  	v3 =	vld [tilespmem:$0x240];
	_ =	sdelay $0x4  }
0x346: {  	v36 =	vshrl.u32 v3, $0x3  }
0x347: {  	v4 =	vmul.u32 $0x30, v36  }
0x348: {  	v3 =	vand.u32 $0x7, v3  }
0x349: {  	v3 =	vor.u32 v3, v4  }
0x34a: {  	v4 =	vperm.xlane v3, v0;
	_ =	sdelay $0x1  }
0x34b: {  	v4 =	vadd.s32 v1, v4;
	_ =	sdelay $0x3  }
0x34c: {  	v3 =	vperm.xlane v3, v2  }
0x34d: {  	[tilespmem:s7], [sflag:$0x4] =	stream.indirect_vreg.gather [hbm4b:s2+s3], $0x80, v4, vm0, $0xb8;
	[tilespmem:$0x1E400] =	vst v63  }
0x34e: {  	s31 =	simm.s32 $0x12C00;
	v3 =	vadd.s32 v1, v3  }
0x34f: {  	[tilespmem:s31], [sflag:$0x4] =	stream.indirect_vreg.gather [hbm4b:s5+s3], $0x80, v4, vm0, $0xb8;
	[tilespmem:$0x1E400] =	vst v63  }
0x350: {  	s22 =	simm.s32 $0x13400  }
0x351: {  	[tilespmem:s22], [sflag:$0x4] =	stream.indirect_vreg.gather [hbm4b:s6+s3], $0x80, v4, vm0, $0xb8;
	[tilespmem:$0x1E400] =	vst v63  }
0x352: {  	s22 =	simm.s32 $0x13C00  }
0x353: {  	[tilespmem:s22], [sflag:$0x4] =	stream.indirect_vreg.gather [hbm4b:s2+s3], $0x80, v3, vm0, $0xb8;
	[tilespmem:$0x1E400] =	vst v63  }
0x354: {  	_ = 	snop  }
0x355: {  	[tilespmem:s8], [sflag:$0x4] =	stream.indirect_vreg.gather [hbm4b:s5+s3], $0x80, v3, vm0, $0xb8;
	[tilespmem:$0x1E400] =	vst v63  }
0x356: {  	_ = 	snop  }
0x357: {  	[tilespmem:s28], [sflag:$0x4] =	stream.indirect_vreg.gather [hbm4b:s6+s3], $0x80, v3, vm0, $0xb8;
	[tilespmem:$0x1E400] =	vst v63  }
0x358: {  	v3 =	vld [tilespmem:$0x250];
	_ =	sdelay $0x4  }
0x359: {  	v37 =	vshrl.u32 v3, $0x3  }
0x35a: {  	v4 =	vmul.u32 $0x30, v37  }
0x35b: {  	v3 =	vand.u32 $0x7, v3  }
0x35c: {  	v3 =	vor.u32 v3, v4  }
0x35d: {  	v4 =	vperm.xlane v3, v0;
	_ =	sdelay $0x1  }
0x35e: {  	v4 =	vadd.s32 v1, v4;
	_ =	sdelay $0x3  }
0x35f: {  	v3 =	vperm.xlane v3, v2  }
0x360: {  	[tilespmem:s29], [sflag:$0x4] =	stream.indirect_vreg.gather [hbm4b:s2+s3], $0x80, v4, vm0, $0xb8;
	[tilespmem:$0x1E400] =	vst v63  }
0x361: {  	v3 =	vadd.s32 v1, v3  }
0x362: {  	[tilespmem:s9], [sflag:$0x4] =	stream.indirect_vreg.gather [hbm4b:s5+s3], $0x80, v4, vm0, $0xb8;
	[tilespmem:$0x1E400] =	vst v63  }
0x363: {  	_ = 	snop  }
0x364: {  	[tilespmem:s24], [sflag:$0x4] =	stream.indirect_vreg.gather [hbm4b:s6+s3], $0x80, v4, vm0, $0xb8;
	[tilespmem:$0x1E400] =	vst v63  }
0x365: {  	_ = 	snop  }
0x366: {  	[tilespmem:s25], [sflag:$0x4] =	stream.indirect_vreg.gather [hbm4b:s2+s3], $0x80, v3, vm0, $0xb8;
	[tilespmem:$0x1E400] =	vst v63  }
0x367: {  	_ = 	snop  }
0x368: {  	[tilespmem:s26], [sflag:$0x4] =	stream.indirect_vreg.gather [hbm4b:s5+s3], $0x80, v3, vm0, $0xb8;
	[tilespmem:$0x1E400] =	vst v63  }
0x369: {  	_ = 	snop  }
0x36a: {  	[tilespmem:s30], [sflag:$0x4] =	stream.indirect_vreg.gather [hbm4b:s6+s3], $0x80, v3, vm0, $0xb8;
	[tilespmem:$0x1E400] =	vst v63  }
0x36b: {  	_ =	swait.ge [sflag:s19], $0x6000  }
0x36c: {  	[sflag:s19] =	ssyncset.done $0x0  }
0x36d: {  	s9 =	simm.s32 $0x18400;
	s8 =	rddreg [dreg:$0x12];
	[sflag:s19] =	ssyncadd.s32 $0xFFFFA000  }
0x36e: {  	[hbm4b:s8+s3] =	stream.linear.scatter [tilespmem:s9], [sflag:$0xA], $0x6000, $0x38;
	[tilespmem:$0x1E400] =	vst v63  }
0x36f: {  	_ =	swait.ge [sflag:s20], $0x6000  }
0x370: {  	[sflag:s20] =	ssyncset.done $0x0  }
0x371: {  	[sflag:s20] =	ssyncadd.s32 $0xFFFFA000  }
0x372: {  	v3 =	vld [tilespmem:$0x260];
	_ =	sdelay $0x4  }
0x373: {  	v38 =	vshrl.u32 v3, $0x3  }
0x374: {  	v4 =	vmul.u32 $0x30, v38  }
0x375: {  	v3 =	vand.u32 $0x7, v3  }
0x376: {  	v3 =	vor.u32 v3, v4  }
0x377: {  	v4 =	vperm.xlane v3, v0;
	_ =	sdelay $0x1  }
0x378: {  	v4 =	vadd.s32 v1, v4;
	_ =	sdelay $0x3  }
0x379: {  	v3 =	vperm.xlane v3, v2  }
0x37a: {  	[tilespmem:s9], [sflag:$0x5] =	stream.indirect_vreg.gather [hbm4b:s2+s3], $0x80, v4, vm0, $0xb8;
	[tilespmem:$0x1E400] =	vst v63  }
0x37b: {  	s29 =	simm.s32 $0x18C00;
	v3 =	vadd.s32 v1, v3  }
0x37c: {  	[tilespmem:s29], [sflag:$0x5] =	stream.indirect_vreg.gather [hbm4b:s5+s3], $0x80, v4, vm0, $0xb8;
	[tilespmem:$0x1E400] =	vst v63  }
0x37d: {  	s24 =	simm.s32 $0x19400  }
0x37e: {  	[tilespmem:s24], [sflag:$0x5] =	stream.indirect_vreg.gather [hbm4b:s6+s3], $0x80, v4, vm0, $0xb8;
	[tilespmem:$0x1E400] =	vst v63  }
0x37f: {  	s10 =	simm.s32 $0x19C00  }
0x380: {  	[tilespmem:s10], [sflag:$0x5] =	stream.indirect_vreg.gather [hbm4b:s2+s3], $0x80, v3, vm0, $0xb8;
	[tilespmem:$0x1E400] =	vst v63  }
0x381: {  	s21 =	simm.s32 $0x1A400  }
0x382: {  	[tilespmem:s21], [sflag:$0x5] =	stream.indirect_vreg.gather [hbm4b:s5+s3], $0x80, v3, vm0, $0xb8;
	[tilespmem:$0x1E400] =	vst v63  }
0x383: {  	s26 =	simm.s32 $0x1AC00  }
0x384: {  	[tilespmem:s26], [sflag:$0x5] =	stream.indirect_vreg.gather [hbm4b:s6+s3], $0x80, v3, vm0, $0xb8;
	[tilespmem:$0x1E400] =	vst v63  }
0x385: {  	v3 =	vld [tilespmem:$0x270];
	_ =	sdelay $0x4  }
0x386: {  	v39 =	vshrl.u32 v3, $0x3  }
0x387: {  	v4 =	vmul.u32 $0x30, v39  }
0x388: {  	v3 =	vand.u32 $0x7, v3  }
0x389: {  	v3 =	vor.u32 v3, v4  }
0x38a: {  	v4 =	vperm.xlane v3, v0;
	_ =	sdelay $0x1  }
0x38b: {  	v4 =	vadd.s32 v1, v4;
	_ =	sdelay $0x3  }
0x38c: {  	s25 =	simm.s32 $0x1B400;
	v3 =	vperm.xlane v3, v2  }
0x38d: {  	[tilespmem:s25], [sflag:$0x5] =	stream.indirect_vreg.gather [hbm4b:s2+s3], $0x80, v4, vm0, $0xb8;
	[tilespmem:$0x1E400] =	vst v63  }
0x38e: {  	s28 =	simm.s32 $0x1BC00;
	v3 =	vadd.s32 v1, v3  }
0x38f: {  	[tilespmem:s28], [sflag:$0x5] =	stream.indirect_vreg.gather [hbm4b:s5+s3], $0x80, v4, vm0, $0xb8;
	[tilespmem:$0x1E400] =	vst v63  }
0x390: {  	_ = 	snop  }
0x391: {  	[tilespmem:s23], [sflag:$0x5] =	stream.indirect_vreg.gather [hbm4b:s6+s3], $0x80, v4, vm0, $0xb8;
	[tilespmem:$0x1E400] =	vst v63  }
0x392: {  	_ = 	snop  }
0x393: {  	[tilespmem:s0], [sflag:$0x5] =	stream.indirect_vreg.gather [hbm4b:s2+s3], $0x80, v3, vm0, $0xb8;
	[tilespmem:$0x1E400] =	vst v63  }
0x394: {  	s4 =	simm.s32 $0x1D400  }
0x395: {  	[tilespmem:s4], [sflag:$0x5] =	stream.indirect_vreg.gather [hbm4b:s5+s3], $0x80, v3, vm0, $0xb8;
	[tilespmem:$0x1E400] =	vst v63  }
0x396: {  	s30 =	simm.s32 $0x1DC00  }
0x397: {  	[tilespmem:s30], [sflag:$0x5] =	stream.indirect_vreg.gather [hbm4b:s6+s3], $0x80, v3, vm0, $0xb8;
	[tilespmem:$0x1E400] =	vst v63  }
0x398: {  	_ =	swait.ge [sflag:s11], $0x6000  }
0x399: {  	[sflag:s11] =	ssyncset.done $0x0  }
0x39a: {  	s9 =	simm.s32 $0x400;
	s0 =	rddreg [dreg:$0x13];
	[sflag:s11] =	ssyncadd.s32 $0xFFFFA000  }
0x39b: {  	[hbm4b:s0+s3] =	stream.linear.scatter [tilespmem:s9], [sflag:$0x6], $0x6000, $0x38;
	[tilespmem:$0x1E400] =	vst v63  }
0x39c: {  	_ =	swait.ge [sflag:s12], $0x6000  }
0x39d: {  	[sflag:s12] =	ssyncset.done $0x0  }
0x39e: {  	[sflag:s12] =	ssyncadd.s32 $0xFFFFA000  }
0x39f: {  	v3 =	vld [tilespmem:$0x280];
	_ =	sdelay $0x4  }
0x3a0: {  	v40 =	vshrl.u32 v3, $0x3  }
0x3a1: {  	v4 =	vmul.u32 $0x30, v40  }
0x3a2: {  	v3 =	vand.u32 $0x7, v3  }
0x3a3: {  	v3 =	vor.u32 v3, v4  }
0x3a4: {  	v4 =	vperm.xlane v3, v0;
	_ =	sdelay $0x1  }
0x3a5: {  	v4 =	vadd.s32 v1, v4;
	_ =	sdelay $0x3  }
0x3a6: {  	v3 =	vperm.xlane v3, v2  }
0x3a7: {  	[tilespmem:s9], [sflag:$0x1] =	stream.indirect_vreg.gather [hbm4b:s2+s3], $0x80, v4, vm0, $0xb8;
	[tilespmem:$0x1E400] =	vst v63  }
0x3a8: {  	s30 =	simm.s32 $0xC00;
	v3 =	vadd.s32 v1, v3  }
0x3a9: {  	[tilespmem:s30], [sflag:$0x1] =	stream.indirect_vreg.gather [hbm4b:s5+s3], $0x80, v4, vm0, $0xb8;
	[tilespmem:$0x1E400] =	vst v63  }
0x3aa: {  	s10 =	simm.s32 $0x1400  }
0x3ab: {  	[tilespmem:s10], [sflag:$0x1] =	stream.indirect_vreg.gather [hbm4b:s6+s3], $0x80, v4, vm0, $0xb8;
	[tilespmem:$0x1E400] =	vst v63  }
0x3ac: {  	s21 =	simm.s32 $0x1C00  }
0x3ad: {  	[tilespmem:s21], [sflag:$0x1] =	stream.indirect_vreg.gather [hbm4b:s2+s3], $0x80, v3, vm0, $0xb8;
	[tilespmem:$0x1E400] =	vst v63  }
0x3ae: {  	s22 =	simm.s32 $0x2400  }
0x3af: {  	[tilespmem:s22], [sflag:$0x1] =	stream.indirect_vreg.gather [hbm4b:s5+s3], $0x80, v3, vm0, $0xb8;
	[tilespmem:$0x1E400] =	vst v63  }
0x3b0: {  	s24 =	simm.s32 $0x2C00  }
0x3b1: {  	[tilespmem:s24], [sflag:$0x1] =	stream.indirect_vreg.gather [hbm4b:s6+s3], $0x80, v3, vm0, $0xb8;
	[tilespmem:$0x1E400] =	vst v63  }
0x3b2: {  	v3 =	vld [tilespmem:$0x290];
	_ =	sdelay $0x4  }
0x3b3: {  	v41 =	vshrl.u32 v3, $0x3  }
0x3b4: {  	v4 =	vmul.u32 $0x30, v41  }
0x3b5: {  	v3 =	vand.u32 $0x7, v3  }
0x3b6: {  	v3 =	vor.u32 v3, v4  }
0x3b7: {  	v4 =	vperm.xlane v3, v0;
	_ =	sdelay $0x1  }
0x3b8: {  	v4 =	vadd.s32 v1, v4;
	_ =	sdelay $0x3  }
0x3b9: {  	s25 =	simm.s32 $0x3400;
	v3 =	vperm.xlane v3, v2  }
0x3ba: {  	[tilespmem:s25], [sflag:$0x1] =	stream.indirect_vreg.gather [hbm4b:s2+s3], $0x80, v4, vm0, $0xb8;
	[tilespmem:$0x1E400] =	vst v63  }
0x3bb: {  	s23 =	simm.s32 $0x3C00;
	v3 =	vadd.s32 v1, v3  }
0x3bc: {  	[tilespmem:s23], [sflag:$0x1] =	stream.indirect_vreg.gather [hbm4b:s5+s3], $0x80, v4, vm0, $0xb8;
	[tilespmem:$0x1E400] =	vst v63  }
0x3bd: {  	s28 =	simm.s32 $0x4400  }
0x3be: {  	[tilespmem:s28], [sflag:$0x1] =	stream.indirect_vreg.gather [hbm4b:s6+s3], $0x80, v4, vm0, $0xb8;
	[tilespmem:$0x1E400] =	vst v63  }
0x3bf: {  	s10 =	simm.s32 $0x4C00  }
0x3c0: {  	[tilespmem:s10], [sflag:$0x1] =	stream.indirect_vreg.gather [hbm4b:s2+s3], $0x80, v3, vm0, $0xb8;
	[tilespmem:$0x1E400] =	vst v63  }
0x3c1: {  	s21 =	simm.s32 $0x5400  }
0x3c2: {  	[tilespmem:s21], [sflag:$0x1] =	stream.indirect_vreg.gather [hbm4b:s5+s3], $0x80, v3, vm0, $0xb8;
	[tilespmem:$0x1E400] =	vst v63  }
0x3c3: {  	s23 =	simm.s32 $0x5C00  }
0x3c4: {  	[tilespmem:s23], [sflag:$0x1] =	stream.indirect_vreg.gather [hbm4b:s6+s3], $0x80, v3, vm0, $0xb8;
	[tilespmem:$0x1E400] =	vst v63  }
0x3c5: {  	_ =	swait.ge [sflag:s13], $0x6000  }
0x3c6: {  	[sflag:s13] =	ssyncset.done $0x0  }
0x3c7: {  	s9 =	simm.s32 $0x6400;
	s0 =	rddreg [dreg:$0x14];
	[sflag:s13] =	ssyncadd.s32 $0xFFFFA000  }
0x3c8: {  	[hbm4b:s0+s3] =	stream.linear.scatter [tilespmem:s9], [sflag:$0x7], $0x6000, $0x38;
	[tilespmem:$0x1E400] =	vst v63  }
0x3c9: {  	_ =	swait.ge [sflag:s14], $0x6000  }
0x3ca: {  	[sflag:s14] =	ssyncset.done $0x0  }
0x3cb: {  	[sflag:s14] =	ssyncadd.s32 $0xFFFFA000  }
0x3cc: {  	v3 =	vld [tilespmem:$0x2A0];
	_ =	sdelay $0x4  }
0x3cd: {  	v42 =	vshrl.u32 v3, $0x3  }
0x3ce: {  	v4 =	vmul.u32 $0x30, v42  }
0x3cf: {  	v3 =	vand.u32 $0x7, v3  }
0x3d0: {  	v3 =	vor.u32 v3, v4  }
0x3d1: {  	v4 =	vperm.xlane v3, v0;
	_ =	sdelay $0x1  }
0x3d2: {  	v4 =	vadd.s32 v1, v4;
	_ =	sdelay $0x3  }
0x3d3: {  	v3 =	vperm.xlane v3, v2  }
0x3d4: {  	[tilespmem:s9], [sflag:$0x2] =	stream.indirect_vreg.gather [hbm4b:s2+s3], $0x80, v4, vm0, $0xb8;
	[tilespmem:$0x1E400] =	vst v63  }
0x3d5: {  	s28 =	simm.s32 $0x6C00;
	v3 =	vadd.s32 v1, v3  }
0x3d6: {  	[tilespmem:s28], [sflag:$0x2] =	stream.indirect_vreg.gather [hbm4b:s5+s3], $0x80, v4, vm0, $0xb8;
	[tilespmem:$0x1E400] =	vst v63  }
0x3d7: {  	s22 =	simm.s32 $0x7400  }
0x3d8: {  	[tilespmem:s22], [sflag:$0x2] =	stream.indirect_vreg.gather [hbm4b:s6+s3], $0x80, v4, vm0, $0xb8;
	[tilespmem:$0x1E400] =	vst v63  }
0x3d9: {  	s28 =	simm.s32 $0x7C00  }
0x3da: {  	[tilespmem:s28], [sflag:$0x2] =	stream.indirect_vreg.gather [hbm4b:s2+s3], $0x80, v3, vm0, $0xb8;
	[tilespmem:$0x1E400] =	vst v63  }
0x3db: {  	s22 =	simm.s32 $0x8400  }
0x3dc: {  	[tilespmem:s22], [sflag:$0x2] =	stream.indirect_vreg.gather [hbm4b:s5+s3], $0x80, v3, vm0, $0xb8;
	[tilespmem:$0x1E400] =	vst v63  }
0x3dd: {  	s28 =	simm.s32 $0x8C00  }
0x3de: {  	[tilespmem:s28], [sflag:$0x2] =	stream.indirect_vreg.gather [hbm4b:s6+s3], $0x80, v3, vm0, $0xb8;
	[tilespmem:$0x1E400] =	vst v63  }
0x3df: {  	v3 =	vld [tilespmem:$0x2B0];
	_ =	sdelay $0x4  }
0x3e0: {  	v43 =	vshrl.u32 v3, $0x3  }
0x3e1: {  	v4 =	vmul.u32 $0x30, v43  }
0x3e2: {  	v3 =	vand.u32 $0x7, v3  }
0x3e3: {  	v3 =	vor.u32 v3, v4  }
0x3e4: {  	v4 =	vperm.xlane v3, v0;
	_ =	sdelay $0x1  }
0x3e5: {  	v4 =	vadd.s32 v1, v4;
	_ =	sdelay $0x3  }
0x3e6: {  	s22 =	simm.s32 $0x9400;
	v3 =	vperm.xlane v3, v2  }
0x3e7: {  	[tilespmem:s22], [sflag:$0x2] =	stream.indirect_vreg.gather [hbm4b:s2+s3], $0x80, v4, vm0, $0xb8;
	[tilespmem:$0x1E400] =	vst v63  }
0x3e8: {  	s28 =	simm.s32 $0x9C00;
	v3 =	vadd.s32 v1, v3  }
0x3e9: {  	[tilespmem:s28], [sflag:$0x2] =	stream.indirect_vreg.gather [hbm4b:s5+s3], $0x80, v4, vm0, $0xb8;
	[tilespmem:$0x1E400] =	vst v63  }
0x3ea: {  	s22 =	simm.s32 $0xA400  }
0x3eb: {  	[tilespmem:s22], [sflag:$0x2] =	stream.indirect_vreg.gather [hbm4b:s6+s3], $0x80, v4, vm0, $0xb8;
	[tilespmem:$0x1E400] =	vst v63  }
0x3ec: {  	s28 =	simm.s32 $0xAC00  }
0x3ed: {  	[tilespmem:s28], [sflag:$0x2] =	stream.indirect_vreg.gather [hbm4b:s2+s3], $0x80, v3, vm0, $0xb8;
	[tilespmem:$0x1E400] =	vst v63  }
0x3ee: {  	s22 =	simm.s32 $0xB400  }
0x3ef: {  	[tilespmem:s22], [sflag:$0x2] =	stream.indirect_vreg.gather [hbm4b:s5+s3], $0x80, v3, vm0, $0xb8;
	[tilespmem:$0x1E400] =	vst v63  }
0x3f0: {  	s28 =	simm.s32 $0xBC00  }
0x3f1: {  	[tilespmem:s28], [sflag:$0x2] =	stream.indirect_vreg.gather [hbm4b:s6+s3], $0x80, v3, vm0, $0xb8;
	[tilespmem:$0x1E400] =	vst v63  }
0x3f2: {  	_ =	swait.ge [sflag:s15], $0x6000  }
0x3f3: {  	[sflag:s15] =	ssyncset.done $0x0  }
0x3f4: {  	s1 =	simm.s32 $0xC400;
	s9 =	rddreg [dreg:$0x15];
	[sflag:s15] =	ssyncadd.s32 $0xFFFFA000  }
0x3f5: {  	[hbm4b:s9+s3] =	stream.linear.scatter [tilespmem:s1], [sflag:$0x8], $0x6000, $0x38;
	[tilespmem:$0x1E400] =	vst v63  }
0x3f6: {  	_ =	swait.ge [sflag:s16], $0x6000  }
0x3f7: {  	[sflag:s16] =	ssyncset.done $0x0  }
0x3f8: {  	[sflag:s16] =	ssyncadd.s32 $0xFFFFA000  }
0x3f9: {  	v3 =	vld [tilespmem:$0x2C0];
	_ =	sdelay $0x4  }
0x3fa: {  	v44 =	vshrl.u32 v3, $0x3  }
0x3fb: {  	v4 =	vmul.u32 $0x30, v44  }
0x3fc: {  	v3 =	vand.u32 $0x7, v3  }
0x3fd: {  	v3 =	vor.u32 v3, v4  }
0x3fe: {  	v4 =	vperm.xlane v3, v0;
	_ =	sdelay $0x1  }
0x3ff: {  	v4 =	vadd.s32 v1, v4;
	_ =	sdelay $0x3  }
0x400: {  	v3 =	vperm.xlane v3, v2  }
0x401: {  	[tilespmem:s1], [sflag:$0x3] =	stream.indirect_vreg.gather [hbm4b:s2+s3], $0x80, v4, vm0, $0xb8;
	[tilespmem:$0x1E400] =	vst v63  }
0x402: {  	s22 =	simm.s32 $0xCC00;
	v3 =	vadd.s32 v1, v3  }
0x403: {  	[tilespmem:s22], [sflag:$0x3] =	stream.indirect_vreg.gather [hbm4b:s5+s3], $0x80, v4, vm0, $0xb8;
	[tilespmem:$0x1E400] =	vst v63  }
0x404: {  	s28 =	simm.s32 $0xD400  }
0x405: {  	[tilespmem:s28], [sflag:$0x3] =	stream.indirect_vreg.gather [hbm4b:s6+s3], $0x80, v4, vm0, $0xb8;
	[tilespmem:$0x1E400] =	vst v63  }
0x406: {  	s9 =	simm.s32 $0xDC00  }
0x407: {  	[tilespmem:s9], [sflag:$0x3] =	stream.indirect_vreg.gather [hbm4b:s2+s3], $0x80, v3, vm0, $0xb8;
	[tilespmem:$0x1E400] =	vst v63  }
0x408: {  	s22 =	simm.s32 $0xE400  }
0x409: {  	[tilespmem:s22], [sflag:$0x3] =	stream.indirect_vreg.gather [hbm4b:s5+s3], $0x80, v3, vm0, $0xb8;
	[tilespmem:$0x1E400] =	vst v63  }
0x40a: {  	s28 =	simm.s32 $0xEC00  }
0x40b: {  	[tilespmem:s28], [sflag:$0x3] =	stream.indirect_vreg.gather [hbm4b:s6+s3], $0x80, v3, vm0, $0xb8;
	[tilespmem:$0x1E400] =	vst v63  }
0x40c: {  	v3 =	vld [tilespmem:$0x2D0];
	_ =	sdelay $0x4  }
0x40d: {  	v45 =	vshrl.u32 v3, $0x3  }
0x40e: {  	v4 =	vmul.u32 $0x30, v45  }
0x40f: {  	v3 =	vand.u32 $0x7, v3  }
0x410: {  	v3 =	vor.u32 v3, v4  }
0x411: {  	v4 =	vperm.xlane v3, v0;
	_ =	sdelay $0x1  }
0x412: {  	v4 =	vadd.s32 v1, v4;
	_ =	sdelay $0x3  }
0x413: {  	s9 =	simm.s32 $0xF400;
	v3 =	vperm.xlane v3, v2  }
0x414: {  	[tilespmem:s9], [sflag:$0x3] =	stream.indirect_vreg.gather [hbm4b:s2+s3], $0x80, v4, vm0, $0xb8;
	[tilespmem:$0x1E400] =	vst v63  }
0x415: {  	s22 =	simm.s32 $0xFC00;
	v3 =	vadd.s32 v1, v3  }
0x416: {  	[tilespmem:s22], [sflag:$0x3] =	stream.indirect_vreg.gather [hbm4b:s5+s3], $0x80, v4, vm0, $0xb8;
	[tilespmem:$0x1E400] =	vst v63  }
0x417: {  	s28 =	simm.s32 $0x10400  }
0x418: {  	[tilespmem:s28], [sflag:$0x3] =	stream.indirect_vreg.gather [hbm4b:s6+s3], $0x80, v4, vm0, $0xb8;
	[tilespmem:$0x1E400] =	vst v63  }
0x419: {  	s9 =	simm.s32 $0x10C00  }
0x41a: {  	[tilespmem:s9], [sflag:$0x3] =	stream.indirect_vreg.gather [hbm4b:s2+s3], $0x80, v3, vm0, $0xb8;
	[tilespmem:$0x1E400] =	vst v63  }
0x41b: {  	s22 =	simm.s32 $0x11400  }
0x41c: {  	[tilespmem:s22], [sflag:$0x3] =	stream.indirect_vreg.gather [hbm4b:s5+s3], $0x80, v3, vm0, $0xb8;
	[tilespmem:$0x1E400] =	vst v63  }
0x41d: {  	s28 =	simm.s32 $0x11C00  }
0x41e: {  	[tilespmem:s28], [sflag:$0x3] =	stream.indirect_vreg.gather [hbm4b:s6+s3], $0x80, v3, vm0, $0xb8;
	[tilespmem:$0x1E400] =	vst v63  }
0x41f: {  	_ =	swait.ge [sflag:s17], $0x6000  }
0x420: {  	[sflag:s17] =	ssyncset.done $0x0  }
0x421: {  	s7 =	simm.s32 $0x12400;
	s1 =	rddreg [dreg:$0x16];
	[sflag:s17] =	ssyncadd.s32 $0xFFFFA000  }
0x422: {  	[hbm4b:s1+s3] =	stream.linear.scatter [tilespmem:s7], [sflag:$0x9], $0x6000, $0x38;
	[tilespmem:$0x1E400] =	vst v63  }
0x423: {  	_ =	swait.ge [sflag:s18], $0x6000  }
0x424: {  	[sflag:s18] =	ssyncset.done $0x0  }
0x425: {  	[sflag:s18] =	ssyncadd.s32 $0xFFFFA000  }
0x426: {  	v3 =	vld [tilespmem:$0x2E0];
	_ =	sdelay $0x4  }
0x427: {  	v46 =	vshrl.u32 v3, $0x3  }
0x428: {  	v4 =	vmul.u32 $0x30, v46  }
0x429: {  	v3 =	vand.u32 $0x7, v3  }
0x42a: {  	v3 =	vor.u32 v3, v4  }
0x42b: {  	v4 =	vperm.xlane v3, v0;
	_ =	sdelay $0x1  }
0x42c: {  	v4 =	vadd.s32 v1, v4;
	_ =	sdelay $0x3  }
0x42d: {  	v3 =	vperm.xlane v3, v2  }
0x42e: {  	[tilespmem:s7], [sflag:$0x4] =	stream.indirect_vreg.gather [hbm4b:s2+s3], $0x80, v4, vm0, $0xb8;
	[tilespmem:$0x1E400] =	vst v63  }
0x42f: {  	v3 =	vadd.s32 v1, v3  }
0x430: {  	[tilespmem:s31], [sflag:$0x4] =	stream.indirect_vreg.gather [hbm4b:s5+s3], $0x80, v4, vm0, $0xb8;
	[tilespmem:$0x1E400] =	vst v63  }
0x431: {  	s9 =	simm.s32 $0x13400  }
0x432: {  	[tilespmem:s9], [sflag:$0x4] =	stream.indirect_vreg.gather [hbm4b:s6+s3], $0x80, v4, vm0, $0xb8;
	[tilespmem:$0x1E400] =	vst v63  }
0x433: {  	s9 =	simm.s32 $0x13C00  }
0x434: {  	[tilespmem:s9], [sflag:$0x4] =	stream.indirect_vreg.gather [hbm4b:s2+s3], $0x80, v3, vm0, $0xb8;
	[tilespmem:$0x1E400] =	vst v63  }
0x435: {  	s28 =	simm.s32 $0x14400  }
0x436: {  	[tilespmem:s28], [sflag:$0x4] =	stream.indirect_vreg.gather [hbm4b:s5+s3], $0x80, v3, vm0, $0xb8;
	[tilespmem:$0x1E400] =	vst v63  }
0x437: {  	s22 =	simm.s32 $0x14C00  }
0x438: {  	[tilespmem:s22], [sflag:$0x4] =	stream.indirect_vreg.gather [hbm4b:s6+s3], $0x80, v3, vm0, $0xb8;
	[tilespmem:$0x1E400] =	vst v63  }
0x439: {  	v3 =	vld [tilespmem:$0x2F0];
	_ =	sdelay $0x4  }
0x43a: {  	v47 =	vshrl.u32 v3, $0x3  }
0x43b: {  	v4 =	vmul.u32 $0x30, v47  }
0x43c: {  	v3 =	vand.u32 $0x7, v3  }
0x43d: {  	v3 =	vor.u32 v3, v4  }
0x43e: {  	v4 =	vperm.xlane v3, v0;
	_ =	sdelay $0x1  }
0x43f: {  	v4 =	vadd.s32 v1, v4;
	_ =	sdelay $0x3  }
0x440: {  	s7 =	simm.s32 $0x15400;
	v3 =	vperm.xlane v3, v2  }
0x441: {  	[tilespmem:s7], [sflag:$0x4] =	stream.indirect_vreg.gather [hbm4b:s2+s3], $0x80, v4, vm0, $0xb8;
	[tilespmem:$0x1E400] =	vst v63  }
0x442: {  	s22 =	simm.s32 $0x15C00;
	v3 =	vadd.s32 v1, v3  }
0x443: {  	[tilespmem:s22], [sflag:$0x4] =	stream.indirect_vreg.gather [hbm4b:s5+s3], $0x80, v4, vm0, $0xb8;
	[tilespmem:$0x1E400] =	vst v63  }
0x444: {  	s7 =	simm.s32 $0x16400  }
0x445: {  	[tilespmem:s7], [sflag:$0x4] =	stream.indirect_vreg.gather [hbm4b:s6+s3], $0x80, v4, vm0, $0xb8;
	[tilespmem:$0x1E400] =	vst v63  }
0x446: {  	s22 =	simm.s32 $0x16C00  }
0x447: {  	[tilespmem:s22], [sflag:$0x4] =	stream.indirect_vreg.gather [hbm4b:s2+s3], $0x80, v3, vm0, $0xb8;
	[tilespmem:$0x1E400] =	vst v63  }
0x448: {  	s7 =	simm.s32 $0x17400  }
0x449: {  	[tilespmem:s7], [sflag:$0x4] =	stream.indirect_vreg.gather [hbm4b:s5+s3], $0x80, v3, vm0, $0xb8;
	[tilespmem:$0x1E400] =	vst v63  }
0x44a: {  	s22 =	simm.s32 $0x17C00  }
0x44b: {  	[tilespmem:s22], [sflag:$0x4] =	stream.indirect_vreg.gather [hbm4b:s6+s3], $0x80, v3, vm0, $0xb8;
	[tilespmem:$0x1E400] =	vst v63  }
0x44c: {  	_ =	swait.ge [sflag:s19], $0x6000  }
0x44d: {  	[sflag:s19] =	ssyncset.done $0x0  }
0x44e: {  	s8 =	simm.s32 $0x18400;
	s7 =	rddreg [dreg:$0x17];
	[sflag:s19] =	ssyncadd.s32 $0xFFFFA000  }
0x44f: {  	[hbm4b:s7+s3] =	stream.linear.scatter [tilespmem:s8], [sflag:$0xA], $0x6000, $0x38;
	[tilespmem:$0x1E400] =	vst v63  }
0x450: {  	_ =	swait.ge [sflag:s20], $0x6000  }
0x451: {  	[sflag:s20] =	ssyncset.done $0x0  }
0x452: {  	[sflag:s20] =	ssyncadd.s32 $0xFFFFA000  }
0x453: {  	v3 =	vld [tilespmem:$0x300];
	_ =	sdelay $0x4  }
0x454: {  	v48 =	vshrl.u32 v3, $0x3  }
0x455: {  	v4 =	vmul.u32 $0x30, v48  }
0x456: {  	v3 =	vand.u32 $0x7, v3  }
0x457: {  	v3 =	vor.u32 v3, v4  }
0x458: {  	v4 =	vperm.xlane v3, v0;
	_ =	sdelay $0x1  }
0x459: {  	v4 =	vadd.s32 v1, v4;
	_ =	sdelay $0x3  }
0x45a: {  	v3 =	vperm.xlane v3, v2  }
0x45b: {  	[tilespmem:s8], [sflag:$0x5] =	stream.indirect_vreg.gather [hbm4b:s2+s3], $0x80, v4, vm0, $0xb8;
	[tilespmem:$0x1E400] =	vst v63  }
0x45c: {  	v3 =	vadd.s32 v1, v3  }
0x45d: {  	[tilespmem:s29], [sflag:$0x5] =	stream.indirect_vreg.gather [hbm4b:s5+s3], $0x80, v4, vm0, $0xb8;
	[tilespmem:$0x1E400] =	vst v63  }
0x45e: {  	s8 =	simm.s32 $0x19400  }
0x45f: {  	[tilespmem:s8], [sflag:$0x5] =	stream.indirect_vreg.gather [hbm4b:s6+s3], $0x80, v4, vm0, $0xb8;
	[tilespmem:$0x1E400] =	vst v63  }
0x460: {  	s22 =	simm.s32 $0x19C00  }
0x461: {  	[tilespmem:s22], [sflag:$0x5] =	stream.indirect_vreg.gather [hbm4b:s2+s3], $0x80, v3, vm0, $0xb8;
	[tilespmem:$0x1E400] =	vst v63  }
0x462: {  	s8 =	simm.s32 $0x1A400  }
0x463: {  	[tilespmem:s8], [sflag:$0x5] =	stream.indirect_vreg.gather [hbm4b:s5+s3], $0x80, v3, vm0, $0xb8;
	[tilespmem:$0x1E400] =	vst v63  }
0x464: {  	_ = 	snop  }
0x465: {  	[tilespmem:s26], [sflag:$0x5] =	stream.indirect_vreg.gather [hbm4b:s6+s3], $0x80, v3, vm0, $0xb8;
	[tilespmem:$0x1E400] =	vst v63  }
0x466: {  	v3 =	vld [tilespmem:$0x310];
	_ =	sdelay $0x4  }
0x467: {  	v49 =	vshrl.u32 v3, $0x3  }
0x468: {  	v4 =	vmul.u32 $0x30, v49  }
0x469: {  	v3 =	vand.u32 $0x7, v3  }
0x46a: {  	v3 =	vor.u32 v3, v4  }
0x46b: {  	v4 =	vperm.xlane v3, v0;
	_ =	sdelay $0x1  }
0x46c: {  	v4 =	vadd.s32 v1, v4;
	_ =	sdelay $0x3  }
0x46d: {  	s26 =	simm.s32 $0x1B400;
	v3 =	vperm.xlane v3, v2  }
0x46e: {  	[tilespmem:s26], [sflag:$0x5] =	stream.indirect_vreg.gather [hbm4b:s2+s3], $0x80, v4, vm0, $0xb8;
	[tilespmem:$0x1E400] =	vst v63  }
0x46f: {  	s7 =	simm.s32 $0x1BC00;
	v3 =	vadd.s32 v1, v3  }
0x470: {  	[tilespmem:s7], [sflag:$0x5] =	stream.indirect_vreg.gather [hbm4b:s5+s3], $0x80, v4, vm0, $0xb8;
	[tilespmem:$0x1E400] =	vst v63  }
0x471: {  	s7 =	simm.s32 $0x1C400  }
0x472: {  	[tilespmem:s7], [sflag:$0x5] =	stream.indirect_vreg.gather [hbm4b:s6+s3], $0x80, v4, vm0, $0xb8;
	[tilespmem:$0x1E400] =	vst v63  }
0x473: {  	s26 =	simm.s32 $0x1CC00  }
0x474: {  	[tilespmem:s26], [sflag:$0x5] =	stream.indirect_vreg.gather [hbm4b:s2+s3], $0x80, v3, vm0, $0xb8;
	[tilespmem:$0x1E400] =	vst v63  }
0x475: {  	_ = 	snop  }
0x476: {  	[tilespmem:s4], [sflag:$0x5] =	stream.indirect_vreg.gather [hbm4b:s5+s3], $0x80, v3, vm0, $0xb8;
	[tilespmem:$0x1E400] =	vst v63  }
0x477: {  	s22 =	simm.s32 $0x1DC00  }
0x478: {  	[tilespmem:s22], [sflag:$0x5] =	stream.indirect_vreg.gather [hbm4b:s6+s3], $0x80, v3, vm0, $0xb8;
	[tilespmem:$0x1E400] =	vst v63  }
0x479: {  	_ =	swait.ge [sflag:s11], $0x6000  }
0x47a: {  	[sflag:s11] =	ssyncset.done $0x0  }
0x47b: {  	s4 =	simm.s32 $0x400;
	s1 =	rddreg [dreg:$0x18];
	[sflag:s11] =	ssyncadd.s32 $0xFFFFA000  }
0x47c: {  	[hbm4b:s1+s3] =	stream.linear.scatter [tilespmem:s4], [sflag:$0x6], $0x6000, $0x38;
	[tilespmem:$0x1E400] =	vst v63  }
0x47d: {  	_ =	swait.ge [sflag:s12], $0x6000  }
0x47e: {  	[sflag:s12] =	ssyncset.done $0x0  }
0x47f: {  	[sflag:s12] =	ssyncadd.s32 $0xFFFFA000  }
0x480: {  	v3 =	vld [tilespmem:$0x320];
	_ =	sdelay $0x4  }
0x481: {  	v50 =	vshrl.u32 v3, $0x3  }
0x482: {  	v4 =	vmul.u32 $0x30, v50  }
0x483: {  	v3 =	vand.u32 $0x7, v3  }
0x484: {  	v3 =	vor.u32 v3, v4  }
0x485: {  	v4 =	vperm.xlane v3, v0;
	_ =	sdelay $0x1  }
0x486: {  	v4 =	vadd.s32 v1, v4;
	_ =	sdelay $0x3  }
0x487: {  	v3 =	vperm.xlane v3, v2  }
0x488: {  	[tilespmem:s4], [sflag:$0x1] =	stream.indirect_vreg.gather [hbm4b:s2+s3], $0x80, v4, vm0, $0xb8;
	[tilespmem:$0x1E400] =	vst v63  }
0x489: {  	v3 =	vadd.s32 v1, v3  }
0x48a: {  	[tilespmem:s30], [sflag:$0x1] =	stream.indirect_vreg.gather [hbm4b:s5+s3], $0x80, v4, vm0, $0xb8;
	[tilespmem:$0x1E400] =	vst v63  }
0x48b: {  	s30 =	simm.s32 $0x1400  }
0x48c: {  	[tilespmem:s30], [sflag:$0x1] =	stream.indirect_vreg.gather [hbm4b:s6+s3], $0x80, v4, vm0, $0xb8;
	[tilespmem:$0x1E400] =	vst v63  }
0x48d: {  	s22 =	simm.s32 $0x1C00  }
0x48e: {  	[tilespmem:s22], [sflag:$0x1] =	stream.indirect_vreg.gather [hbm4b:s2+s3], $0x80, v3, vm0, $0xb8;
	[tilespmem:$0x1E400] =	vst v63  }
0x48f: {  	s30 =	simm.s32 $0x2400  }
0x490: {  	[tilespmem:s30], [sflag:$0x1] =	stream.indirect_vreg.gather [hbm4b:s5+s3], $0x80, v3, vm0, $0xb8;
	[tilespmem:$0x1E400] =	vst v63  }
0x491: {  	_ = 	snop  }
0x492: {  	[tilespmem:s24], [sflag:$0x1] =	stream.indirect_vreg.gather [hbm4b:s6+s3], $0x80, v3, vm0, $0xb8;
	[tilespmem:$0x1E400] =	vst v63  }
0x493: {  	v3 =	vld [tilespmem:$0x330];
	_ =	sdelay $0x4  }
0x494: {  	v51 =	vshrl.u32 v3, $0x3  }
0x495: {  	v4 =	vmul.u32 $0x30, v51  }
0x496: {  	v3 =	vand.u32 $0x7, v3  }
0x497: {  	v3 =	vor.u32 v3, v4  }
0x498: {  	v4 =	vperm.xlane v3, v0;
	_ =	sdelay $0x1  }
0x499: {  	v4 =	vadd.s32 v1, v4;
	_ =	sdelay $0x3  }
0x49a: {  	v3 =	vperm.xlane v3, v2  }
0x49b: {  	[tilespmem:s25], [sflag:$0x1] =	stream.indirect_vreg.gather [hbm4b:s2+s3], $0x80, v4, vm0, $0xb8;
	[tilespmem:$0x1E400] =	vst v63  }
0x49c: {  	s30 =	simm.s32 $0x3C00;
	v3 =	vadd.s32 v1, v3  }
0x49d: {  	[tilespmem:s30], [sflag:$0x1] =	stream.indirect_vreg.gather [hbm4b:s5+s3], $0x80, v4, vm0, $0xb8;
	[tilespmem:$0x1E400] =	vst v63  }
0x49e: {  	s30 =	simm.s32 $0x4400  }
0x49f: {  	[tilespmem:s30], [sflag:$0x1] =	stream.indirect_vreg.gather [hbm4b:s6+s3], $0x80, v4, vm0, $0xb8;
	[tilespmem:$0x1E400] =	vst v63  }
0x4a0: {  	_ = 	snop  }
0x4a1: {  	[tilespmem:s10], [sflag:$0x1] =	stream.indirect_vreg.gather [hbm4b:s2+s3], $0x80, v3, vm0, $0xb8;
	[tilespmem:$0x1E400] =	vst v63  }
0x4a2: {  	_ = 	snop  }
0x4a3: {  	[tilespmem:s21], [sflag:$0x1] =	stream.indirect_vreg.gather [hbm4b:s5+s3], $0x80, v3, vm0, $0xb8;
	[tilespmem:$0x1E400] =	vst v63  }
0x4a4: {  	_ = 	snop  }
0x4a5: {  	[tilespmem:s23], [sflag:$0x1] =	stream.indirect_vreg.gather [hbm4b:s6+s3], $0x80, v3, vm0, $0xb8;
	[tilespmem:$0x1E400] =	vst v63  }
0x4a6: {  	_ =	swait.ge [sflag:s13], $0x6000  }
0x4a7: {  	[sflag:s13] =	ssyncset.done $0x0  }
0x4a8: {  	s0 =	simm.s32 $0x6400;
	s30 =	rddreg [dreg:$0x19];
	[sflag:s13] =	ssyncadd.s32 $0xFFFFA000  }
0x4a9: {  	[hbm4b:s30+s3] =	stream.linear.scatter [tilespmem:s0], [sflag:$0x7], $0x6000, $0x38;
	[tilespmem:$0x1E400] =	vst v63  }
0x4aa: {  	_ =	swait.ge [sflag:s14], $0x6000  }
0x4ab: {  	[sflag:s14] =	ssyncset.done $0x0  }
0x4ac: {  	[sflag:s14] =	ssyncadd.s32 $0xFFFFA000  }
0x4ad: {  	v3 =	vld [tilespmem:$0x340];
	_ =	sdelay $0x4  }
0x4ae: {  	v52 =	vshrl.u32 v3, $0x3  }
0x4af: {  	v4 =	vmul.u32 $0x30, v52  }
0x4b0: {  	v3 =	vand.u32 $0x7, v3  }
0x4b1: {  	v3 =	vor.u32 v3, v4  }
0x4b2: {  	v4 =	vperm.xlane v3, v0;
	_ =	sdelay $0x1  }
0x4b3: {  	v4 =	vadd.s32 v1, v4;
	_ =	sdelay $0x3  }
0x4b4: {  	v3 =	vperm.xlane v3, v2  }
0x4b5: {  	[tilespmem:s0], [sflag:$0x2] =	stream.indirect_vreg.gather [hbm4b:s2+s3], $0x80, v4, vm0, $0xb8;
	[tilespmem:$0x1E400] =	vst v63  }
0x4b6: {  	s30 =	simm.s32 $0x6C00;
	v3 =	vadd.s32 v1, v3  }
0x4b7: {  	[tilespmem:s30], [sflag:$0x2] =	stream.indirect_vreg.gather [hbm4b:s5+s3], $0x80, v4, vm0, $0xb8;
	[tilespmem:$0x1E400] =	vst v63  }
0x4b8: {  	s22 =	simm.s32 $0x7400  }
0x4b9: {  	[tilespmem:s22], [sflag:$0x2] =	stream.indirect_vreg.gather [hbm4b:s6+s3], $0x80, v4, vm0, $0xb8;
	[tilespmem:$0x1E400] =	vst v63  }
0x4ba: {  	s30 =	simm.s32 $0x7C00  }
0x4bb: {  	[tilespmem:s30], [sflag:$0x2] =	stream.indirect_vreg.gather [hbm4b:s2+s3], $0x80, v3, vm0, $0xb8;
	[tilespmem:$0x1E400] =	vst v63  }
0x4bc: {  	s22 =	simm.s32 $0x8400  }
0x4bd: {  	[tilespmem:s22], [sflag:$0x2] =	stream.indirect_vreg.gather [hbm4b:s5+s3], $0x80, v3, vm0, $0xb8;
	[tilespmem:$0x1E400] =	vst v63  }
0x4be: {  	s30 =	simm.s32 $0x8C00  }
0x4bf: {  	[tilespmem:s30], [sflag:$0x2] =	stream.indirect_vreg.gather [hbm4b:s6+s3], $0x80, v3, vm0, $0xb8;
	[tilespmem:$0x1E400] =	vst v63  }
0x4c0: {  	v3 =	vld [tilespmem:$0x350];
	_ =	sdelay $0x4  }
0x4c1: {  	v53 =	vshrl.u32 v3, $0x3  }
0x4c2: {  	v4 =	vmul.u32 $0x30, v53  }
0x4c3: {  	v3 =	vand.u32 $0x7, v3  }
0x4c4: {  	v3 =	vor.u32 v3, v4  }
0x4c5: {  	v4 =	vperm.xlane v3, v0;
	_ =	sdelay $0x1  }
0x4c6: {  	v4 =	vadd.s32 v1, v4;
	_ =	sdelay $0x3  }
0x4c7: {  	s22 =	simm.s32 $0x9400;
	v3 =	vperm.xlane v3, v2  }
0x4c8: {  	[tilespmem:s22], [sflag:$0x2] =	stream.indirect_vreg.gather [hbm4b:s2+s3], $0x80, v4, vm0, $0xb8;
	[tilespmem:$0x1E400] =	vst v63  }
0x4c9: {  	s30 =	simm.s32 $0x9C00;
	v3 =	vadd.s32 v1, v3  }
0x4ca: {  	[tilespmem:s30], [sflag:$0x2] =	stream.indirect_vreg.gather [hbm4b:s5+s3], $0x80, v4, vm0, $0xb8;
	[tilespmem:$0x1E400] =	vst v63  }
0x4cb: {  	s22 =	simm.s32 $0xA400  }
0x4cc: {  	[tilespmem:s22], [sflag:$0x2] =	stream.indirect_vreg.gather [hbm4b:s6+s3], $0x80, v4, vm0, $0xb8;
	[tilespmem:$0x1E400] =	vst v63  }
0x4cd: {  	s30 =	simm.s32 $0xAC00  }
0x4ce: {  	[tilespmem:s30], [sflag:$0x2] =	stream.indirect_vreg.gather [hbm4b:s2+s3], $0x80, v3, vm0, $0xb8;
	[tilespmem:$0x1E400] =	vst v63  }
0x4cf: {  	s22 =	simm.s32 $0xB400  }
0x4d0: {  	[tilespmem:s22], [sflag:$0x2] =	stream.indirect_vreg.gather [hbm4b:s5+s3], $0x80, v3, vm0, $0xb8;
	[tilespmem:$0x1E400] =	vst v63  }
0x4d1: {  	s30 =	simm.s32 $0xBC00  }
0x4d2: {  	[tilespmem:s30], [sflag:$0x2] =	stream.indirect_vreg.gather [hbm4b:s6+s3], $0x80, v3, vm0, $0xb8;
	[tilespmem:$0x1E400] =	vst v63  }
0x4d3: {  	_ =	swait.ge [sflag:s15], $0x6000  }
0x4d4: {  	[sflag:s15] =	ssyncset.done $0x0  }
0x4d5: {  	s0 =	simm.s32 $0xC400;
	s22 =	rddreg [dreg:$0x1a];
	[sflag:s15] =	ssyncadd.s32 $0xFFFFA000  }
0x4d6: {  	[hbm4b:s22+s3] =	stream.linear.scatter [tilespmem:s0], [sflag:$0x8], $0x6000, $0x38;
	[tilespmem:$0x1E400] =	vst v63  }
0x4d7: {  	_ =	swait.ge [sflag:s16], $0x6000  }
0x4d8: {  	[sflag:s16] =	ssyncset.done $0x0  }
0x4d9: {  	[sflag:s16] =	ssyncadd.s32 $0xFFFFA000  }
0x4da: {  	v3 =	vld [tilespmem:$0x360];
	_ =	sdelay $0x4  }
0x4db: {  	v54 =	vshrl.u32 v3, $0x3  }
0x4dc: {  	v4 =	vmul.u32 $0x30, v54  }
0x4dd: {  	v3 =	vand.u32 $0x7, v3  }
0x4de: {  	v3 =	vor.u32 v3, v4  }
0x4df: {  	v4 =	vperm.xlane v3, v0;
	_ =	sdelay $0x1  }
0x4e0: {  	v4 =	vadd.s32 v1, v4;
	_ =	sdelay $0x3  }
0x4e1: {  	v3 =	vperm.xlane v3, v2  }
0x4e2: {  	[tilespmem:s0], [sflag:$0x3] =	stream.indirect_vreg.gather [hbm4b:s2+s3], $0x80, v4, vm0, $0xb8;
	[tilespmem:$0x1E400] =	vst v63  }
0x4e3: {  	s22 =	simm.s32 $0xCC00;
	v3 =	vadd.s32 v1, v3  }
0x4e4: {  	[tilespmem:s22], [sflag:$0x3] =	stream.indirect_vreg.gather [hbm4b:s5+s3], $0x80, v4, vm0, $0xb8;
	[tilespmem:$0x1E400] =	vst v63  }
0x4e5: {  	s22 =	simm.s32 $0xD400  }
0x4e6: {  	[tilespmem:s22], [sflag:$0x3] =	stream.indirect_vreg.gather [hbm4b:s6+s3], $0x80, v4, vm0, $0xb8;
	[tilespmem:$0x1E400] =	vst v63  }
0x4e7: {  	s22 =	simm.s32 $0xDC00  }
0x4e8: {  	[tilespmem:s22], [sflag:$0x3] =	stream.indirect_vreg.gather [hbm4b:s2+s3], $0x80, v3, vm0, $0xb8;
	[tilespmem:$0x1E400] =	vst v63  }
0x4e9: {  	s22 =	simm.s32 $0xE400  }
0x4ea: {  	[tilespmem:s22], [sflag:$0x3] =	stream.indirect_vreg.gather [hbm4b:s5+s3], $0x80, v3, vm0, $0xb8;
	[tilespmem:$0x1E400] =	vst v63  }
0x4eb: {  	s22 =	simm.s32 $0xEC00  }
0x4ec: {  	[tilespmem:s22], [sflag:$0x3] =	stream.indirect_vreg.gather [hbm4b:s6+s3], $0x80, v3, vm0, $0xb8;
	[tilespmem:$0x1E400] =	vst v63  }
0x4ed: {  	v3 =	vld [tilespmem:$0x370];
	_ =	sdelay $0x4  }
0x4ee: {  	v55 =	vshrl.u32 v3, $0x3  }
0x4ef: {  	v4 =	vmul.u32 $0x30, v55  }
0x4f0: {  	v3 =	vand.u32 $0x7, v3  }
0x4f1: {  	v3 =	vor.u32 v3, v4  }
0x4f2: {  	v4 =	vperm.xlane v3, v0;
	_ =	sdelay $0x1  }
0x4f3: {  	v4 =	vadd.s32 v1, v4;
	_ =	sdelay $0x3  }
0x4f4: {  	s22 =	simm.s32 $0xF400;
	v3 =	vperm.xlane v3, v2  }
0x4f5: {  	[tilespmem:s22], [sflag:$0x3] =	stream.indirect_vreg.gather [hbm4b:s2+s3], $0x80, v4, vm0, $0xb8;
	[tilespmem:$0x1E400] =	vst v63  }
0x4f6: {  	v3 =	vadd.s32 v1, v3;
	s22 =	simm.s32 $0xFC00  }
0x4f7: {  	[tilespmem:s22], [sflag:$0x3] =	stream.indirect_vreg.gather [hbm4b:s5+s3], $0x80, v4, vm0, $0xb8;
	[tilespmem:$0x1E400] =	vst v63  }
0x4f8: {  	s22 =	simm.s32 $0x10400  }
0x4f9: {  	[tilespmem:s22], [sflag:$0x3] =	stream.indirect_vreg.gather [hbm4b:s6+s3], $0x80, v4, vm0, $0xb8;
	[tilespmem:$0x1E400] =	vst v63  }
0x4fa: {  	s22 =	simm.s32 $0x10C00  }
0x4fb: {  	[tilespmem:s22], [sflag:$0x3] =	stream.indirect_vreg.gather [hbm4b:s2+s3], $0x80, v3, vm0, $0xb8;
	[tilespmem:$0x1E400] =	vst v63  }
0x4fc: {  	s22 =	simm.s32 $0x11400  }
0x4fd: {  	[tilespmem:s22], [sflag:$0x3] =	stream.indirect_vreg.gather [hbm4b:s5+s3], $0x80, v3, vm0, $0xb8;
	[tilespmem:$0x1E400] =	vst v63  }
0x4fe: {  	s22 =	simm.s32 $0x11C00  }
0x4ff: {  	[tilespmem:s22], [sflag:$0x3] =	stream.indirect_vreg.gather [hbm4b:s6+s3], $0x80, v3, vm0, $0xb8;
	[tilespmem:$0x1E400] =	vst v63  }
0x500: {  	_ =	swait.ge [sflag:s17], $0x6000  }
0x501: {  	[sflag:s17] =	ssyncset.done $0x0  }
0x502: {  	s0 =	simm.s32 $0x12400;
	s22 =	rddreg [dreg:$0x1b];
	[sflag:s17] =	ssyncadd.s32 $0xFFFFA000  }
0x503: {  	[hbm4b:s22+s3] =	stream.linear.scatter [tilespmem:s0], [sflag:$0x9], $0x6000, $0x38;
	[tilespmem:$0x1E400] =	vst v63  }
0x504: {  	_ =	swait.ge [sflag:s18], $0x6000  }
0x505: {  	[sflag:s18] =	ssyncset.done $0x0  }
0x506: {  	[sflag:s18] =	ssyncadd.s32 $0xFFFFA000  }
0x507: {  	v3 =	vld [tilespmem:$0x380];
	_ =	sdelay $0x4  }
0x508: {  	v56 =	vshrl.u32 v3, $0x3  }
0x509: {  	v4 =	vmul.u32 $0x30, v56  }
0x50a: {  	v3 =	vand.u32 $0x7, v3  }
0x50b: {  	v3 =	vor.u32 v3, v4  }
0x50c: {  	v4 =	vperm.xlane v3, v0;
	_ =	sdelay $0x1  }
0x50d: {  	v4 =	vadd.s32 v1, v4;
	_ =	sdelay $0x3  }
0x50e: {  	v3 =	vperm.xlane v3, v2  }
0x50f: {  	[tilespmem:s0], [sflag:$0x4] =	stream.indirect_vreg.gather [hbm4b:s2+s3], $0x80, v4, vm0, $0xb8;
	[tilespmem:$0x1E400] =	vst v63  }
0x510: {  	s31 =	simm.s32 $0x12C00;
	v3 =	vadd.s32 v1, v3  }
0x511: {  	[tilespmem:s31], [sflag:$0x4] =	stream.indirect_vreg.gather [hbm4b:s5+s3], $0x80, v4, vm0, $0xb8;
	[tilespmem:$0x1E400] =	vst v63  }
0x512: {  	s31 =	simm.s32 $0x13400  }
0x513: {  	[tilespmem:s31], [sflag:$0x4] =	stream.indirect_vreg.gather [hbm4b:s6+s3], $0x80, v4, vm0, $0xb8;
	[tilespmem:$0x1E400] =	vst v63  }
0x514: {  	_ = 	snop  }
0x515: {  	[tilespmem:s9], [sflag:$0x4] =	stream.indirect_vreg.gather [hbm4b:s2+s3], $0x80, v3, vm0, $0xb8;
	[tilespmem:$0x1E400] =	vst v63  }
0x516: {  	_ = 	snop  }
0x517: {  	[tilespmem:s28], [sflag:$0x4] =	stream.indirect_vreg.gather [hbm4b:s5+s3], $0x80, v3, vm0, $0xb8;
	[tilespmem:$0x1E400] =	vst v63  }
0x518: {  	s22 =	simm.s32 $0x14C00  }
0x519: {  	[tilespmem:s22], [sflag:$0x4] =	stream.indirect_vreg.gather [hbm4b:s6+s3], $0x80, v3, vm0, $0xb8;
	[tilespmem:$0x1E400] =	vst v63  }
0x51a: {  	v3 =	vld [tilespmem:$0x390];
	_ =	sdelay $0x4  }
0x51b: {  	v57 =	vshrl.u32 v3, $0x3  }
0x51c: {  	v4 =	vmul.u32 $0x30, v57  }
0x51d: {  	v3 =	vand.u32 $0x7, v3  }
0x51e: {  	v3 =	vor.u32 v3, v4  }
0x51f: {  	v4 =	vperm.xlane v3, v0;
	_ =	sdelay $0x1  }
0x520: {  	v4 =	vadd.s32 v1, v4;
	_ =	sdelay $0x3  }
0x521: {  	s28 =	simm.s32 $0x15400;
	v3 =	vperm.xlane v3, v2  }
0x522: {  	[tilespmem:s28], [sflag:$0x4] =	stream.indirect_vreg.gather [hbm4b:s2+s3], $0x80, v4, vm0, $0xb8;
	[tilespmem:$0x1E400] =	vst v63  }
0x523: {  	s31 =	simm.s32 $0x15C00;
	v3 =	vadd.s32 v1, v3  }
0x524: {  	[tilespmem:s31], [sflag:$0x4] =	stream.indirect_vreg.gather [hbm4b:s5+s3], $0x80, v4, vm0, $0xb8;
	[tilespmem:$0x1E400] =	vst v63  }
0x525: {  	s22 =	simm.s32 $0x16400  }
0x526: {  	[tilespmem:s22], [sflag:$0x4] =	stream.indirect_vreg.gather [hbm4b:s6+s3], $0x80, v4, vm0, $0xb8;
	[tilespmem:$0x1E400] =	vst v63  }
0x527: {  	s28 =	simm.s32 $0x16C00  }
0x528: {  	[tilespmem:s28], [sflag:$0x4] =	stream.indirect_vreg.gather [hbm4b:s2+s3], $0x80, v3, vm0, $0xb8;
	[tilespmem:$0x1E400] =	vst v63  }
0x529: {  	s31 =	simm.s32 $0x17400  }
0x52a: {  	[tilespmem:s31], [sflag:$0x4] =	stream.indirect_vreg.gather [hbm4b:s5+s3], $0x80, v3, vm0, $0xb8;
	[tilespmem:$0x1E400] =	vst v63  }
0x52b: {  	s22 =	simm.s32 $0x17C00  }
0x52c: {  	[tilespmem:s22], [sflag:$0x4] =	stream.indirect_vreg.gather [hbm4b:s6+s3], $0x80, v3, vm0, $0xb8;
	[tilespmem:$0x1E400] =	vst v63  }
0x52d: {  	_ =	swait.ge [sflag:s19], $0x6000  }
0x52e: {  	[sflag:s19] =	ssyncset.done $0x0  }
0x52f: {  	s9 =	simm.s32 $0x18400;
	s28 =	rddreg [dreg:$0x1c];
	[sflag:s19] =	ssyncadd.s32 $0xFFFFA000  }
0x530: {  	[hbm4b:s28+s3] =	stream.linear.scatter [tilespmem:s9], [sflag:$0xA], $0x6000, $0x38;
	[tilespmem:$0x1E400] =	vst v63  }
0x531: {  	_ =	swait.ge [sflag:s20], $0x6000  }
0x532: {  	[sflag:s20] =	ssyncset.done $0x0  }
0x533: {  	[sflag:s20] =	ssyncadd.s32 $0xFFFFA000  }
0x534: {  	v3 =	vld [tilespmem:$0x3A0];
	_ =	sdelay $0x4  }
0x535: {  	v58 =	vshrl.u32 v3, $0x3  }
0x536: {  	v4 =	vmul.u32 $0x30, v58  }
0x537: {  	v3 =	vand.u32 $0x7, v3  }
0x538: {  	v3 =	vor.u32 v3, v4  }
0x539: {  	v4 =	vperm.xlane v3, v0;
	_ =	sdelay $0x1  }
0x53a: {  	v4 =	vadd.s32 v1, v4;
	_ =	sdelay $0x3  }
0x53b: {  	v3 =	vperm.xlane v3, v2  }
0x53c: {  	[tilespmem:s9], [sflag:$0x5] =	stream.indirect_vreg.gather [hbm4b:s2+s3], $0x80, v4, vm0, $0xb8;
	[tilespmem:$0x1E400] =	vst v63  }
0x53d: {  	s29 =	simm.s32 $0x18C00;
	v3 =	vadd.s32 v1, v3  }
0x53e: {  	[tilespmem:s29], [sflag:$0x5] =	stream.indirect_vreg.gather [hbm4b:s5+s3], $0x80, v4, vm0, $0xb8;
	[tilespmem:$0x1E400] =	vst v63  }
0x53f: {  	s28 =	simm.s32 $0x19400  }
0x540: {  	[tilespmem:s28], [sflag:$0x5] =	stream.indirect_vreg.gather [hbm4b:s6+s3], $0x80, v4, vm0, $0xb8;
	[tilespmem:$0x1E400] =	vst v63  }
0x541: {  	s29 =	simm.s32 $0x19C00  }
0x542: {  	[tilespmem:s29], [sflag:$0x5] =	stream.indirect_vreg.gather [hbm4b:s2+s3], $0x80, v3, vm0, $0xb8;
	[tilespmem:$0x1E400] =	vst v63  }
0x543: {  	_ = 	snop  }
0x544: {  	[tilespmem:s8], [sflag:$0x5] =	stream.indirect_vreg.gather [hbm4b:s5+s3], $0x80, v3, vm0, $0xb8;
	[tilespmem:$0x1E400] =	vst v63  }
0x545: {  	s22 =	simm.s32 $0x1AC00  }
0x546: {  	[tilespmem:s22], [sflag:$0x5] =	stream.indirect_vreg.gather [hbm4b:s6+s3], $0x80, v3, vm0, $0xb8;
	[tilespmem:$0x1E400] =	vst v63  }
0x547: {  	v3 =	vld [tilespmem:$0x3B0];
	_ =	sdelay $0x4  }
0x548: {  	v59 =	vshrl.u32 v3, $0x3  }
0x549: {  	v4 =	vmul.u32 $0x30, v59  }
0x54a: {  	v3 =	vand.u32 $0x7, v3  }
0x54b: {  	v3 =	vor.u32 v3, v4  }
0x54c: {  	v4 =	vperm.xlane v3, v0;
	_ =	sdelay $0x1  }
0x54d: {  	v4 =	vadd.s32 v1, v4;
	_ =	sdelay $0x3  }
0x54e: {  	s28 =	simm.s32 $0x1B400;
	v3 =	vperm.xlane v3, v2  }
0x54f: {  	[tilespmem:s28], [sflag:$0x5] =	stream.indirect_vreg.gather [hbm4b:s2+s3], $0x80, v4, vm0, $0xb8;
	[tilespmem:$0x1E400] =	vst v63  }
0x550: {  	s29 =	simm.s32 $0x1BC00;
	v3 =	vadd.s32 v1, v3  }
0x551: {  	[tilespmem:s29], [sflag:$0x5] =	stream.indirect_vreg.gather [hbm4b:s5+s3], $0x80, v4, vm0, $0xb8;
	[tilespmem:$0x1E400] =	vst v63  }
0x552: {  	_ = 	snop  }
0x553: {  	[tilespmem:s7], [sflag:$0x5] =	stream.indirect_vreg.gather [hbm4b:s6+s3], $0x80, v4, vm0, $0xb8;
	[tilespmem:$0x1E400] =	vst v63  }
0x554: {  	_ = 	snop  }
0x555: {  	[tilespmem:s26], [sflag:$0x5] =	stream.indirect_vreg.gather [hbm4b:s2+s3], $0x80, v3, vm0, $0xb8;
	[tilespmem:$0x1E400] =	vst v63  }
0x556: {  	s9 =	simm.s32 $0x1D400  }
0x557: {  	[tilespmem:s9], [sflag:$0x5] =	stream.indirect_vreg.gather [hbm4b:s5+s3], $0x80, v3, vm0, $0xb8;
	[tilespmem:$0x1E400] =	vst v63  }
0x558: {  	s22 =	simm.s32 $0x1DC00  }
0x559: {  	[tilespmem:s22], [sflag:$0x5] =	stream.indirect_vreg.gather [hbm4b:s6+s3], $0x80, v3, vm0, $0xb8;
	[tilespmem:$0x1E400] =	vst v63  }
0x55a: {  	_ =	swait.ge [sflag:s11], $0x6000  }
0x55b: {  	[sflag:s11] =	ssyncset.done $0x0  }
0x55c: {  	s1 =	simm.s32 $0x400;
	s26 =	rddreg [dreg:$0x1d];
	[sflag:s11] =	ssyncadd.s32 $0xFFFFA000  }
0x55d: {  	[hbm4b:s26+s3] =	stream.linear.scatter [tilespmem:s1], [sflag:$0x6], $0x6000, $0x38;
	[tilespmem:$0x1E400] =	vst v63  }
0x55e: {  	_ =	swait.ge [sflag:s12], $0x6000  }
0x55f: {  	[sflag:s12] =	ssyncset.done $0x0  }
0x560: {  	[sflag:s12] =	ssyncadd.s32 $0xFFFFA000  }
0x561: {  	v3 =	vld [tilespmem:$0x3C0];
	_ =	sdelay $0x4  }
0x562: {  	v60 =	vshrl.u32 v3, $0x3  }
0x563: {  	v4 =	vmul.u32 $0x30, v60  }
0x564: {  	v3 =	vand.u32 $0x7, v3  }
0x565: {  	v3 =	vor.u32 v3, v4  }
0x566: {  	v4 =	vperm.xlane v3, v0;
	_ =	sdelay $0x1  }
0x567: {  	v4 =	vadd.s32 v1, v4;
	_ =	sdelay $0x3  }
0x568: {  	v3 =	vperm.xlane v3, v2  }
0x569: {  	[tilespmem:s1], [sflag:$0x1] =	stream.indirect_vreg.gather [hbm4b:s2+s3], $0x80, v4, vm0, $0xb8;
	[tilespmem:$0x1E400] =	vst v63  }
0x56a: {  	s28 =	simm.s32 $0xC00;
	v3 =	vadd.s32 v1, v3  }
0x56b: {  	[tilespmem:s28], [sflag:$0x1] =	stream.indirect_vreg.gather [hbm4b:s5+s3], $0x80, v4, vm0, $0xb8;
	[tilespmem:$0x1E400] =	vst v63  }
0x56c: {  	s29 =	simm.s32 $0x1400  }
0x56d: {  	[tilespmem:s29], [sflag:$0x1] =	stream.indirect_vreg.gather [hbm4b:s6+s3], $0x80, v4, vm0, $0xb8;
	[tilespmem:$0x1E400] =	vst v63  }
0x56e: {  	s4 =	simm.s32 $0x1C00  }
0x56f: {  	[tilespmem:s4], [sflag:$0x1] =	stream.indirect_vreg.gather [hbm4b:s2+s3], $0x80, v3, vm0, $0xb8;
	[tilespmem:$0x1E400] =	vst v63  }
0x570: {  	s8 =	simm.s32 $0x2400  }
0x571: {  	[tilespmem:s8], [sflag:$0x1] =	stream.indirect_vreg.gather [hbm4b:s5+s3], $0x80, v3, vm0, $0xb8;
	[tilespmem:$0x1E400] =	vst v63  }
0x572: {  	s24 =	simm.s32 $0x2C00  }
0x573: {  	[tilespmem:s24], [sflag:$0x1] =	stream.indirect_vreg.gather [hbm4b:s6+s3], $0x80, v3, vm0, $0xb8;
	[tilespmem:$0x1E400] =	vst v63  }
0x574: {  	v3 =	vld [tilespmem:$0x3D0];
	_ =	sdelay $0x4  }
0x575: {  	v61 =	vshrl.u32 v3, $0x3  }
0x576: {  	v4 =	vmul.u32 $0x30, v61  }
0x577: {  	v3 =	vand.u32 $0x7, v3  }
0x578: {  	v3 =	vor.u32 v3, v4  }
0x579: {  	v4 =	vperm.xlane v3, v0;
	_ =	sdelay $0x1  }
0x57a: {  	v4 =	vadd.s32 v1, v4;
	_ =	sdelay $0x3  }
0x57b: {  	s25 =	simm.s32 $0x3400;
	v3 =	vperm.xlane v3, v2  }
0x57c: {  	[tilespmem:s25], [sflag:$0x1] =	stream.indirect_vreg.gather [hbm4b:s2+s3], $0x80, v4, vm0, $0xb8;
	[tilespmem:$0x1E400] =	vst v63  }
0x57d: {  	s9 =	simm.s32 $0x3C00;
	v3 =	vadd.s32 v1, v3  }
0x57e: {  	[tilespmem:s9], [sflag:$0x1] =	stream.indirect_vreg.gather [hbm4b:s5+s3], $0x80, v4, vm0, $0xb8;
	[tilespmem:$0x1E400] =	vst v63  }
0x57f: {  	s22 =	simm.s32 $0x4400  }
0x580: {  	[tilespmem:s22], [sflag:$0x1] =	stream.indirect_vreg.gather [hbm4b:s6+s3], $0x80, v4, vm0, $0xb8;
	[tilespmem:$0x1E400] =	vst v63  }
0x581: {  	s10 =	simm.s32 $0x4C00  }
0x582: {  	[tilespmem:s10], [sflag:$0x1] =	stream.indirect_vreg.gather [hbm4b:s2+s3], $0x80, v3, vm0, $0xb8;
	[tilespmem:$0x1E400] =	vst v63  }
0x583: {  	s21 =	simm.s32 $0x5400  }
0x584: {  	[tilespmem:s21], [sflag:$0x1] =	stream.indirect_vreg.gather [hbm4b:s5+s3], $0x80, v3, vm0, $0xb8;
	[tilespmem:$0x1E400] =	vst v63  }
0x585: {  	s23 =	simm.s32 $0x5C00  }
0x586: {  	[tilespmem:s23], [sflag:$0x1] =	stream.indirect_vreg.gather [hbm4b:s6+s3], $0x80, v3, vm0, $0xb8;
	[tilespmem:$0x1E400] =	vst v63  }
0x587: {  	_ =	swait.ge [sflag:s13], $0x6000  }
0x588: {  	[sflag:s13] =	ssyncset.done $0x0  }
0x589: {  	s24 =	simm.s32 $0x6400;
	s23 =	rddreg [dreg:$0x1e];
	[sflag:s13] =	ssyncadd.s32 $0xFFFFA000  }
0x58a: {  	[hbm4b:s23+s3] =	stream.linear.scatter [tilespmem:s24], [sflag:$0x7], $0x6000, $0x38;
	[tilespmem:$0x1E400] =	vst v63  }
0x58b: {  	_ =	swait.ge [sflag:s14], $0x6000  }
0x58c: {  	[sflag:s14] =	ssyncset.done $0x0  }
0x58d: {  	[sflag:s14] =	ssyncadd.s32 $0xFFFFA000  }
0x58e: {  	v3 =	vld [tilespmem:$0x3E0];
	_ =	sdelay $0x4  }
0x58f: {  	v62 =	vshrl.u32 v3, $0x3  }
0x590: {  	v4 =	vmul.u32 $0x30, v62  }
0x591: {  	v3 =	vand.u32 $0x7, v3  }
0x592: {  	v3 =	vor.u32 v3, v4  }
0x593: {  	v4 =	vperm.xlane v3, v0;
	_ =	sdelay $0x1  }
0x594: {  	v4 =	vadd.s32 v1, v4;
	_ =	sdelay $0x3  }
0x595: {  	v3 =	vperm.xlane v3, v2  }
0x596: {  	[tilespmem:s24], [sflag:$0x2] =	stream.indirect_vreg.gather [hbm4b:s2+s3], $0x80, v4, vm0, $0xb8;
	[tilespmem:$0x1E400] =	vst v63  }
0x597: {  	s25 =	simm.s32 $0x6C00;
	v3 =	vadd.s32 v1, v3  }
0x598: {  	[tilespmem:s25], [sflag:$0x2] =	stream.indirect_vreg.gather [hbm4b:s5+s3], $0x80, v4, vm0, $0xb8;
	[tilespmem:$0x1E400] =	vst v63  }
0x599: {  	s26 =	simm.s32 $0x7400  }
0x59a: {  	[tilespmem:s26], [sflag:$0x2] =	stream.indirect_vreg.gather [hbm4b:s6+s3], $0x80, v4, vm0, $0xb8;
	[tilespmem:$0x1E400] =	vst v63  }
0x59b: {  	s28 =	simm.s32 $0x7C00  }
0x59c: {  	[tilespmem:s28], [sflag:$0x2] =	stream.indirect_vreg.gather [hbm4b:s2+s3], $0x80, v3, vm0, $0xb8;
	[tilespmem:$0x1E400] =	vst v63  }
0x59d: {  	s29 =	simm.s32 $0x8400  }
0x59e: {  	[tilespmem:s29], [sflag:$0x2] =	stream.indirect_vreg.gather [hbm4b:s5+s3], $0x80, v3, vm0, $0xb8;
	[tilespmem:$0x1E400] =	vst v63  }
0x59f: {  	s8 =	simm.s32 $0x8C00  }
0x5a0: {  	[tilespmem:s8], [sflag:$0x2] =	stream.indirect_vreg.gather [hbm4b:s6+s3], $0x80, v3, vm0, $0xb8;
	[tilespmem:$0x1E400] =	vst v63  }
0x5a1: {  	v3 =	vld [tilespmem:$0x3F0];
	_ =	sdelay $0x4  }
0x5a2: {  	v63 =	vshrl.u32 v3, $0x3  }
0x5a3: {  	v4 =	vmul.u32 $0x30, v63  }
0x5a4: {  	v3 =	vand.u32 $0x7, v3  }
0x5a5: {  	v3 =	vor.u32 v3, v4  }
0x5a6: {  	v4 =	vperm.xlane v3, v0;
	_ =	sdelay $0x1  }
0x5a7: {  	v4 =	vadd.s32 v1, v4;
	_ =	sdelay $0x3  }
0x5a8: {  	s9 =	simm.s32 $0x9400;
	v3 =	vperm.xlane v3, v2  }
0x5a9: {  	[tilespmem:s9], [sflag:$0x2] =	stream.indirect_vreg.gather [hbm4b:s2+s3], $0x80, v4, vm0, $0xb8;
	[tilespmem:$0x1E400] =	vst v63  }
0x5aa: {  	s10 =	simm.s32 $0x9C00;
	v3 =	vadd.s32 v1, v3  }
0x5ab: {  	[tilespmem:s10], [sflag:$0x2] =	stream.indirect_vreg.gather [hbm4b:s5+s3], $0x80, v4, vm0, $0xb8;
	[tilespmem:$0x1E400] =	vst v63  }
0x5ac: {  	s21 =	simm.s32 $0xA400  }
0x5ad: {  	[tilespmem:s21], [sflag:$0x2] =	stream.indirect_vreg.gather [hbm4b:s6+s3], $0x80, v4, vm0, $0xb8;
	[tilespmem:$0x1E400] =	vst v63  }
0x5ae: {  	s22 =	simm.s32 $0xAC00  }
0x5af: {  	[tilespmem:s22], [sflag:$0x2] =	stream.indirect_vreg.gather [hbm4b:s2+s3], $0x80, v3, vm0, $0xb8;
	[tilespmem:$0x1E400] =	vst v63  }
0x5b0: {  	s23 =	simm.s32 $0xB400  }
0x5b1: {  	[tilespmem:s23], [sflag:$0x2] =	stream.indirect_vreg.gather [hbm4b:s5+s3], $0x80, v3, vm0, $0xb8;
	[tilespmem:$0x1E400] =	vst v63  }
0x5b2: {  	s24 =	simm.s32 $0xBC00  }
0x5b3: {  	[tilespmem:s24], [sflag:$0x2] =	stream.indirect_vreg.gather [hbm4b:s6+s3], $0x80, v3, vm0, $0xb8;
	[tilespmem:$0x1E400] =	vst v63  }
0x5b4: {  	_ =	swait.ge [sflag:s15], $0x6000  }
0x5b5: {  	[sflag:s15] =	ssyncset.done $0x0  }
0x5b6: {  	s30 =	simm.s32 $0xC400;
	s25 =	rddreg [dreg:$0x1f];
	[sflag:s15] =	ssyncadd.s32 $0xFFFFA000  }
0x5b7: {  	[hbm4b:s25+s3] =	stream.linear.scatter [tilespmem:s30], [sflag:$0x8], $0x6000, $0x38;
	[tilespmem:$0x1E400] =	vst v63  }
0x5b8: {  	s26 =	sld [smem:$0x7F6];
	_ =	swait.ge [sflag:s17], $0x6000  }
0x5b9: {  	s28 =	sld [smem:$0x7F7]  }
0x5ba: {  	[sflag:s17] =	ssyncset.done $0x0  }
0x5bb: {  	s0 =	simm.s32 $0x12400;
	[sflag:s17] =	ssyncadd.s32 $0xFFFFA000  }
0x5bc: {  	[hbm4b:s28+s3] =	stream.linear.scatter [tilespmem:s0], [sflag:$0x9], $0x6000, $0x38;
	[tilespmem:$0x1E400] =	vst v63  }
0x5bd: {  	_ =	swait.ge [sflag:s19], $0x6000  }
0x5be: {  	s29 =	sld [smem:$0x7F8]  }
0x5bf: {  	[sflag:s19] =	ssyncset.done $0x0  }
0x5c0: {  	s31 =	simm.s32 $0x18400;
	[sflag:s19] =	ssyncadd.s32 $0xFFFFA000  }
0x5c1: {  	[hbm4b:s29+s3] =	stream.linear.scatter [tilespmem:s31], [sflag:$0xA], $0x6000, $0x38;
	[tilespmem:$0x1E400] =	vst v63  }
0x5c2: {  	_ =	swait.ge [sflag:s11], $0x6000  }
0x5c3: {  	s30 =	sld [smem:$0x7F9]  }
0x5c4: {  	[sflag:s11] =	ssyncset.done $0x0  }
0x5c5: {  	[sflag:s11] =	ssyncadd.s32 $0xFFFFA000  }
0x5c6: {  	[hbm4b:s30+s3] =	stream.linear.scatter [tilespmem:s1], [sflag:$0x6], $0x6000, $0x38;
	[tilespmem:$0x1E400] =	vst v63  }
0x5c7: {  	_ =	swait.ge [sflag:s13], $0x6000  }
0x5c8: {  	s31 =	sld [smem:$0x7FB]  }
0x5c9: {  	[sflag:s13] =	ssyncset.done $0x0  }
0x5ca: {  	s7 =	simm.s32 $0x6400;
	[sflag:s13] =	ssyncadd.s32 $0xFFFFA000  }
0x5cb: {  	[hbm4b:s31+s3] =	stream.linear.scatter [tilespmem:s7], [sflag:$0x7], $0x6000, $0x38;
	[tilespmem:$0x1E400] =	vst v63  }
0x5cc: {  	_ =	swait.ge [sflag:s16], $0x6000  }
0x5cd: {  	[sflag:s16] =	ssyncset.done $0x0  }
0x5ce: {  	[sflag:s16] =	ssyncadd.s32 $0xFFFFA000  }
0x5cf: {  	_ =	swait.ge [sflag:s18], $0x6000  }
0x5d0: {  	[sflag:s18] =	ssyncset.done $0x0  }
0x5d1: {  	[sflag:s18] =	ssyncadd.s32 $0xFFFFA000  }
0x5d2: {  	_ =	swait.ge [sflag:s20], $0x6000  }
0x5d3: {  	[sflag:s20] =	ssyncset.done $0x0  }
0x5d4: {  	[sflag:s20] =	ssyncadd.s32 $0xFFFFA000  }
0x5d5: {  	p0 =	sne.s32 s26, $0x1;
	_ =	swait.ge [sflag:s12], $0x6000  }
.Ltmp0:
0x5d6: {  	[sflag:s12] =	ssyncset.done $0x0;
	(pc) =	sbr.rel @p0 .LBB2_1-.Ltmp0, $4  }
0x5d7: {  	[sflag:s12] =	ssyncadd.s32 $0xFFFFA000  }
0x5d8: {  	_ =	swait.ge [sflag:s14], $0x6000  }
0x5d9: {  	[sflag:s14] =	ssyncset.done $0x0  }
0x5da: {  	s4 =	sadd.s32 $0xFFFFFFFF, s26;
	[sflag:s14] =	ssyncadd.s32 $0xFFFFA000  }
0x5db: {  	_ =	sfence.sel $0x180000  }
0x5dc: {  	[bflag:$0x0] =	sbarrier.arrive $0xFFFF  }
0x5dd: {  	_ =	strace $0x90000047  }
0x5de: {  	s0 =	stileid.u32;
	[bflag:$0x2] =	sbarrier.arrive $0xFFFF  }
0x5df: {  	p0 =	sne.s32 s0, $0x0;
	s0 =	rddreg [dreg:$0x3]  }
0x5e0: {  	s0 =	sadd.s32 @!p0 $0x100000, s0  }
0x5e1: {  	[sflag:s0] =	ssyncadd.tile.s32 @!p0 $0x1;
	_ =	shalt  }
.Lfunc_end2:
_tile_overlayer_lowered:
.L_overlay_start_2:
0x5e2: {  	(tag) =	ssettag $0x2  }
0x5e3: {  	s0 =	rddreg [dreg:$0x0];
	s2 =	stileid.u32  }
0x5e4: {  	s1 =	rddreg [dreg:$0x1];
	p0 =	sne.s32 s2, $0x0  }
0x5e5: {  	s3 =	rddreg [dreg:$0x2];
	[bflag:$0x3] =	sbarrier.arrive $0xFFFF;
	s2 =	simm.s32 @!p0 $0x1C0B  }
0x5e6: {  	[timem:s3], [sflag:s2] =	dma.local @!p0 [hbm:s0], s1  }
0x5e7: {  	s0 =	simm.s32 @!p0 $0xB  }
0x5e8: {  	_ =	swait.ge @!p0 [sflag:s0], s1  }
0x5e9: {  	s1 =	ssub.s32 @!p0 $0x0, s1;
	[sflag:s0] =	ssyncset.done @!p0 $0x0  }
0x5ea: {  	[sflag:s0] =	ssyncadd.s32 @!p0 s1  }
0x5eb: {  	[bflag:$0x3] =	sbarrier.arrive $0xFFFF  }
0x5ec: {  	_ =	shalt  }

</sc_bundles>
